<compile_context>
chip_gen: v7x
topology: tpu7x:2x2x1
jax: 0.10.2.dev20260603
libtpu: 0.0.44.dev20260713+nightly
codegen_flags: <defaults>
</compile_context>

<pallas_src>
import functools

import jax
import jax.numpy as jnp
from jax import lax
from jax.experimental import pallas as pl
from jax.experimental.pallas import tpu as pltpu
from jax.experimental.pallas import tpu_sc as plsc

N_NODES = 50000
E_EDGES = 800000
N_COLS = 8
EMB_DIM = 8
VOCAB = 10000
HIDDEN = 16
HEADS = 4
OUT_CH = 64
EPS = 1e-16

NC = 2
NS = 16
L = 16

EB = 128
NBLK = E_EDGES // EB
HB = NBLK // 2
ZR = N_NODES // NS

_MESH = plsc.VectorSubcoreMesh(core_axis_name="c", subcore_axis_name="s")
_SC_PARAMS = pltpu.CompilerParams(use_tc_tiling_on_sc=False,
                                  needs_layout_passes=False)

_EMB_BLOCKS = N_NODES // EB
_EMB_TAIL = N_NODES - _EMB_BLOCKS * EB
_PARTS = (NC * NS) // N_COLS


@functools.partial(
    pl.kernel,
    out_type=jax.ShapeDtypeStruct((N_COLS, N_NODES, EMB_DIM), jnp.float32),
    mesh=_MESH,
    scratch_types=[
        pltpu.VMEM((EB,), jnp.int32),
        pltpu.VMEM((EB, EMB_DIM), jnp.float32),
        pltpu.VMEM((_EMB_TAIL,), jnp.int32),
        pltpu.VMEM((_EMB_TAIL, EMB_DIM), jnp.float32),
    ],
    compiler_params=_SC_PARAMS,
)
def _emb_lookup(catsT_hbm, table_hbm, x_hbm, idx_v, rows_v, tidx_v, trows_v):
    cid = lax.axis_index("c")
    sid = lax.axis_index("s")
    w = cid * NS + sid
    col = w // _PARTS
    part = w % _PARTS
    base_add = col * VOCAB

    def do_block(r0, idxref, rowsref, nrows):
        pltpu.sync_copy(catsT_hbm.at[col, pl.ds(r0, nrows)], idxref)

        @pl.loop(0, nrows, step=L)
        def _(i):
            idxref[pl.ds(i, L)] = idxref[pl.ds(i, L)] + base_add

        pltpu.sync_copy(table_hbm.at[idxref], rowsref)
        pltpu.sync_copy(rowsref, x_hbm.at[col, pl.ds(r0, nrows)])

    @pl.loop(part, _EMB_BLOCKS, step=_PARTS)
    def _(b):
        do_block(b * EB, idx_v, rows_v, EB)

    @pl.when(part == 0)
    def _():
        do_block(_EMB_BLOCKS * EB, tidx_v, trows_v, _EMB_TAIL)


_BN = 2000


def _mm1_body(x_ref, w_ref, t0_ref, t1_ref, as_ref, ad_ref):
    acc = jnp.zeros((_BN, 72), jnp.float32)
    for c in range(N_COLS):
        acc = acc + jnp.dot(x_ref[c], w_ref[c], preferred_element_type=jnp.float32)
    pad6 = jnp.zeros((_BN, 6), jnp.float32)
    pad4 = jnp.zeros((_BN, 4), jnp.float32)
    t0_ref[...] = jnp.concatenate([acc[:, 0:32], acc[:, 64:66], pad6], axis=1)
    t1_ref[...] = jnp.concatenate([acc[:, 32:64], acc[:, 66:68], pad6], axis=1)
    as_ref[...] = jnp.concatenate([acc[:, 64:68], pad4], axis=1)
    ad_ref[...] = jnp.concatenate([acc[:, 68:72], pad4], axis=1)


def _mm1_call(x, w1aug):
    return pl.pallas_call(
        _mm1_body,
        grid=(N_NODES // _BN,),
        in_specs=[
            pl.BlockSpec((N_COLS, _BN, EMB_DIM), lambda i: (0, i, 0)),
            pl.BlockSpec((N_COLS, EMB_DIM, 72), lambda i: (0, 0, 0)),
        ],
        out_specs=[
            pl.BlockSpec((_BN, 40), lambda i: (i, 0)),
            pl.BlockSpec((_BN, 40), lambda i: (i, 0)),
            pl.BlockSpec((_BN, 8), lambda i: (i, 0)),
            pl.BlockSpec((_BN, 8), lambda i: (i, 0)),
        ],
        out_shape=[
            jax.ShapeDtypeStruct((N_NODES, 40), jnp.float32),
            jax.ShapeDtypeStruct((N_NODES, 40), jnp.float32),
            jax.ShapeDtypeStruct((N_NODES, 8), jnp.float32),
            jax.ShapeDtypeStruct((N_NODES, 8), jnp.float32),
        ],
    )(x, w1aug)


def _make_den(nh):
    @functools.partial(
        pl.kernel,
        out_type=[
            jax.ShapeDtypeStruct((N_NODES, 8), jnp.float32),
            jax.ShapeDtypeStruct((N_NODES, 8), jnp.float32),
        ],
        mesh=_MESH,
        scratch_types=[
            pltpu.VMEM((EB,), jnp.int32),
            pltpu.VMEM((EB,), jnp.int32),
            pltpu.VMEM((EB, 8), jnp.float32),
            pltpu.VMEM((EB, 8), jnp.float32),
            pltpu.VMEM((EB, 8), jnp.float32),
            pltpu.VMEM_SHARED((N_NODES, 8), jnp.float32),
        ],
        compiler_params=_SC_PARAMS,
    )
    def _den(as_hbm, ad_hbm, ei_hbm, z_hbm, o0_hbm, o1_hbm,
             src_v, dst_v, as_v, ad_v, msg_v, acc_sh):
        cid = lax.axis_index("c")
        sid = lax.axis_index("s")
        r0 = sid * ZR
        pltpu.sync_copy(z_hbm.at[pl.ds(r0, ZR)], acc_sh.at[pl.ds(r0, ZR)])

        @pl.loop(0, EB, step=L)
        def _(j):
            rows = lax.iota(jnp.int32, L) + j
            zero = jnp.zeros((L,), jnp.float32)
            for h in range(8):
                plsc.store_scatter(msg_v, [rows, jnp.full((L,), h, jnp.int32)],
                                   zero)

        plsc.subcore_barrier()

        @pl.loop(cid * HB + sid, (cid + 1) * HB, step=NS)
        def _(b):
            e0 = b * EB
            pltpu.sync_copy(ei_hbm.at[0, pl.ds(e0, EB)], src_v)
            pltpu.sync_copy(ei_hbm.at[1, pl.ds(e0, EB)], dst_v)
            pltpu.sync_copy(as_hbm.at[src_v], as_v)
            pltpu.sync_copy(ad_hbm.at[dst_v], ad_v)

            @pl.loop(0, EB, step=L)
            def _(j):
                rows = lax.iota(jnp.int32, L) + j
                for h in range(nh):
                    hv = jnp.full((L,), h, jnp.int32)
                    v = (plsc.load_gather(as_v, [rows, hv])
                         + plsc.load_gather(ad_v, [rows, hv]))
                    e = jnp.exp(jnp.where(v >= 0, v, 0.2 * v))
                    plsc.store_scatter(msg_v, [rows, hv], e)

            pltpu.sync_copy(msg_v, acc_sh.at[dst_v], add=True)

        plsc.subcore_barrier()

        @pl.when(cid == 0)
        def _():
            pltpu.sync_copy(acc_sh.at[pl.ds(r0, ZR)], o0_hbm.at[pl.ds(r0, ZR)])

        @pl.when(cid == 1)
        def _():
            pltpu.sync_copy(acc_sh.at[pl.ds(r0, ZR)], o1_hbm.at[pl.ds(r0, ZR)])

    return _den


_den4 = _make_den(HEADS)
_den1 = _make_den(1)


def _make_num(nh):
    @functools.partial(
        pl.kernel,
        out_type=[
            jax.ShapeDtypeStruct((N_NODES, 32), jnp.float32),
            jax.ShapeDtypeStruct((N_NODES, 32), jnp.float32),
        ],
        mesh=_MESH,
        scratch_types=[
            pltpu.VMEM((EB,), jnp.int32),
            pltpu.VMEM((EB,), jnp.int32),
            pltpu.VMEM((EB, 40), jnp.float32),
            pltpu.VMEM((EB, 8), jnp.float32),
            pltpu.VMEM((EB, 32), jnp.float32),
            pltpu.VMEM_SHARED((N_NODES, 32), jnp.float32),
        ],
        compiler_params=_SC_PARAMS,
    )
    def _num(t0_hbm, t1_hbm, ad_hbm, ei_hbm, z_hbm, o0_hbm, o1_hbm,
             src_v, dst_v, hs_v, ad_v, msg_v, acc_sh):
        cid = lax.axis_index("c")
        sid = lax.axis_index("s")
        r0 = sid * ZR
        pltpu.sync_copy(z_hbm.at[pl.ds(r0, ZR)], acc_sh.at[pl.ds(r0, ZR)])
        plsc.subcore_barrier()

        cw = 32 // nh

        def run(t_hbm, ad_base):
            @pl.loop(sid, NBLK, step=NS)
            def _(b):
                e0 = b * EB
                pltpu.sync_copy(ei_hbm.at[0, pl.ds(e0, EB)], src_v)
                pltpu.sync_copy(ei_hbm.at[1, pl.ds(e0, EB)], dst_v)
                pltpu.sync_copy(t_hbm.at[src_v], hs_v)
                pltpu.sync_copy(ad_hbm.at[dst_v], ad_v)

                @pl.loop(0, EB, step=L)
                def _(j):
                    rows = lax.iota(jnp.int32, L) + j
                    for kk in range(nh):
                        v = (plsc.load_gather(
                                hs_v, [rows, jnp.full((L,), 32 + kk, jnp.int32)])
                             + plsc.load_gather(
                                ad_v,
                                [rows, jnp.full((L,), ad_base + kk, jnp.int32)]))
                        e = jnp.exp(jnp.where(v >= 0, v, 0.2 * v))

                        @pl.loop(kk * cw, (kk + 1) * cw, step=1)
                        def _(ch):
                            cc = jnp.full((L,), 0, jnp.int32) + ch
                            hcol = plsc.load_gather(hs_v, [rows, cc])
                            plsc.store_scatter(msg_v, [rows, cc], e * hcol)

                pltpu.sync_copy(msg_v, acc_sh.at[dst_v], add=True)

        @pl.when(cid == 0)
        def _():
            run(t0_hbm, 0)

        @pl.when(cid == 1)
        def _():
            run(t1_hbm, nh if nh > 1 else 0)

        plsc.subcore_barrier()

        @pl.when(cid == 0)
        def _():
            pltpu.sync_copy(acc_sh.at[pl.ds(r0, ZR)], o0_hbm.at[pl.ds(r0, ZR)])

        @pl.when(cid == 1)
        def _():
            pltpu.sync_copy(acc_sh.at[pl.ds(r0, ZR)], o1_hbm.at[pl.ds(r0, ZR)])

    return _num


_num2h = _make_num(2)
_num1h = _make_num(1)


def _mm2_body(n0_ref, n1_ref, d0_ref, d1_ref, w_ref, b_ref,
              t0_ref, t1_ref, as_ref, ad_ref):
    den = d0_ref[...] + d1_ref[...]
    parts = []
    for s, n in ((0, n0_ref[...]), (1, n1_ref[...])):
        for k in range(2):
            num = n[:, k * HIDDEN:(k + 1) * HIDDEN]
            dh = den[:, 2 * s + k:2 * s + k + 1]
            parts.append(num / (dh + EPS))
    x2 = jnp.concatenate(parts, axis=1) + b_ref[...]
    x2 = jnp.where(x2 > 0, x2, jnp.exp(x2) - 1.0)
    h = jnp.dot(x2, w_ref[...], preferred_element_type=jnp.float32)
    pad7 = jnp.zeros((_BN, 7), jnp.float32)
    t0_ref[...] = jnp.concatenate([h[:, 0:32], h[:, 64:65], pad7], axis=1)
    t1_ref[...] = jnp.concatenate([h[:, 32:64], h[:, 64:65], pad7], axis=1)
    as_ref[...] = jnp.concatenate([h[:, 64:65], pad7], axis=1)
    ad_ref[...] = jnp.concatenate([h[:, 65:66], pad7], axis=1)


def _mm2_call(n0, n1, d0, d1, w2aug, b1):
    return pl.pallas_call(
        _mm2_body,
        grid=(N_NODES // _BN,),
        in_specs=[
            pl.BlockSpec((_BN, 32), lambda i: (i, 0)),
            pl.BlockSpec((_BN, 32), lambda i: (i, 0)),
            pl.BlockSpec((_BN, 8), lambda i: (i, 0)),
            pl.BlockSpec((_BN, 8), lambda i: (i, 0)),
            pl.BlockSpec((64, 66), lambda i: (0, 0)),
            pl.BlockSpec((1, 64), lambda i: (0, 0)),
        ],
        out_specs=[
            pl.BlockSpec((_BN, 40), lambda i: (i, 0)),
            pl.BlockSpec((_BN, 40), lambda i: (i, 0)),
            pl.BlockSpec((_BN, 8), lambda i: (i, 0)),
            pl.BlockSpec((_BN, 8), lambda i: (i, 0)),
        ],
        out_shape=[
            jax.ShapeDtypeStruct((N_NODES, 40), jnp.float32),
            jax.ShapeDtypeStruct((N_NODES, 40), jnp.float32),
            jax.ShapeDtypeStruct((N_NODES, 8), jnp.float32),
            jax.ShapeDtypeStruct((N_NODES, 8), jnp.float32),
        ],
    )(n0, n1, d0, d1, w2aug, b1)


def _out_body(n0_ref, n1_ref, d0_ref, d1_ref, b_ref, o_ref):
    dsum = d0_ref[...][:, 0:1] + d1_ref[...][:, 0:1] + EPS
    o_ref[...] = jnp.concatenate(
        [n0_ref[...] / dsum, n1_ref[...] / dsum], axis=1) + b_ref[...]


def _out_call(n0, n1, d0, d1, b2):
    return pl.pallas_call(
        _out_body,
        grid=(N_NODES // _BN,),
        in_specs=[
            pl.BlockSpec((_BN, 32), lambda i: (i, 0)),
            pl.BlockSpec((_BN, 32), lambda i: (i, 0)),
            pl.BlockSpec((_BN, 8), lambda i: (i, 0)),
            pl.BlockSpec((_BN, 8), lambda i: (i, 0)),
            pl.BlockSpec((1, 64), lambda i: (0, 0)),
        ],
        out_specs=pl.BlockSpec((_BN, 64), lambda i: (i, 0)),
        out_shape=jax.ShapeDtypeStruct((N_NODES, OUT_CH), jnp.float32),
    )(n0, n1, d0, d1, b2)


def kernel(x_cats, edge_index, emb0, emb1, emb2, emb3, emb4, emb5, emb6, emb7,
           W1, att_src1, att_dst1, bias1, W2, att_src2, att_dst2, bias2):
    x_cats = x_cats.astype(jnp.int32)
    ei = edge_index.astype(jnp.int32)
    catsT = x_cats.T
    table = jnp.concatenate(
        [emb0, emb1, emb2, emb3, emb4, emb5, emb6, emb7], axis=0)

    x = _emb_lookup(catsT, table)

    w1r = W1.reshape(N_COLS * EMB_DIM, HEADS, HIDDEN)
    a1 = jnp.einsum("khd,hd->kh", w1r, att_src1)
    b1m = jnp.einsum("khd,hd->kh", w1r, att_dst1)
    w1aug = jnp.concatenate([W1, a1, b1m], axis=1).reshape(N_COLS, EMB_DIM, 72)
    t0, t1, as1t, ad1t = _mm1_call(x, w1aug)

    z32 = jnp.zeros((N_NODES, 32), jnp.float32)
    z8 = jnp.zeros((N_NODES, 8), jnp.float32)
    d10, d11 = _den4(as1t, ad1t, ei, z8)
    n10, n11 = _num2h(t0, t1, ad1t, ei, z32)

    a2 = W2 @ att_src2[0]
    b2m = W2 @ att_dst2[0]
    w2aug = jnp.concatenate([W2, a2[:, None], b2m[:, None]], axis=1)
    t20, t21, as2t, ad2t = _mm2_call(n10, n11, d10, d11, w2aug,
                                     bias1.reshape(1, 64))

    d20, d21 = _den1(as2t, ad2t, ei, z8)
    n20, n21 = _num1h(t20, t21, ad2t, ei, z32)

    return _out_call(n20, n21, d20, d21, bias2.reshape(1, 64))

# --- scband reference (transcript-rebuilt; emitter-appended) ---
"""Pipeline reference for scband-gat-55808805044747 (READ-ONLY COPY).

The authoritative reference and input builder live on the scoring server;
editing this copy changes nothing except your own understanding.
"""

import jax, jax.numpy as jnp
import numpy as np

N_NODES = 50000
E_EDGES = 800000
N_COLS = 8
EMB_DIM = 8
VOCAB = 10000
HIDDEN = 16
HEADS = 4
OUT_CH = 64


def _gat_conv(x, src, dst, W, a_src, a_dst, b, heads, out_ch):
    h = (x @ W).reshape(-1, heads, out_ch)
    alpha_src = jnp.sum(h * a_src[None, :, :], axis=-1)
    alpha_dst = jnp.sum(h * a_dst[None, :, :], axis=-1)
    e = jax.nn.leaky_relu(alpha_src[src] + alpha_dst[dst], negative_slope=0.2)
    e_max = jax.ops.segment_max(e, dst, num_segments=N_NODES)
    e_exp = jnp.exp(e - e_max[dst])
    denom = jax.ops.segment_sum(e_exp, dst, num_segments=N_NODES)
    alpha = e_exp / (denom[dst] + 1e-16)
    msg = h[src] * alpha[:, :, None]
    out = jax.ops.segment_sum(msg, dst, num_segments=N_NODES)
    return out.reshape(N_NODES, heads * out_ch) + b


def setup_inputs(seed: int = 0):
    key = jax.random.key(seed)
    ks = [jax.random.fold_in(key, i) for i in range(32)]
    inp = {}
    inp["x_cats"] = jax.random.randint(ks[0], (N_NODES, N_COLS), 0, VOCAB)
    inp["edge_index"] = jax.random.randint(ks[1], (2, E_EDGES), 0, N_NODES)
    for i in range(N_COLS):
        inp[f"emb{i}"] = jax.random.normal(ks[2 + i], (VOCAB, EMB_DIM), dtype=jnp.float32) * 0.1
    in_dim = N_COLS * EMB_DIM
    inp["W1"] = jax.random.normal(ks[10], (in_dim, HEADS * HIDDEN), dtype=jnp.float32) * 0.1
    inp["att_src1"] = jax.random.normal(ks[11], (HEADS, HIDDEN), dtype=jnp.float32) * 0.1
    inp["att_dst1"] = jax.random.normal(ks[12], (HEADS, HIDDEN), dtype=jnp.float32) * 0.1
    inp["bias1"] = jnp.zeros((HEADS * HIDDEN,), dtype=jnp.float32)
    inp["W2"] = jax.random.normal(ks[13], (HEADS * HIDDEN, OUT_CH), dtype=jnp.float32) * 0.1
    inp["att_src2"] = jax.random.normal(ks[14], (1, OUT_CH), dtype=jnp.float32) * 0.1
    inp["att_dst2"] = jax.random.normal(ks[15], (1, OUT_CH), dtype=jnp.float32) * 0.1
    inp["bias2"] = jnp.zeros((OUT_CH,), dtype=jnp.float32)
    return inp


def reference(x_cats, edge_index, emb0, emb1, emb2, emb3, emb4, emb5, emb6, emb7, W1, att_src1, att_dst1, bias1, W2, att_src2, att_dst2, bias2):
    tables = [emb0, emb1, emb2, emb3, emb4, emb5, emb6, emb7]
    x = jnp.concatenate([tables[i][x_cats[:, i]] for i in range(N_COLS)], axis=-1)
    src = edge_index[0]
    dst = edge_index[1]
    x = _gat_conv(x, src, dst, W1, att_src1, att_dst1, bias1, HEADS, HIDDEN)
    x = jax.nn.elu(x)
    x = _gat_conv(x, src, dst, W2, att_src2, att_dst2, bias2, 1, OUT_CH)
    return x

if __name__ == "__main__":
    import jax
    _d = setup_inputs()
    print(jax.jit(kernel)(*tuple(_d.values())))

</pallas_src>

<mosaic_0001>
#map = affine_map<(d0, d1) -> (0, 0)>
#map1 = affine_map<(d0, d1) -> (0, 0, 0)>
module attributes {stable_mosaic.version = 14 : i64} {
  func.func @_emb_lookup(%arg0: i32, %arg1: i32, %arg2: memref<8x50000xi32, #tpu.memory_space<hbm>>, %arg3: memref<80000x8xf32, #tpu.memory_space<hbm>>, %arg4: memref<8x50000x8xf32, #tpu.memory_space<hbm>>, %arg5: memref<128xi32, #tpu.memory_space<vmem>>, %arg6: memref<128x8xf32, #tpu.memory_space<vmem>>, %arg7: memref<80xi32, #tpu.memory_space<vmem>>, %arg8: memref<80x8xf32, #tpu.memory_space<vmem>>) attributes {dimension_semantics = [#tpu.dimension_semantics<core_parallel>, #tpu.dimension_semantics<subcore_parallel>], iteration_bounds = array<i64: 2, 16>, scalar_prefetch = 0 : i64, scratch_operands = 4 : i64, tpu.core_type = #tpu.core_type<sc_vector_subcore>, window_params = [{transform_indices = #map}, {transform_indices = #map}, {transform_indices = #map1}]} {
    %mul3A = arith.constant 16 : i32
    %mul3A_0 = arith.muli %arg0, %mul3A : i32
    %add3A = arith.addi %mul3A_0, %arg1 : i32
    %jit3A = arith.constant 4 : i32
    %div3A = arith.divsi %add3A, %jit3A : i32
    %sign3A = arith.constant 0 : i32
    %sign3A_1 = arith.cmpi sgt, %add3A, %sign3A : i32
    %sign3A_2 = arith.extui %sign3A_1 : i1 to i32
    %sign3A_3 = arith.constant 0 : i32
    %sign3A_4 = arith.cmpi slt, %add3A, %sign3A_3 : i32
    %sign3A_5 = arith.extui %sign3A_4 : i1 to i32
    %sign3A_6 = arith.subi %sign3A_2, %sign3A_5 : i32
    %sign3A_7 = arith.constant 0 : i32
    %sign3A_8 = arith.cmpi sgt, %jit3A, %sign3A_7 : i32
    %sign3A_9 = arith.extui %sign3A_8 : i1 to i32
    %sign3A_10 = arith.constant 0 : i32
    %sign3A_11 = arith.cmpi slt, %jit3A, %sign3A_10 : i32
    %sign3A_12 = arith.extui %sign3A_11 : i1 to i32
    %sign3A_13 = arith.subi %sign3A_9, %sign3A_12 : i32
    %ne3A = arith.cmpi ne, %sign3A_6, %sign3A_13 : i32
    %rem3A = arith.remsi %add3A, %jit3A : i32
    %ne3A_14 = arith.constant 0 : i32
    %ne3A_15 = arith.cmpi ne, %rem3A, %ne3A_14 : i32
    %and3A = arith.andi %ne3A, %ne3A_15 : i1
    %sub3A = arith.constant 1 : i32
    %sub3A_16 = arith.subi %div3A, %sub3A : i32
    %select_n3A = arith.select %and3A, %sub3A_16, %div3A : i32
    %jit3A_17 = arith.constant 4 : i32
    %eq3A = arith.constant 0 : i32
    %eq3A_18 = arith.cmpi eq, %jit3A_17, %eq3A : i32
    %jit3A_19 = arith.constant 1 : i32
    %select_n3A_20 = arith.select %eq3A_18, %jit3A_19, %jit3A_17 : i32
    %rem3A_21 = arith.remsi %add3A, %select_n3A_20 : i32
    %ne3A_22 = arith.constant 0 : i32
    %ne3A_23 = arith.cmpi ne, %rem3A_21, %ne3A_22 : i32
    %lt3A = arith.constant 0 : i32
    %lt3A_24 = arith.cmpi slt, %rem3A_21, %lt3A : i32
    %lt3A_25 = arith.constant 0 : i32
    %lt3A_26 = arith.cmpi slt, %select_n3A_20, %lt3A_25 : i32
    %ne3A_27 = arith.xori %lt3A_24, %lt3A_26 : i1
    %and3A_28 = arith.andi %ne3A_27, %ne3A_23 : i1
    %add3A_29 = arith.addi %rem3A_21, %select_n3A_20 : i32
    %select_n3A_30 = arith.select %and3A_28, %add3A_29, %rem3A_21 : i32
    %mul3A_31 = arith.constant 10000 : i32
    %mul3A_32 = arith.muli %select_n3A, %mul3A_31 : i32
    %sub3A_33 = arith.constant 390 : i32
    %sub3A_34 = arith.subi %sub3A_33, %select_n3A_30 : i32
    %sub3A_35 = arith.constant 4 : i32
    %sub3A_36 = arith.constant 1 : i32
    %sub3A_37 = arith.subi %sub3A_35, %sub3A_36 : i32
    %add3A_38 = arith.addi %sub3A_34, %sub3A_37 : i32
    %div3A_39 = arith.constant 4 : i32
    %div3A_40 = arith.divsi %add3A_38, %div3A_39 : i32
    %while3A = arith.constant 4 : i32
    %while3A_41 = arith.constant 0 : i32
    %while3A_42 = arith.subi %div3A_40, %while3A_41 : i32
    %while3A_43 = arith.addi %while3A_41, %while3A_42 : i32
    %while3A_44 = arith.constant 1 : i32
    %while3A_45 = arith.divsi %while3A_42, %while3A_44 : i32
    %while3A_46 = arith.muli %while3A_45, %while3A_44 : i32
    %while3A_47 = arith.addi %while3A_41, %while3A_46 : i32
    %while3A_48 = arith.constant 1 : i32
    scf.for %while3A_53 = %while3A_41 to %while3A_47 step %while3A_48  : i32 {
      %mul3A_54 = arith.muli %while3A_53, %while3A : i32
      %add3A_55 = arith.addi %select_n3A_30, %mul3A_54 : i32
      %mul3A_56 = arith.constant 128 : i32
      %mul3A_57 = arith.muli %add3A_55, %mul3A_56 : i32
      "tpu.region"() ({
        %run_scoped3A = tpu.sem_alloc : memref<!tpu.dma_semaphore, #tpu.memory_space<semaphore_mem>>
        %dma_start3A = tpu.memref_slice %arg2[%select_n3A, %mul3A_57] : memref<8x50000xi32, #tpu.memory_space<hbm>> -> memref<1x128xi32, #tpu.memory_space<hbm>>
        %dma_start3A_62 = tpu.memref_squeeze %dma_start3A : memref<1x128xi32, #tpu.memory_space<hbm>> -> memref<128xi32, #tpu.memory_space<hbm>>
        %dma_start3A_63 = tpu.memref_slice %arg2[%select_n3A, %mul3A_57] : memref<8x50000xi32, #tpu.memory_space<hbm>> -> memref<1x128xi32, #tpu.memory_space<hbm>>
        %dma_start3A_64 = tpu.memref_squeeze %dma_start3A_63 : memref<1x128xi32, #tpu.memory_space<hbm>> -> memref<128xi32, #tpu.memory_space<hbm>>
        tpu.enqueue_dma source(%dma_start3A_64 : memref<128xi32, #tpu.memory_space<hbm>>) target(%arg5 : memref<128xi32, #tpu.memory_space<vmem>>) target_semaphore(%run_scoped3A : memref<!tpu.dma_semaphore, #tpu.memory_space<semaphore_mem>>)
        %dma_wait3A = tpu.memref_slice %arg2[%select_n3A, %mul3A_57] : memref<8x50000xi32, #tpu.memory_space<hbm>> -> memref<1x128xi32, #tpu.memory_space<hbm>>
        %dma_wait3A_65 = tpu.memref_squeeze %dma_wait3A : memref<1x128xi32, #tpu.memory_space<hbm>> -> memref<128xi32, #tpu.memory_space<hbm>>
        %dma_wait3A_66 = tpu.memref_slice %arg2[%select_n3A, %mul3A_57] : memref<8x50000xi32, #tpu.memory_space<hbm>> -> memref<1x128xi32, #tpu.memory_space<hbm>>
        %dma_wait3A_67 = tpu.memref_squeeze %dma_wait3A_66 : memref<1x128xi32, #tpu.memory_space<hbm>> -> memref<128xi32, #tpu.memory_space<hbm>>
        tpu.wait_dma2 semaphore(%run_scoped3A : memref<!tpu.dma_semaphore, #tpu.memory_space<semaphore_mem>>) src(%dma_wait3A_67 : memref<128xi32, #tpu.memory_space<hbm>>) dst(%arg5 : memref<128xi32, #tpu.memory_space<vmem>>)
        tpu.yield
      }) : () -> ()
      %scan3A = arith.constant 0 : i32
      %scan3A_58 = arith.constant 8 : i32
      %scan3A_59 = arith.addi %scan3A, %scan3A_58 : i32
      %scan3A_60 = arith.constant 1 : i32
      scf.for %scan3A_62 = %scan3A to %scan3A_59 step %scan3A_60  : i32 {
        %mul3A_63 = arith.constant 16 : i32
        %mul3A_64 = arith.muli %scan3A_62, %mul3A_63 : i32
        %add3A_65 = arith.constant 0 : i32
        %add3A_66 = arith.addi %add3A_65, %mul3A_64 : i32
        %get3A = arith.index_cast %add3A_66 : i32 to index
        %get3A_67 = tpu.vector_load %arg5[%get3A] {strides = array<i32>} : memref<128xi32, #tpu.memory_space<vmem>>, vector<16xi32>,
        %add3A_68 = vector.broadcast %mul3A_32 : i32 to vector<16xi32>
        %add3A_69 = arith.addi %get3A_67, %add3A_68 : vector<16xi32>
        %swap3A = arith.index_cast %add3A_66 : i32 to index
        %swap3A_70 = tpu.vector_load %arg5[%swap3A] {strides = array<i32>} : memref<128xi32, #tpu.memory_space<vmem>>, vector<16xi32>,
        tpu.vector_store %arg5[%swap3A], %add3A_69 {strides = array<i32>} : memref<128xi32, #tpu.memory_space<vmem>>, vector<16xi32>,
      }
      %scan3A_61 = arith.constant 8 : i32
      "tpu.region"() ({
        %run_scoped3A = tpu.sem_alloc : memref<!tpu.dma_semaphore, #tpu.memory_space<semaphore_mem>>
        %dma_start3A = arith.constant 0 : i32
        %dma_start3A_62 = arith.constant 0 : i32
        %dma_start3A_63 = tpu.memref_slice %arg3[%dma_start3A, %dma_start3A_62] : memref<80000x8xf32, #tpu.memory_space<hbm>> -> memref<80000x8xf32, #tpu.memory_space<hbm>>
        tpu.enqueue_indirect_dma source(%dma_start3A_63 : memref<80000x8xf32, #tpu.memory_space<hbm>>) target(%arg6 : memref<128x8xf32, #tpu.memory_space<vmem>>) offsets(%arg5 : memref<128xi32, #tpu.memory_space<vmem>>) semaphore(%run_scoped3A : memref<!tpu.dma_semaphore, #tpu.memory_space<semaphore_mem>>)
        %dma_wait3A = arith.constant 0 : i32
        %dma_wait3A_64 = arith.constant 0 : i32
        %dma_wait3A_65 = tpu.memref_slice %arg3[%dma_wait3A, %dma_wait3A_64] : memref<80000x8xf32, #tpu.memory_space<hbm>> -> memref<80000x8xf32, #tpu.memory_space<hbm>>
        tpu.wait_indirect_dma semaphore(%run_scoped3A : memref<!tpu.dma_semaphore, #tpu.memory_space<semaphore_mem>>) src(%dma_wait3A_65 : memref<80000x8xf32, #tpu.memory_space<hbm>>) dst(%arg6 : memref<128x8xf32, #tpu.memory_space<vmem>>)
        tpu.yield
      }) : () -> ()
      "tpu.region"() ({
        %run_scoped3A = tpu.sem_alloc : memref<!tpu.dma_semaphore, #tpu.memory_space<semaphore_mem>>
        %dma_start3A = arith.constant 0 : i32
        %dma_start3A_62 = tpu.memref_slice %arg4[%select_n3A, %mul3A_57, %dma_start3A] : memref<8x50000x8xf32, #tpu.memory_space<hbm>> -> memref<1x128x8xf32, #tpu.memory_space<hbm>>
        %dma_start3A_63 = tpu.memref_squeeze %dma_start3A_62 : memref<1x128x8xf32, #tpu.memory_space<hbm>> -> memref<128x8xf32, #tpu.memory_space<hbm>>
        %dma_start3A_64 = arith.constant 0 : i32
        %dma_start3A_65 = tpu.memref_slice %arg4[%select_n3A, %mul3A_57, %dma_start3A_64] : memref<8x50000x8xf32, #tpu.memory_space<hbm>> -> memref<1x128x8xf32, #tpu.memory_space<hbm>>
        %dma_start3A_66 = tpu.memref_squeeze %dma_start3A_65 : memref<1x128x8xf32, #tpu.memory_space<hbm>> -> memref<128x8xf32, #tpu.memory_space<hbm>>
        tpu.enqueue_dma source(%arg6 : memref<128x8xf32, #tpu.memory_space<vmem>>) target(%dma_start3A_66 : memref<128x8xf32, #tpu.memory_space<hbm>>) target_semaphore(%run_scoped3A : memref<!tpu.dma_semaphore, #tpu.memory_space<semaphore_mem>>)
        %dma_wait3A = arith.constant 0 : i32
        %dma_wait3A_67 = tpu.memref_slice %arg4[%select_n3A, %mul3A_57, %dma_wait3A] : memref<8x50000x8xf32, #tpu.memory_space<hbm>> -> memref<1x128x8xf32, #tpu.memory_space<hbm>>
        %dma_wait3A_68 = tpu.memref_squeeze %dma_wait3A_67 : memref<1x128x8xf32, #tpu.memory_space<hbm>> -> memref<128x8xf32, #tpu.memory_space<hbm>>
        %dma_wait3A_69 = arith.constant 0 : i32
        %dma_wait3A_70 = tpu.memref_slice %arg4[%select_n3A, %mul3A_57, %dma_wait3A_69] : memref<8x50000x8xf32, #tpu.memory_space<hbm>> -> memref<1x128x8xf32, #tpu.memory_space<hbm>>
        %dma_wait3A_71 = tpu.memref_squeeze %dma_wait3A_70 : memref<1x128x8xf32, #tpu.memory_space<hbm>> -> memref<128x8xf32, #tpu.memory_space<hbm>>
        tpu.wait_dma2 semaphore(%run_scoped3A : memref<!tpu.dma_semaphore, #tpu.memory_space<semaphore_mem>>) src(%arg6 : memref<128x8xf32, #tpu.memory_space<vmem>>) dst(%dma_wait3A_71 : memref<128x8xf32, #tpu.memory_space<hbm>>)
        tpu.yield
      }) : () -> ()
    }
    %while3A_49 = arith.constant 1 : i32
    scf.for %while3A_53 = %while3A_47 to %while3A_43 step %while3A_49  : i32 {
      %mul3A_54 = arith.muli %while3A_53, %while3A : i32
      %add3A_55 = arith.addi %select_n3A_30, %mul3A_54 : i32
      %mul3A_56 = arith.constant 128 : i32
      %mul3A_57 = arith.muli %add3A_55, %mul3A_56 : i32
      "tpu.region"() ({
        %run_scoped3A = tpu.sem_alloc : memref<!tpu.dma_semaphore, #tpu.memory_space<semaphore_mem>>
        %dma_start3A = tpu.memref_slice %arg2[%select_n3A, %mul3A_57] : memref<8x50000xi32, #tpu.memory_space<hbm>> -> memref<1x128xi32, #tpu.memory_space<hbm>>
        %dma_start3A_62 = tpu.memref_squeeze %dma_start3A : memref<1x128xi32, #tpu.memory_space<hbm>> -> memref<128xi32, #tpu.memory_space<hbm>>
        %dma_start3A_63 = tpu.memref_slice %arg2[%select_n3A, %mul3A_57] : memref<8x50000xi32, #tpu.memory_space<hbm>> -> memref<1x128xi32, #tpu.memory_space<hbm>>
        %dma_start3A_64 = tpu.memref_squeeze %dma_start3A_63 : memref<1x128xi32, #tpu.memory_space<hbm>> -> memref<128xi32, #tpu.memory_space<hbm>>
        tpu.enqueue_dma source(%dma_start3A_64 : memref<128xi32, #tpu.memory_space<hbm>>) target(%arg5 : memref<128xi32, #tpu.memory_space<vmem>>) target_semaphore(%run_scoped3A : memref<!tpu.dma_semaphore, #tpu.memory_space<semaphore_mem>>)
        %dma_wait3A = tpu.memref_slice %arg2[%select_n3A, %mul3A_57] : memref<8x50000xi32, #tpu.memory_space<hbm>> -> memref<1x128xi32, #tpu.memory_space<hbm>>
        %dma_wait3A_65 = tpu.memref_squeeze %dma_wait3A : memref<1x128xi32, #tpu.memory_space<hbm>> -> memref<128xi32, #tpu.memory_space<hbm>>
        %dma_wait3A_66 = tpu.memref_slice %arg2[%select_n3A, %mul3A_57] : memref<8x50000xi32, #tpu.memory_space<hbm>> -> memref<1x128xi32, #tpu.memory_space<hbm>>
        %dma_wait3A_67 = tpu.memref_squeeze %dma_wait3A_66 : memref<1x128xi32, #tpu.memory_space<hbm>> -> memref<128xi32, #tpu.memory_space<hbm>>
        tpu.wait_dma2 semaphore(%run_scoped3A : memref<!tpu.dma_semaphore, #tpu.memory_space<semaphore_mem>>) src(%dma_wait3A_67 : memref<128xi32, #tpu.memory_space<hbm>>) dst(%arg5 : memref<128xi32, #tpu.memory_space<vmem>>)
        tpu.yield
      }) : () -> ()
      %scan3A = arith.constant 0 : i32
      %scan3A_58 = arith.constant 8 : i32
      %scan3A_59 = arith.addi %scan3A, %scan3A_58 : i32
      %scan3A_60 = arith.constant 1 : i32
      scf.for %scan3A_62 = %scan3A to %scan3A_59 step %scan3A_60  : i32 {
        %mul3A_63 = arith.constant 16 : i32
        %mul3A_64 = arith.muli %scan3A_62, %mul3A_63 : i32
        %add3A_65 = arith.constant 0 : i32
        %add3A_66 = arith.addi %add3A_65, %mul3A_64 : i32
        %get3A = arith.index_cast %add3A_66 : i32 to index
        %get3A_67 = tpu.vector_load %arg5[%get3A] {strides = array<i32>} : memref<128xi32, #tpu.memory_space<vmem>>, vector<16xi32>,
        %add3A_68 = vector.broadcast %mul3A_32 : i32 to vector<16xi32>
        %add3A_69 = arith.addi %get3A_67, %add3A_68 : vector<16xi32>
        %swap3A = arith.index_cast %add3A_66 : i32 to index
        %swap3A_70 = tpu.vector_load %arg5[%swap3A] {strides = array<i32>} : memref<128xi32, #tpu.memory_space<vmem>>, vector<16xi32>,
        tpu.vector_store %arg5[%swap3A], %add3A_69 {strides = array<i32>} : memref<128xi32, #tpu.memory_space<vmem>>, vector<16xi32>,
      }
      %scan3A_61 = arith.constant 8 : i32
      "tpu.region"() ({
        %run_scoped3A = tpu.sem_alloc : memref<!tpu.dma_semaphore, #tpu.memory_space<semaphore_mem>>
        %dma_start3A = arith.constant 0 : i32
        %dma_start3A_62 = arith.constant 0 : i32
        %dma_start3A_63 = tpu.memref_slice %arg3[%dma_start3A, %dma_start3A_62] : memref<80000x8xf32, #tpu.memory_space<hbm>> -> memref<80000x8xf32, #tpu.memory_space<hbm>>
        tpu.enqueue_indirect_dma source(%dma_start3A_63 : memref<80000x8xf32, #tpu.memory_space<hbm>>) target(%arg6 : memref<128x8xf32, #tpu.memory_space<vmem>>) offsets(%arg5 : memref<128xi32, #tpu.memory_space<vmem>>) semaphore(%run_scoped3A : memref<!tpu.dma_semaphore, #tpu.memory_space<semaphore_mem>>)
        %dma_wait3A = arith.constant 0 : i32
        %dma_wait3A_64 = arith.constant 0 : i32
        %dma_wait3A_65 = tpu.memref_slice %arg3[%dma_wait3A, %dma_wait3A_64] : memref<80000x8xf32, #tpu.memory_space<hbm>> -> memref<80000x8xf32, #tpu.memory_space<hbm>>
        tpu.wait_indirect_dma semaphore(%run_scoped3A : memref<!tpu.dma_semaphore, #tpu.memory_space<semaphore_mem>>) src(%dma_wait3A_65 : memref<80000x8xf32, #tpu.memory_space<hbm>>) dst(%arg6 : memref<128x8xf32, #tpu.memory_space<vmem>>)
        tpu.yield
      }) : () -> ()
      "tpu.region"() ({
        %run_scoped3A = tpu.sem_alloc : memref<!tpu.dma_semaphore, #tpu.memory_space<semaphore_mem>>
        %dma_start3A = arith.constant 0 : i32
        %dma_start3A_62 = tpu.memref_slice %arg4[%select_n3A, %mul3A_57, %dma_start3A] : memref<8x50000x8xf32, #tpu.memory_space<hbm>> -> memref<1x128x8xf32, #tpu.memory_space<hbm>>
        %dma_start3A_63 = tpu.memref_squeeze %dma_start3A_62 : memref<1x128x8xf32, #tpu.memory_space<hbm>> -> memref<128x8xf32, #tpu.memory_space<hbm>>
        %dma_start3A_64 = arith.constant 0 : i32
        %dma_start3A_65 = tpu.memref_slice %arg4[%select_n3A, %mul3A_57, %dma_start3A_64] : memref<8x50000x8xf32, #tpu.memory_space<hbm>> -> memref<1x128x8xf32, #tpu.memory_space<hbm>>
        %dma_start3A_66 = tpu.memref_squeeze %dma_start3A_65 : memref<1x128x8xf32, #tpu.memory_space<hbm>> -> memref<128x8xf32, #tpu.memory_space<hbm>>
        tpu.enqueue_dma source(%arg6 : memref<128x8xf32, #tpu.memory_space<vmem>>) target(%dma_start3A_66 : memref<128x8xf32, #tpu.memory_space<hbm>>) target_semaphore(%run_scoped3A : memref<!tpu.dma_semaphore, #tpu.memory_space<semaphore_mem>>)
        %dma_wait3A = arith.constant 0 : i32
        %dma_wait3A_67 = tpu.memref_slice %arg4[%select_n3A, %mul3A_57, %dma_wait3A] : memref<8x50000x8xf32, #tpu.memory_space<hbm>> -> memref<1x128x8xf32, #tpu.memory_space<hbm>>
        %dma_wait3A_68 = tpu.memref_squeeze %dma_wait3A_67 : memref<1x128x8xf32, #tpu.memory_space<hbm>> -> memref<128x8xf32, #tpu.memory_space<hbm>>
        %dma_wait3A_69 = arith.constant 0 : i32
        %dma_wait3A_70 = tpu.memref_slice %arg4[%select_n3A, %mul3A_57, %dma_wait3A_69] : memref<8x50000x8xf32, #tpu.memory_space<hbm>> -> memref<1x128x8xf32, #tpu.memory_space<hbm>>
        %dma_wait3A_71 = tpu.memref_squeeze %dma_wait3A_70 : memref<1x128x8xf32, #tpu.memory_space<hbm>> -> memref<128x8xf32, #tpu.memory_space<hbm>>
        tpu.wait_dma2 semaphore(%run_scoped3A : memref<!tpu.dma_semaphore, #tpu.memory_space<semaphore_mem>>) src(%arg6 : memref<128x8xf32, #tpu.memory_space<vmem>>) dst(%dma_wait3A_71 : memref<128x8xf32, #tpu.memory_space<hbm>>)
        tpu.yield
      }) : () -> ()
    }
    %eq3A_50 = arith.constant 0 : i32
    %eq3A_51 = arith.cmpi eq, %select_n3A_30, %eq3A_50 : i32
    %convert_element_type3A = arith.extui %eq3A_51 : i1 to i32
    %cond3A = arith.constant 0 : i32
    %cond3A_52 = arith.cmpi ne, %convert_element_type3A, %cond3A : i32
    scf.if %cond3A_52 {
      "tpu.region"() ({
        %run_scoped3A = tpu.sem_alloc : memref<!tpu.dma_semaphore, #tpu.memory_space<semaphore_mem>>
        %dma_start3A = arith.constant 49920 : i32
        %dma_start3A_57 = tpu.memref_slice %arg2[%select_n3A, %dma_start3A] : memref<8x50000xi32, #tpu.memory_space<hbm>> -> memref<1x80xi32, #tpu.memory_space<hbm>>
        %dma_start3A_58 = tpu.memref_squeeze %dma_start3A_57 : memref<1x80xi32, #tpu.memory_space<hbm>> -> memref<80xi32, #tpu.memory_space<hbm>>
        %dma_start3A_59 = arith.constant 49920 : i32
        %dma_start3A_60 = tpu.memref_slice %arg2[%select_n3A, %dma_start3A_59] : memref<8x50000xi32, #tpu.memory_space<hbm>> -> memref<1x80xi32, #tpu.memory_space<hbm>>
        %dma_start3A_61 = tpu.memref_squeeze %dma_start3A_60 : memref<1x80xi32, #tpu.memory_space<hbm>> -> memref<80xi32, #tpu.memory_space<hbm>>
        tpu.enqueue_dma source(%dma_start3A_61 : memref<80xi32, #tpu.memory_space<hbm>>) target(%arg7 : memref<80xi32, #tpu.memory_space<vmem>>) target_semaphore(%run_scoped3A : memref<!tpu.dma_semaphore, #tpu.memory_space<semaphore_mem>>)
        %dma_wait3A = arith.constant 49920 : i32
        %dma_wait3A_62 = tpu.memref_slice %arg2[%select_n3A, %dma_wait3A] : memref<8x50000xi32, #tpu.memory_space<hbm>> -> memref<1x80xi32, #tpu.memory_space<hbm>>
        %dma_wait3A_63 = tpu.memref_squeeze %dma_wait3A_62 : memref<1x80xi32, #tpu.memory_space<hbm>> -> memref<80xi32, #tpu.memory_space<hbm>>
        %dma_wait3A_64 = arith.constant 49920 : i32
        %dma_wait3A_65 = tpu.memref_slice %arg2[%select_n3A, %dma_wait3A_64] : memref<8x50000xi32, #tpu.memory_space<hbm>> -> memref<1x80xi32, #tpu.memory_space<hbm>>
        %dma_wait3A_66 = tpu.memref_squeeze %dma_wait3A_65 : memref<1x80xi32, #tpu.memory_space<hbm>> -> memref<80xi32, #tpu.memory_space<hbm>>
        tpu.wait_dma2 semaphore(%run_scoped3A : memref<!tpu.dma_semaphore, #tpu.memory_space<semaphore_mem>>) src(%dma_wait3A_66 : memref<80xi32, #tpu.memory_space<hbm>>) dst(%arg7 : memref<80xi32, #tpu.memory_space<vmem>>)
        tpu.yield
      }) : () -> ()
      %scan3A = arith.constant 0 : i32
      %scan3A_53 = arith.constant 5 : i32
      %scan3A_54 = arith.addi %scan3A, %scan3A_53 : i32
      %scan3A_55 = arith.constant 1 : i32
      scf.for %scan3A_57 = %scan3A to %scan3A_54 step %scan3A_55  : i32 {
        %mul3A_58 = arith.constant 16 : i32
        %mul3A_59 = arith.muli %scan3A_57, %mul3A_58 : i32
        %add3A_60 = arith.constant 0 : i32
        %add3A_61 = arith.addi %add3A_60, %mul3A_59 : i32
        %get3A = arith.index_cast %add3A_61 : i32 to index
        %get3A_62 = tpu.vector_load %arg7[%get3A] {strides = array<i32>} : memref<80xi32, #tpu.memory_space<vmem>>, vector<16xi32>,
        %add3A_63 = vector.broadcast %mul3A_32 : i32 to vector<16xi32>
        %add3A_64 = arith.addi %get3A_62, %add3A_63 : vector<16xi32>
        %swap3A = arith.index_cast %add3A_61 : i32 to index
        %swap3A_65 = tpu.vector_load %arg7[%swap3A] {strides = array<i32>} : memref<80xi32, #tpu.memory_space<vmem>>, vector<16xi32>,
        tpu.vector_store %arg7[%swap3A], %add3A_64 {strides = array<i32>} : memref<80xi32, #tpu.memory_space<vmem>>, vector<16xi32>,
      }
      %scan3A_56 = arith.constant 5 : i32
      "tpu.region"() ({
        %run_scoped3A = tpu.sem_alloc : memref<!tpu.dma_semaphore, #tpu.memory_space<semaphore_mem>>
        %dma_start3A = arith.constant 0 : i32
        %dma_start3A_57 = arith.constant 0 : i32
        %dma_start3A_58 = tpu.memref_slice %arg3[%dma_start3A, %dma_start3A_57] : memref<80000x8xf32, #tpu.memory_space<hbm>> -> memref<80000x8xf32, #tpu.memory_space<hbm>>
        tpu.enqueue_indirect_dma source(%dma_start3A_58 : memref<80000x8xf32, #tpu.memory_space<hbm>>) target(%arg8 : memref<80x8xf32, #tpu.memory_space<vmem>>) offsets(%arg7 : memref<80xi32, #tpu.memory_space<vmem>>) semaphore(%run_scoped3A : memref<!tpu.dma_semaphore, #tpu.memory_space<semaphore_mem>>)
        %dma_wait3A = arith.constant 0 : i32
        %dma_wait3A_59 = arith.constant 0 : i32
        %dma_wait3A_60 = tpu.memref_slice %arg3[%dma_wait3A, %dma_wait3A_59] : memref<80000x8xf32, #tpu.memory_space<hbm>> -> memref<80000x8xf32, #tpu.memory_space<hbm>>
        tpu.wait_indirect_dma semaphore(%run_scoped3A : memref<!tpu.dma_semaphore, #tpu.memory_space<semaphore_mem>>) src(%dma_wait3A_60 : memref<80000x8xf32, #tpu.memory_space<hbm>>) dst(%arg8 : memref<80x8xf32, #tpu.memory_space<vmem>>)
        tpu.yield
      }) : () -> ()
      "tpu.region"() ({
        %run_scoped3A = tpu.sem_alloc : memref<!tpu.dma_semaphore, #tpu.memory_space<semaphore_mem>>
        %dma_start3A = arith.constant 49920 : i32
        %dma_start3A_57 = arith.constant 0 : i32
        %dma_start3A_58 = tpu.memref_slice %arg4[%select_n3A, %dma_start3A, %dma_start3A_57] : memref<8x50000x8xf32, #tpu.memory_space<hbm>> -> memref<1x80x8xf32, #tpu.memory_space<hbm>>
        %dma_start3A_59 = tpu.memref_squeeze %dma_start3A_58 : memref<1x80x8xf32, #tpu.memory_space<hbm>> -> memref<80x8xf32, #tpu.memory_space<hbm>>
        %dma_start3A_60 = arith.constant 49920 : i32
        %dma_start3A_61 = arith.constant 0 : i32
        %dma_start3A_62 = tpu.memref_slice %arg4[%select_n3A, %dma_start3A_60, %dma_start3A_61] : memref<8x50000x8xf32, #tpu.memory_space<hbm>> -> memref<1x80x8xf32, #tpu.memory_space<hbm>>
        %dma_start3A_63 = tpu.memref_squeeze %dma_start3A_62 : memref<1x80x8xf32, #tpu.memory_space<hbm>> -> memref<80x8xf32, #tpu.memory_space<hbm>>
        tpu.enqueue_dma source(%arg8 : memref<80x8xf32, #tpu.memory_space<vmem>>) target(%dma_start3A_63 : memref<80x8xf32, #tpu.memory_space<hbm>>) target_semaphore(%run_scoped3A : memref<!tpu.dma_semaphore, #tpu.memory_space<semaphore_mem>>)
        %dma_wait3A = arith.constant 49920 : i32
        %dma_wait3A_64 = arith.constant 0 : i32
        %dma_wait3A_65 = tpu.memref_slice %arg4[%select_n3A, %dma_wait3A, %dma_wait3A_64] : memref<8x50000x8xf32, #tpu.memory_space<hbm>> -> memref<1x80x8xf32, #tpu.memory_space<hbm>>
        %dma_wait3A_66 = tpu.memref_squeeze %dma_wait3A_65 : memref<1x80x8xf32, #tpu.memory_space<hbm>> -> memref<80x8xf32, #tpu.memory_space<hbm>>
        %dma_wait3A_67 = arith.constant 49920 : i32
        %dma_wait3A_68 = arith.constant 0 : i32
        %dma_wait3A_69 = tpu.memref_slice %arg4[%select_n3A, %dma_wait3A_67, %dma_wait3A_68] : memref<8x50000x8xf32, #tpu.memory_space<hbm>> -> memref<1x80x8xf32, #tpu.memory_space<hbm>>
        %dma_wait3A_70 = tpu.memref_squeeze %dma_wait3A_69 : memref<1x80x8xf32, #tpu.memory_space<hbm>> -> memref<80x8xf32, #tpu.memory_space<hbm>>
        tpu.wait_dma2 semaphore(%run_scoped3A : memref<!tpu.dma_semaphore, #tpu.memory_space<semaphore_mem>>) src(%arg8 : memref<80x8xf32, #tpu.memory_space<vmem>>) dst(%dma_wait3A_70 : memref<80x8xf32, #tpu.memory_space<hbm>>)
        tpu.yield
      }) : () -> ()
    } else {
    }
    return
  }
}

#map = affine_map<(d0, d1) -> (0, 0)>
module attributes {stable_mosaic.version = 14 : i64} {
  func.func @_den(%arg0: i32, %arg1: i32, %arg2: memref<50000x8xf32, #tpu.memory_space<hbm>>, %arg3: memref<50000x8xf32, #tpu.memory_space<hbm>>, %arg4: memref<2x800000xi32, #tpu.memory_space<hbm>>, %arg5: memref<50000x8xf32, #tpu.memory_space<hbm>>, %arg6: memref<50000x8xf32, #tpu.memory_space<hbm>>, %arg7: memref<50000x8xf32, #tpu.memory_space<hbm>>, %arg8: memref<128xi32, #tpu.memory_space<vmem>>, %arg9: memref<128xi32, #tpu.memory_space<vmem>>, %arg10: memref<128x8xf32, #tpu.memory_space<vmem>>, %arg11: memref<128x8xf32, #tpu.memory_space<vmem>>, %arg12: memref<128x8xf32, #tpu.memory_space<vmem>>, %arg13: memref<50000x8xf32, #tpu.memory_space<vmem_shared>>) attributes {dimension_semantics = [#tpu.dimension_semantics<core_parallel>, #tpu.dimension_semantics<subcore_parallel>], iteration_bounds = array<i64: 2, 16>, scalar_prefetch = 0 : i64, scratch_operands = 6 : i64, tpu.core_type = #tpu.core_type<sc_vector_subcore>, window_params = [{transform_indices = #map}, {transform_indices = #map}, {transform_indices = #map}, {transform_indices = #map}, {transform_indices = #map}, {transform_indices = #map}]} {
    %mul3A = arith.constant 3125 : i32
    %mul3A_0 = arith.muli %arg1, %mul3A : i32
    "tpu.region"() ({
      %run_scoped3A = tpu.sem_alloc : memref<!tpu.dma_semaphore, #tpu.memory_space<semaphore_mem>>
      %dma_start3A = arith.constant 0 : i32
      %dma_start3A_33 = tpu.memref_slice %arg13[%mul3A_0, %dma_start3A] : memref<50000x8xf32, #tpu.memory_space<vmem_shared>> -> memref<3125x8xf32, #tpu.memory_space<vmem_shared>>
      %dma_start3A_34 = arith.constant 0 : i32
      %dma_start3A_35 = tpu.memref_slice %arg5[%mul3A_0, %dma_start3A_34] : memref<50000x8xf32, #tpu.memory_space<hbm>> -> memref<3125x8xf32, #tpu.memory_space<hbm>>
      tpu.enqueue_dma source(%dma_start3A_35 : memref<3125x8xf32, #tpu.memory_space<hbm>>) target(%dma_start3A_33 : memref<3125x8xf32, #tpu.memory_space<vmem_shared>>) target_semaphore(%run_scoped3A : memref<!tpu.dma_semaphore, #tpu.memory_space<semaphore_mem>>)
      %dma_wait3A = arith.constant 0 : i32
      %dma_wait3A_36 = tpu.memref_slice %arg13[%mul3A_0, %dma_wait3A] : memref<50000x8xf32, #tpu.memory_space<vmem_shared>> -> memref<3125x8xf32, #tpu.memory_space<vmem_shared>>
      %dma_wait3A_37 = arith.constant 0 : i32
      %dma_wait3A_38 = tpu.memref_slice %arg5[%mul3A_0, %dma_wait3A_37] : memref<50000x8xf32, #tpu.memory_space<hbm>> -> memref<3125x8xf32, #tpu.memory_space<hbm>>
      tpu.wait_dma2 semaphore(%run_scoped3A : memref<!tpu.dma_semaphore, #tpu.memory_space<semaphore_mem>>) src(%dma_wait3A_38 : memref<3125x8xf32, #tpu.memory_space<hbm>>) dst(%dma_wait3A_36 : memref<3125x8xf32, #tpu.memory_space<vmem_shared>>)
      tpu.yield
    }) : () -> ()
    %scan3A = arith.constant 0 : i32
    %scan3A_1 = arith.constant 8 : i32
    %scan3A_2 = arith.addi %scan3A, %scan3A_1 : i32
    %scan3A_3 = arith.constant 1 : i32
    scf.for %scan3A_33 = %scan3A to %scan3A_2 step %scan3A_3  : i32 {
      %mul3A_34 = arith.constant 16 : i32
      %mul3A_35 = arith.muli %scan3A_33, %mul3A_34 : i32
      %add3A_36 = arith.constant 0 : i32
      %add3A_37 = arith.addi %add3A_36, %mul3A_35 : i32
      %iota3A = tpu.iota {dimensions = array<i32: 0>} : vector<16xi32>
      %add3A_38 = vector.broadcast %add3A_37 : i32 to vector<16xi32>
      %add3A_39 = arith.addi %iota3A, %add3A_38 : vector<16xi32>
      %broadcast_in_dim3A = arith.constant 0.000000e+00 : f32
      %broadcast_in_dim3A_40 = vector.broadcast %broadcast_in_dim3A : f32 to vector<16xf32>
      %broadcast_in_dim3A_41 = arith.constant 0 : i32
      %broadcast_in_dim3A_42 = vector.broadcast %broadcast_in_dim3A_41 : i32 to vector<16xi32>
      tpu.vector_store_idx %arg12[%add3A_39, %broadcast_in_dim3A_42], %broadcast_in_dim3A_40 : memref<128x8xf32, #tpu.memory_space<vmem>>[vector<16xi32>, vector<16xi32>], vector<16xf32>,
      %broadcast_in_dim3A_43 = arith.constant 1 : i32
      %broadcast_in_dim3A_44 = vector.broadcast %broadcast_in_dim3A_43 : i32 to vector<16xi32>
      tpu.vector_store_idx %arg12[%add3A_39, %broadcast_in_dim3A_44], %broadcast_in_dim3A_40 : memref<128x8xf32, #tpu.memory_space<vmem>>[vector<16xi32>, vector<16xi32>], vector<16xf32>,
      %broadcast_in_dim3A_45 = arith.constant 2 : i32
      %broadcast_in_dim3A_46 = vector.broadcast %broadcast_in_dim3A_45 : i32 to vector<16xi32>
      tpu.vector_store_idx %arg12[%add3A_39, %broadcast_in_dim3A_46], %broadcast_in_dim3A_40 : memref<128x8xf32, #tpu.memory_space<vmem>>[vector<16xi32>, vector<16xi32>], vector<16xf32>,
      %broadcast_in_dim3A_47 = arith.constant 3 : i32
      %broadcast_in_dim3A_48 = vector.broadcast %broadcast_in_dim3A_47 : i32 to vector<16xi32>
      tpu.vector_store_idx %arg12[%add3A_39, %broadcast_in_dim3A_48], %broadcast_in_dim3A_40 : memref<128x8xf32, #tpu.memory_space<vmem>>[vector<16xi32>, vector<16xi32>], vector<16xf32>,
      %broadcast_in_dim3A_49 = arith.constant 4 : i32
      %broadcast_in_dim3A_50 = vector.broadcast %broadcast_in_dim3A_49 : i32 to vector<16xi32>
      tpu.vector_store_idx %arg12[%add3A_39, %broadcast_in_dim3A_50], %broadcast_in_dim3A_40 : memref<128x8xf32, #tpu.memory_space<vmem>>[vector<16xi32>, vector<16xi32>], vector<16xf32>,
      %broadcast_in_dim3A_51 = arith.constant 5 : i32
      %broadcast_in_dim3A_52 = vector.broadcast %broadcast_in_dim3A_51 : i32 to vector<16xi32>
      tpu.vector_store_idx %arg12[%add3A_39, %broadcast_in_dim3A_52], %broadcast_in_dim3A_40 : memref<128x8xf32, #tpu.memory_space<vmem>>[vector<16xi32>, vector<16xi32>], vector<16xf32>,
      %broadcast_in_dim3A_53 = arith.constant 6 : i32
      %broadcast_in_dim3A_54 = vector.broadcast %broadcast_in_dim3A_53 : i32 to vector<16xi32>
      tpu.vector_store_idx %arg12[%add3A_39, %broadcast_in_dim3A_54], %broadcast_in_dim3A_40 : memref<128x8xf32, #tpu.memory_space<vmem>>[vector<16xi32>, vector<16xi32>], vector<16xf32>,
      %broadcast_in_dim3A_55 = arith.constant 7 : i32
      %broadcast_in_dim3A_56 = vector.broadcast %broadcast_in_dim3A_55 : i32 to vector<16xi32>
      tpu.vector_store_idx %arg12[%add3A_39, %broadcast_in_dim3A_56], %broadcast_in_dim3A_40 : memref<128x8xf32, #tpu.memory_space<vmem>>[vector<16xi32>, vector<16xi32>], vector<16xf32>,
    }
    %scan3A_4 = arith.constant 8 : i32
    %barrier3A = arith.constant 0 : index
    tpu.barrier barrier_id(%barrier3A)
    %mul3A_5 = arith.constant 3125 : i32
    %mul3A_6 = arith.muli %arg0, %mul3A_5 : i32
    %add3A = arith.addi %mul3A_6, %arg1 : i32
    %add3A_7 = arith.constant 1 : i32
    %add3A_8 = arith.addi %arg0, %add3A_7 : i32
    %mul3A_9 = arith.constant 3125 : i32
    %mul3A_10 = arith.muli %add3A_8, %mul3A_9 : i32
    %sub3A = arith.subi %mul3A_10, %add3A : i32
    %sub3A_11 = arith.constant 16 : i32
    %sub3A_12 = arith.constant 1 : i32
    %sub3A_13 = arith.subi %sub3A_11, %sub3A_12 : i32
    %add3A_14 = arith.addi %sub3A, %sub3A_13 : i32
    %div3A = arith.constant 16 : i32
    %div3A_15 = arith.divsi %add3A_14, %div3A : i32
    %while3A = arith.constant 16 : i32
    %while3A_16 = arith.constant 0 : i32
    %while3A_17 = arith.subi %div3A_15, %while3A_16 : i32
    %while3A_18 = arith.addi %while3A_16, %while3A_17 : i32
    %while3A_19 = arith.constant 1 : i32
    %while3A_20 = arith.divsi %while3A_17, %while3A_19 : i32
    %while3A_21 = arith.muli %while3A_20, %while3A_19 : i32
    %while3A_22 = arith.addi %while3A_16, %while3A_21 : i32
    %while3A_23 = arith.constant 1 : i32
    scf.for %while3A_33 = %while3A_16 to %while3A_22 step %while3A_23  : i32 {
      %mul3A_34 = arith.muli %while3A_33, %while3A : i32
      %add3A_35 = arith.addi %add3A, %mul3A_34 : i32
      %mul3A_36 = arith.constant 128 : i32
      %mul3A_37 = arith.muli %add3A_35, %mul3A_36 : i32
      %run_scoped3A = arith.constant 0 : i32
      "tpu.region"() ({
        %run_scoped3A_44 = tpu.sem_alloc : memref<!tpu.dma_semaphore, #tpu.memory_space<semaphore_mem>>
        %dma_start3A = tpu.memref_slice %arg4[%run_scoped3A, %mul3A_37] : memref<2x800000xi32, #tpu.memory_space<hbm>> -> memref<1x128xi32, #tpu.memory_space<hbm>>
        %dma_start3A_45 = tpu.memref_squeeze %dma_start3A : memref<1x128xi32, #tpu.memory_space<hbm>> -> memref<128xi32, #tpu.memory_space<hbm>>
        %dma_start3A_46 = tpu.memref_slice %arg4[%run_scoped3A, %mul3A_37] : memref<2x800000xi32, #tpu.memory_space<hbm>> -> memref<1x128xi32, #tpu.memory_space<hbm>>
        %dma_start3A_47 = tpu.memref_squeeze %dma_start3A_46 : memref<1x128xi32, #tpu.memory_space<hbm>> -> memref<128xi32, #tpu.memory_space<hbm>>
        tpu.enqueue_dma source(%dma_start3A_47 : memref<128xi32, #tpu.memory_space<hbm>>) target(%arg8 : memref<128xi32, #tpu.memory_space<vmem>>) target_semaphore(%run_scoped3A_44 : memref<!tpu.dma_semaphore, #tpu.memory_space<semaphore_mem>>)
        %dma_wait3A = tpu.memref_slice %arg4[%run_scoped3A, %mul3A_37] : memref<2x800000xi32, #tpu.memory_space<hbm>> -> memref<1x128xi32, #tpu.memory_space<hbm>>
        %dma_wait3A_48 = tpu.memref_squeeze %dma_wait3A : memref<1x128xi32, #tpu.memory_space<hbm>> -> memref<128xi32, #tpu.memory_space<hbm>>
        %dma_wait3A_49 = tpu.memref_slice %arg4[%run_scoped3A, %mul3A_37] : memref<2x800000xi32, #tpu.memory_space<hbm>> -> memref<1x128xi32, #tpu.memory_space<hbm>>
        %dma_wait3A_50 = tpu.memref_squeeze %dma_wait3A_49 : memref<1x128xi32, #tpu.memory_space<hbm>> -> memref<128xi32, #tpu.memory_space<hbm>>
        tpu.wait_dma2 semaphore(%run_scoped3A_44 : memref<!tpu.dma_semaphore, #tpu.memory_space<semaphore_mem>>) src(%dma_wait3A_50 : memref<128xi32, #tpu.memory_space<hbm>>) dst(%arg8 : memref<128xi32, #tpu.memory_space<vmem>>)
        tpu.yield
      }) : () -> ()
      %run_scoped3A_38 = arith.constant 1 : i32
      "tpu.region"() ({
        %run_scoped3A_44 = tpu.sem_alloc : memref<!tpu.dma_semaphore, #tpu.memory_space<semaphore_mem>>
        %dma_start3A = tpu.memref_slice %arg4[%run_scoped3A_38, %mul3A_37] : memref<2x800000xi32, #tpu.memory_space<hbm>> -> memref<1x128xi32, #tpu.memory_space<hbm>>
        %dma_start3A_45 = tpu.memref_squeeze %dma_start3A : memref<1x128xi32, #tpu.memory_space<hbm>> -> memref<128xi32, #tpu.memory_space<hbm>>
        %dma_start3A_46 = tpu.memref_slice %arg4[%run_scoped3A_38, %mul3A_37] : memref<2x800000xi32, #tpu.memory_space<hbm>> -> memref<1x128xi32, #tpu.memory_space<hbm>>
        %dma_start3A_47 = tpu.memref_squeeze %dma_start3A_46 : memref<1x128xi32, #tpu.memory_space<hbm>> -> memref<128xi32, #tpu.memory_space<hbm>>
        tpu.enqueue_dma source(%dma_start3A_47 : memref<128xi32, #tpu.memory_space<hbm>>) target(%arg9 : memref<128xi32, #tpu.memory_space<vmem>>) target_semaphore(%run_scoped3A_44 : memref<!tpu.dma_semaphore, #tpu.memory_space<semaphore_mem>>)
        %dma_wait3A = tpu.memref_slice %arg4[%run_scoped3A_38, %mul3A_37] : memref<2x800000xi32, #tpu.memory_space<hbm>> -> memref<1x128xi32, #tpu.memory_space<hbm>>
        %dma_wait3A_48 = tpu.memref_squeeze %dma_wait3A : memref<1x128xi32, #tpu.memory_space<hbm>> -> memref<128xi32, #tpu.memory_space<hbm>>
        %dma_wait3A_49 = tpu.memref_slice %arg4[%run_scoped3A_38, %mul3A_37] : memref<2x800000xi32, #tpu.memory_space<hbm>> -> memref<1x128xi32, #tpu.memory_space<hbm>>
        %dma_wait3A_50 = tpu.memref_squeeze %dma_wait3A_49 : memref<1x128xi32, #tpu.memory_space<hbm>> -> memref<128xi32, #tpu.memory_space<hbm>>
        tpu.wait_dma2 semaphore(%run_scoped3A_44 : memref<!tpu.dma_semaphore, #tpu.memory_space<semaphore_mem>>) src(%dma_wait3A_50 : memref<128xi32, #tpu.memory_space<hbm>>) dst(%arg9 : memref<128xi32, #tpu.memory_space<vmem>>)
        tpu.yield
      }) : () -> ()
      "tpu.region"() ({
        %run_scoped3A_44 = tpu.sem_alloc : memref<!tpu.dma_semaphore, #tpu.memory_space<semaphore_mem>>
        %dma_start3A = arith.constant 0 : i32
        %dma_start3A_45 = arith.constant 0 : i32
        %dma_start3A_46 = tpu.memref_slice %arg2[%dma_start3A, %dma_start3A_45] : memref<50000x8xf32, #tpu.memory_space<hbm>> -> memref<50000x8xf32, #tpu.memory_space<hbm>>
        tpu.enqueue_indirect_dma source(%dma_start3A_46 : memref<50000x8xf32, #tpu.memory_space<hbm>>) target(%arg10 : memref<128x8xf32, #tpu.memory_space<vmem>>) offsets(%arg8 : memref<128xi32, #tpu.memory_space<vmem>>) semaphore(%run_scoped3A_44 : memref<!tpu.dma_semaphore, #tpu.memory_space<semaphore_mem>>)
        %dma_wait3A = arith.constant 0 : i32
        %dma_wait3A_47 = arith.constant 0 : i32
        %dma_wait3A_48 = tpu.memref_slice %arg2[%dma_wait3A, %dma_wait3A_47] : memref<50000x8xf32, #tpu.memory_space<hbm>> -> memref<50000x8xf32, #tpu.memory_space<hbm>>
        tpu.wait_indirect_dma semaphore(%run_scoped3A_44 : memref<!tpu.dma_semaphore, #tpu.memory_space<semaphore_mem>>) src(%dma_wait3A_48 : memref<50000x8xf32, #tpu.memory_space<hbm>>) dst(%arg10 : memref<128x8xf32, #tpu.memory_space<vmem>>)
        tpu.yield
      }) : () -> ()
      "tpu.region"() ({
        %run_scoped3A_44 = tpu.sem_alloc : memref<!tpu.dma_semaphore, #tpu.memory_space<semaphore_mem>>
        %dma_start3A = arith.constant 0 : i32
        %dma_start3A_45 = arith.constant 0 : i32
        %dma_start3A_46 = tpu.memref_slice %arg3[%dma_start3A, %dma_start3A_45] : memref<50000x8xf32, #tpu.memory_space<hbm>> -> memref<50000x8xf32, #tpu.memory_space<hbm>>
        tpu.enqueue_indirect_dma source(%dma_start3A_46 : memref<50000x8xf32, #tpu.memory_space<hbm>>) target(%arg11 : memref<128x8xf32, #tpu.memory_space<vmem>>) offsets(%arg9 : memref<128xi32, #tpu.memory_space<vmem>>) semaphore(%run_scoped3A_44 : memref<!tpu.dma_semaphore, #tpu.memory_space<semaphore_mem>>)
        %dma_wait3A = arith.constant 0 : i32
        %dma_wait3A_47 = arith.constant 0 : i32
        %dma_wait3A_48 = tpu.memref_slice %arg3[%dma_wait3A, %dma_wait3A_47] : memref<50000x8xf32, #tpu.memory_space<hbm>> -> memref<50000x8xf32, #tpu.memory_space<hbm>>
        tpu.wait_indirect_dma semaphore(%run_scoped3A_44 : memref<!tpu.dma_semaphore, #tpu.memory_space<semaphore_mem>>) src(%dma_wait3A_48 : memref<50000x8xf32, #tpu.memory_space<hbm>>) dst(%arg11 : memref<128x8xf32, #tpu.memory_space<vmem>>)
        tpu.yield
      }) : () -> ()
      %scan3A_39 = arith.constant 0 : i32
      %scan3A_40 = arith.constant 8 : i32
      %scan3A_41 = arith.addi %scan3A_39, %scan3A_40 : i32
      %scan3A_42 = arith.constant 1 : i32
      scf.for %scan3A_44 = %scan3A_39 to %scan3A_41 step %scan3A_42  : i32 {
        %mul3A_45 = arith.constant 16 : i32
        %mul3A_46 = arith.muli %scan3A_44, %mul3A_45 : i32
        %add3A_47 = arith.constant 0 : i32
        %add3A_48 = arith.addi %add3A_47, %mul3A_46 : i32
        %iota3A = tpu.iota {dimensions = array<i32: 0>} : vector<16xi32>
        %add3A_49 = vector.broadcast %add3A_48 : i32 to vector<16xi32>
        %add3A_50 = arith.addi %iota3A, %add3A_49 : vector<16xi32>
        %broadcast_in_dim3A = arith.constant 0 : i32
        %broadcast_in_dim3A_51 = vector.broadcast %broadcast_in_dim3A : i32 to vector<16xi32>
        %gather3A = tpu.vector_load_idx %arg10[%add3A_50, %broadcast_in_dim3A_51] : memref<128x8xf32, #tpu.memory_space<vmem>>[vector<16xi32>, vector<16xi32>], vector<16xf32>,
        %gather3A_52 = tpu.vector_load_idx %arg11[%add3A_50, %broadcast_in_dim3A_51] : memref<128x8xf32, #tpu.memory_space<vmem>>[vector<16xi32>, vector<16xi32>], vector<16xf32>,
        %add3A_53 = arith.addf %gather3A, %gather3A_52 : vector<16xf32>
        %ge3A = arith.constant 0.000000e+00 : f32
        %ge3A_54 = vector.broadcast %ge3A : f32 to vector<16xf32>
        %ge3A_55 = arith.cmpf oge, %add3A_53, %ge3A_54 : vector<16xf32>
        %mul3A_56 = arith.constant 2.000000e-01 : f32
        %mul3A_57 = vector.broadcast %mul3A_56 : f32 to vector<16xf32>
        %mul3A_58 = arith.mulf %mul3A_57, %add3A_53 : vector<16xf32>
        %select_n3A = arith.select %ge3A_55, %add3A_53, %mul3A_58 : vector<16xi1>, vector<16xf32>
        %exp3A = math.exp %select_n3A : vector<16xf32>
        tpu.vector_store_idx %arg12[%add3A_50, %broadcast_in_dim3A_51], %exp3A : memref<128x8xf32, #tpu.memory_space<vmem>>[vector<16xi32>, vector<16xi32>], vector<16xf32>,
        %broadcast_in_dim3A_59 = arith.constant 1 : i32
        %broadcast_in_dim3A_60 = vector.broadcast %broadcast_in_dim3A_59 : i32 to vector<16xi32>
        %gather3A_61 = tpu.vector_load_idx %arg10[%add3A_50, %broadcast_in_dim3A_60] : memref<128x8xf32, #tpu.memory_space<vmem>>[vector<16xi32>, vector<16xi32>], vector<16xf32>,
        %gather3A_62 = tpu.vector_load_idx %arg11[%add3A_50, %broadcast_in_dim3A_60] : memref<128x8xf32, #tpu.memory_space<vmem>>[vector<16xi32>, vector<16xi32>], vector<16xf32>,
        %add3A_63 = arith.addf %gather3A_61, %gather3A_62 : vector<16xf32>
        %ge3A_64 = arith.constant 0.000000e+00 : f32
        %ge3A_65 = vector.broadcast %ge3A_64 : f32 to vector<16xf32>
        %ge3A_66 = arith.cmpf oge, %add3A_63, %ge3A_65 : vector<16xf32>
        %mul3A_67 = arith.constant 2.000000e-01 : f32
        %mul3A_68 = vector.broadcast %mul3A_67 : f32 to vector<16xf32>
        %mul3A_69 = arith.mulf %mul3A_68, %add3A_63 : vector<16xf32>
        %select_n3A_70 = arith.select %ge3A_66, %add3A_63, %mul3A_69 : vector<16xi1>, vector<16xf32>
        %exp3A_71 = math.exp %select_n3A_70 : vector<16xf32>
        tpu.vector_store_idx %arg12[%add3A_50, %broadcast_in_dim3A_60], %exp3A_71 : memref<128x8xf32, #tpu.memory_space<vmem>>[vector<16xi32>, vector<16xi32>], vector<16xf32>,
        %broadcast_in_dim3A_72 = arith.constant 2 : i32
        %broadcast_in_dim3A_73 = vector.broadcast %broadcast_in_dim3A_72 : i32 to vector<16xi32>
        %gather3A_74 = tpu.vector_load_idx %arg10[%add3A_50, %broadcast_in_dim3A_73] : memref<128x8xf32, #tpu.memory_space<vmem>>[vector<16xi32>, vector<16xi32>], vector<16xf32>,
        %gather3A_75 = tpu.vector_load_idx %arg11[%add3A_50, %broadcast_in_dim3A_73] : memref<128x8xf32, #tpu.memory_space<vmem>>[vector<16xi32>, vector<16xi32>], vector<16xf32>,
        %add3A_76 = arith.addf %gather3A_74, %gather3A_75 : vector<16xf32>
        %ge3A_77 = arith.constant 0.000000e+00 : f32
        %ge3A_78 = vector.broadcast %ge3A_77 : f32 to vector<16xf32>
        %ge3A_79 = arith.cmpf oge, %add3A_76, %ge3A_78 : vector<16xf32>
        %mul3A_80 = arith.constant 2.000000e-01 : f32
        %mul3A_81 = vector.broadcast %mul3A_80 : f32 to vector<16xf32>
        %mul3A_82 = arith.mulf %mul3A_81, %add3A_76 : vector<16xf32>
        %select_n3A_83 = arith.select %ge3A_79, %add3A_76, %mul3A_82 : vector<16xi1>, vector<16xf32>
        %exp3A_84 = math.exp %select_n3A_83 : vector<16xf32>
        tpu.vector_store_idx %arg12[%add3A_50, %broadcast_in_dim3A_73], %exp3A_84 : memref<128x8xf32, #tpu.memory_space<vmem>>[vector<16xi32>, vector<16xi32>], vector<16xf32>,
        %broadcast_in_dim3A_85 = arith.constant 3 : i32
        %broadcast_in_dim3A_86 = vector.broadcast %broadcast_in_dim3A_85 : i32 to vector<16xi32>
        %gather3A_87 = tpu.vector_load_idx %arg10[%add3A_50, %broadcast_in_dim3A_86] : memref<128x8xf32, #tpu.memory_space<vmem>>[vector<16xi32>, vector<16xi32>], vector<16xf32>,
        %gather3A_88 = tpu.vector_load_idx %arg11[%add3A_50, %broadcast_in_dim3A_86] : memref<128x8xf32, #tpu.memory_space<vmem>>[vector<16xi32>, vector<16xi32>], vector<16xf32>,
        %add3A_89 = arith.addf %gather3A_87, %gather3A_88 : vector<16xf32>
        %ge3A_90 = arith.constant 0.000000e+00 : f32
        %ge3A_91 = vector.broadcast %ge3A_90 : f32 to vector<16xf32>
        %ge3A_92 = arith.cmpf oge, %add3A_89, %ge3A_91 : vector<16xf32>
        %mul3A_93 = arith.constant 2.000000e-01 : f32
        %mul3A_94 = vector.broadcast %mul3A_93 : f32 to vector<16xf32>
        %mul3A_95 = arith.mulf %mul3A_94, %add3A_89 : vector<16xf32>
        %select_n3A_96 = arith.select %ge3A_92, %add3A_89, %mul3A_95 : vector<16xi1>, vector<16xf32>
        %exp3A_97 = math.exp %select_n3A_96 : vector<16xf32>
        tpu.vector_store_idx %arg12[%add3A_50, %broadcast_in_dim3A_86], %exp3A_97 : memref<128x8xf32, #tpu.memory_space<vmem>>[vector<16xi32>, vector<16xi32>], vector<16xf32>,
      }
      %scan3A_43 = arith.constant 8 : i32
      "tpu.region"() ({
        %run_scoped3A_44 = tpu.sem_alloc : memref<!tpu.dma_semaphore, #tpu.memory_space<semaphore_mem>>
        %dma_start3A = arith.constant 0 : i32
        %dma_start3A_45 = arith.constant 0 : i32
        %dma_start3A_46 = tpu.memref_slice %arg13[%dma_start3A, %dma_start3A_45] : memref<50000x8xf32, #tpu.memory_space<vmem_shared>> -> memref<50000x8xf32, #tpu.memory_space<vmem_shared>>
        tpu.enqueue_indirect_dma source(%arg12 : memref<128x8xf32, #tpu.memory_space<vmem>>) target(%dma_start3A_46 : memref<50000x8xf32, #tpu.memory_space<vmem_shared>>) offsets(%arg9 : memref<128xi32, #tpu.memory_space<vmem>>) semaphore(%run_scoped3A_44 : memref<!tpu.dma_semaphore, #tpu.memory_space<semaphore_mem>>) {add = true}
        %dma_wait3A = arith.constant 0 : i32
        %dma_wait3A_47 = arith.constant 0 : i32
        %dma_wait3A_48 = tpu.memref_slice %arg13[%dma_wait3A, %dma_wait3A_47] : memref<50000x8xf32, #tpu.memory_space<vmem_shared>> -> memref<50000x8xf32, #tpu.memory_space<vmem_shared>>
        tpu.wait_indirect_dma semaphore(%run_scoped3A_44 : memref<!tpu.dma_semaphore, #tpu.memory_space<semaphore_mem>>) src(%arg12 : memref<128x8xf32, #tpu.memory_space<vmem>>) dst(%dma_wait3A_48 : memref<50000x8xf32, #tpu.memory_space<vmem_shared>>)
        tpu.yield
      }) : () -> ()
    }
    %while3A_24 = arith.constant 1 : i32
    scf.for %while3A_33 = %while3A_22 to %while3A_18 step %while3A_24  : i32 {
      %mul3A_34 = arith.muli %while3A_33, %while3A : i32
      %add3A_35 = arith.addi %add3A, %mul3A_34 : i32
      %mul3A_36 = arith.constant 128 : i32
      %mul3A_37 = arith.muli %add3A_35, %mul3A_36 : i32
      %run_scoped3A = arith.constant 0 : i32
      "tpu.region"() ({
        %run_scoped3A_44 = tpu.sem_alloc : memref<!tpu.dma_semaphore, #tpu.memory_space<semaphore_mem>>
        %dma_start3A = tpu.memref_slice %arg4[%run_scoped3A, %mul3A_37] : memref<2x800000xi32, #tpu.memory_space<hbm>> -> memref<1x128xi32, #tpu.memory_space<hbm>>
        %dma_start3A_45 = tpu.memref_squeeze %dma_start3A : memref<1x128xi32, #tpu.memory_space<hbm>> -> memref<128xi32, #tpu.memory_space<hbm>>
        %dma_start3A_46 = tpu.memref_slice %arg4[%run_scoped3A, %mul3A_37] : memref<2x800000xi32, #tpu.memory_space<hbm>> -> memref<1x128xi32, #tpu.memory_space<hbm>>
        %dma_start3A_47 = tpu.memref_squeeze %dma_start3A_46 : memref<1x128xi32, #tpu.memory_space<hbm>> -> memref<128xi32, #tpu.memory_space<hbm>>
        tpu.enqueue_dma source(%dma_start3A_47 : memref<128xi32, #tpu.memory_space<hbm>>) target(%arg8 : memref<128xi32, #tpu.memory_space<vmem>>) target_semaphore(%run_scoped3A_44 : memref<!tpu.dma_semaphore, #tpu.memory_space<semaphore_mem>>)
        %dma_wait3A = tpu.memref_slice %arg4[%run_scoped3A, %mul3A_37] : memref<2x800000xi32, #tpu.memory_space<hbm>> -> memref<1x128xi32, #tpu.memory_space<hbm>>
        %dma_wait3A_48 = tpu.memref_squeeze %dma_wait3A : memref<1x128xi32, #tpu.memory_space<hbm>> -> memref<128xi32, #tpu.memory_space<hbm>>
        %dma_wait3A_49 = tpu.memref_slice %arg4[%run_scoped3A, %mul3A_37] : memref<2x800000xi32, #tpu.memory_space<hbm>> -> memref<1x128xi32, #tpu.memory_space<hbm>>
        %dma_wait3A_50 = tpu.memref_squeeze %dma_wait3A_49 : memref<1x128xi32, #tpu.memory_space<hbm>> -> memref<128xi32, #tpu.memory_space<hbm>>
        tpu.wait_dma2 semaphore(%run_scoped3A_44 : memref<!tpu.dma_semaphore, #tpu.memory_space<semaphore_mem>>) src(%dma_wait3A_50 : memref<128xi32, #tpu.memory_space<hbm>>) dst(%arg8 : memref<128xi32, #tpu.memory_space<vmem>>)
        tpu.yield
      }) : () -> ()
      %run_scoped3A_38 = arith.constant 1 : i32
      "tpu.region"() ({
        %run_scoped3A_44 = tpu.sem_alloc : memref<!tpu.dma_semaphore, #tpu.memory_space<semaphore_mem>>
        %dma_start3A = tpu.memref_slice %arg4[%run_scoped3A_38, %mul3A_37] : memref<2x800000xi32, #tpu.memory_space<hbm>> -> memref<1x128xi32, #tpu.memory_space<hbm>>
        %dma_start3A_45 = tpu.memref_squeeze %dma_start3A : memref<1x128xi32, #tpu.memory_space<hbm>> -> memref<128xi32, #tpu.memory_space<hbm>>
        %dma_start3A_46 = tpu.memref_slice %arg4[%run_scoped3A_38, %mul3A_37] : memref<2x800000xi32, #tpu.memory_space<hbm>> -> memref<1x128xi32, #tpu.memory_space<hbm>>
        %dma_start3A_47 = tpu.memref_squeeze %dma_start3A_46 : memref<1x128xi32, #tpu.memory_space<hbm>> -> memref<128xi32, #tpu.memory_space<hbm>>
        tpu.enqueue_dma source(%dma_start3A_47 : memref<128xi32, #tpu.memory_space<hbm>>) target(%arg9 : memref<128xi32, #tpu.memory_space<vmem>>) target_semaphore(%run_scoped3A_44 : memref<!tpu.dma_semaphore, #tpu.memory_space<semaphore_mem>>)
        %dma_wait3A = tpu.memref_slice %arg4[%run_scoped3A_38, %mul3A_37] : memref<2x800000xi32, #tpu.memory_space<hbm>> -> memref<1x128xi32, #tpu.memory_space<hbm>>
        %dma_wait3A_48 = tpu.memref_squeeze %dma_wait3A : memref<1x128xi32, #tpu.memory_space<hbm>> -> memref<128xi32, #tpu.memory_space<hbm>>
        %dma_wait3A_49 = tpu.memref_slice %arg4[%run_scoped3A_38, %mul3A_37] : memref<2x800000xi32, #tpu.memory_space<hbm>> -> memref<1x128xi32, #tpu.memory_space<hbm>>
        %dma_wait3A_50 = tpu.memref_squeeze %dma_wait3A_49 : memref<1x128xi32, #tpu.memory_space<hbm>> -> memref<128xi32, #tpu.memory_space<hbm>>
        tpu.wait_dma2 semaphore(%run_scoped3A_44 : memref<!tpu.dma_semaphore, #tpu.memory_space<semaphore_mem>>) src(%dma_wait3A_50 : memref<128xi32, #tpu.memory_space<hbm>>) dst(%arg9 : memref<128xi32, #tpu.memory_space<vmem>>)
        tpu.yield
      }) : () -> ()
      "tpu.region"() ({
        %run_scoped3A_44 = tpu.sem_alloc : memref<!tpu.dma_semaphore, #tpu.memory_space<semaphore_mem>>
        %dma_start3A = arith.constant 0 : i32
        %dma_start3A_45 = arith.constant 0 : i32
        %dma_start3A_46 = tpu.memref_slice %arg2[%dma_start3A, %dma_start3A_45] : memref<50000x8xf32, #tpu.memory_space<hbm>> -> memref<50000x8xf32, #tpu.memory_space<hbm>>
        tpu.enqueue_indirect_dma source(%dma_start3A_46 : memref<50000x8xf32, #tpu.memory_space<hbm>>) target(%arg10 : memref<128x8xf32, #tpu.memory_space<vmem>>) offsets(%arg8 : memref<128xi32, #tpu.memory_space<vmem>>) semaphore(%run_scoped3A_44 : memref<!tpu.dma_semaphore, #tpu.memory_space<semaphore_mem>>)
        %dma_wait3A = arith.constant 0 : i32
        %dma_wait3A_47 = arith.constant 0 : i32
        %dma_wait3A_48 = tpu.memref_slice %arg2[%dma_wait3A, %dma_wait3A_47] : memref<50000x8xf32, #tpu.memory_space<hbm>> -> memref<50000x8xf32, #tpu.memory_space<hbm>>
        tpu.wait_indirect_dma semaphore(%run_scoped3A_44 : memref<!tpu.dma_semaphore, #tpu.memory_space<semaphore_mem>>) src(%dma_wait3A_48 : memref<50000x8xf32, #tpu.memory_space<hbm>>) dst(%arg10 : memref<128x8xf32, #tpu.memory_space<vmem>>)
        tpu.yield
      }) : () -> ()
      "tpu.region"() ({
        %run_scoped3A_44 = tpu.sem_alloc : memref<!tpu.dma_semaphore, #tpu.memory_space<semaphore_mem>>
        %dma_start3A = arith.constant 0 : i32
        %dma_start3A_45 = arith.constant 0 : i32
        %dma_start3A_46 = tpu.memref_slice %arg3[%dma_start3A, %dma_start3A_45] : memref<50000x8xf32, #tpu.memory_space<hbm>> -> memref<50000x8xf32, #tpu.memory_space<hbm>>
        tpu.enqueue_indirect_dma source(%dma_start3A_46 : memref<50000x8xf32, #tpu.memory_space<hbm>>) target(%arg11 : memref<128x8xf32, #tpu.memory_space<vmem>>) offsets(%arg9 : memref<128xi32, #tpu.memory_space<vmem>>) semaphore(%run_scoped3A_44 : memref<!tpu.dma_semaphore, #tpu.memory_space<semaphore_mem>>)
        %dma_wait3A = arith.constant 0 : i32
        %dma_wait3A_47 = arith.constant 0 : i32
        %dma_wait3A_48 = tpu.memref_slice %arg3[%dma_wait3A, %dma_wait3A_47] : memref<50000x8xf32, #tpu.memory_space<hbm>> -> memref<50000x8xf32, #tpu.memory_space<hbm>>
        tpu.wait_indirect_dma semaphore(%run_scoped3A_44 : memref<!tpu.dma_semaphore, #tpu.memory_space<semaphore_mem>>) src(%dma_wait3A_48 : memref<50000x8xf32, #tpu.memory_space<hbm>>) dst(%arg11 : memref<128x8xf32, #tpu.memory_space<vmem>>)
        tpu.yield
      }) : () -> ()
      %scan3A_39 = arith.constant 0 : i32
      %scan3A_40 = arith.constant 8 : i32
      %scan3A_41 = arith.addi %scan3A_39, %scan3A_40 : i32
      %scan3A_42 = arith.constant 1 : i32
      scf.for %scan3A_44 = %scan3A_39 to %scan3A_41 step %scan3A_42  : i32 {
        %mul3A_45 = arith.constant 16 : i32
        %mul3A_46 = arith.muli %scan3A_44, %mul3A_45 : i32
        %add3A_47 = arith.constant 0 : i32
        %add3A_48 = arith.addi %add3A_47, %mul3A_46 : i32
        %iota3A = tpu.iota {dimensions = array<i32: 0>} : vector<16xi32>
        %add3A_49 = vector.broadcast %add3A_48 : i32 to vector<16xi32>
        %add3A_50 = arith.addi %iota3A, %add3A_49 : vector<16xi32>
        %broadcast_in_dim3A = arith.constant 0 : i32
        %broadcast_in_dim3A_51 = vector.broadcast %broadcast_in_dim3A : i32 to vector<16xi32>
        %gather3A = tpu.vector_load_idx %arg10[%add3A_50, %broadcast_in_dim3A_51] : memref<128x8xf32, #tpu.memory_space<vmem>>[vector<16xi32>, vector<16xi32>], vector<16xf32>,
        %gather3A_52 = tpu.vector_load_idx %arg11[%add3A_50, %broadcast_in_dim3A_51] : memref<128x8xf32, #tpu.memory_space<vmem>>[vector<16xi32>, vector<16xi32>], vector<16xf32>,
        %add3A_53 = arith.addf %gather3A, %gather3A_52 : vector<16xf32>
        %ge3A = arith.constant 0.000000e+00 : f32
        %ge3A_54 = vector.broadcast %ge3A : f32 to vector<16xf32>
        %ge3A_55 = arith.cmpf oge, %add3A_53, %ge3A_54 : vector<16xf32>
        %mul3A_56 = arith.constant 2.000000e-01 : f32
        %mul3A_57 = vector.broadcast %mul3A_56 : f32 to vector<16xf32>
        %mul3A_58 = arith.mulf %mul3A_57, %add3A_53 : vector<16xf32>
        %select_n3A = arith.select %ge3A_55, %add3A_53, %mul3A_58 : vector<16xi1>, vector<16xf32>
        %exp3A = math.exp %select_n3A : vector<16xf32>
        tpu.vector_store_idx %arg12[%add3A_50, %broadcast_in_dim3A_51], %exp3A : memref<128x8xf32, #tpu.memory_space<vmem>>[vector<16xi32>, vector<16xi32>], vector<16xf32>,
        %broadcast_in_dim3A_59 = arith.constant 1 : i32
        %broadcast_in_dim3A_60 = vector.broadcast %broadcast_in_dim3A_59 : i32 to vector<16xi32>
        %gather3A_61 = tpu.vector_load_idx %arg10[%add3A_50, %broadcast_in_dim3A_60] : memref<128x8xf32, #tpu.memory_space<vmem>>[vector<16xi32>, vector<16xi32>], vector<16xf32>,
        %gather3A_62 = tpu.vector_load_idx %arg11[%add3A_50, %broadcast_in_dim3A_60] : memref<128x8xf32, #tpu.memory_space<vmem>>[vector<16xi32>, vector<16xi32>], vector<16xf32>,
        %add3A_63 = arith.addf %gather3A_61, %gather3A_62 : vector<16xf32>
        %ge3A_64 = arith.constant 0.000000e+00 : f32
        %ge3A_65 = vector.broadcast %ge3A_64 : f32 to vector<16xf32>
        %ge3A_66 = arith.cmpf oge, %add3A_63, %ge3A_65 : vector<16xf32>
        %mul3A_67 = arith.constant 2.000000e-01 : f32
        %mul3A_68 = vector.broadcast %mul3A_67 : f32 to vector<16xf32>
        %mul3A_69 = arith.mulf %mul3A_68, %add3A_63 : vector<16xf32>
        %select_n3A_70 = arith.select %ge3A_66, %add3A_63, %mul3A_69 : vector<16xi1>, vector<16xf32>
        %exp3A_71 = math.exp %select_n3A_70 : vector<16xf32>
        tpu.vector_store_idx %arg12[%add3A_50, %broadcast_in_dim3A_60], %exp3A_71 : memref<128x8xf32, #tpu.memory_space<vmem>>[vector<16xi32>, vector<16xi32>], vector<16xf32>,
        %broadcast_in_dim3A_72 = arith.constant 2 : i32
        %broadcast_in_dim3A_73 = vector.broadcast %broadcast_in_dim3A_72 : i32 to vector<16xi32>
        %gather3A_74 = tpu.vector_load_idx %arg10[%add3A_50, %broadcast_in_dim3A_73] : memref<128x8xf32, #tpu.memory_space<vmem>>[vector<16xi32>, vector<16xi32>], vector<16xf32>,
        %gather3A_75 = tpu.vector_load_idx %arg11[%add3A_50, %broadcast_in_dim3A_73] : memref<128x8xf32, #tpu.memory_space<vmem>>[vector<16xi32>, vector<16xi32>], vector<16xf32>,
        %add3A_76 = arith.addf %gather3A_74, %gather3A_75 : vector<16xf32>
        %ge3A_77 = arith.constant 0.000000e+00 : f32
        %ge3A_78 = vector.broadcast %ge3A_77 : f32 to vector<16xf32>
        %ge3A_79 = arith.cmpf oge, %add3A_76, %ge3A_78 : vector<16xf32>
        %mul3A_80 = arith.constant 2.000000e-01 : f32
        %mul3A_81 = vector.broadcast %mul3A_80 : f32 to vector<16xf32>
        %mul3A_82 = arith.mulf %mul3A_81, %add3A_76 : vector<16xf32>
        %select_n3A_83 = arith.select %ge3A_79, %add3A_76, %mul3A_82 : vector<16xi1>, vector<16xf32>
        %exp3A_84 = math.exp %select_n3A_83 : vector<16xf32>
        tpu.vector_store_idx %arg12[%add3A_50, %broadcast_in_dim3A_73], %exp3A_84 : memref<128x8xf32, #tpu.memory_space<vmem>>[vector<16xi32>, vector<16xi32>], vector<16xf32>,
        %broadcast_in_dim3A_85 = arith.constant 3 : i32
        %broadcast_in_dim3A_86 = vector.broadcast %broadcast_in_dim3A_85 : i32 to vector<16xi32>
        %gather3A_87 = tpu.vector_load_idx %arg10[%add3A_50, %broadcast_in_dim3A_86] : memref<128x8xf32, #tpu.memory_space<vmem>>[vector<16xi32>, vector<16xi32>], vector<16xf32>,
        %gather3A_88 = tpu.vector_load_idx %arg11[%add3A_50, %broadcast_in_dim3A_86] : memref<128x8xf32, #tpu.memory_space<vmem>>[vector<16xi32>, vector<16xi32>], vector<16xf32>,
        %add3A_89 = arith.addf %gather3A_87, %gather3A_88 : vector<16xf32>
        %ge3A_90 = arith.constant 0.000000e+00 : f32
        %ge3A_91 = vector.broadcast %ge3A_90 : f32 to vector<16xf32>
        %ge3A_92 = arith.cmpf oge, %add3A_89, %ge3A_91 : vector<16xf32>
        %mul3A_93 = arith.constant 2.000000e-01 : f32
        %mul3A_94 = vector.broadcast %mul3A_93 : f32 to vector<16xf32>
        %mul3A_95 = arith.mulf %mul3A_94, %add3A_89 : vector<16xf32>
        %select_n3A_96 = arith.select %ge3A_92, %add3A_89, %mul3A_95 : vector<16xi1>, vector<16xf32>
        %exp3A_97 = math.exp %select_n3A_96 : vector<16xf32>
        tpu.vector_store_idx %arg12[%add3A_50, %broadcast_in_dim3A_86], %exp3A_97 : memref<128x8xf32, #tpu.memory_space<vmem>>[vector<16xi32>, vector<16xi32>], vector<16xf32>,
      }
      %scan3A_43 = arith.constant 8 : i32
      "tpu.region"() ({
        %run_scoped3A_44 = tpu.sem_alloc : memref<!tpu.dma_semaphore, #tpu.memory_space<semaphore_mem>>
        %dma_start3A = arith.constant 0 : i32
        %dma_start3A_45 = arith.constant 0 : i32
        %dma_start3A_46 = tpu.memref_slice %arg13[%dma_start3A, %dma_start3A_45] : memref<50000x8xf32, #tpu.memory_space<vmem_shared>> -> memref<50000x8xf32, #tpu.memory_space<vmem_shared>>
        tpu.enqueue_indirect_dma source(%arg12 : memref<128x8xf32, #tpu.memory_space<vmem>>) target(%dma_start3A_46 : memref<50000x8xf32, #tpu.memory_space<vmem_shared>>) offsets(%arg9 : memref<128xi32, #tpu.memory_space<vmem>>) semaphore(%run_scoped3A_44 : memref<!tpu.dma_semaphore, #tpu.memory_space<semaphore_mem>>) {add = true}
        %dma_wait3A = arith.constant 0 : i32
        %dma_wait3A_47 = arith.constant 0 : i32
        %dma_wait3A_48 = tpu.memref_slice %arg13[%dma_wait3A, %dma_wait3A_47] : memref<50000x8xf32, #tpu.memory_space<vmem_shared>> -> memref<50000x8xf32, #tpu.memory_space<vmem_shared>>
        tpu.wait_indirect_dma semaphore(%run_scoped3A_44 : memref<!tpu.dma_semaphore, #tpu.memory_space<semaphore_mem>>) src(%arg12 : memref<128x8xf32, #tpu.memory_space<vmem>>) dst(%dma_wait3A_48 : memref<50000x8xf32, #tpu.memory_space<vmem_shared>>)
        tpu.yield
      }) : () -> ()
    }
    %barrier3A_25 = arith.constant 0 : index
    tpu.barrier barrier_id(%barrier3A_25)
    %eq3A = arith.constant 0 : i32
    %eq3A_26 = arith.cmpi eq, %arg0, %eq3A : i32
    %convert_element_type3A = arith.extui %eq3A_26 : i1 to i32
    %cond3A = arith.constant 0 : i32
    %cond3A_27 = arith.cmpi ne, %convert_element_type3A, %cond3A : i32
    scf.if %cond3A_27 {
      "tpu.region"() ({
        %run_scoped3A = tpu.sem_alloc : memref<!tpu.dma_semaphore, #tpu.memory_space<semaphore_mem>>
        %dma_start3A = arith.constant 0 : i32
        %dma_start3A_33 = tpu.memref_slice %arg6[%mul3A_0, %dma_start3A] : memref<50000x8xf32, #tpu.memory_space<hbm>> -> memref<3125x8xf32, #tpu.memory_space<hbm>>
        %dma_start3A_34 = arith.constant 0 : i32
        %dma_start3A_35 = tpu.memref_slice %arg13[%mul3A_0, %dma_start3A_34] : memref<50000x8xf32, #tpu.memory_space<vmem_shared>> -> memref<3125x8xf32, #tpu.memory_space<vmem_shared>>
        tpu.enqueue_dma source(%dma_start3A_35 : memref<3125x8xf32, #tpu.memory_space<vmem_shared>>) target(%dma_start3A_33 : memref<3125x8xf32, #tpu.memory_space<hbm>>) target_semaphore(%run_scoped3A : memref<!tpu.dma_semaphore, #tpu.memory_space<semaphore_mem>>)
        %dma_wait3A = arith.constant 0 : i32
        %dma_wait3A_36 = tpu.memref_slice %arg6[%mul3A_0, %dma_wait3A] : memref<50000x8xf32, #tpu.memory_space<hbm>> -> memref<3125x8xf32, #tpu.memory_space<hbm>>
        %dma_wait3A_37 = arith.constant 0 : i32
        %dma_wait3A_38 = tpu.memref_slice %arg13[%mul3A_0, %dma_wait3A_37] : memref<50000x8xf32, #tpu.memory_space<vmem_shared>> -> memref<3125x8xf32, #tpu.memory_space<vmem_shared>>
        tpu.wait_dma2 semaphore(%run_scoped3A : memref<!tpu.dma_semaphore, #tpu.memory_space<semaphore_mem>>) src(%dma_wait3A_38 : memref<3125x8xf32, #tpu.memory_space<vmem_shared>>) dst(%dma_wait3A_36 : memref<3125x8xf32, #tpu.memory_space<hbm>>)
        tpu.yield
      }) : () -> ()
    } else {
    }
    %eq3A_28 = arith.constant 1 : i32
    %eq3A_29 = arith.cmpi eq, %arg0, %eq3A_28 : i32
    %convert_element_type3A_30 = arith.extui %eq3A_29 : i1 to i32
    %cond3A_31 = arith.constant 0 : i32
    %cond3A_32 = arith.cmpi ne, %convert_element_type3A_30, %cond3A_31 : i32
    scf.if %cond3A_32 {
      "tpu.region"() ({
        %run_scoped3A = tpu.sem_alloc : memref<!tpu.dma_semaphore, #tpu.memory_space<semaphore_mem>>
        %dma_start3A = arith.constant 0 : i32
        %dma_start3A_33 = tpu.memref_slice %arg7[%mul3A_0, %dma_start3A] : memref<50000x8xf32, #tpu.memory_space<hbm>> -> memref<3125x8xf32, #tpu.memory_space<hbm>>
        %dma_start3A_34 = arith.constant 0 : i32
        %dma_start3A_35 = tpu.memref_slice %arg13[%mul3A_0, %dma_start3A_34] : memref<50000x8xf32, #tpu.memory_space<vmem_shared>> -> memref<3125x8xf32, #tpu.memory_space<vmem_shared>>
        tpu.enqueue_dma source(%dma_start3A_35 : memref<3125x8xf32, #tpu.memory_space<vmem_shared>>) target(%dma_start3A_33 : memref<3125x8xf32, #tpu.memory_space<hbm>>) target_semaphore(%run_scoped3A : memref<!tpu.dma_semaphore, #tpu.memory_space<semaphore_mem>>)
        %dma_wait3A = arith.constant 0 : i32
        %dma_wait3A_36 = tpu.memref_slice %arg7[%mul3A_0, %dma_wait3A] : memref<50000x8xf32, #tpu.memory_space<hbm>> -> memref<3125x8xf32, #tpu.memory_space<hbm>>
        %dma_wait3A_37 = arith.constant 0 : i32
        %dma_wait3A_38 = tpu.memref_slice %arg13[%mul3A_0, %dma_wait3A_37] : memref<50000x8xf32, #tpu.memory_space<vmem_shared>> -> memref<3125x8xf32, #tpu.memory_space<vmem_shared>>
        tpu.wait_dma2 semaphore(%run_scoped3A : memref<!tpu.dma_semaphore, #tpu.memory_space<semaphore_mem>>) src(%dma_wait3A_38 : memref<3125x8xf32, #tpu.memory_space<vmem_shared>>) dst(%dma_wait3A_36 : memref<3125x8xf32, #tpu.memory_space<hbm>>)
        tpu.yield
      }) : () -> ()
    } else {
    }
    return
  }
}

#map = affine_map<(d0, d1) -> (0, 0)>
module attributes {stable_mosaic.version = 14 : i64} {
  func.func @_num(%arg0: i32, %arg1: i32, %arg2: memref<50000x40xf32, #tpu.memory_space<hbm>>, %arg3: memref<50000x40xf32, #tpu.memory_space<hbm>>, %arg4: memref<50000x8xf32, #tpu.memory_space<hbm>>, %arg5: memref<2x800000xi32, #tpu.memory_space<hbm>>, %arg6: memref<50000x32xf32, #tpu.memory_space<hbm>>, %arg7: memref<50000x32xf32, #tpu.memory_space<hbm>>, %arg8: memref<50000x32xf32, #tpu.memory_space<hbm>>, %arg9: memref<128xi32, #tpu.memory_space<vmem>>, %arg10: memref<128xi32, #tpu.memory_space<vmem>>, %arg11: memref<128x40xf32, #tpu.memory_space<vmem>>, %arg12: memref<128x8xf32, #tpu.memory_space<vmem>>, %arg13: memref<128x32xf32, #tpu.memory_space<vmem>>, %arg14: memref<50000x32xf32, #tpu.memory_space<vmem_shared>>) attributes {dimension_semantics = [#tpu.dimension_semantics<core_parallel>, #tpu.dimension_semantics<subcore_parallel>], iteration_bounds = array<i64: 2, 16>, scalar_prefetch = 0 : i64, scratch_operands = 6 : i64, tpu.core_type = #tpu.core_type<sc_vector_subcore>, window_params = [{transform_indices = #map}, {transform_indices = #map}, {transform_indices = #map}, {transform_indices = #map}, {transform_indices = #map}, {transform_indices = #map}, {transform_indices = #map}]} {
    %mul3A = arith.constant 3125 : i32
    %mul3A_0 = arith.muli %arg1, %mul3A : i32
    "tpu.region"() ({
      %run_scoped3A = tpu.sem_alloc : memref<!tpu.dma_semaphore, #tpu.memory_space<semaphore_mem>>
      %dma_start3A = arith.constant 0 : i32
      %dma_start3A_19 = tpu.memref_slice %arg14[%mul3A_0, %dma_start3A] : memref<50000x32xf32, #tpu.memory_space<vmem_shared>> -> memref<3125x32xf32, #tpu.memory_space<vmem_shared>>
      %dma_start3A_20 = arith.constant 0 : i32
      %dma_start3A_21 = tpu.memref_slice %arg6[%mul3A_0, %dma_start3A_20] : memref<50000x32xf32, #tpu.memory_space<hbm>> -> memref<3125x32xf32, #tpu.memory_space<hbm>>
      tpu.enqueue_dma source(%dma_start3A_21 : memref<3125x32xf32, #tpu.memory_space<hbm>>) target(%dma_start3A_19 : memref<3125x32xf32, #tpu.memory_space<vmem_shared>>) target_semaphore(%run_scoped3A : memref<!tpu.dma_semaphore, #tpu.memory_space<semaphore_mem>>)
      %dma_wait3A = arith.constant 0 : i32
      %dma_wait3A_22 = tpu.memref_slice %arg14[%mul3A_0, %dma_wait3A] : memref<50000x32xf32, #tpu.memory_space<vmem_shared>> -> memref<3125x32xf32, #tpu.memory_space<vmem_shared>>
      %dma_wait3A_23 = arith.constant 0 : i32
      %dma_wait3A_24 = tpu.memref_slice %arg6[%mul3A_0, %dma_wait3A_23] : memref<50000x32xf32, #tpu.memory_space<hbm>> -> memref<3125x32xf32, #tpu.memory_space<hbm>>
      tpu.wait_dma2 semaphore(%run_scoped3A : memref<!tpu.dma_semaphore, #tpu.memory_space<semaphore_mem>>) src(%dma_wait3A_24 : memref<3125x32xf32, #tpu.memory_space<hbm>>) dst(%dma_wait3A_22 : memref<3125x32xf32, #tpu.memory_space<vmem_shared>>)
      tpu.yield
    }) : () -> ()
    %barrier3A = arith.constant 0 : index
    tpu.barrier barrier_id(%barrier3A)
    %eq3A = arith.constant 0 : i32
    %eq3A_1 = arith.cmpi eq, %arg0, %eq3A : i32
    %convert_element_type3A = arith.extui %eq3A_1 : i1 to i32
    %cond3A = arith.constant 0 : i32
    %cond3A_2 = arith.cmpi ne, %convert_element_type3A, %cond3A : i32
    scf.if %cond3A_2 {
      %sub3A = arith.constant 6250 : i32
      %sub3A_19 = arith.subi %sub3A, %arg1 : i32
      %sub3A_20 = arith.constant 16 : i32
      %sub3A_21 = arith.constant 1 : i32
      %sub3A_22 = arith.subi %sub3A_20, %sub3A_21 : i32
      %add3A = arith.addi %sub3A_19, %sub3A_22 : i32
      %div3A = arith.constant 16 : i32
      %div3A_23 = arith.divsi %add3A, %div3A : i32
      %while3A = arith.constant 16 : i32
      %while3A_24 = arith.constant 0 : i32
      %while3A_25 = arith.subi %div3A_23, %while3A_24 : i32
      %while3A_26 = arith.addi %while3A_24, %while3A_25 : i32
      %while3A_27 = arith.constant 1 : i32
      %while3A_28 = arith.divsi %while3A_25, %while3A_27 : i32
      %while3A_29 = arith.muli %while3A_28, %while3A_27 : i32
      %while3A_30 = arith.addi %while3A_24, %while3A_29 : i32
      %while3A_31 = arith.constant 1 : i32
      scf.for %while3A_33 = %while3A_24 to %while3A_30 step %while3A_31  : i32 {
        %mul3A_34 = arith.muli %while3A_33, %while3A : i32
        %add3A_35 = arith.addi %arg1, %mul3A_34 : i32
        %mul3A_36 = arith.constant 128 : i32
        %mul3A_37 = arith.muli %add3A_35, %mul3A_36 : i32
        %run_scoped3A = arith.constant 0 : i32
        "tpu.region"() ({
          %run_scoped3A_43 = tpu.sem_alloc : memref<!tpu.dma_semaphore, #tpu.memory_space<semaphore_mem>>
          %dma_start3A = tpu.memref_slice %arg5[%run_scoped3A, %mul3A_37] : memref<2x800000xi32, #tpu.memory_space<hbm>> -> memref<1x128xi32, #tpu.memory_space<hbm>>
          %dma_start3A_44 = tpu.memref_squeeze %dma_start3A : memref<1x128xi32, #tpu.memory_space<hbm>> -> memref<128xi32, #tpu.memory_space<hbm>>
          %dma_start3A_45 = tpu.memref_slice %arg5[%run_scoped3A, %mul3A_37] : memref<2x800000xi32, #tpu.memory_space<hbm>> -> memref<1x128xi32, #tpu.memory_space<hbm>>
          %dma_start3A_46 = tpu.memref_squeeze %dma_start3A_45 : memref<1x128xi32, #tpu.memory_space<hbm>> -> memref<128xi32, #tpu.memory_space<hbm>>
          tpu.enqueue_dma source(%dma_start3A_46 : memref<128xi32, #tpu.memory_space<hbm>>) target(%arg9 : memref<128xi32, #tpu.memory_space<vmem>>) target_semaphore(%run_scoped3A_43 : memref<!tpu.dma_semaphore, #tpu.memory_space<semaphore_mem>>)
          %dma_wait3A = tpu.memref_slice %arg5[%run_scoped3A, %mul3A_37] : memref<2x800000xi32, #tpu.memory_space<hbm>> -> memref<1x128xi32, #tpu.memory_space<hbm>>
          %dma_wait3A_47 = tpu.memref_squeeze %dma_wait3A : memref<1x128xi32, #tpu.memory_space<hbm>> -> memref<128xi32, #tpu.memory_space<hbm>>
          %dma_wait3A_48 = tpu.memref_slice %arg5[%run_scoped3A, %mul3A_37] : memref<2x800000xi32, #tpu.memory_space<hbm>> -> memref<1x128xi32, #tpu.memory_space<hbm>>
          %dma_wait3A_49 = tpu.memref_squeeze %dma_wait3A_48 : memref<1x128xi32, #tpu.memory_space<hbm>> -> memref<128xi32, #tpu.memory_space<hbm>>
          tpu.wait_dma2 semaphore(%run_scoped3A_43 : memref<!tpu.dma_semaphore, #tpu.memory_space<semaphore_mem>>) src(%dma_wait3A_49 : memref<128xi32, #tpu.memory_space<hbm>>) dst(%arg9 : memref<128xi32, #tpu.memory_space<vmem>>)
          tpu.yield
        }) : () -> ()
        %run_scoped3A_38 = arith.constant 1 : i32
        "tpu.region"() ({
          %run_scoped3A_43 = tpu.sem_alloc : memref<!tpu.dma_semaphore, #tpu.memory_space<semaphore_mem>>
          %dma_start3A = tpu.memref_slice %arg5[%run_scoped3A_38, %mul3A_37] : memref<2x800000xi32, #tpu.memory_space<hbm>> -> memref<1x128xi32, #tpu.memory_space<hbm>>
          %dma_start3A_44 = tpu.memref_squeeze %dma_start3A : memref<1x128xi32, #tpu.memory_space<hbm>> -> memref<128xi32, #tpu.memory_space<hbm>>
          %dma_start3A_45 = tpu.memref_slice %arg5[%run_scoped3A_38, %mul3A_37] : memref<2x800000xi32, #tpu.memory_space<hbm>> -> memref<1x128xi32, #tpu.memory_space<hbm>>
          %dma_start3A_46 = tpu.memref_squeeze %dma_start3A_45 : memref<1x128xi32, #tpu.memory_space<hbm>> -> memref<128xi32, #tpu.memory_space<hbm>>
          tpu.enqueue_dma source(%dma_start3A_46 : memref<128xi32, #tpu.memory_space<hbm>>) target(%arg10 : memref<128xi32, #tpu.memory_space<vmem>>) target_semaphore(%run_scoped3A_43 : memref<!tpu.dma_semaphore, #tpu.memory_space<semaphore_mem>>)
          %dma_wait3A = tpu.memref_slice %arg5[%run_scoped3A_38, %mul3A_37] : memref<2x800000xi32, #tpu.memory_space<hbm>> -> memref<1x128xi32, #tpu.memory_space<hbm>>
          %dma_wait3A_47 = tpu.memref_squeeze %dma_wait3A : memref<1x128xi32, #tpu.memory_space<hbm>> -> memref<128xi32, #tpu.memory_space<hbm>>
          %dma_wait3A_48 = tpu.memref_slice %arg5[%run_scoped3A_38, %mul3A_37] : memref<2x800000xi32, #tpu.memory_space<hbm>> -> memref<1x128xi32, #tpu.memory_space<hbm>>
          %dma_wait3A_49 = tpu.memref_squeeze %dma_wait3A_48 : memref<1x128xi32, #tpu.memory_space<hbm>> -> memref<128xi32, #tpu.memory_space<hbm>>
          tpu.wait_dma2 semaphore(%run_scoped3A_43 : memref<!tpu.dma_semaphore, #tpu.memory_space<semaphore_mem>>) src(%dma_wait3A_49 : memref<128xi32, #tpu.memory_space<hbm>>) dst(%arg10 : memref<128xi32, #tpu.memory_space<vmem>>)
          tpu.yield
        }) : () -> ()
        "tpu.region"() ({
          %run_scoped3A_43 = tpu.sem_alloc : memref<!tpu.dma_semaphore, #tpu.memory_space<semaphore_mem>>
          %dma_start3A = arith.constant 0 : i32
          %dma_start3A_44 = arith.constant 0 : i32
          %dma_start3A_45 = tpu.memref_slice %arg2[%dma_start3A, %dma_start3A_44] : memref<50000x40xf32, #tpu.memory_space<hbm>> -> memref<50000x40xf32, #tpu.memory_space<hbm>>
          tpu.enqueue_indirect_dma source(%dma_start3A_45 : memref<50000x40xf32, #tpu.memory_space<hbm>>) target(%arg11 : memref<128x40xf32, #tpu.memory_space<vmem>>) offsets(%arg9 : memref<128xi32, #tpu.memory_space<vmem>>) semaphore(%run_scoped3A_43 : memref<!tpu.dma_semaphore, #tpu.memory_space<semaphore_mem>>)
          %dma_wait3A = arith.constant 0 : i32
          %dma_wait3A_46 = arith.constant 0 : i32
          %dma_wait3A_47 = tpu.memref_slice %arg2[%dma_wait3A, %dma_wait3A_46] : memref<50000x40xf32, #tpu.memory_space<hbm>> -> memref<50000x40xf32, #tpu.memory_space<hbm>>
          tpu.wait_indirect_dma semaphore(%run_scoped3A_43 : memref<!tpu.dma_semaphore, #tpu.memory_space<semaphore_mem>>) src(%dma_wait3A_47 : memref<50000x40xf32, #tpu.memory_space<hbm>>) dst(%arg11 : memref<128x40xf32, #tpu.memory_space<vmem>>)
          tpu.yield
        }) : () -> ()
        "tpu.region"() ({
          %run_scoped3A_43 = tpu.sem_alloc : memref<!tpu.dma_semaphore, #tpu.memory_space<semaphore_mem>>
          %dma_start3A = arith.constant 0 : i32
          %dma_start3A_44 = arith.constant 0 : i32
          %dma_start3A_45 = tpu.memref_slice %arg4[%dma_start3A, %dma_start3A_44] : memref<50000x8xf32, #tpu.memory_space<hbm>> -> memref<50000x8xf32, #tpu.memory_space<hbm>>
          tpu.enqueue_indirect_dma source(%dma_start3A_45 : memref<50000x8xf32, #tpu.memory_space<hbm>>) target(%arg12 : memref<128x8xf32, #tpu.memory_space<vmem>>) offsets(%arg10 : memref<128xi32, #tpu.memory_space<vmem>>) semaphore(%run_scoped3A_43 : memref<!tpu.dma_semaphore, #tpu.memory_space<semaphore_mem>>)
          %dma_wait3A = arith.constant 0 : i32
          %dma_wait3A_46 = arith.constant 0 : i32
          %dma_wait3A_47 = tpu.memref_slice %arg4[%dma_wait3A, %dma_wait3A_46] : memref<50000x8xf32, #tpu.memory_space<hbm>> -> memref<50000x8xf32, #tpu.memory_space<hbm>>
          tpu.wait_indirect_dma semaphore(%run_scoped3A_43 : memref<!tpu.dma_semaphore, #tpu.memory_space<semaphore_mem>>) src(%dma_wait3A_47 : memref<50000x8xf32, #tpu.memory_space<hbm>>) dst(%arg12 : memref<128x8xf32, #tpu.memory_space<vmem>>)
          tpu.yield
        }) : () -> ()
        %scan3A = arith.constant 0 : i32
        %scan3A_39 = arith.constant 8 : i32
        %scan3A_40 = arith.addi %scan3A, %scan3A_39 : i32
        %scan3A_41 = arith.constant 1 : i32
        scf.for %scan3A_43 = %scan3A to %scan3A_40 step %scan3A_41  : i32 {
          %mul3A_44 = arith.constant 16 : i32
          %mul3A_45 = arith.muli %scan3A_43, %mul3A_44 : i32
          %add3A_46 = arith.constant 0 : i32
          %add3A_47 = arith.addi %add3A_46, %mul3A_45 : i32
          %iota3A = tpu.iota {dimensions = array<i32: 0>} : vector<16xi32>
          %add3A_48 = vector.broadcast %add3A_47 : i32 to vector<16xi32>
          %add3A_49 = arith.addi %iota3A, %add3A_48 : vector<16xi32>
          %broadcast_in_dim3A = arith.constant 32 : i32
          %broadcast_in_dim3A_50 = vector.broadcast %broadcast_in_dim3A : i32 to vector<16xi32>
          %gather3A = tpu.vector_load_idx %arg11[%add3A_49, %broadcast_in_dim3A_50] : memref<128x40xf32, #tpu.memory_space<vmem>>[vector<16xi32>, vector<16xi32>], vector<16xf32>,
          %broadcast_in_dim3A_51 = arith.constant 0 : i32
          %broadcast_in_dim3A_52 = vector.broadcast %broadcast_in_dim3A_51 : i32 to vector<16xi32>
          %gather3A_53 = tpu.vector_load_idx %arg12[%add3A_49, %broadcast_in_dim3A_52] : memref<128x8xf32, #tpu.memory_space<vmem>>[vector<16xi32>, vector<16xi32>], vector<16xf32>,
          %add3A_54 = arith.addf %gather3A, %gather3A_53 : vector<16xf32>
          %ge3A = arith.constant 0.000000e+00 : f32
          %ge3A_55 = vector.broadcast %ge3A : f32 to vector<16xf32>
          %ge3A_56 = arith.cmpf oge, %add3A_54, %ge3A_55 : vector<16xf32>
          %mul3A_57 = arith.constant 2.000000e-01 : f32
          %mul3A_58 = vector.broadcast %mul3A_57 : f32 to vector<16xf32>
          %mul3A_59 = arith.mulf %mul3A_58, %add3A_54 : vector<16xf32>
          %select_n3A = arith.select %ge3A_56, %add3A_54, %mul3A_59 : vector<16xi1>, vector<16xf32>
          %exp3A = math.exp %select_n3A : vector<16xf32>
          %scan3A_60 = arith.constant 0 : i32
          %scan3A_61 = arith.constant 16 : i32
          %scan3A_62 = arith.addi %scan3A_60, %scan3A_61 : i32
          %scan3A_63 = arith.constant 1 : i32
          scf.for %scan3A_85 = %scan3A_60 to %scan3A_62 step %scan3A_63  : i32 {
            %mul3A_86 = arith.constant 1 : i32
            %mul3A_87 = arith.muli %scan3A_85, %mul3A_86 : i32
            %add3A_88 = arith.constant 0 : i32
            %add3A_89 = arith.addi %add3A_88, %mul3A_87 : i32
            %broadcast_in_dim3A_90 = arith.constant 0 : i32
            %broadcast_in_dim3A_91 = vector.broadcast %broadcast_in_dim3A_90 : i32 to vector<16xi32>
            %add3A_92 = vector.broadcast %add3A_89 : i32 to vector<16xi32>
            %add3A_93 = arith.addi %broadcast_in_dim3A_91, %add3A_92 : vector<16xi32>
            %gather3A_94 = tpu.vector_load_idx %arg11[%add3A_49, %add3A_93] : memref<128x40xf32, #tpu.memory_space<vmem>>[vector<16xi32>, vector<16xi32>], vector<16xf32>,
            %mul3A_95 = arith.mulf %exp3A, %gather3A_94 : vector<16xf32>
            tpu.vector_store_idx %arg13[%add3A_49, %add3A_93], %mul3A_95 : memref<128x32xf32, #tpu.memory_space<vmem>>[vector<16xi32>, vector<16xi32>], vector<16xf32>,
          }
          %scan3A_64 = arith.constant 16 : i32
          %broadcast_in_dim3A_65 = arith.constant 33 : i32
          %broadcast_in_dim3A_66 = vector.broadcast %broadcast_in_dim3A_65 : i32 to vector<16xi32>
          %gather3A_67 = tpu.vector_load_idx %arg11[%add3A_49, %broadcast_in_dim3A_66] : memref<128x40xf32, #tpu.memory_space<vmem>>[vector<16xi32>, vector<16xi32>], vector<16xf32>,
          %broadcast_in_dim3A_68 = arith.constant 1 : i32
          %broadcast_in_dim3A_69 = vector.broadcast %broadcast_in_dim3A_68 : i32 to vector<16xi32>
          %gather3A_70 = tpu.vector_load_idx %arg12[%add3A_49, %broadcast_in_dim3A_69] : memref<128x8xf32, #tpu.memory_space<vmem>>[vector<16xi32>, vector<16xi32>], vector<16xf32>,
          %add3A_71 = arith.addf %gather3A_67, %gather3A_70 : vector<16xf32>
          %ge3A_72 = arith.constant 0.000000e+00 : f32
          %ge3A_73 = vector.broadcast %ge3A_72 : f32 to vector<16xf32>
          %ge3A_74 = arith.cmpf oge, %add3A_71, %ge3A_73 : vector<16xf32>
          %mul3A_75 = arith.constant 2.000000e-01 : f32
          %mul3A_76 = vector.broadcast %mul3A_75 : f32 to vector<16xf32>
          %mul3A_77 = arith.mulf %mul3A_76, %add3A_71 : vector<16xf32>
          %select_n3A_78 = arith.select %ge3A_74, %add3A_71, %mul3A_77 : vector<16xi1>, vector<16xf32>
          %exp3A_79 = math.exp %select_n3A_78 : vector<16xf32>
          %scan3A_80 = arith.constant 0 : i32
          %scan3A_81 = arith.constant 16 : i32
          %scan3A_82 = arith.addi %scan3A_80, %scan3A_81 : i32
          %scan3A_83 = arith.constant 1 : i32
          scf.for %scan3A_85 = %scan3A_80 to %scan3A_82 step %scan3A_83  : i32 {
            %mul3A_86 = arith.constant 1 : i32
            %mul3A_87 = arith.muli %scan3A_85, %mul3A_86 : i32
            %add3A_88 = arith.constant 16 : i32
            %add3A_89 = arith.addi %add3A_88, %mul3A_87 : i32
            %broadcast_in_dim3A_90 = arith.constant 0 : i32
            %broadcast_in_dim3A_91 = vector.broadcast %broadcast_in_dim3A_90 : i32 to vector<16xi32>
            %add3A_92 = vector.broadcast %add3A_89 : i32 to vector<16xi32>
            %add3A_93 = arith.addi %broadcast_in_dim3A_91, %add3A_92 : vector<16xi32>
            %gather3A_94 = tpu.vector_load_idx %arg11[%add3A_49, %add3A_93] : memref<128x40xf32, #tpu.memory_space<vmem>>[vector<16xi32>, vector<16xi32>], vector<16xf32>,
            %mul3A_95 = arith.mulf %exp3A_79, %gather3A_94 : vector<16xf32>
            tpu.vector_store_idx %arg13[%add3A_49, %add3A_93], %mul3A_95 : memref<128x32xf32, #tpu.memory_space<vmem>>[vector<16xi32>, vector<16xi32>], vector<16xf32>,
          }
          %scan3A_84 = arith.constant 16 : i32
        }
        %scan3A_42 = arith.constant 8 : i32
        "tpu.region"() ({
          %run_scoped3A_43 = tpu.sem_alloc : memref<!tpu.dma_semaphore, #tpu.memory_space<semaphore_mem>>
          %dma_start3A = arith.constant 0 : i32
          %dma_start3A_44 = arith.constant 0 : i32
          %dma_start3A_45 = tpu.memref_slice %arg14[%dma_start3A, %dma_start3A_44] : memref<50000x32xf32, #tpu.memory_space<vmem_shared>> -> memref<50000x32xf32, #tpu.memory_space<vmem_shared>>
          tpu.enqueue_indirect_dma source(%arg13 : memref<128x32xf32, #tpu.memory_space<vmem>>) target(%dma_start3A_45 : memref<50000x32xf32, #tpu.memory_space<vmem_shared>>) offsets(%arg10 : memref<128xi32, #tpu.memory_space<vmem>>) semaphore(%run_scoped3A_43 : memref<!tpu.dma_semaphore, #tpu.memory_space<semaphore_mem>>) {add = true}
          %dma_wait3A = arith.constant 0 : i32
          %dma_wait3A_46 = arith.constant 0 : i32
          %dma_wait3A_47 = tpu.memref_slice %arg14[%dma_wait3A, %dma_wait3A_46] : memref<50000x32xf32, #tpu.memory_space<vmem_shared>> -> memref<50000x32xf32, #tpu.memory_space<vmem_shared>>
          tpu.wait_indirect_dma semaphore(%run_scoped3A_43 : memref<!tpu.dma_semaphore, #tpu.memory_space<semaphore_mem>>) src(%arg13 : memref<128x32xf32, #tpu.memory_space<vmem>>) dst(%dma_wait3A_47 : memref<50000x32xf32, #tpu.memory_space<vmem_shared>>)
          tpu.yield
        }) : () -> ()
      }
      %while3A_32 = arith.constant 1 : i32
      scf.for %while3A_33 = %while3A_30 to %while3A_26 step %while3A_32  : i32 {
        %mul3A_34 = arith.muli %while3A_33, %while3A : i32
        %add3A_35 = arith.addi %arg1, %mul3A_34 : i32
        %mul3A_36 = arith.constant 128 : i32
        %mul3A_37 = arith.muli %add3A_35, %mul3A_36 : i32
        %run_scoped3A = arith.constant 0 : i32
        "tpu.region"() ({
          %run_scoped3A_43 = tpu.sem_alloc : memref<!tpu.dma_semaphore, #tpu.memory_space<semaphore_mem>>
          %dma_start3A = tpu.memref_slice %arg5[%run_scoped3A, %mul3A_37] : memref<2x800000xi32, #tpu.memory_space<hbm>> -> memref<1x128xi32, #tpu.memory_space<hbm>>
          %dma_start3A_44 = tpu.memref_squeeze %dma_start3A : memref<1x128xi32, #tpu.memory_space<hbm>> -> memref<128xi32, #tpu.memory_space<hbm>>
          %dma_start3A_45 = tpu.memref_slice %arg5[%run_scoped3A, %mul3A_37] : memref<2x800000xi32, #tpu.memory_space<hbm>> -> memref<1x128xi32, #tpu.memory_space<hbm>>
          %dma_start3A_46 = tpu.memref_squeeze %dma_start3A_45 : memref<1x128xi32, #tpu.memory_space<hbm>> -> memref<128xi32, #tpu.memory_space<hbm>>
          tpu.enqueue_dma source(%dma_start3A_46 : memref<128xi32, #tpu.memory_space<hbm>>) target(%arg9 : memref<128xi32, #tpu.memory_space<vmem>>) target_semaphore(%run_scoped3A_43 : memref<!tpu.dma_semaphore, #tpu.memory_space<semaphore_mem>>)
          %dma_wait3A = tpu.memref_slice %arg5[%run_scoped3A, %mul3A_37] : memref<2x800000xi32, #tpu.memory_space<hbm>> -> memref<1x128xi32, #tpu.memory_space<hbm>>
          %dma_wait3A_47 = tpu.memref_squeeze %dma_wait3A : memref<1x128xi32, #tpu.memory_space<hbm>> -> memref<128xi32, #tpu.memory_space<hbm>>
          %dma_wait3A_48 = tpu.memref_slice %arg5[%run_scoped3A, %mul3A_37] : memref<2x800000xi32, #tpu.memory_space<hbm>> -> memref<1x128xi32, #tpu.memory_space<hbm>>
          %dma_wait3A_49 = tpu.memref_squeeze %dma_wait3A_48 : memref<1x128xi32, #tpu.memory_space<hbm>> -> memref<128xi32, #tpu.memory_space<hbm>>
          tpu.wait_dma2 semaphore(%run_scoped3A_43 : memref<!tpu.dma_semaphore, #tpu.memory_space<semaphore_mem>>) src(%dma_wait3A_49 : memref<128xi32, #tpu.memory_space<hbm>>) dst(%arg9 : memref<128xi32, #tpu.memory_space<vmem>>)
          tpu.yield
        }) : () -> ()
        %run_scoped3A_38 = arith.constant 1 : i32
        "tpu.region"() ({
          %run_scoped3A_43 = tpu.sem_alloc : memref<!tpu.dma_semaphore, #tpu.memory_space<semaphore_mem>>
          %dma_start3A = tpu.memref_slice %arg5[%run_scoped3A_38, %mul3A_37] : memref<2x800000xi32, #tpu.memory_space<hbm>> -> memref<1x128xi32, #tpu.memory_space<hbm>>
          %dma_start3A_44 = tpu.memref_squeeze %dma_start3A : memref<1x128xi32, #tpu.memory_space<hbm>> -> memref<128xi32, #tpu.memory_space<hbm>>
          %dma_start3A_45 = tpu.memref_slice %arg5[%run_scoped3A_38, %mul3A_37] : memref<2x800000xi32, #tpu.memory_space<hbm>> -> memref<1x128xi32, #tpu.memory_space<hbm>>
          %dma_start3A_46 = tpu.memref_squeeze %dma_start3A_45 : memref<1x128xi32, #tpu.memory_space<hbm>> -> memref<128xi32, #tpu.memory_space<hbm>>
          tpu.enqueue_dma source(%dma_start3A_46 : memref<128xi32, #tpu.memory_space<hbm>>) target(%arg10 : memref<128xi32, #tpu.memory_space<vmem>>) target_semaphore(%run_scoped3A_43 : memref<!tpu.dma_semaphore, #tpu.memory_space<semaphore_mem>>)
          %dma_wait3A = tpu.memref_slice %arg5[%run_scoped3A_38, %mul3A_37] : memref<2x800000xi32, #tpu.memory_space<hbm>> -> memref<1x128xi32, #tpu.memory_space<hbm>>
          %dma_wait3A_47 = tpu.memref_squeeze %dma_wait3A : memref<1x128xi32, #tpu.memory_space<hbm>> -> memref<128xi32, #tpu.memory_space<hbm>>
          %dma_wait3A_48 = tpu.memref_slice %arg5[%run_scoped3A_38, %mul3A_37] : memref<2x800000xi32, #tpu.memory_space<hbm>> -> memref<1x128xi32, #tpu.memory_space<hbm>>
          %dma_wait3A_49 = tpu.memref_squeeze %dma_wait3A_48 : memref<1x128xi32, #tpu.memory_space<hbm>> -> memref<128xi32, #tpu.memory_space<hbm>>
          tpu.wait_dma2 semaphore(%run_scoped3A_43 : memref<!tpu.dma_semaphore, #tpu.memory_space<semaphore_mem>>) src(%dma_wait3A_49 : memref<128xi32, #tpu.memory_space<hbm>>) dst(%arg10 : memref<128xi32, #tpu.memory_space<vmem>>)
          tpu.yield
        }) : () -> ()
        "tpu.region"() ({
          %run_scoped3A_43 = tpu.sem_alloc : memref<!tpu.dma_semaphore, #tpu.memory_space<semaphore_mem>>
          %dma_start3A = arith.constant 0 : i32
          %dma_start3A_44 = arith.constant 0 : i32
          %dma_start3A_45 = tpu.memref_slice %arg2[%dma_start3A, %dma_start3A_44] : memref<50000x40xf32, #tpu.memory_space<hbm>> -> memref<50000x40xf32, #tpu.memory_space<hbm>>
          tpu.enqueue_indirect_dma source(%dma_start3A_45 : memref<50000x40xf32, #tpu.memory_space<hbm>>) target(%arg11 : memref<128x40xf32, #tpu.memory_space<vmem>>) offsets(%arg9 : memref<128xi32, #tpu.memory_space<vmem>>) semaphore(%run_scoped3A_43 : memref<!tpu.dma_semaphore, #tpu.memory_space<semaphore_mem>>)
          %dma_wait3A = arith.constant 0 : i32
          %dma_wait3A_46 = arith.constant 0 : i32
          %dma_wait3A_47 = tpu.memref_slice %arg2[%dma_wait3A, %dma_wait3A_46] : memref<50000x40xf32, #tpu.memory_space<hbm>> -> memref<50000x40xf32, #tpu.memory_space<hbm>>
          tpu.wait_indirect_dma semaphore(%run_scoped3A_43 : memref<!tpu.dma_semaphore, #tpu.memory_space<semaphore_mem>>) src(%dma_wait3A_47 : memref<50000x40xf32, #tpu.memory_space<hbm>>) dst(%arg11 : memref<128x40xf32, #tpu.memory_space<vmem>>)
          tpu.yield
        }) : () -> ()
        "tpu.region"() ({
          %run_scoped3A_43 = tpu.sem_alloc : memref<!tpu.dma_semaphore, #tpu.memory_space<semaphore_mem>>
          %dma_start3A = arith.constant 0 : i32
          %dma_start3A_44 = arith.constant 0 : i32
          %dma_start3A_45 = tpu.memref_slice %arg4[%dma_start3A, %dma_start3A_44] : memref<50000x8xf32, #tpu.memory_space<hbm>> -> memref<50000x8xf32, #tpu.memory_space<hbm>>
          tpu.enqueue_indirect_dma source(%dma_start3A_45 : memref<50000x8xf32, #tpu.memory_space<hbm>>) target(%arg12 : memref<128x8xf32, #tpu.memory_space<vmem>>) offsets(%arg10 : memref<128xi32, #tpu.memory_space<vmem>>) semaphore(%run_scoped3A_43 : memref<!tpu.dma_semaphore, #tpu.memory_space<semaphore_mem>>)
          %dma_wait3A = arith.constant 0 : i32
          %dma_wait3A_46 = arith.constant 0 : i32
          %dma_wait3A_47 = tpu.memref_slice %arg4[%dma_wait3A, %dma_wait3A_46] : memref<50000x8xf32, #tpu.memory_space<hbm>> -> memref<50000x8xf32, #tpu.memory_space<hbm>>
          tpu.wait_indirect_dma semaphore(%run_scoped3A_43 : memref<!tpu.dma_semaphore, #tpu.memory_space<semaphore_mem>>) src(%dma_wait3A_47 : memref<50000x8xf32, #tpu.memory_space<hbm>>) dst(%arg12 : memref<128x8xf32, #tpu.memory_space<vmem>>)
          tpu.yield
        }) : () -> ()
        %scan3A = arith.constant 0 : i32
        %scan3A_39 = arith.constant 8 : i32
        %scan3A_40 = arith.addi %scan3A, %scan3A_39 : i32
        %scan3A_41 = arith.constant 1 : i32
        scf.for %scan3A_43 = %scan3A to %scan3A_40 step %scan3A_41  : i32 {
          %mul3A_44 = arith.constant 16 : i32
          %mul3A_45 = arith.muli %scan3A_43, %mul3A_44 : i32
          %add3A_46 = arith.constant 0 : i32
          %add3A_47 = arith.addi %add3A_46, %mul3A_45 : i32
          %iota3A = tpu.iota {dimensions = array<i32: 0>} : vector<16xi32>
          %add3A_48 = vector.broadcast %add3A_47 : i32 to vector<16xi32>
          %add3A_49 = arith.addi %iota3A, %add3A_48 : vector<16xi32>
          %broadcast_in_dim3A = arith.constant 32 : i32
          %broadcast_in_dim3A_50 = vector.broadcast %broadcast_in_dim3A : i32 to vector<16xi32>
          %gather3A = tpu.vector_load_idx %arg11[%add3A_49, %broadcast_in_dim3A_50] : memref<128x40xf32, #tpu.memory_space<vmem>>[vector<16xi32>, vector<16xi32>], vector<16xf32>,
          %broadcast_in_dim3A_51 = arith.constant 0 : i32
          %broadcast_in_dim3A_52 = vector.broadcast %broadcast_in_dim3A_51 : i32 to vector<16xi32>
          %gather3A_53 = tpu.vector_load_idx %arg12[%add3A_49, %broadcast_in_dim3A_52] : memref<128x8xf32, #tpu.memory_space<vmem>>[vector<16xi32>, vector<16xi32>], vector<16xf32>,
          %add3A_54 = arith.addf %gather3A, %gather3A_53 : vector<16xf32>
          %ge3A = arith.constant 0.000000e+00 : f32
          %ge3A_55 = vector.broadcast %ge3A : f32 to vector<16xf32>
          %ge3A_56 = arith.cmpf oge, %add3A_54, %ge3A_55 : vector<16xf32>
          %mul3A_57 = arith.constant 2.000000e-01 : f32
          %mul3A_58 = vector.broadcast %mul3A_57 : f32 to vector<16xf32>
          %mul3A_59 = arith.mulf %mul3A_58, %add3A_54 : vector<16xf32>
          %select_n3A = arith.select %ge3A_56, %add3A_54, %mul3A_59 : vector<16xi1>, vector<16xf32>
          %exp3A = math.exp %select_n3A : vector<16xf32>
          %scan3A_60 = arith.constant 0 : i32
          %scan3A_61 = arith.constant 16 : i32
          %scan3A_62 = arith.addi %scan3A_60, %scan3A_61 : i32
          %scan3A_63 = arith.constant 1 : i32
          scf.for %scan3A_85 = %scan3A_60 to %scan3A_62 step %scan3A_63  : i32 {
            %mul3A_86 = arith.constant 1 : i32
            %mul3A_87 = arith.muli %scan3A_85, %mul3A_86 : i32
            %add3A_88 = arith.constant 0 : i32
            %add3A_89 = arith.addi %add3A_88, %mul3A_87 : i32
            %broadcast_in_dim3A_90 = arith.constant 0 : i32
            %broadcast_in_dim3A_91 = vector.broadcast %broadcast_in_dim3A_90 : i32 to vector<16xi32>
            %add3A_92 = vector.broadcast %add3A_89 : i32 to vector<16xi32>
            %add3A_93 = arith.addi %broadcast_in_dim3A_91, %add3A_92 : vector<16xi32>
            %gather3A_94 = tpu.vector_load_idx %arg11[%add3A_49, %add3A_93] : memref<128x40xf32, #tpu.memory_space<vmem>>[vector<16xi32>, vector<16xi32>], vector<16xf32>,
            %mul3A_95 = arith.mulf %exp3A, %gather3A_94 : vector<16xf32>
            tpu.vector_store_idx %arg13[%add3A_49, %add3A_93], %mul3A_95 : memref<128x32xf32, #tpu.memory_space<vmem>>[vector<16xi32>, vector<16xi32>], vector<16xf32>,
          }
          %scan3A_64 = arith.constant 16 : i32
          %broadcast_in_dim3A_65 = arith.constant 33 : i32
          %broadcast_in_dim3A_66 = vector.broadcast %broadcast_in_dim3A_65 : i32 to vector<16xi32>
          %gather3A_67 = tpu.vector_load_idx %arg11[%add3A_49, %broadcast_in_dim3A_66] : memref<128x40xf32, #tpu.memory_space<vmem>>[vector<16xi32>, vector<16xi32>], vector<16xf32>,
          %broadcast_in_dim3A_68 = arith.constant 1 : i32
          %broadcast_in_dim3A_69 = vector.broadcast %broadcast_in_dim3A_68 : i32 to vector<16xi32>
          %gather3A_70 = tpu.vector_load_idx %arg12[%add3A_49, %broadcast_in_dim3A_69] : memref<128x8xf32, #tpu.memory_space<vmem>>[vector<16xi32>, vector<16xi32>], vector<16xf32>,
          %add3A_71 = arith.addf %gather3A_67, %gather3A_70 : vector<16xf32>
          %ge3A_72 = arith.constant 0.000000e+00 : f32
          %ge3A_73 = vector.broadcast %ge3A_72 : f32 to vector<16xf32>
          %ge3A_74 = arith.cmpf oge, %add3A_71, %ge3A_73 : vector<16xf32>
          %mul3A_75 = arith.constant 2.000000e-01 : f32
          %mul3A_76 = vector.broadcast %mul3A_75 : f32 to vector<16xf32>
          %mul3A_77 = arith.mulf %mul3A_76, %add3A_71 : vector<16xf32>
          %select_n3A_78 = arith.select %ge3A_74, %add3A_71, %mul3A_77 : vector<16xi1>, vector<16xf32>
          %exp3A_79 = math.exp %select_n3A_78 : vector<16xf32>
          %scan3A_80 = arith.constant 0 : i32
          %scan3A_81 = arith.constant 16 : i32
          %scan3A_82 = arith.addi %scan3A_80, %scan3A_81 : i32
          %scan3A_83 = arith.constant 1 : i32
          scf.for %scan3A_85 = %scan3A_80 to %scan3A_82 step %scan3A_83  : i32 {
            %mul3A_86 = arith.constant 1 : i32
            %mul3A_87 = arith.muli %scan3A_85, %mul3A_86 : i32
            %add3A_88 = arith.constant 16 : i32
            %add3A_89 = arith.addi %add3A_88, %mul3A_87 : i32
            %broadcast_in_dim3A_90 = arith.constant 0 : i32
            %broadcast_in_dim3A_91 = vector.broadcast %broadcast_in_dim3A_90 : i32 to vector<16xi32>
            %add3A_92 = vector.broadcast %add3A_89 : i32 to vector<16xi32>
            %add3A_93 = arith.addi %broadcast_in_dim3A_91, %add3A_92 : vector<16xi32>
            %gather3A_94 = tpu.vector_load_idx %arg11[%add3A_49, %add3A_93] : memref<128x40xf32, #tpu.memory_space<vmem>>[vector<16xi32>, vector<16xi32>], vector<16xf32>,
            %mul3A_95 = arith.mulf %exp3A_79, %gather3A_94 : vector<16xf32>
            tpu.vector_store_idx %arg13[%add3A_49, %add3A_93], %mul3A_95 : memref<128x32xf32, #tpu.memory_space<vmem>>[vector<16xi32>, vector<16xi32>], vector<16xf32>,
          }
          %scan3A_84 = arith.constant 16 : i32
        }
        %scan3A_42 = arith.constant 8 : i32
        "tpu.region"() ({
          %run_scoped3A_43 = tpu.sem_alloc : memref<!tpu.dma_semaphore, #tpu.memory_space<semaphore_mem>>
          %dma_start3A = arith.constant 0 : i32
          %dma_start3A_44 = arith.constant 0 : i32
          %dma_start3A_45 = tpu.memref_slice %arg14[%dma_start3A, %dma_start3A_44] : memref<50000x32xf32, #tpu.memory_space<vmem_shared>> -> memref<50000x32xf32, #tpu.memory_space<vmem_shared>>
          tpu.enqueue_indirect_dma source(%arg13 : memref<128x32xf32, #tpu.memory_space<vmem>>) target(%dma_start3A_45 : memref<50000x32xf32, #tpu.memory_space<vmem_shared>>) offsets(%arg10 : memref<128xi32, #tpu.memory_space<vmem>>) semaphore(%run_scoped3A_43 : memref<!tpu.dma_semaphore, #tpu.memory_space<semaphore_mem>>) {add = true}
          %dma_wait3A = arith.constant 0 : i32
          %dma_wait3A_46 = arith.constant 0 : i32
          %dma_wait3A_47 = tpu.memref_slice %arg14[%dma_wait3A, %dma_wait3A_46] : memref<50000x32xf32, #tpu.memory_space<vmem_shared>> -> memref<50000x32xf32, #tpu.memory_space<vmem_shared>>
          tpu.wait_indirect_dma semaphore(%run_scoped3A_43 : memref<!tpu.dma_semaphore, #tpu.memory_space<semaphore_mem>>) src(%arg13 : memref<128x32xf32, #tpu.memory_space<vmem>>) dst(%dma_wait3A_47 : memref<50000x32xf32, #tpu.memory_space<vmem_shared>>)
          tpu.yield
        }) : () -> ()
      }
    } else {
    }
    %eq3A_3 = arith.constant 1 : i32
    %eq3A_4 = arith.cmpi eq, %arg0, %eq3A_3 : i32
    %convert_element_type3A_5 = arith.extui %eq3A_4 : i1 to i32
    %cond3A_6 = arith.constant 0 : i32
    %cond3A_7 = arith.cmpi ne, %convert_element_type3A_5, %cond3A_6 : i32
    scf.if %cond3A_7 {
      %sub3A = arith.constant 6250 : i32
      %sub3A_19 = arith.subi %sub3A, %arg1 : i32
      %sub3A_20 = arith.constant 16 : i32
      %sub3A_21 = arith.constant 1 : i32
      %sub3A_22 = arith.subi %sub3A_20, %sub3A_21 : i32
      %add3A = arith.addi %sub3A_19, %sub3A_22 : i32
      %div3A = arith.constant 16 : i32
      %div3A_23 = arith.divsi %add3A, %div3A : i32
      %while3A = arith.constant 16 : i32
      %while3A_24 = arith.constant 0 : i32
      %while3A_25 = arith.subi %div3A_23, %while3A_24 : i32
      %while3A_26 = arith.addi %while3A_24, %while3A_25 : i32
      %while3A_27 = arith.constant 1 : i32
      %while3A_28 = arith.divsi %while3A_25, %while3A_27 : i32
      %while3A_29 = arith.muli %while3A_28, %while3A_27 : i32
      %while3A_30 = arith.addi %while3A_24, %while3A_29 : i32
      %while3A_31 = arith.constant 1 : i32
      scf.for %while3A_33 = %while3A_24 to %while3A_30 step %while3A_31  : i32 {
        %mul3A_34 = arith.muli %while3A_33, %while3A : i32
        %add3A_35 = arith.addi %arg1, %mul3A_34 : i32
        %mul3A_36 = arith.constant 128 : i32
        %mul3A_37 = arith.muli %add3A_35, %mul3A_36 : i32
        %run_scoped3A = arith.constant 0 : i32
        "tpu.region"() ({
          %run_scoped3A_43 = tpu.sem_alloc : memref<!tpu.dma_semaphore, #tpu.memory_space<semaphore_mem>>
          %dma_start3A = tpu.memref_slice %arg5[%run_scoped3A, %mul3A_37] : memref<2x800000xi32, #tpu.memory_space<hbm>> -> memref<1x128xi32, #tpu.memory_space<hbm>>
          %dma_start3A_44 = tpu.memref_squeeze %dma_start3A : memref<1x128xi32, #tpu.memory_space<hbm>> -> memref<128xi32, #tpu.memory_space<hbm>>
          %dma_start3A_45 = tpu.memref_slice %arg5[%run_scoped3A, %mul3A_37] : memref<2x800000xi32, #tpu.memory_space<hbm>> -> memref<1x128xi32, #tpu.memory_space<hbm>>
          %dma_start3A_46 = tpu.memref_squeeze %dma_start3A_45 : memref<1x128xi32, #tpu.memory_space<hbm>> -> memref<128xi32, #tpu.memory_space<hbm>>
          tpu.enqueue_dma source(%dma_start3A_46 : memref<128xi32, #tpu.memory_space<hbm>>) target(%arg9 : memref<128xi32, #tpu.memory_space<vmem>>) target_semaphore(%run_scoped3A_43 : memref<!tpu.dma_semaphore, #tpu.memory_space<semaphore_mem>>)
          %dma_wait3A = tpu.memref_slice %arg5[%run_scoped3A, %mul3A_37] : memref<2x800000xi32, #tpu.memory_space<hbm>> -> memref<1x128xi32, #tpu.memory_space<hbm>>
          %dma_wait3A_47 = tpu.memref_squeeze %dma_wait3A : memref<1x128xi32, #tpu.memory_space<hbm>> -> memref<128xi32, #tpu.memory_space<hbm>>
          %dma_wait3A_48 = tpu.memref_slice %arg5[%run_scoped3A, %mul3A_37] : memref<2x800000xi32, #tpu.memory_space<hbm>> -> memref<1x128xi32, #tpu.memory_space<hbm>>
          %dma_wait3A_49 = tpu.memref_squeeze %dma_wait3A_48 : memref<1x128xi32, #tpu.memory_space<hbm>> -> memref<128xi32, #tpu.memory_space<hbm>>
          tpu.wait_dma2 semaphore(%run_scoped3A_43 : memref<!tpu.dma_semaphore, #tpu.memory_space<semaphore_mem>>) src(%dma_wait3A_49 : memref<128xi32, #tpu.memory_space<hbm>>) dst(%arg9 : memref<128xi32, #tpu.memory_space<vmem>>)
          tpu.yield
        }) : () -> ()
        %run_scoped3A_38 = arith.constant 1 : i32
        "tpu.region"() ({
          %run_scoped3A_43 = tpu.sem_alloc : memref<!tpu.dma_semaphore, #tpu.memory_space<semaphore_mem>>
          %dma_start3A = tpu.memref_slice %arg5[%run_scoped3A_38, %mul3A_37] : memref<2x800000xi32, #tpu.memory_space<hbm>> -> memref<1x128xi32, #tpu.memory_space<hbm>>
          %dma_start3A_44 = tpu.memref_squeeze %dma_start3A : memref<1x128xi32, #tpu.memory_space<hbm>> -> memref<128xi32, #tpu.memory_space<hbm>>
          %dma_start3A_45 = tpu.memref_slice %arg5[%run_scoped3A_38, %mul3A_37] : memref<2x800000xi32, #tpu.memory_space<hbm>> -> memref<1x128xi32, #tpu.memory_space<hbm>>
          %dma_start3A_46 = tpu.memref_squeeze %dma_start3A_45 : memref<1x128xi32, #tpu.memory_space<hbm>> -> memref<128xi32, #tpu.memory_space<hbm>>
          tpu.enqueue_dma source(%dma_start3A_46 : memref<128xi32, #tpu.memory_space<hbm>>) target(%arg10 : memref<128xi32, #tpu.memory_space<vmem>>) target_semaphore(%run_scoped3A_43 : memref<!tpu.dma_semaphore, #tpu.memory_space<semaphore_mem>>)
          %dma_wait3A = tpu.memref_slice %arg5[%run_scoped3A_38, %mul3A_37] : memref<2x800000xi32, #tpu.memory_space<hbm>> -> memref<1x128xi32, #tpu.memory_space<hbm>>
          %dma_wait3A_47 = tpu.memref_squeeze %dma_wait3A : memref<1x128xi32, #tpu.memory_space<hbm>> -> memref<128xi32, #tpu.memory_space<hbm>>
          %dma_wait3A_48 = tpu.memref_slice %arg5[%run_scoped3A_38, %mul3A_37] : memref<2x800000xi32, #tpu.memory_space<hbm>> -> memref<1x128xi32, #tpu.memory_space<hbm>>
          %dma_wait3A_49 = tpu.memref_squeeze %dma_wait3A_48 : memref<1x128xi32, #tpu.memory_space<hbm>> -> memref<128xi32, #tpu.memory_space<hbm>>
          tpu.wait_dma2 semaphore(%run_scoped3A_43 : memref<!tpu.dma_semaphore, #tpu.memory_space<semaphore_mem>>) src(%dma_wait3A_49 : memref<128xi32, #tpu.memory_space<hbm>>) dst(%arg10 : memref<128xi32, #tpu.memory_space<vmem>>)
          tpu.yield
        }) : () -> ()
        "tpu.region"() ({
          %run_scoped3A_43 = tpu.sem_alloc : memref<!tpu.dma_semaphore, #tpu.memory_space<semaphore_mem>>
          %dma_start3A = arith.constant 0 : i32
          %dma_start3A_44 = arith.constant 0 : i32
          %dma_start3A_45 = tpu.memref_slice %arg3[%dma_start3A, %dma_start3A_44] : memref<50000x40xf32, #tpu.memory_space<hbm>> -> memref<50000x40xf32, #tpu.memory_space<hbm>>
          tpu.enqueue_indirect_dma source(%dma_start3A_45 : memref<50000x40xf32, #tpu.memory_space<hbm>>) target(%arg11 : memref<128x40xf32, #tpu.memory_space<vmem>>) offsets(%arg9 : memref<128xi32, #tpu.memory_space<vmem>>) semaphore(%run_scoped3A_43 : memref<!tpu.dma_semaphore, #tpu.memory_space<semaphore_mem>>)
          %dma_wait3A = arith.constant 0 : i32
          %dma_wait3A_46 = arith.constant 0 : i32
          %dma_wait3A_47 = tpu.memref_slice %arg3[%dma_wait3A, %dma_wait3A_46] : memref<50000x40xf32, #tpu.memory_space<hbm>> -> memref<50000x40xf32, #tpu.memory_space<hbm>>
          tpu.wait_indirect_dma semaphore(%run_scoped3A_43 : memref<!tpu.dma_semaphore, #tpu.memory_space<semaphore_mem>>) src(%dma_wait3A_47 : memref<50000x40xf32, #tpu.memory_space<hbm>>) dst(%arg11 : memref<128x40xf32, #tpu.memory_space<vmem>>)
          tpu.yield
        }) : () -> ()
        "tpu.region"() ({
          %run_scoped3A_43 = tpu.sem_alloc : memref<!tpu.dma_semaphore, #tpu.memory_space<semaphore_mem>>
          %dma_start3A = arith.constant 0 : i32
          %dma_start3A_44 = arith.constant 0 : i32
          %dma_start3A_45 = tpu.memref_slice %arg4[%dma_start3A, %dma_start3A_44] : memref<50000x8xf32, #tpu.memory_space<hbm>> -> memref<50000x8xf32, #tpu.memory_space<hbm>>
          tpu.enqueue_indirect_dma source(%dma_start3A_45 : memref<50000x8xf32, #tpu.memory_space<hbm>>) target(%arg12 : memref<128x8xf32, #tpu.memory_space<vmem>>) offsets(%arg10 : memref<128xi32, #tpu.memory_space<vmem>>) semaphore(%run_scoped3A_43 : memref<!tpu.dma_semaphore, #tpu.memory_space<semaphore_mem>>)
          %dma_wait3A = arith.constant 0 : i32
          %dma_wait3A_46 = arith.constant 0 : i32
          %dma_wait3A_47 = tpu.memref_slice %arg4[%dma_wait3A, %dma_wait3A_46] : memref<50000x8xf32, #tpu.memory_space<hbm>> -> memref<50000x8xf32, #tpu.memory_space<hbm>>
          tpu.wait_indirect_dma semaphore(%run_scoped3A_43 : memref<!tpu.dma_semaphore, #tpu.memory_space<semaphore_mem>>) src(%dma_wait3A_47 : memref<50000x8xf32, #tpu.memory_space<hbm>>) dst(%arg12 : memref<128x8xf32, #tpu.memory_space<vmem>>)
          tpu.yield
        }) : () -> ()
        %scan3A = arith.constant 0 : i32
        %scan3A_39 = arith.constant 8 : i32
        %scan3A_40 = arith.addi %scan3A, %scan3A_39 : i32
        %scan3A_41 = arith.constant 1 : i32
        scf.for %scan3A_43 = %scan3A to %scan3A_40 step %scan3A_41  : i32 {
          %mul3A_44 = arith.constant 16 : i32
          %mul3A_45 = arith.muli %scan3A_43, %mul3A_44 : i32
          %add3A_46 = arith.constant 0 : i32
          %add3A_47 = arith.addi %add3A_46, %mul3A_45 : i32
          %iota3A = tpu.iota {dimensions = array<i32: 0>} : vector<16xi32>
          %add3A_48 = vector.broadcast %add3A_47 : i32 to vector<16xi32>
          %add3A_49 = arith.addi %iota3A, %add3A_48 : vector<16xi32>
          %broadcast_in_dim3A = arith.constant 32 : i32
          %broadcast_in_dim3A_50 = vector.broadcast %broadcast_in_dim3A : i32 to vector<16xi32>
          %gather3A = tpu.vector_load_idx %arg11[%add3A_49, %broadcast_in_dim3A_50] : memref<128x40xf32, #tpu.memory_space<vmem>>[vector<16xi32>, vector<16xi32>], vector<16xf32>,
          %broadcast_in_dim3A_51 = arith.constant 2 : i32
          %broadcast_in_dim3A_52 = vector.broadcast %broadcast_in_dim3A_51 : i32 to vector<16xi32>
          %gather3A_53 = tpu.vector_load_idx %arg12[%add3A_49, %broadcast_in_dim3A_52] : memref<128x8xf32, #tpu.memory_space<vmem>>[vector<16xi32>, vector<16xi32>], vector<16xf32>,
          %add3A_54 = arith.addf %gather3A, %gather3A_53 : vector<16xf32>
          %ge3A = arith.constant 0.000000e+00 : f32
          %ge3A_55 = vector.broadcast %ge3A : f32 to vector<16xf32>
          %ge3A_56 = arith.cmpf oge, %add3A_54, %ge3A_55 : vector<16xf32>
          %mul3A_57 = arith.constant 2.000000e-01 : f32
          %mul3A_58 = vector.broadcast %mul3A_57 : f32 to vector<16xf32>
          %mul3A_59 = arith.mulf %mul3A_58, %add3A_54 : vector<16xf32>
          %select_n3A = arith.select %ge3A_56, %add3A_54, %mul3A_59 : vector<16xi1>, vector<16xf32>
          %exp3A = math.exp %select_n3A : vector<16xf32>
          %scan3A_60 = arith.constant 0 : i32
          %scan3A_61 = arith.constant 16 : i32
          %scan3A_62 = arith.addi %scan3A_60, %scan3A_61 : i32
          %scan3A_63 = arith.constant 1 : i32
          scf.for %scan3A_85 = %scan3A_60 to %scan3A_62 step %scan3A_63  : i32 {
            %mul3A_86 = arith.constant 1 : i32
            %mul3A_87 = arith.muli %scan3A_85, %mul3A_86 : i32
            %add3A_88 = arith.constant 0 : i32
            %add3A_89 = arith.addi %add3A_88, %mul3A_87 : i32
            %broadcast_in_dim3A_90 = arith.constant 0 : i32
            %broadcast_in_dim3A_91 = vector.broadcast %broadcast_in_dim3A_90 : i32 to vector<16xi32>
            %add3A_92 = vector.broadcast %add3A_89 : i32 to vector<16xi32>
            %add3A_93 = arith.addi %broadcast_in_dim3A_91, %add3A_92 : vector<16xi32>
            %gather3A_94 = tpu.vector_load_idx %arg11[%add3A_49, %add3A_93] : memref<128x40xf32, #tpu.memory_space<vmem>>[vector<16xi32>, vector<16xi32>], vector<16xf32>,
            %mul3A_95 = arith.mulf %exp3A, %gather3A_94 : vector<16xf32>
            tpu.vector_store_idx %arg13[%add3A_49, %add3A_93], %mul3A_95 : memref<128x32xf32, #tpu.memory_space<vmem>>[vector<16xi32>, vector<16xi32>], vector<16xf32>,
          }
          %scan3A_64 = arith.constant 16 : i32
          %broadcast_in_dim3A_65 = arith.constant 33 : i32
          %broadcast_in_dim3A_66 = vector.broadcast %broadcast_in_dim3A_65 : i32 to vector<16xi32>
          %gather3A_67 = tpu.vector_load_idx %arg11[%add3A_49, %broadcast_in_dim3A_66] : memref<128x40xf32, #tpu.memory_space<vmem>>[vector<16xi32>, vector<16xi32>], vector<16xf32>,
          %broadcast_in_dim3A_68 = arith.constant 3 : i32
          %broadcast_in_dim3A_69 = vector.broadcast %broadcast_in_dim3A_68 : i32 to vector<16xi32>
          %gather3A_70 = tpu.vector_load_idx %arg12[%add3A_49, %broadcast_in_dim3A_69] : memref<128x8xf32, #tpu.memory_space<vmem>>[vector<16xi32>, vector<16xi32>], vector<16xf32>,
          %add3A_71 = arith.addf %gather3A_67, %gather3A_70 : vector<16xf32>
          %ge3A_72 = arith.constant 0.000000e+00 : f32
          %ge3A_73 = vector.broadcast %ge3A_72 : f32 to vector<16xf32>
          %ge3A_74 = arith.cmpf oge, %add3A_71, %ge3A_73 : vector<16xf32>
          %mul3A_75 = arith.constant 2.000000e-01 : f32
          %mul3A_76 = vector.broadcast %mul3A_75 : f32 to vector<16xf32>
          %mul3A_77 = arith.mulf %mul3A_76, %add3A_71 : vector<16xf32>
          %select_n3A_78 = arith.select %ge3A_74, %add3A_71, %mul3A_77 : vector<16xi1>, vector<16xf32>
          %exp3A_79 = math.exp %select_n3A_78 : vector<16xf32>
          %scan3A_80 = arith.constant 0 : i32
          %scan3A_81 = arith.constant 16 : i32
          %scan3A_82 = arith.addi %scan3A_80, %scan3A_81 : i32
          %scan3A_83 = arith.constant 1 : i32
          scf.for %scan3A_85 = %scan3A_80 to %scan3A_82 step %scan3A_83  : i32 {
            %mul3A_86 = arith.constant 1 : i32
            %mul3A_87 = arith.muli %scan3A_85, %mul3A_86 : i32
            %add3A_88 = arith.constant 16 : i32
            %add3A_89 = arith.addi %add3A_88, %mul3A_87 : i32
            %broadcast_in_dim3A_90 = arith.constant 0 : i32
            %broadcast_in_dim3A_91 = vector.broadcast %broadcast_in_dim3A_90 : i32 to vector<16xi32>
            %add3A_92 = vector.broadcast %add3A_89 : i32 to vector<16xi32>
            %add3A_93 = arith.addi %broadcast_in_dim3A_91, %add3A_92 : vector<16xi32>
            %gather3A_94 = tpu.vector_load_idx %arg11[%add3A_49, %add3A_93] : memref<128x40xf32, #tpu.memory_space<vmem>>[vector<16xi32>, vector<16xi32>], vector<16xf32>,
            %mul3A_95 = arith.mulf %exp3A_79, %gather3A_94 : vector<16xf32>
            tpu.vector_store_idx %arg13[%add3A_49, %add3A_93], %mul3A_95 : memref<128x32xf32, #tpu.memory_space<vmem>>[vector<16xi32>, vector<16xi32>], vector<16xf32>,
          }
          %scan3A_84 = arith.constant 16 : i32
        }
        %scan3A_42 = arith.constant 8 : i32
        "tpu.region"() ({
          %run_scoped3A_43 = tpu.sem_alloc : memref<!tpu.dma_semaphore, #tpu.memory_space<semaphore_mem>>
          %dma_start3A = arith.constant 0 : i32
          %dma_start3A_44 = arith.constant 0 : i32
          %dma_start3A_45 = tpu.memref_slice %arg14[%dma_start3A, %dma_start3A_44] : memref<50000x32xf32, #tpu.memory_space<vmem_shared>> -> memref<50000x32xf32, #tpu.memory_space<vmem_shared>>
          tpu.enqueue_indirect_dma source(%arg13 : memref<128x32xf32, #tpu.memory_space<vmem>>) target(%dma_start3A_45 : memref<50000x32xf32, #tpu.memory_space<vmem_shared>>) offsets(%arg10 : memref<128xi32, #tpu.memory_space<vmem>>) semaphore(%run_scoped3A_43 : memref<!tpu.dma_semaphore, #tpu.memory_space<semaphore_mem>>) {add = true}
          %dma_wait3A = arith.constant 0 : i32
          %dma_wait3A_46 = arith.constant 0 : i32
          %dma_wait3A_47 = tpu.memref_slice %arg14[%dma_wait3A, %dma_wait3A_46] : memref<50000x32xf32, #tpu.memory_space<vmem_shared>> -> memref<50000x32xf32, #tpu.memory_space<vmem_shared>>
          tpu.wait_indirect_dma semaphore(%run_scoped3A_43 : memref<!tpu.dma_semaphore, #tpu.memory_space<semaphore_mem>>) src(%arg13 : memref<128x32xf32, #tpu.memory_space<vmem>>) dst(%dma_wait3A_47 : memref<50000x32xf32, #tpu.memory_space<vmem_shared>>)
          tpu.yield
        }) : () -> ()
      }
      %while3A_32 = arith.constant 1 : i32
      scf.for %while3A_33 = %while3A_30 to %while3A_26 step %while3A_32  : i32 {
        %mul3A_34 = arith.muli %while3A_33, %while3A : i32
        %add3A_35 = arith.addi %arg1, %mul3A_34 : i32
        %mul3A_36 = arith.constant 128 : i32
        %mul3A_37 = arith.muli %add3A_35, %mul3A_36 : i32
        %run_scoped3A = arith.constant 0 : i32
        "tpu.region"() ({
          %run_scoped3A_43 = tpu.sem_alloc : memref<!tpu.dma_semaphore, #tpu.memory_space<semaphore_mem>>
          %dma_start3A = tpu.memref_slice %arg5[%run_scoped3A, %mul3A_37] : memref<2x800000xi32, #tpu.memory_space<hbm>> -> memref<1x128xi32, #tpu.memory_space<hbm>>
          %dma_start3A_44 = tpu.memref_squeeze %dma_start3A : memref<1x128xi32, #tpu.memory_space<hbm>> -> memref<128xi32, #tpu.memory_space<hbm>>
          %dma_start3A_45 = tpu.memref_slice %arg5[%run_scoped3A, %mul3A_37] : memref<2x800000xi32, #tpu.memory_space<hbm>> -> memref<1x128xi32, #tpu.memory_space<hbm>>
          %dma_start3A_46 = tpu.memref_squeeze %dma_start3A_45 : memref<1x128xi32, #tpu.memory_space<hbm>> -> memref<128xi32, #tpu.memory_space<hbm>>
          tpu.enqueue_dma source(%dma_start3A_46 : memref<128xi32, #tpu.memory_space<hbm>>) target(%arg9 : memref<128xi32, #tpu.memory_space<vmem>>) target_semaphore(%run_scoped3A_43 : memref<!tpu.dma_semaphore, #tpu.memory_space<semaphore_mem>>)
          %dma_wait3A = tpu.memref_slice %arg5[%run_scoped3A, %mul3A_37] : memref<2x800000xi32, #tpu.memory_space<hbm>> -> memref<1x128xi32, #tpu.memory_space<hbm>>
          %dma_wait3A_47 = tpu.memref_squeeze %dma_wait3A : memref<1x128xi32, #tpu.memory_space<hbm>> -> memref<128xi32, #tpu.memory_space<hbm>>
          %dma_wait3A_48 = tpu.memref_slice %arg5[%run_scoped3A, %mul3A_37] : memref<2x800000xi32, #tpu.memory_space<hbm>> -> memref<1x128xi32, #tpu.memory_space<hbm>>
          %dma_wait3A_49 = tpu.memref_squeeze %dma_wait3A_48 : memref<1x128xi32, #tpu.memory_space<hbm>> -> memref<128xi32, #tpu.memory_space<hbm>>
          tpu.wait_dma2 semaphore(%run_scoped3A_43 : memref<!tpu.dma_semaphore, #tpu.memory_space<semaphore_mem>>) src(%dma_wait3A_49 : memref<128xi32, #tpu.memory_space<hbm>>) dst(%arg9 : memref<128xi32, #tpu.memory_space<vmem>>)
          tpu.yield
        }) : () -> ()
        %run_scoped3A_38 = arith.constant 1 : i32
        "tpu.region"() ({
          %run_scoped3A_43 = tpu.sem_alloc : memref<!tpu.dma_semaphore, #tpu.memory_space<semaphore_mem>>
          %dma_start3A = tpu.memref_slice %arg5[%run_scoped3A_38, %mul3A_37] : memref<2x800000xi32, #tpu.memory_space<hbm>> -> memref<1x128xi32, #tpu.memory_space<hbm>>
          %dma_start3A_44 = tpu.memref_squeeze %dma_start3A : memref<1x128xi32, #tpu.memory_space<hbm>> -> memref<128xi32, #tpu.memory_space<hbm>>
          %dma_start3A_45 = tpu.memref_slice %arg5[%run_scoped3A_38, %mul3A_37] : memref<2x800000xi32, #tpu.memory_space<hbm>> -> memref<1x128xi32, #tpu.memory_space<hbm>>
          %dma_start3A_46 = tpu.memref_squeeze %dma_start3A_45 : memref<1x128xi32, #tpu.memory_space<hbm>> -> memref<128xi32, #tpu.memory_space<hbm>>
          tpu.enqueue_dma source(%dma_start3A_46 : memref<128xi32, #tpu.memory_space<hbm>>) target(%arg10 : memref<128xi32, #tpu.memory_space<vmem>>) target_semaphore(%run_scoped3A_43 : memref<!tpu.dma_semaphore, #tpu.memory_space<semaphore_mem>>)
          %dma_wait3A = tpu.memref_slice %arg5[%run_scoped3A_38, %mul3A_37] : memref<2x800000xi32, #tpu.memory_space<hbm>> -> memref<1x128xi32, #tpu.memory_space<hbm>>
          %dma_wait3A_47 = tpu.memref_squeeze %dma_wait3A : memref<1x128xi32, #tpu.memory_space<hbm>> -> memref<128xi32, #tpu.memory_space<hbm>>
          %dma_wait3A_48 = tpu.memref_slice %arg5[%run_scoped3A_38, %mul3A_37] : memref<2x800000xi32, #tpu.memory_space<hbm>> -> memref<1x128xi32, #tpu.memory_space<hbm>>
          %dma_wait3A_49 = tpu.memref_squeeze %dma_wait3A_48 : memref<1x128xi32, #tpu.memory_space<hbm>> -> memref<128xi32, #tpu.memory_space<hbm>>
          tpu.wait_dma2 semaphore(%run_scoped3A_43 : memref<!tpu.dma_semaphore, #tpu.memory_space<semaphore_mem>>) src(%dma_wait3A_49 : memref<128xi32, #tpu.memory_space<hbm>>) dst(%arg10 : memref<128xi32, #tpu.memory_space<vmem>>)
          tpu.yield
        }) : () -> ()
        "tpu.region"() ({
          %run_scoped3A_43 = tpu.sem_alloc : memref<!tpu.dma_semaphore, #tpu.memory_space<semaphore_mem>>
          %dma_start3A = arith.constant 0 : i32
          %dma_start3A_44 = arith.constant 0 : i32
          %dma_start3A_45 = tpu.memref_slice %arg3[%dma_start3A, %dma_start3A_44] : memref<50000x40xf32, #tpu.memory_space<hbm>> -> memref<50000x40xf32, #tpu.memory_space<hbm>>
          tpu.enqueue_indirect_dma source(%dma_start3A_45 : memref<50000x40xf32, #tpu.memory_space<hbm>>) target(%arg11 : memref<128x40xf32, #tpu.memory_space<vmem>>) offsets(%arg9 : memref<128xi32, #tpu.memory_space<vmem>>) semaphore(%run_scoped3A_43 : memref<!tpu.dma_semaphore, #tpu.memory_space<semaphore_mem>>)
          %dma_wait3A = arith.constant 0 : i32
          %dma_wait3A_46 = arith.constant 0 : i32
          %dma_wait3A_47 = tpu.memref_slice %arg3[%dma_wait3A, %dma_wait3A_46] : memref<50000x40xf32, #tpu.memory_space<hbm>> -> memref<50000x40xf32, #tpu.memory_space<hbm>>
          tpu.wait_indirect_dma semaphore(%run_scoped3A_43 : memref<!tpu.dma_semaphore, #tpu.memory_space<semaphore_mem>>) src(%dma_wait3A_47 : memref<50000x40xf32, #tpu.memory_space<hbm>>) dst(%arg11 : memref<128x40xf32, #tpu.memory_space<vmem>>)
          tpu.yield
        }) : () -> ()
        "tpu.region"() ({
          %run_scoped3A_43 = tpu.sem_alloc : memref<!tpu.dma_semaphore, #tpu.memory_space<semaphore_mem>>
          %dma_start3A = arith.constant 0 : i32
          %dma_start3A_44 = arith.constant 0 : i32
          %dma_start3A_45 = tpu.memref_slice %arg4[%dma_start3A, %dma_start3A_44] : memref<50000x8xf32, #tpu.memory_space<hbm>> -> memref<50000x8xf32, #tpu.memory_space<hbm>>
          tpu.enqueue_indirect_dma source(%dma_start3A_45 : memref<50000x8xf32, #tpu.memory_space<hbm>>) target(%arg12 : memref<128x8xf32, #tpu.memory_space<vmem>>) offsets(%arg10 : memref<128xi32, #tpu.memory_space<vmem>>) semaphore(%run_scoped3A_43 : memref<!tpu.dma_semaphore, #tpu.memory_space<semaphore_mem>>)
          %dma_wait3A = arith.constant 0 : i32
          %dma_wait3A_46 = arith.constant 0 : i32
          %dma_wait3A_47 = tpu.memref_slice %arg4[%dma_wait3A, %dma_wait3A_46] : memref<50000x8xf32, #tpu.memory_space<hbm>> -> memref<50000x8xf32, #tpu.memory_space<hbm>>
          tpu.wait_indirect_dma semaphore(%run_scoped3A_43 : memref<!tpu.dma_semaphore, #tpu.memory_space<semaphore_mem>>) src(%dma_wait3A_47 : memref<50000x8xf32, #tpu.memory_space<hbm>>) dst(%arg12 : memref<128x8xf32, #tpu.memory_space<vmem>>)
          tpu.yield
        }) : () -> ()
        %scan3A = arith.constant 0 : i32
        %scan3A_39 = arith.constant 8 : i32
        %scan3A_40 = arith.addi %scan3A, %scan3A_39 : i32
        %scan3A_41 = arith.constant 1 : i32
        scf.for %scan3A_43 = %scan3A to %scan3A_40 step %scan3A_41  : i32 {
          %mul3A_44 = arith.constant 16 : i32
          %mul3A_45 = arith.muli %scan3A_43, %mul3A_44 : i32
          %add3A_46 = arith.constant 0 : i32
          %add3A_47 = arith.addi %add3A_46, %mul3A_45 : i32
          %iota3A = tpu.iota {dimensions = array<i32: 0>} : vector<16xi32>
          %add3A_48 = vector.broadcast %add3A_47 : i32 to vector<16xi32>
          %add3A_49 = arith.addi %iota3A, %add3A_48 : vector<16xi32>
          %broadcast_in_dim3A = arith.constant 32 : i32
          %broadcast_in_dim3A_50 = vector.broadcast %broadcast_in_dim3A : i32 to vector<16xi32>
          %gather3A = tpu.vector_load_idx %arg11[%add3A_49, %broadcast_in_dim3A_50] : memref<128x40xf32, #tpu.memory_space<vmem>>[vector<16xi32>, vector<16xi32>], vector<16xf32>,
          %broadcast_in_dim3A_51 = arith.constant 2 : i32
          %broadcast_in_dim3A_52 = vector.broadcast %broadcast_in_dim3A_51 : i32 to vector<16xi32>
          %gather3A_53 = tpu.vector_load_idx %arg12[%add3A_49, %broadcast_in_dim3A_52] : memref<128x8xf32, #tpu.memory_space<vmem>>[vector<16xi32>, vector<16xi32>], vector<16xf32>,
          %add3A_54 = arith.addf %gather3A, %gather3A_53 : vector<16xf32>
          %ge3A = arith.constant 0.000000e+00 : f32
          %ge3A_55 = vector.broadcast %ge3A : f32 to vector<16xf32>
          %ge3A_56 = arith.cmpf oge, %add3A_54, %ge3A_55 : vector<16xf32>
          %mul3A_57 = arith.constant 2.000000e-01 : f32
          %mul3A_58 = vector.broadcast %mul3A_57 : f32 to vector<16xf32>
          %mul3A_59 = arith.mulf %mul3A_58, %add3A_54 : vector<16xf32>
          %select_n3A = arith.select %ge3A_56, %add3A_54, %mul3A_59 : vector<16xi1>, vector<16xf32>
          %exp3A = math.exp %select_n3A : vector<16xf32>
          %scan3A_60 = arith.constant 0 : i32
          %scan3A_61 = arith.constant 16 : i32
          %scan3A_62 = arith.addi %scan3A_60, %scan3A_61 : i32
          %scan3A_63 = arith.constant 1 : i32
          scf.for %scan3A_85 = %scan3A_60 to %scan3A_62 step %scan3A_63  : i32 {
            %mul3A_86 = arith.constant 1 : i32
            %mul3A_87 = arith.muli %scan3A_85, %mul3A_86 : i32
            %add3A_88 = arith.constant 0 : i32
            %add3A_89 = arith.addi %add3A_88, %mul3A_87 : i32
            %broadcast_in_dim3A_90 = arith.constant 0 : i32
            %broadcast_in_dim3A_91 = vector.broadcast %broadcast_in_dim3A_90 : i32 to vector<16xi32>
            %add3A_92 = vector.broadcast %add3A_89 : i32 to vector<16xi32>
            %add3A_93 = arith.addi %broadcast_in_dim3A_91, %add3A_92 : vector<16xi32>
            %gather3A_94 = tpu.vector_load_idx %arg11[%add3A_49, %add3A_93] : memref<128x40xf32, #tpu.memory_space<vmem>>[vector<16xi32>, vector<16xi32>], vector<16xf32>,
            %mul3A_95 = arith.mulf %exp3A, %gather3A_94 : vector<16xf32>
            tpu.vector_store_idx %arg13[%add3A_49, %add3A_93], %mul3A_95 : memref<128x32xf32, #tpu.memory_space<vmem>>[vector<16xi32>, vector<16xi32>], vector<16xf32>,
          }
          %scan3A_64 = arith.constant 16 : i32
          %broadcast_in_dim3A_65 = arith.constant 33 : i32
          %broadcast_in_dim3A_66 = vector.broadcast %broadcast_in_dim3A_65 : i32 to vector<16xi32>
          %gather3A_67 = tpu.vector_load_idx %arg11[%add3A_49, %broadcast_in_dim3A_66] : memref<128x40xf32, #tpu.memory_space<vmem>>[vector<16xi32>, vector<16xi32>], vector<16xf32>,
          %broadcast_in_dim3A_68 = arith.constant 3 : i32
          %broadcast_in_dim3A_69 = vector.broadcast %broadcast_in_dim3A_68 : i32 to vector<16xi32>
          %gather3A_70 = tpu.vector_load_idx %arg12[%add3A_49, %broadcast_in_dim3A_69] : memref<128x8xf32, #tpu.memory_space<vmem>>[vector<16xi32>, vector<16xi32>], vector<16xf32>,
          %add3A_71 = arith.addf %gather3A_67, %gather3A_70 : vector<16xf32>
          %ge3A_72 = arith.constant 0.000000e+00 : f32
          %ge3A_73 = vector.broadcast %ge3A_72 : f32 to vector<16xf32>
          %ge3A_74 = arith.cmpf oge, %add3A_71, %ge3A_73 : vector<16xf32>
          %mul3A_75 = arith.constant 2.000000e-01 : f32
          %mul3A_76 = vector.broadcast %mul3A_75 : f32 to vector<16xf32>
          %mul3A_77 = arith.mulf %mul3A_76, %add3A_71 : vector<16xf32>
          %select_n3A_78 = arith.select %ge3A_74, %add3A_71, %mul3A_77 : vector<16xi1>, vector<16xf32>
          %exp3A_79 = math.exp %select_n3A_78 : vector<16xf32>
          %scan3A_80 = arith.constant 0 : i32
          %scan3A_81 = arith.constant 16 : i32
          %scan3A_82 = arith.addi %scan3A_80, %scan3A_81 : i32
          %scan3A_83 = arith.constant 1 : i32
          scf.for %scan3A_85 = %scan3A_80 to %scan3A_82 step %scan3A_83  : i32 {
            %mul3A_86 = arith.constant 1 : i32
            %mul3A_87 = arith.muli %scan3A_85, %mul3A_86 : i32
            %add3A_88 = arith.constant 16 : i32
            %add3A_89 = arith.addi %add3A_88, %mul3A_87 : i32
            %broadcast_in_dim3A_90 = arith.constant 0 : i32
            %broadcast_in_dim3A_91 = vector.broadcast %broadcast_in_dim3A_90 : i32 to vector<16xi32>
            %add3A_92 = vector.broadcast %add3A_89 : i32 to vector<16xi32>
            %add3A_93 = arith.addi %broadcast_in_dim3A_91, %add3A_92 : vector<16xi32>
            %gather3A_94 = tpu.vector_load_idx %arg11[%add3A_49, %add3A_93] : memref<128x40xf32, #tpu.memory_space<vmem>>[vector<16xi32>, vector<16xi32>], vector<16xf32>,
            %mul3A_95 = arith.mulf %exp3A_79, %gather3A_94 : vector<16xf32>
            tpu.vector_store_idx %arg13[%add3A_49, %add3A_93], %mul3A_95 : memref<128x32xf32, #tpu.memory_space<vmem>>[vector<16xi32>, vector<16xi32>], vector<16xf32>,
          }
          %scan3A_84 = arith.constant 16 : i32
        }
        %scan3A_42 = arith.constant 8 : i32
        "tpu.region"() ({
          %run_scoped3A_43 = tpu.sem_alloc : memref<!tpu.dma_semaphore, #tpu.memory_space<semaphore_mem>>
          %dma_start3A = arith.constant 0 : i32
          %dma_start3A_44 = arith.constant 0 : i32
          %dma_start3A_45 = tpu.memref_slice %arg14[%dma_start3A, %dma_start3A_44] : memref<50000x32xf32, #tpu.memory_space<vmem_shared>> -> memref<50000x32xf32, #tpu.memory_space<vmem_shared>>
          tpu.enqueue_indirect_dma source(%arg13 : memref<128x32xf32, #tpu.memory_space<vmem>>) target(%dma_start3A_45 : memref<50000x32xf32, #tpu.memory_space<vmem_shared>>) offsets(%arg10 : memref<128xi32, #tpu.memory_space<vmem>>) semaphore(%run_scoped3A_43 : memref<!tpu.dma_semaphore, #tpu.memory_space<semaphore_mem>>) {add = true}
          %dma_wait3A = arith.constant 0 : i32
          %dma_wait3A_46 = arith.constant 0 : i32
          %dma_wait3A_47 = tpu.memref_slice %arg14[%dma_wait3A, %dma_wait3A_46] : memref<50000x32xf32, #tpu.memory_space<vmem_shared>> -> memref<50000x32xf32, #tpu.memory_space<vmem_shared>>
          tpu.wait_indirect_dma semaphore(%run_scoped3A_43 : memref<!tpu.dma_semaphore, #tpu.memory_space<semaphore_mem>>) src(%arg13 : memref<128x32xf32, #tpu.memory_space<vmem>>) dst(%dma_wait3A_47 : memref<50000x32xf32, #tpu.memory_space<vmem_shared>>)
          tpu.yield
        }) : () -> ()
      }
    } else {
    }
    %barrier3A_8 = arith.constant 0 : index
    tpu.barrier barrier_id(%barrier3A_8)
    %eq3A_9 = arith.constant 0 : i32
    %eq3A_10 = arith.cmpi eq, %arg0, %eq3A_9 : i32
    %convert_element_type3A_11 = arith.extui %eq3A_10 : i1 to i32
    %cond3A_12 = arith.constant 0 : i32
    %cond3A_13 = arith.cmpi ne, %convert_element_type3A_11, %cond3A_12 : i32
    scf.if %cond3A_13 {
      "tpu.region"() ({
        %run_scoped3A = tpu.sem_alloc : memref<!tpu.dma_semaphore, #tpu.memory_space<semaphore_mem>>
        %dma_start3A = arith.constant 0 : i32
        %dma_start3A_19 = tpu.memref_slice %arg7[%mul3A_0, %dma_start3A] : memref<50000x32xf32, #tpu.memory_space<hbm>> -> memref<3125x32xf32, #tpu.memory_space<hbm>>
        %dma_start3A_20 = arith.constant 0 : i32
        %dma_start3A_21 = tpu.memref_slice %arg14[%mul3A_0, %dma_start3A_20] : memref<50000x32xf32, #tpu.memory_space<vmem_shared>> -> memref<3125x32xf32, #tpu.memory_space<vmem_shared>>
        tpu.enqueue_dma source(%dma_start3A_21 : memref<3125x32xf32, #tpu.memory_space<vmem_shared>>) target(%dma_start3A_19 : memref<3125x32xf32, #tpu.memory_space<hbm>>) target_semaphore(%run_scoped3A : memref<!tpu.dma_semaphore, #tpu.memory_space<semaphore_mem>>)
        %dma_wait3A = arith.constant 0 : i32
        %dma_wait3A_22 = tpu.memref_slice %arg7[%mul3A_0, %dma_wait3A] : memref<50000x32xf32, #tpu.memory_space<hbm>> -> memref<3125x32xf32, #tpu.memory_space<hbm>>
        %dma_wait3A_23 = arith.constant 0 : i32
        %dma_wait3A_24 = tpu.memref_slice %arg14[%mul3A_0, %dma_wait3A_23] : memref<50000x32xf32, #tpu.memory_space<vmem_shared>> -> memref<3125x32xf32, #tpu.memory_space<vmem_shared>>
        tpu.wait_dma2 semaphore(%run_scoped3A : memref<!tpu.dma_semaphore, #tpu.memory_space<semaphore_mem>>) src(%dma_wait3A_24 : memref<3125x32xf32, #tpu.memory_space<vmem_shared>>) dst(%dma_wait3A_22 : memref<3125x32xf32, #tpu.memory_space<hbm>>)
        tpu.yield
      }) : () -> ()
    } else {
    }
    %eq3A_14 = arith.constant 1 : i32
    %eq3A_15 = arith.cmpi eq, %arg0, %eq3A_14 : i32
    %convert_element_type3A_16 = arith.extui %eq3A_15 : i1 to i32
    %cond3A_17 = arith.constant 0 : i32
    %cond3A_18 = arith.cmpi ne, %convert_element_type3A_16, %cond3A_17 : i32
    scf.if %cond3A_18 {
      "tpu.region"() ({
        %run_scoped3A = tpu.sem_alloc : memref<!tpu.dma_semaphore, #tpu.memory_space<semaphore_mem>>
        %dma_start3A = arith.constant 0 : i32
        %dma_start3A_19 = tpu.memref_slice %arg8[%mul3A_0, %dma_start3A] : memref<50000x32xf32, #tpu.memory_space<hbm>> -> memref<3125x32xf32, #tpu.memory_space<hbm>>
        %dma_start3A_20 = arith.constant 0 : i32
        %dma_start3A_21 = tpu.memref_slice %arg14[%mul3A_0, %dma_start3A_20] : memref<50000x32xf32, #tpu.memory_space<vmem_shared>> -> memref<3125x32xf32, #tpu.memory_space<vmem_shared>>
        tpu.enqueue_dma source(%dma_start3A_21 : memref<3125x32xf32, #tpu.memory_space<vmem_shared>>) target(%dma_start3A_19 : memref<3125x32xf32, #tpu.memory_space<hbm>>) target_semaphore(%run_scoped3A : memref<!tpu.dma_semaphore, #tpu.memory_space<semaphore_mem>>)
        %dma_wait3A = arith.constant 0 : i32
        %dma_wait3A_22 = tpu.memref_slice %arg8[%mul3A_0, %dma_wait3A] : memref<50000x32xf32, #tpu.memory_space<hbm>> -> memref<3125x32xf32, #tpu.memory_space<hbm>>
        %dma_wait3A_23 = arith.constant 0 : i32
        %dma_wait3A_24 = tpu.memref_slice %arg14[%mul3A_0, %dma_wait3A_23] : memref<50000x32xf32, #tpu.memory_space<vmem_shared>> -> memref<3125x32xf32, #tpu.memory_space<vmem_shared>>
        tpu.wait_dma2 semaphore(%run_scoped3A : memref<!tpu.dma_semaphore, #tpu.memory_space<semaphore_mem>>) src(%dma_wait3A_24 : memref<3125x32xf32, #tpu.memory_space<vmem_shared>>) dst(%dma_wait3A_22 : memref<3125x32xf32, #tpu.memory_space<hbm>>)
        tpu.yield
      }) : () -> ()
    } else {
    }
    return
  }
}

#map = affine_map<(d0, d1) -> (0, 0)>
module attributes {stable_mosaic.version = 14 : i64} {
  func.func @_den(%arg0: i32, %arg1: i32, %arg2: memref<50000x8xf32, #tpu.memory_space<hbm>>, %arg3: memref<50000x8xf32, #tpu.memory_space<hbm>>, %arg4: memref<2x800000xi32, #tpu.memory_space<hbm>>, %arg5: memref<50000x8xf32, #tpu.memory_space<hbm>>, %arg6: memref<50000x8xf32, #tpu.memory_space<hbm>>, %arg7: memref<50000x8xf32, #tpu.memory_space<hbm>>, %arg8: memref<128xi32, #tpu.memory_space<vmem>>, %arg9: memref<128xi32, #tpu.memory_space<vmem>>, %arg10: memref<128x8xf32, #tpu.memory_space<vmem>>, %arg11: memref<128x8xf32, #tpu.memory_space<vmem>>, %arg12: memref<128x8xf32, #tpu.memory_space<vmem>>, %arg13: memref<50000x8xf32, #tpu.memory_space<vmem_shared>>) attributes {dimension_semantics = [#tpu.dimension_semantics<core_parallel>, #tpu.dimension_semantics<subcore_parallel>], iteration_bounds = array<i64: 2, 16>, scalar_prefetch = 0 : i64, scratch_operands = 6 : i64, tpu.core_type = #tpu.core_type<sc_vector_subcore>, window_params = [{transform_indices = #map}, {transform_indices = #map}, {transform_indices = #map}, {transform_indices = #map}, {transform_indices = #map}, {transform_indices = #map}]} {
    %mul3A = arith.constant 3125 : i32
    %mul3A_0 = arith.muli %arg1, %mul3A : i32
    "tpu.region"() ({
      %run_scoped3A = tpu.sem_alloc : memref<!tpu.dma_semaphore, #tpu.memory_space<semaphore_mem>>
      %dma_start3A = arith.constant 0 : i32
      %dma_start3A_33 = tpu.memref_slice %arg13[%mul3A_0, %dma_start3A] : memref<50000x8xf32, #tpu.memory_space<vmem_shared>> -> memref<3125x8xf32, #tpu.memory_space<vmem_shared>>
      %dma_start3A_34 = arith.constant 0 : i32
      %dma_start3A_35 = tpu.memref_slice %arg5[%mul3A_0, %dma_start3A_34] : memref<50000x8xf32, #tpu.memory_space<hbm>> -> memref<3125x8xf32, #tpu.memory_space<hbm>>
      tpu.enqueue_dma source(%dma_start3A_35 : memref<3125x8xf32, #tpu.memory_space<hbm>>) target(%dma_start3A_33 : memref<3125x8xf32, #tpu.memory_space<vmem_shared>>) target_semaphore(%run_scoped3A : memref<!tpu.dma_semaphore, #tpu.memory_space<semaphore_mem>>)
      %dma_wait3A = arith.constant 0 : i32
      %dma_wait3A_36 = tpu.memref_slice %arg13[%mul3A_0, %dma_wait3A] : memref<50000x8xf32, #tpu.memory_space<vmem_shared>> -> memref<3125x8xf32, #tpu.memory_space<vmem_shared>>
      %dma_wait3A_37 = arith.constant 0 : i32
      %dma_wait3A_38 = tpu.memref_slice %arg5[%mul3A_0, %dma_wait3A_37] : memref<50000x8xf32, #tpu.memory_space<hbm>> -> memref<3125x8xf32, #tpu.memory_space<hbm>>
      tpu.wait_dma2 semaphore(%run_scoped3A : memref<!tpu.dma_semaphore, #tpu.memory_space<semaphore_mem>>) src(%dma_wait3A_38 : memref<3125x8xf32, #tpu.memory_space<hbm>>) dst(%dma_wait3A_36 : memref<3125x8xf32, #tpu.memory_space<vmem_shared>>)
      tpu.yield
    }) : () -> ()
    %scan3A = arith.constant 0 : i32
    %scan3A_1 = arith.constant 8 : i32
    %scan3A_2 = arith.addi %scan3A, %scan3A_1 : i32
    %scan3A_3 = arith.constant 1 : i32
    scf.for %scan3A_33 = %scan3A to %scan3A_2 step %scan3A_3  : i32 {
      %mul3A_34 = arith.constant 16 : i32
      %mul3A_35 = arith.muli %scan3A_33, %mul3A_34 : i32
      %add3A_36 = arith.constant 0 : i32
      %add3A_37 = arith.addi %add3A_36, %mul3A_35 : i32
      %iota3A = tpu.iota {dimensions = array<i32: 0>} : vector<16xi32>
      %add3A_38 = vector.broadcast %add3A_37 : i32 to vector<16xi32>
      %add3A_39 = arith.addi %iota3A, %add3A_38 : vector<16xi32>
      %broadcast_in_dim3A = arith.constant 0.000000e+00 : f32
      %broadcast_in_dim3A_40 = vector.broadcast %broadcast_in_dim3A : f32 to vector<16xf32>
      %broadcast_in_dim3A_41 = arith.constant 0 : i32
      %broadcast_in_dim3A_42 = vector.broadcast %broadcast_in_dim3A_41 : i32 to vector<16xi32>
      tpu.vector_store_idx %arg12[%add3A_39, %broadcast_in_dim3A_42], %broadcast_in_dim3A_40 : memref<128x8xf32, #tpu.memory_space<vmem>>[vector<16xi32>, vector<16xi32>], vector<16xf32>,
      %broadcast_in_dim3A_43 = arith.constant 1 : i32
      %broadcast_in_dim3A_44 = vector.broadcast %broadcast_in_dim3A_43 : i32 to vector<16xi32>
      tpu.vector_store_idx %arg12[%add3A_39, %broadcast_in_dim3A_44], %broadcast_in_dim3A_40 : memref<128x8xf32, #tpu.memory_space<vmem>>[vector<16xi32>, vector<16xi32>], vector<16xf32>,
      %broadcast_in_dim3A_45 = arith.constant 2 : i32
      %broadcast_in_dim3A_46 = vector.broadcast %broadcast_in_dim3A_45 : i32 to vector<16xi32>
      tpu.vector_store_idx %arg12[%add3A_39, %broadcast_in_dim3A_46], %broadcast_in_dim3A_40 : memref<128x8xf32, #tpu.memory_space<vmem>>[vector<16xi32>, vector<16xi32>], vector<16xf32>,
      %broadcast_in_dim3A_47 = arith.constant 3 : i32
      %broadcast_in_dim3A_48 = vector.broadcast %broadcast_in_dim3A_47 : i32 to vector<16xi32>
      tpu.vector_store_idx %arg12[%add3A_39, %broadcast_in_dim3A_48], %broadcast_in_dim3A_40 : memref<128x8xf32, #tpu.memory_space<vmem>>[vector<16xi32>, vector<16xi32>], vector<16xf32>,
      %broadcast_in_dim3A_49 = arith.constant 4 : i32
      %broadcast_in_dim3A_50 = vector.broadcast %broadcast_in_dim3A_49 : i32 to vector<16xi32>
      tpu.vector_store_idx %arg12[%add3A_39, %broadcast_in_dim3A_50], %broadcast_in_dim3A_40 : memref<128x8xf32, #tpu.memory_space<vmem>>[vector<16xi32>, vector<16xi32>], vector<16xf32>,
      %broadcast_in_dim3A_51 = arith.constant 5 : i32
      %broadcast_in_dim3A_52 = vector.broadcast %broadcast_in_dim3A_51 : i32 to vector<16xi32>
      tpu.vector_store_idx %arg12[%add3A_39, %broadcast_in_dim3A_52], %broadcast_in_dim3A_40 : memref<128x8xf32, #tpu.memory_space<vmem>>[vector<16xi32>, vector<16xi32>], vector<16xf32>,
      %broadcast_in_dim3A_53 = arith.constant 6 : i32
      %broadcast_in_dim3A_54 = vector.broadcast %broadcast_in_dim3A_53 : i32 to vector<16xi32>
      tpu.vector_store_idx %arg12[%add3A_39, %broadcast_in_dim3A_54], %broadcast_in_dim3A_40 : memref<128x8xf32, #tpu.memory_space<vmem>>[vector<16xi32>, vector<16xi32>], vector<16xf32>,
      %broadcast_in_dim3A_55 = arith.constant 7 : i32
      %broadcast_in_dim3A_56 = vector.broadcast %broadcast_in_dim3A_55 : i32 to vector<16xi32>
      tpu.vector_store_idx %arg12[%add3A_39, %broadcast_in_dim3A_56], %broadcast_in_dim3A_40 : memref<128x8xf32, #tpu.memory_space<vmem>>[vector<16xi32>, vector<16xi32>], vector<16xf32>,
    }
    %scan3A_4 = arith.constant 8 : i32
    %barrier3A = arith.constant 0 : index
    tpu.barrier barrier_id(%barrier3A)
    %mul3A_5 = arith.constant 3125 : i32
    %mul3A_6 = arith.muli %arg0, %mul3A_5 : i32
    %add3A = arith.addi %mul3A_6, %arg1 : i32
    %add3A_7 = arith.constant 1 : i32
    %add3A_8 = arith.addi %arg0, %add3A_7 : i32
    %mul3A_9 = arith.constant 3125 : i32
    %mul3A_10 = arith.muli %add3A_8, %mul3A_9 : i32
    %sub3A = arith.subi %mul3A_10, %add3A : i32
    %sub3A_11 = arith.constant 16 : i32
    %sub3A_12 = arith.constant 1 : i32
    %sub3A_13 = arith.subi %sub3A_11, %sub3A_12 : i32
    %add3A_14 = arith.addi %sub3A, %sub3A_13 : i32
    %div3A = arith.constant 16 : i32
    %div3A_15 = arith.divsi %add3A_14, %div3A : i32
    %while3A = arith.constant 16 : i32
    %while3A_16 = arith.constant 0 : i32
    %while3A_17 = arith.subi %div3A_15, %while3A_16 : i32
    %while3A_18 = arith.addi %while3A_16, %while3A_17 : i32
    %while3A_19 = arith.constant 1 : i32
    %while3A_20 = arith.divsi %while3A_17, %while3A_19 : i32
    %while3A_21 = arith.muli %while3A_20, %while3A_19 : i32
    %while3A_22 = arith.addi %while3A_16, %while3A_21 : i32
    %while3A_23 = arith.constant 1 : i32
    scf.for %while3A_33 = %while3A_16 to %while3A_22 step %while3A_23  : i32 {
      %mul3A_34 = arith.muli %while3A_33, %while3A : i32
      %add3A_35 = arith.addi %add3A, %mul3A_34 : i32
      %mul3A_36 = arith.constant 128 : i32
      %mul3A_37 = arith.muli %add3A_35, %mul3A_36 : i32
      %run_scoped3A = arith.constant 0 : i32
      "tpu.region"() ({
        %run_scoped3A_44 = tpu.sem_alloc : memref<!tpu.dma_semaphore, #tpu.memory_space<semaphore_mem>>
        %dma_start3A = tpu.memref_slice %arg4[%run_scoped3A, %mul3A_37] : memref<2x800000xi32, #tpu.memory_space<hbm>> -> memref<1x128xi32, #tpu.memory_space<hbm>>
        %dma_start3A_45 = tpu.memref_squeeze %dma_start3A : memref<1x128xi32, #tpu.memory_space<hbm>> -> memref<128xi32, #tpu.memory_space<hbm>>
        %dma_start3A_46 = tpu.memref_slice %arg4[%run_scoped3A, %mul3A_37] : memref<2x800000xi32, #tpu.memory_space<hbm>> -> memref<1x128xi32, #tpu.memory_space<hbm>>
        %dma_start3A_47 = tpu.memref_squeeze %dma_start3A_46 : memref<1x128xi32, #tpu.memory_space<hbm>> -> memref<128xi32, #tpu.memory_space<hbm>>
        tpu.enqueue_dma source(%dma_start3A_47 : memref<128xi32, #tpu.memory_space<hbm>>) target(%arg8 : memref<128xi32, #tpu.memory_space<vmem>>) target_semaphore(%run_scoped3A_44 : memref<!tpu.dma_semaphore, #tpu.memory_space<semaphore_mem>>)
        %dma_wait3A = tpu.memref_slice %arg4[%run_scoped3A, %mul3A_37] : memref<2x800000xi32, #tpu.memory_space<hbm>> -> memref<1x128xi32, #tpu.memory_space<hbm>>
        %dma_wait3A_48 = tpu.memref_squeeze %dma_wait3A : memref<1x128xi32, #tpu.memory_space<hbm>> -> memref<128xi32, #tpu.memory_space<hbm>>
        %dma_wait3A_49 = tpu.memref_slice %arg4[%run_scoped3A, %mul3A_37] : memref<2x800000xi32, #tpu.memory_space<hbm>> -> memref<1x128xi32, #tpu.memory_space<hbm>>
        %dma_wait3A_50 = tpu.memref_squeeze %dma_wait3A_49 : memref<1x128xi32, #tpu.memory_space<hbm>> -> memref<128xi32, #tpu.memory_space<hbm>>
        tpu.wait_dma2 semaphore(%run_scoped3A_44 : memref<!tpu.dma_semaphore, #tpu.memory_space<semaphore_mem>>) src(%dma_wait3A_50 : memref<128xi32, #tpu.memory_space<hbm>>) dst(%arg8 : memref<128xi32, #tpu.memory_space<vmem>>)
        tpu.yield
      }) : () -> ()
      %run_scoped3A_38 = arith.constant 1 : i32
      "tpu.region"() ({
        %run_scoped3A_44 = tpu.sem_alloc : memref<!tpu.dma_semaphore, #tpu.memory_space<semaphore_mem>>
        %dma_start3A = tpu.memref_slice %arg4[%run_scoped3A_38, %mul3A_37] : memref<2x800000xi32, #tpu.memory_space<hbm>> -> memref<1x128xi32, #tpu.memory_space<hbm>>
        %dma_start3A_45 = tpu.memref_squeeze %dma_start3A : memref<1x128xi32, #tpu.memory_space<hbm>> -> memref<128xi32, #tpu.memory_space<hbm>>
        %dma_start3A_46 = tpu.memref_slice %arg4[%run_scoped3A_38, %mul3A_37] : memref<2x800000xi32, #tpu.memory_space<hbm>> -> memref<1x128xi32, #tpu.memory_space<hbm>>
        %dma_start3A_47 = tpu.memref_squeeze %dma_start3A_46 : memref<1x128xi32, #tpu.memory_space<hbm>> -> memref<128xi32, #tpu.memory_space<hbm>>
        tpu.enqueue_dma source(%dma_start3A_47 : memref<128xi32, #tpu.memory_space<hbm>>) target(%arg9 : memref<128xi32, #tpu.memory_space<vmem>>) target_semaphore(%run_scoped3A_44 : memref<!tpu.dma_semaphore, #tpu.memory_space<semaphore_mem>>)
        %dma_wait3A = tpu.memref_slice %arg4[%run_scoped3A_38, %mul3A_37] : memref<2x800000xi32, #tpu.memory_space<hbm>> -> memref<1x128xi32, #tpu.memory_space<hbm>>
        %dma_wait3A_48 = tpu.memref_squeeze %dma_wait3A : memref<1x128xi32, #tpu.memory_space<hbm>> -> memref<128xi32, #tpu.memory_space<hbm>>
        %dma_wait3A_49 = tpu.memref_slice %arg4[%run_scoped3A_38, %mul3A_37] : memref<2x800000xi32, #tpu.memory_space<hbm>> -> memref<1x128xi32, #tpu.memory_space<hbm>>
        %dma_wait3A_50 = tpu.memref_squeeze %dma_wait3A_49 : memref<1x128xi32, #tpu.memory_space<hbm>> -> memref<128xi32, #tpu.memory_space<hbm>>
        tpu.wait_dma2 semaphore(%run_scoped3A_44 : memref<!tpu.dma_semaphore, #tpu.memory_space<semaphore_mem>>) src(%dma_wait3A_50 : memref<128xi32, #tpu.memory_space<hbm>>) dst(%arg9 : memref<128xi32, #tpu.memory_space<vmem>>)
        tpu.yield
      }) : () -> ()
      "tpu.region"() ({
        %run_scoped3A_44 = tpu.sem_alloc : memref<!tpu.dma_semaphore, #tpu.memory_space<semaphore_mem>>
        %dma_start3A = arith.constant 0 : i32
        %dma_start3A_45 = arith.constant 0 : i32
        %dma_start3A_46 = tpu.memref_slice %arg2[%dma_start3A, %dma_start3A_45] : memref<50000x8xf32, #tpu.memory_space<hbm>> -> memref<50000x8xf32, #tpu.memory_space<hbm>>
        tpu.enqueue_indirect_dma source(%dma_start3A_46 : memref<50000x8xf32, #tpu.memory_space<hbm>>) target(%arg10 : memref<128x8xf32, #tpu.memory_space<vmem>>) offsets(%arg8 : memref<128xi32, #tpu.memory_space<vmem>>) semaphore(%run_scoped3A_44 : memref<!tpu.dma_semaphore, #tpu.memory_space<semaphore_mem>>)
        %dma_wait3A = arith.constant 0 : i32
        %dma_wait3A_47 = arith.constant 0 : i32
        %dma_wait3A_48 = tpu.memref_slice %arg2[%dma_wait3A, %dma_wait3A_47] : memref<50000x8xf32, #tpu.memory_space<hbm>> -> memref<50000x8xf32, #tpu.memory_space<hbm>>
        tpu.wait_indirect_dma semaphore(%run_scoped3A_44 : memref<!tpu.dma_semaphore, #tpu.memory_space<semaphore_mem>>) src(%dma_wait3A_48 : memref<50000x8xf32, #tpu.memory_space<hbm>>) dst(%arg10 : memref<128x8xf32, #tpu.memory_space<vmem>>)
        tpu.yield
      }) : () -> ()
      "tpu.region"() ({
        %run_scoped3A_44 = tpu.sem_alloc : memref<!tpu.dma_semaphore, #tpu.memory_space<semaphore_mem>>
        %dma_start3A = arith.constant 0 : i32
        %dma_start3A_45 = arith.constant 0 : i32
        %dma_start3A_46 = tpu.memref_slice %arg3[%dma_start3A, %dma_start3A_45] : memref<50000x8xf32, #tpu.memory_space<hbm>> -> memref<50000x8xf32, #tpu.memory_space<hbm>>
        tpu.enqueue_indirect_dma source(%dma_start3A_46 : memref<50000x8xf32, #tpu.memory_space<hbm>>) target(%arg11 : memref<128x8xf32, #tpu.memory_space<vmem>>) offsets(%arg9 : memref<128xi32, #tpu.memory_space<vmem>>) semaphore(%run_scoped3A_44 : memref<!tpu.dma_semaphore, #tpu.memory_space<semaphore_mem>>)
        %dma_wait3A = arith.constant 0 : i32
        %dma_wait3A_47 = arith.constant 0 : i32
        %dma_wait3A_48 = tpu.memref_slice %arg3[%dma_wait3A, %dma_wait3A_47] : memref<50000x8xf32, #tpu.memory_space<hbm>> -> memref<50000x8xf32, #tpu.memory_space<hbm>>
        tpu.wait_indirect_dma semaphore(%run_scoped3A_44 : memref<!tpu.dma_semaphore, #tpu.memory_space<semaphore_mem>>) src(%dma_wait3A_48 : memref<50000x8xf32, #tpu.memory_space<hbm>>) dst(%arg11 : memref<128x8xf32, #tpu.memory_space<vmem>>)
        tpu.yield
      }) : () -> ()
      %scan3A_39 = arith.constant 0 : i32
      %scan3A_40 = arith.constant 8 : i32
      %scan3A_41 = arith.addi %scan3A_39, %scan3A_40 : i32
      %scan3A_42 = arith.constant 1 : i32
      scf.for %scan3A_44 = %scan3A_39 to %scan3A_41 step %scan3A_42  : i32 {
        %mul3A_45 = arith.constant 16 : i32
        %mul3A_46 = arith.muli %scan3A_44, %mul3A_45 : i32
        %add3A_47 = arith.constant 0 : i32
        %add3A_48 = arith.addi %add3A_47, %mul3A_46 : i32
        %iota3A = tpu.iota {dimensions = array<i32: 0>} : vector<16xi32>
        %add3A_49 = vector.broadcast %add3A_48 : i32 to vector<16xi32>
        %add3A_50 = arith.addi %iota3A, %add3A_49 : vector<16xi32>
        %broadcast_in_dim3A = arith.constant 0 : i32
        %broadcast_in_dim3A_51 = vector.broadcast %broadcast_in_dim3A : i32 to vector<16xi32>
        %gather3A = tpu.vector_load_idx %arg10[%add3A_50, %broadcast_in_dim3A_51] : memref<128x8xf32, #tpu.memory_space<vmem>>[vector<16xi32>, vector<16xi32>], vector<16xf32>,
        %gather3A_52 = tpu.vector_load_idx %arg11[%add3A_50, %broadcast_in_dim3A_51] : memref<128x8xf32, #tpu.memory_space<vmem>>[vector<16xi32>, vector<16xi32>], vector<16xf32>,
        %add3A_53 = arith.addf %gather3A, %gather3A_52 : vector<16xf32>
        %ge3A = arith.constant 0.000000e+00 : f32
        %ge3A_54 = vector.broadcast %ge3A : f32 to vector<16xf32>
        %ge3A_55 = arith.cmpf oge, %add3A_53, %ge3A_54 : vector<16xf32>
        %mul3A_56 = arith.constant 2.000000e-01 : f32
        %mul3A_57 = vector.broadcast %mul3A_56 : f32 to vector<16xf32>
        %mul3A_58 = arith.mulf %mul3A_57, %add3A_53 : vector<16xf32>
        %select_n3A = arith.select %ge3A_55, %add3A_53, %mul3A_58 : vector<16xi1>, vector<16xf32>
        %exp3A = math.exp %select_n3A : vector<16xf32>
        tpu.vector_store_idx %arg12[%add3A_50, %broadcast_in_dim3A_51], %exp3A : memref<128x8xf32, #tpu.memory_space<vmem>>[vector<16xi32>, vector<16xi32>], vector<16xf32>,
      }
      %scan3A_43 = arith.constant 8 : i32
      "tpu.region"() ({
        %run_scoped3A_44 = tpu.sem_alloc : memref<!tpu.dma_semaphore, #tpu.memory_space<semaphore_mem>>
        %dma_start3A = arith.constant 0 : i32
        %dma_start3A_45 = arith.constant 0 : i32
        %dma_start3A_46 = tpu.memref_slice %arg13[%dma_start3A, %dma_start3A_45] : memref<50000x8xf32, #tpu.memory_space<vmem_shared>> -> memref<50000x8xf32, #tpu.memory_space<vmem_shared>>
        tpu.enqueue_indirect_dma source(%arg12 : memref<128x8xf32, #tpu.memory_space<vmem>>) target(%dma_start3A_46 : memref<50000x8xf32, #tpu.memory_space<vmem_shared>>) offsets(%arg9 : memref<128xi32, #tpu.memory_space<vmem>>) semaphore(%run_scoped3A_44 : memref<!tpu.dma_semaphore, #tpu.memory_space<semaphore_mem>>) {add = true}
        %dma_wait3A = arith.constant 0 : i32
        %dma_wait3A_47 = arith.constant 0 : i32
        %dma_wait3A_48 = tpu.memref_slice %arg13[%dma_wait3A, %dma_wait3A_47] : memref<50000x8xf32, #tpu.memory_space<vmem_shared>> -> memref<50000x8xf32, #tpu.memory_space<vmem_shared>>
        tpu.wait_indirect_dma semaphore(%run_scoped3A_44 : memref<!tpu.dma_semaphore, #tpu.memory_space<semaphore_mem>>) src(%arg12 : memref<128x8xf32, #tpu.memory_space<vmem>>) dst(%dma_wait3A_48 : memref<50000x8xf32, #tpu.memory_space<vmem_shared>>)
        tpu.yield
      }) : () -> ()
    }
    %while3A_24 = arith.constant 1 : i32
    scf.for %while3A_33 = %while3A_22 to %while3A_18 step %while3A_24  : i32 {
      %mul3A_34 = arith.muli %while3A_33, %while3A : i32
      %add3A_35 = arith.addi %add3A, %mul3A_34 : i32
      %mul3A_36 = arith.constant 128 : i32
      %mul3A_37 = arith.muli %add3A_35, %mul3A_36 : i32
      %run_scoped3A = arith.constant 0 : i32
      "tpu.region"() ({
        %run_scoped3A_44 = tpu.sem_alloc : memref<!tpu.dma_semaphore, #tpu.memory_space<semaphore_mem>>
        %dma_start3A = tpu.memref_slice %arg4[%run_scoped3A, %mul3A_37] : memref<2x800000xi32, #tpu.memory_space<hbm>> -> memref<1x128xi32, #tpu.memory_space<hbm>>
        %dma_start3A_45 = tpu.memref_squeeze %dma_start3A : memref<1x128xi32, #tpu.memory_space<hbm>> -> memref<128xi32, #tpu.memory_space<hbm>>
        %dma_start3A_46 = tpu.memref_slice %arg4[%run_scoped3A, %mul3A_37] : memref<2x800000xi32, #tpu.memory_space<hbm>> -> memref<1x128xi32, #tpu.memory_space<hbm>>
        %dma_start3A_47 = tpu.memref_squeeze %dma_start3A_46 : memref<1x128xi32, #tpu.memory_space<hbm>> -> memref<128xi32, #tpu.memory_space<hbm>>
        tpu.enqueue_dma source(%dma_start3A_47 : memref<128xi32, #tpu.memory_space<hbm>>) target(%arg8 : memref<128xi32, #tpu.memory_space<vmem>>) target_semaphore(%run_scoped3A_44 : memref<!tpu.dma_semaphore, #tpu.memory_space<semaphore_mem>>)
        %dma_wait3A = tpu.memref_slice %arg4[%run_scoped3A, %mul3A_37] : memref<2x800000xi32, #tpu.memory_space<hbm>> -> memref<1x128xi32, #tpu.memory_space<hbm>>
        %dma_wait3A_48 = tpu.memref_squeeze %dma_wait3A : memref<1x128xi32, #tpu.memory_space<hbm>> -> memref<128xi32, #tpu.memory_space<hbm>>
        %dma_wait3A_49 = tpu.memref_slice %arg4[%run_scoped3A, %mul3A_37] : memref<2x800000xi32, #tpu.memory_space<hbm>> -> memref<1x128xi32, #tpu.memory_space<hbm>>
        %dma_wait3A_50 = tpu.memref_squeeze %dma_wait3A_49 : memref<1x128xi32, #tpu.memory_space<hbm>> -> memref<128xi32, #tpu.memory_space<hbm>>
        tpu.wait_dma2 semaphore(%run_scoped3A_44 : memref<!tpu.dma_semaphore, #tpu.memory_space<semaphore_mem>>) src(%dma_wait3A_50 : memref<128xi32, #tpu.memory_space<hbm>>) dst(%arg8 : memref<128xi32, #tpu.memory_space<vmem>>)
        tpu.yield
      }) : () -> ()
      %run_scoped3A_38 = arith.constant 1 : i32
      "tpu.region"() ({
        %run_scoped3A_44 = tpu.sem_alloc : memref<!tpu.dma_semaphore, #tpu.memory_space<semaphore_mem>>
        %dma_start3A = tpu.memref_slice %arg4[%run_scoped3A_38, %mul3A_37] : memref<2x800000xi32, #tpu.memory_space<hbm>> -> memref<1x128xi32, #tpu.memory_space<hbm>>
        %dma_start3A_45 = tpu.memref_squeeze %dma_start3A : memref<1x128xi32, #tpu.memory_space<hbm>> -> memref<128xi32, #tpu.memory_space<hbm>>
        %dma_start3A_46 = tpu.memref_slice %arg4[%run_scoped3A_38, %mul3A_37] : memref<2x800000xi32, #tpu.memory_space<hbm>> -> memref<1x128xi32, #tpu.memory_space<hbm>>
        %dma_start3A_47 = tpu.memref_squeeze %dma_start3A_46 : memref<1x128xi32, #tpu.memory_space<hbm>> -> memref<128xi32, #tpu.memory_space<hbm>>
        tpu.enqueue_dma source(%dma_start3A_47 : memref<128xi32, #tpu.memory_space<hbm>>) target(%arg9 : memref<128xi32, #tpu.memory_space<vmem>>) target_semaphore(%run_scoped3A_44 : memref<!tpu.dma_semaphore, #tpu.memory_space<semaphore_mem>>)
        %dma_wait3A = tpu.memref_slice %arg4[%run_scoped3A_38, %mul3A_37] : memref<2x800000xi32, #tpu.memory_space<hbm>> -> memref<1x128xi32, #tpu.memory_space<hbm>>
        %dma_wait3A_48 = tpu.memref_squeeze %dma_wait3A : memref<1x128xi32, #tpu.memory_space<hbm>> -> memref<128xi32, #tpu.memory_space<hbm>>
        %dma_wait3A_49 = tpu.memref_slice %arg4[%run_scoped3A_38, %mul3A_37] : memref<2x800000xi32, #tpu.memory_space<hbm>> -> memref<1x128xi32, #tpu.memory_space<hbm>>
        %dma_wait3A_50 = tpu.memref_squeeze %dma_wait3A_49 : memref<1x128xi32, #tpu.memory_space<hbm>> -> memref<128xi32, #tpu.memory_space<hbm>>
        tpu.wait_dma2 semaphore(%run_scoped3A_44 : memref<!tpu.dma_semaphore, #tpu.memory_space<semaphore_mem>>) src(%dma_wait3A_50 : memref<128xi32, #tpu.memory_space<hbm>>) dst(%arg9 : memref<128xi32, #tpu.memory_space<vmem>>)
        tpu.yield
      }) : () -> ()
      "tpu.region"() ({
        %run_scoped3A_44 = tpu.sem_alloc : memref<!tpu.dma_semaphore, #tpu.memory_space<semaphore_mem>>
        %dma_start3A = arith.constant 0 : i32
        %dma_start3A_45 = arith.constant 0 : i32
        %dma_start3A_46 = tpu.memref_slice %arg2[%dma_start3A, %dma_start3A_45] : memref<50000x8xf32, #tpu.memory_space<hbm>> -> memref<50000x8xf32, #tpu.memory_space<hbm>>
        tpu.enqueue_indirect_dma source(%dma_start3A_46 : memref<50000x8xf32, #tpu.memory_space<hbm>>) target(%arg10 : memref<128x8xf32, #tpu.memory_space<vmem>>) offsets(%arg8 : memref<128xi32, #tpu.memory_space<vmem>>) semaphore(%run_scoped3A_44 : memref<!tpu.dma_semaphore, #tpu.memory_space<semaphore_mem>>)
        %dma_wait3A = arith.constant 0 : i32
        %dma_wait3A_47 = arith.constant 0 : i32
        %dma_wait3A_48 = tpu.memref_slice %arg2[%dma_wait3A, %dma_wait3A_47] : memref<50000x8xf32, #tpu.memory_space<hbm>> -> memref<50000x8xf32, #tpu.memory_space<hbm>>
        tpu.wait_indirect_dma semaphore(%run_scoped3A_44 : memref<!tpu.dma_semaphore, #tpu.memory_space<semaphore_mem>>) src(%dma_wait3A_48 : memref<50000x8xf32, #tpu.memory_space<hbm>>) dst(%arg10 : memref<128x8xf32, #tpu.memory_space<vmem>>)
        tpu.yield
      }) : () -> ()
      "tpu.region"() ({
        %run_scoped3A_44 = tpu.sem_alloc : memref<!tpu.dma_semaphore, #tpu.memory_space<semaphore_mem>>
        %dma_start3A = arith.constant 0 : i32
        %dma_start3A_45 = arith.constant 0 : i32
        %dma_start3A_46 = tpu.memref_slice %arg3[%dma_start3A, %dma_start3A_45] : memref<50000x8xf32, #tpu.memory_space<hbm>> -> memref<50000x8xf32, #tpu.memory_space<hbm>>
        tpu.enqueue_indirect_dma source(%dma_start3A_46 : memref<50000x8xf32, #tpu.memory_space<hbm>>) target(%arg11 : memref<128x8xf32, #tpu.memory_space<vmem>>) offsets(%arg9 : memref<128xi32, #tpu.memory_space<vmem>>) semaphore(%run_scoped3A_44 : memref<!tpu.dma_semaphore, #tpu.memory_space<semaphore_mem>>)
        %dma_wait3A = arith.constant 0 : i32
        %dma_wait3A_47 = arith.constant 0 : i32
        %dma_wait3A_48 = tpu.memref_slice %arg3[%dma_wait3A, %dma_wait3A_47] : memref<50000x8xf32, #tpu.memory_space<hbm>> -> memref<50000x8xf32, #tpu.memory_space<hbm>>
        tpu.wait_indirect_dma semaphore(%run_scoped3A_44 : memref<!tpu.dma_semaphore, #tpu.memory_space<semaphore_mem>>) src(%dma_wait3A_48 : memref<50000x8xf32, #tpu.memory_space<hbm>>) dst(%arg11 : memref<128x8xf32, #tpu.memory_space<vmem>>)
        tpu.yield
      }) : () -> ()
      %scan3A_39 = arith.constant 0 : i32
      %scan3A_40 = arith.constant 8 : i32
      %scan3A_41 = arith.addi %scan3A_39, %scan3A_40 : i32
      %scan3A_42 = arith.constant 1 : i32
      scf.for %scan3A_44 = %scan3A_39 to %scan3A_41 step %scan3A_42  : i32 {
        %mul3A_45 = arith.constant 16 : i32
        %mul3A_46 = arith.muli %scan3A_44, %mul3A_45 : i32
        %add3A_47 = arith.constant 0 : i32
        %add3A_48 = arith.addi %add3A_47, %mul3A_46 : i32
        %iota3A = tpu.iota {dimensions = array<i32: 0>} : vector<16xi32>
        %add3A_49 = vector.broadcast %add3A_48 : i32 to vector<16xi32>
        %add3A_50 = arith.addi %iota3A, %add3A_49 : vector<16xi32>
        %broadcast_in_dim3A = arith.constant 0 : i32
        %broadcast_in_dim3A_51 = vector.broadcast %broadcast_in_dim3A : i32 to vector<16xi32>
        %gather3A = tpu.vector_load_idx %arg10[%add3A_50, %broadcast_in_dim3A_51] : memref<128x8xf32, #tpu.memory_space<vmem>>[vector<16xi32>, vector<16xi32>], vector<16xf32>,
        %gather3A_52 = tpu.vector_load_idx %arg11[%add3A_50, %broadcast_in_dim3A_51] : memref<128x8xf32, #tpu.memory_space<vmem>>[vector<16xi32>, vector<16xi32>], vector<16xf32>,
        %add3A_53 = arith.addf %gather3A, %gather3A_52 : vector<16xf32>
        %ge3A = arith.constant 0.000000e+00 : f32
        %ge3A_54 = vector.broadcast %ge3A : f32 to vector<16xf32>
        %ge3A_55 = arith.cmpf oge, %add3A_53, %ge3A_54 : vector<16xf32>
        %mul3A_56 = arith.constant 2.000000e-01 : f32
        %mul3A_57 = vector.broadcast %mul3A_56 : f32 to vector<16xf32>
        %mul3A_58 = arith.mulf %mul3A_57, %add3A_53 : vector<16xf32>
        %select_n3A = arith.select %ge3A_55, %add3A_53, %mul3A_58 : vector<16xi1>, vector<16xf32>
        %exp3A = math.exp %select_n3A : vector<16xf32>
        tpu.vector_store_idx %arg12[%add3A_50, %broadcast_in_dim3A_51], %exp3A : memref<128x8xf32, #tpu.memory_space<vmem>>[vector<16xi32>, vector<16xi32>], vector<16xf32>,
      }
      %scan3A_43 = arith.constant 8 : i32
      "tpu.region"() ({
        %run_scoped3A_44 = tpu.sem_alloc : memref<!tpu.dma_semaphore, #tpu.memory_space<semaphore_mem>>
        %dma_start3A = arith.constant 0 : i32
        %dma_start3A_45 = arith.constant 0 : i32
        %dma_start3A_46 = tpu.memref_slice %arg13[%dma_start3A, %dma_start3A_45] : memref<50000x8xf32, #tpu.memory_space<vmem_shared>> -> memref<50000x8xf32, #tpu.memory_space<vmem_shared>>
        tpu.enqueue_indirect_dma source(%arg12 : memref<128x8xf32, #tpu.memory_space<vmem>>) target(%dma_start3A_46 : memref<50000x8xf32, #tpu.memory_space<vmem_shared>>) offsets(%arg9 : memref<128xi32, #tpu.memory_space<vmem>>) semaphore(%run_scoped3A_44 : memref<!tpu.dma_semaphore, #tpu.memory_space<semaphore_mem>>) {add = true}
        %dma_wait3A = arith.constant 0 : i32
        %dma_wait3A_47 = arith.constant 0 : i32
        %dma_wait3A_48 = tpu.memref_slice %arg13[%dma_wait3A, %dma_wait3A_47] : memref<50000x8xf32, #tpu.memory_space<vmem_shared>> -> memref<50000x8xf32, #tpu.memory_space<vmem_shared>>
        tpu.wait_indirect_dma semaphore(%run_scoped3A_44 : memref<!tpu.dma_semaphore, #tpu.memory_space<semaphore_mem>>) src(%arg12 : memref<128x8xf32, #tpu.memory_space<vmem>>) dst(%dma_wait3A_48 : memref<50000x8xf32, #tpu.memory_space<vmem_shared>>)
        tpu.yield
      }) : () -> ()
    }
    %barrier3A_25 = arith.constant 0 : index
    tpu.barrier barrier_id(%barrier3A_25)
    %eq3A = arith.constant 0 : i32
    %eq3A_26 = arith.cmpi eq, %arg0, %eq3A : i32
    %convert_element_type3A = arith.extui %eq3A_26 : i1 to i32
    %cond3A = arith.constant 0 : i32
    %cond3A_27 = arith.cmpi ne, %convert_element_type3A, %cond3A : i32
    scf.if %cond3A_27 {
      "tpu.region"() ({
        %run_scoped3A = tpu.sem_alloc : memref<!tpu.dma_semaphore, #tpu.memory_space<semaphore_mem>>
        %dma_start3A = arith.constant 0 : i32
        %dma_start3A_33 = tpu.memref_slice %arg6[%mul3A_0, %dma_start3A] : memref<50000x8xf32, #tpu.memory_space<hbm>> -> memref<3125x8xf32, #tpu.memory_space<hbm>>
        %dma_start3A_34 = arith.constant 0 : i32
        %dma_start3A_35 = tpu.memref_slice %arg13[%mul3A_0, %dma_start3A_34] : memref<50000x8xf32, #tpu.memory_space<vmem_shared>> -> memref<3125x8xf32, #tpu.memory_space<vmem_shared>>
        tpu.enqueue_dma source(%dma_start3A_35 : memref<3125x8xf32, #tpu.memory_space<vmem_shared>>) target(%dma_start3A_33 : memref<3125x8xf32, #tpu.memory_space<hbm>>) target_semaphore(%run_scoped3A : memref<!tpu.dma_semaphore, #tpu.memory_space<semaphore_mem>>)
        %dma_wait3A = arith.constant 0 : i32
        %dma_wait3A_36 = tpu.memref_slice %arg6[%mul3A_0, %dma_wait3A] : memref<50000x8xf32, #tpu.memory_space<hbm>> -> memref<3125x8xf32, #tpu.memory_space<hbm>>
        %dma_wait3A_37 = arith.constant 0 : i32
        %dma_wait3A_38 = tpu.memref_slice %arg13[%mul3A_0, %dma_wait3A_37] : memref<50000x8xf32, #tpu.memory_space<vmem_shared>> -> memref<3125x8xf32, #tpu.memory_space<vmem_shared>>
        tpu.wait_dma2 semaphore(%run_scoped3A : memref<!tpu.dma_semaphore, #tpu.memory_space<semaphore_mem>>) src(%dma_wait3A_38 : memref<3125x8xf32, #tpu.memory_space<vmem_shared>>) dst(%dma_wait3A_36 : memref<3125x8xf32, #tpu.memory_space<hbm>>)
        tpu.yield
      }) : () -> ()
    } else {
    }
    %eq3A_28 = arith.constant 1 : i32
    %eq3A_29 = arith.cmpi eq, %arg0, %eq3A_28 : i32
    %convert_element_type3A_30 = arith.extui %eq3A_29 : i1 to i32
    %cond3A_31 = arith.constant 0 : i32
    %cond3A_32 = arith.cmpi ne, %convert_element_type3A_30, %cond3A_31 : i32
    scf.if %cond3A_32 {
      "tpu.region"() ({
        %run_scoped3A = tpu.sem_alloc : memref<!tpu.dma_semaphore, #tpu.memory_space<semaphore_mem>>
        %dma_start3A = arith.constant 0 : i32
        %dma_start3A_33 = tpu.memref_slice %arg7[%mul3A_0, %dma_start3A] : memref<50000x8xf32, #tpu.memory_space<hbm>> -> memref<3125x8xf32, #tpu.memory_space<hbm>>
        %dma_start3A_34 = arith.constant 0 : i32
        %dma_start3A_35 = tpu.memref_slice %arg13[%mul3A_0, %dma_start3A_34] : memref<50000x8xf32, #tpu.memory_space<vmem_shared>> -> memref<3125x8xf32, #tpu.memory_space<vmem_shared>>
        tpu.enqueue_dma source(%dma_start3A_35 : memref<3125x8xf32, #tpu.memory_space<vmem_shared>>) target(%dma_start3A_33 : memref<3125x8xf32, #tpu.memory_space<hbm>>) target_semaphore(%run_scoped3A : memref<!tpu.dma_semaphore, #tpu.memory_space<semaphore_mem>>)
        %dma_wait3A = arith.constant 0 : i32
        %dma_wait3A_36 = tpu.memref_slice %arg7[%mul3A_0, %dma_wait3A] : memref<50000x8xf32, #tpu.memory_space<hbm>> -> memref<3125x8xf32, #tpu.memory_space<hbm>>
        %dma_wait3A_37 = arith.constant 0 : i32
        %dma_wait3A_38 = tpu.memref_slice %arg13[%mul3A_0, %dma_wait3A_37] : memref<50000x8xf32, #tpu.memory_space<vmem_shared>> -> memref<3125x8xf32, #tpu.memory_space<vmem_shared>>
        tpu.wait_dma2 semaphore(%run_scoped3A : memref<!tpu.dma_semaphore, #tpu.memory_space<semaphore_mem>>) src(%dma_wait3A_38 : memref<3125x8xf32, #tpu.memory_space<vmem_shared>>) dst(%dma_wait3A_36 : memref<3125x8xf32, #tpu.memory_space<hbm>>)
        tpu.yield
      }) : () -> ()
    } else {
    }
    return
  }
}

#map = affine_map<(d0, d1) -> (0, 0)>
module attributes {stable_mosaic.version = 14 : i64} {
  func.func @_num(%arg0: i32, %arg1: i32, %arg2: memref<50000x40xf32, #tpu.memory_space<hbm>>, %arg3: memref<50000x40xf32, #tpu.memory_space<hbm>>, %arg4: memref<50000x8xf32, #tpu.memory_space<hbm>>, %arg5: memref<2x800000xi32, #tpu.memory_space<hbm>>, %arg6: memref<50000x32xf32, #tpu.memory_space<hbm>>, %arg7: memref<50000x32xf32, #tpu.memory_space<hbm>>, %arg8: memref<50000x32xf32, #tpu.memory_space<hbm>>, %arg9: memref<128xi32, #tpu.memory_space<vmem>>, %arg10: memref<128xi32, #tpu.memory_space<vmem>>, %arg11: memref<128x40xf32, #tpu.memory_space<vmem>>, %arg12: memref<128x8xf32, #tpu.memory_space<vmem>>, %arg13: memref<128x32xf32, #tpu.memory_space<vmem>>, %arg14: memref<50000x32xf32, #tpu.memory_space<vmem_shared>>) attributes {dimension_semantics = [#tpu.dimension_semantics<core_parallel>, #tpu.dimension_semantics<subcore_parallel>], iteration_bounds = array<i64: 2, 16>, scalar_prefetch = 0 : i64, scratch_operands = 6 : i64, tpu.core_type = #tpu.core_type<sc_vector_subcore>, window_params = [{transform_indices = #map}, {transform_indices = #map}, {transform_indices = #map}, {transform_indices = #map}, {transform_indices = #map}, {transform_indices = #map}, {transform_indices = #map}]} {
    %mul3A = arith.constant 3125 : i32
    %mul3A_0 = arith.muli %arg1, %mul3A : i32
    "tpu.region"() ({
      %run_scoped3A = tpu.sem_alloc : memref<!tpu.dma_semaphore, #tpu.memory_space<semaphore_mem>>
      %dma_start3A = arith.constant 0 : i32
      %dma_start3A_19 = tpu.memref_slice %arg14[%mul3A_0, %dma_start3A] : memref<50000x32xf32, #tpu.memory_space<vmem_shared>> -> memref<3125x32xf32, #tpu.memory_space<vmem_shared>>
      %dma_start3A_20 = arith.constant 0 : i32
      %dma_start3A_21 = tpu.memref_slice %arg6[%mul3A_0, %dma_start3A_20] : memref<50000x32xf32, #tpu.memory_space<hbm>> -> memref<3125x32xf32, #tpu.memory_space<hbm>>
      tpu.enqueue_dma source(%dma_start3A_21 : memref<3125x32xf32, #tpu.memory_space<hbm>>) target(%dma_start3A_19 : memref<3125x32xf32, #tpu.memory_space<vmem_shared>>) target_semaphore(%run_scoped3A : memref<!tpu.dma_semaphore, #tpu.memory_space<semaphore_mem>>)
      %dma_wait3A = arith.constant 0 : i32
      %dma_wait3A_22 = tpu.memref_slice %arg14[%mul3A_0, %dma_wait3A] : memref<50000x32xf32, #tpu.memory_space<vmem_shared>> -> memref<3125x32xf32, #tpu.memory_space<vmem_shared>>
      %dma_wait3A_23 = arith.constant 0 : i32
      %dma_wait3A_24 = tpu.memref_slice %arg6[%mul3A_0, %dma_wait3A_23] : memref<50000x32xf32, #tpu.memory_space<hbm>> -> memref<3125x32xf32, #tpu.memory_space<hbm>>
      tpu.wait_dma2 semaphore(%run_scoped3A : memref<!tpu.dma_semaphore, #tpu.memory_space<semaphore_mem>>) src(%dma_wait3A_24 : memref<3125x32xf32, #tpu.memory_space<hbm>>) dst(%dma_wait3A_22 : memref<3125x32xf32, #tpu.memory_space<vmem_shared>>)
      tpu.yield
    }) : () -> ()
    %barrier3A = arith.constant 0 : index
    tpu.barrier barrier_id(%barrier3A)
    %eq3A = arith.constant 0 : i32
    %eq3A_1 = arith.cmpi eq, %arg0, %eq3A : i32
    %convert_element_type3A = arith.extui %eq3A_1 : i1 to i32
    %cond3A = arith.constant 0 : i32
    %cond3A_2 = arith.cmpi ne, %convert_element_type3A, %cond3A : i32
    scf.if %cond3A_2 {
      %sub3A = arith.constant 6250 : i32
      %sub3A_19 = arith.subi %sub3A, %arg1 : i32
      %sub3A_20 = arith.constant 16 : i32
      %sub3A_21 = arith.constant 1 : i32
      %sub3A_22 = arith.subi %sub3A_20, %sub3A_21 : i32
      %add3A = arith.addi %sub3A_19, %sub3A_22 : i32
      %div3A = arith.constant 16 : i32
      %div3A_23 = arith.divsi %add3A, %div3A : i32
      %while3A = arith.constant 16 : i32
      %while3A_24 = arith.constant 0 : i32
      %while3A_25 = arith.subi %div3A_23, %while3A_24 : i32
      %while3A_26 = arith.addi %while3A_24, %while3A_25 : i32
      %while3A_27 = arith.constant 1 : i32
      %while3A_28 = arith.divsi %while3A_25, %while3A_27 : i32
      %while3A_29 = arith.muli %while3A_28, %while3A_27 : i32
      %while3A_30 = arith.addi %while3A_24, %while3A_29 : i32
      %while3A_31 = arith.constant 1 : i32
      scf.for %while3A_33 = %while3A_24 to %while3A_30 step %while3A_31  : i32 {
        %mul3A_34 = arith.muli %while3A_33, %while3A : i32
        %add3A_35 = arith.addi %arg1, %mul3A_34 : i32
        %mul3A_36 = arith.constant 128 : i32
        %mul3A_37 = arith.muli %add3A_35, %mul3A_36 : i32
        %run_scoped3A = arith.constant 0 : i32
        "tpu.region"() ({
          %run_scoped3A_43 = tpu.sem_alloc : memref<!tpu.dma_semaphore, #tpu.memory_space<semaphore_mem>>
          %dma_start3A = tpu.memref_slice %arg5[%run_scoped3A, %mul3A_37] : memref<2x800000xi32, #tpu.memory_space<hbm>> -> memref<1x128xi32, #tpu.memory_space<hbm>>
          %dma_start3A_44 = tpu.memref_squeeze %dma_start3A : memref<1x128xi32, #tpu.memory_space<hbm>> -> memref<128xi32, #tpu.memory_space<hbm>>
          %dma_start3A_45 = tpu.memref_slice %arg5[%run_scoped3A, %mul3A_37] : memref<2x800000xi32, #tpu.memory_space<hbm>> -> memref<1x128xi32, #tpu.memory_space<hbm>>
          %dma_start3A_46 = tpu.memref_squeeze %dma_start3A_45 : memref<1x128xi32, #tpu.memory_space<hbm>> -> memref<128xi32, #tpu.memory_space<hbm>>
          tpu.enqueue_dma source(%dma_start3A_46 : memref<128xi32, #tpu.memory_space<hbm>>) target(%arg9 : memref<128xi32, #tpu.memory_space<vmem>>) target_semaphore(%run_scoped3A_43 : memref<!tpu.dma_semaphore, #tpu.memory_space<semaphore_mem>>)
          %dma_wait3A = tpu.memref_slice %arg5[%run_scoped3A, %mul3A_37] : memref<2x800000xi32, #tpu.memory_space<hbm>> -> memref<1x128xi32, #tpu.memory_space<hbm>>
          %dma_wait3A_47 = tpu.memref_squeeze %dma_wait3A : memref<1x128xi32, #tpu.memory_space<hbm>> -> memref<128xi32, #tpu.memory_space<hbm>>
          %dma_wait3A_48 = tpu.memref_slice %arg5[%run_scoped3A, %mul3A_37] : memref<2x800000xi32, #tpu.memory_space<hbm>> -> memref<1x128xi32, #tpu.memory_space<hbm>>
          %dma_wait3A_49 = tpu.memref_squeeze %dma_wait3A_48 : memref<1x128xi32, #tpu.memory_space<hbm>> -> memref<128xi32, #tpu.memory_space<hbm>>
          tpu.wait_dma2 semaphore(%run_scoped3A_43 : memref<!tpu.dma_semaphore, #tpu.memory_space<semaphore_mem>>) src(%dma_wait3A_49 : memref<128xi32, #tpu.memory_space<hbm>>) dst(%arg9 : memref<128xi32, #tpu.memory_space<vmem>>)
          tpu.yield
        }) : () -> ()
        %run_scoped3A_38 = arith.constant 1 : i32
        "tpu.region"() ({
          %run_scoped3A_43 = tpu.sem_alloc : memref<!tpu.dma_semaphore, #tpu.memory_space<semaphore_mem>>
          %dma_start3A = tpu.memref_slice %arg5[%run_scoped3A_38, %mul3A_37] : memref<2x800000xi32, #tpu.memory_space<hbm>> -> memref<1x128xi32, #tpu.memory_space<hbm>>
          %dma_start3A_44 = tpu.memref_squeeze %dma_start3A : memref<1x128xi32, #tpu.memory_space<hbm>> -> memref<128xi32, #tpu.memory_space<hbm>>
          %dma_start3A_45 = tpu.memref_slice %arg5[%run_scoped3A_38, %mul3A_37] : memref<2x800000xi32, #tpu.memory_space<hbm>> -> memref<1x128xi32, #tpu.memory_space<hbm>>
          %dma_start3A_46 = tpu.memref_squeeze %dma_start3A_45 : memref<1x128xi32, #tpu.memory_space<hbm>> -> memref<128xi32, #tpu.memory_space<hbm>>
          tpu.enqueue_dma source(%dma_start3A_46 : memref<128xi32, #tpu.memory_space<hbm>>) target(%arg10 : memref<128xi32, #tpu.memory_space<vmem>>) target_semaphore(%run_scoped3A_43 : memref<!tpu.dma_semaphore, #tpu.memory_space<semaphore_mem>>)
          %dma_wait3A = tpu.memref_slice %arg5[%run_scoped3A_38, %mul3A_37] : memref<2x800000xi32, #tpu.memory_space<hbm>> -> memref<1x128xi32, #tpu.memory_space<hbm>>
          %dma_wait3A_47 = tpu.memref_squeeze %dma_wait3A : memref<1x128xi32, #tpu.memory_space<hbm>> -> memref<128xi32, #tpu.memory_space<hbm>>
          %dma_wait3A_48 = tpu.memref_slice %arg5[%run_scoped3A_38, %mul3A_37] : memref<2x800000xi32, #tpu.memory_space<hbm>> -> memref<1x128xi32, #tpu.memory_space<hbm>>
          %dma_wait3A_49 = tpu.memref_squeeze %dma_wait3A_48 : memref<1x128xi32, #tpu.memory_space<hbm>> -> memref<128xi32, #tpu.memory_space<hbm>>
          tpu.wait_dma2 semaphore(%run_scoped3A_43 : memref<!tpu.dma_semaphore, #tpu.memory_space<semaphore_mem>>) src(%dma_wait3A_49 : memref<128xi32, #tpu.memory_space<hbm>>) dst(%arg10 : memref<128xi32, #tpu.memory_space<vmem>>)
          tpu.yield
        }) : () -> ()
        "tpu.region"() ({
          %run_scoped3A_43 = tpu.sem_alloc : memref<!tpu.dma_semaphore, #tpu.memory_space<semaphore_mem>>
          %dma_start3A = arith.constant 0 : i32
          %dma_start3A_44 = arith.constant 0 : i32
          %dma_start3A_45 = tpu.memref_slice %arg2[%dma_start3A, %dma_start3A_44] : memref<50000x40xf32, #tpu.memory_space<hbm>> -> memref<50000x40xf32, #tpu.memory_space<hbm>>
          tpu.enqueue_indirect_dma source(%dma_start3A_45 : memref<50000x40xf32, #tpu.memory_space<hbm>>) target(%arg11 : memref<128x40xf32, #tpu.memory_space<vmem>>) offsets(%arg9 : memref<128xi32, #tpu.memory_space<vmem>>) semaphore(%run_scoped3A_43 : memref<!tpu.dma_semaphore, #tpu.memory_space<semaphore_mem>>)
          %dma_wait3A = arith.constant 0 : i32
          %dma_wait3A_46 = arith.constant 0 : i32
          %dma_wait3A_47 = tpu.memref_slice %arg2[%dma_wait3A, %dma_wait3A_46] : memref<50000x40xf32, #tpu.memory_space<hbm>> -> memref<50000x40xf32, #tpu.memory_space<hbm>>
          tpu.wait_indirect_dma semaphore(%run_scoped3A_43 : memref<!tpu.dma_semaphore, #tpu.memory_space<semaphore_mem>>) src(%dma_wait3A_47 : memref<50000x40xf32, #tpu.memory_space<hbm>>) dst(%arg11 : memref<128x40xf32, #tpu.memory_space<vmem>>)
          tpu.yield
        }) : () -> ()
        "tpu.region"() ({
          %run_scoped3A_43 = tpu.sem_alloc : memref<!tpu.dma_semaphore, #tpu.memory_space<semaphore_mem>>
          %dma_start3A = arith.constant 0 : i32
          %dma_start3A_44 = arith.constant 0 : i32
          %dma_start3A_45 = tpu.memref_slice %arg4[%dma_start3A, %dma_start3A_44] : memref<50000x8xf32, #tpu.memory_space<hbm>> -> memref<50000x8xf32, #tpu.memory_space<hbm>>
          tpu.enqueue_indirect_dma source(%dma_start3A_45 : memref<50000x8xf32, #tpu.memory_space<hbm>>) target(%arg12 : memref<128x8xf32, #tpu.memory_space<vmem>>) offsets(%arg10 : memref<128xi32, #tpu.memory_space<vmem>>) semaphore(%run_scoped3A_43 : memref<!tpu.dma_semaphore, #tpu.memory_space<semaphore_mem>>)
          %dma_wait3A = arith.constant 0 : i32
          %dma_wait3A_46 = arith.constant 0 : i32
          %dma_wait3A_47 = tpu.memref_slice %arg4[%dma_wait3A, %dma_wait3A_46] : memref<50000x8xf32, #tpu.memory_space<hbm>> -> memref<50000x8xf32, #tpu.memory_space<hbm>>
          tpu.wait_indirect_dma semaphore(%run_scoped3A_43 : memref<!tpu.dma_semaphore, #tpu.memory_space<semaphore_mem>>) src(%dma_wait3A_47 : memref<50000x8xf32, #tpu.memory_space<hbm>>) dst(%arg12 : memref<128x8xf32, #tpu.memory_space<vmem>>)
          tpu.yield
        }) : () -> ()
        %scan3A = arith.constant 0 : i32
        %scan3A_39 = arith.constant 8 : i32
        %scan3A_40 = arith.addi %scan3A, %scan3A_39 : i32
        %scan3A_41 = arith.constant 1 : i32
        scf.for %scan3A_43 = %scan3A to %scan3A_40 step %scan3A_41  : i32 {
          %mul3A_44 = arith.constant 16 : i32
          %mul3A_45 = arith.muli %scan3A_43, %mul3A_44 : i32
          %add3A_46 = arith.constant 0 : i32
          %add3A_47 = arith.addi %add3A_46, %mul3A_45 : i32
          %iota3A = tpu.iota {dimensions = array<i32: 0>} : vector<16xi32>
          %add3A_48 = vector.broadcast %add3A_47 : i32 to vector<16xi32>
          %add3A_49 = arith.addi %iota3A, %add3A_48 : vector<16xi32>
          %broadcast_in_dim3A = arith.constant 32 : i32
          %broadcast_in_dim3A_50 = vector.broadcast %broadcast_in_dim3A : i32 to vector<16xi32>
          %gather3A = tpu.vector_load_idx %arg11[%add3A_49, %broadcast_in_dim3A_50] : memref<128x40xf32, #tpu.memory_space<vmem>>[vector<16xi32>, vector<16xi32>], vector<16xf32>,
          %broadcast_in_dim3A_51 = arith.constant 0 : i32
          %broadcast_in_dim3A_52 = vector.broadcast %broadcast_in_dim3A_51 : i32 to vector<16xi32>
          %gather3A_53 = tpu.vector_load_idx %arg12[%add3A_49, %broadcast_in_dim3A_52] : memref<128x8xf32, #tpu.memory_space<vmem>>[vector<16xi32>, vector<16xi32>], vector<16xf32>,
          %add3A_54 = arith.addf %gather3A, %gather3A_53 : vector<16xf32>
          %ge3A = arith.constant 0.000000e+00 : f32
          %ge3A_55 = vector.broadcast %ge3A : f32 to vector<16xf32>
          %ge3A_56 = arith.cmpf oge, %add3A_54, %ge3A_55 : vector<16xf32>
          %mul3A_57 = arith.constant 2.000000e-01 : f32
          %mul3A_58 = vector.broadcast %mul3A_57 : f32 to vector<16xf32>
          %mul3A_59 = arith.mulf %mul3A_58, %add3A_54 : vector<16xf32>
          %select_n3A = arith.select %ge3A_56, %add3A_54, %mul3A_59 : vector<16xi1>, vector<16xf32>
          %exp3A = math.exp %select_n3A : vector<16xf32>
          %scan3A_60 = arith.constant 0 : i32
          %scan3A_61 = arith.constant 32 : i32
          %scan3A_62 = arith.addi %scan3A_60, %scan3A_61 : i32
          %scan3A_63 = arith.constant 1 : i32
          scf.for %scan3A_65 = %scan3A_60 to %scan3A_62 step %scan3A_63  : i32 {
            %mul3A_66 = arith.constant 1 : i32
            %mul3A_67 = arith.muli %scan3A_65, %mul3A_66 : i32
            %add3A_68 = arith.constant 0 : i32
            %add3A_69 = arith.addi %add3A_68, %mul3A_67 : i32
            %broadcast_in_dim3A_70 = arith.constant 0 : i32
            %broadcast_in_dim3A_71 = vector.broadcast %broadcast_in_dim3A_70 : i32 to vector<16xi32>
            %add3A_72 = vector.broadcast %add3A_69 : i32 to vector<16xi32>
            %add3A_73 = arith.addi %broadcast_in_dim3A_71, %add3A_72 : vector<16xi32>
            %gather3A_74 = tpu.vector_load_idx %arg11[%add3A_49, %add3A_73] : memref<128x40xf32, #tpu.memory_space<vmem>>[vector<16xi32>, vector<16xi32>], vector<16xf32>,
            %mul3A_75 = arith.mulf %exp3A, %gather3A_74 : vector<16xf32>
            tpu.vector_store_idx %arg13[%add3A_49, %add3A_73], %mul3A_75 : memref<128x32xf32, #tpu.memory_space<vmem>>[vector<16xi32>, vector<16xi32>], vector<16xf32>,
          }
          %scan3A_64 = arith.constant 32 : i32
        }
        %scan3A_42 = arith.constant 8 : i32
        "tpu.region"() ({
          %run_scoped3A_43 = tpu.sem_alloc : memref<!tpu.dma_semaphore, #tpu.memory_space<semaphore_mem>>
          %dma_start3A = arith.constant 0 : i32
          %dma_start3A_44 = arith.constant 0 : i32
          %dma_start3A_45 = tpu.memref_slice %arg14[%dma_start3A, %dma_start3A_44] : memref<50000x32xf32, #tpu.memory_space<vmem_shared>> -> memref<50000x32xf32, #tpu.memory_space<vmem_shared>>
          tpu.enqueue_indirect_dma source(%arg13 : memref<128x32xf32, #tpu.memory_space<vmem>>) target(%dma_start3A_45 : memref<50000x32xf32, #tpu.memory_space<vmem_shared>>) offsets(%arg10 : memref<128xi32, #tpu.memory_space<vmem>>) semaphore(%run_scoped3A_43 : memref<!tpu.dma_semaphore, #tpu.memory_space<semaphore_mem>>) {add = true}
          %dma_wait3A = arith.constant 0 : i32
          %dma_wait3A_46 = arith.constant 0 : i32
          %dma_wait3A_47 = tpu.memref_slice %arg14[%dma_wait3A, %dma_wait3A_46] : memref<50000x32xf32, #tpu.memory_space<vmem_shared>> -> memref<50000x32xf32, #tpu.memory_space<vmem_shared>>
          tpu.wait_indirect_dma semaphore(%run_scoped3A_43 : memref<!tpu.dma_semaphore, #tpu.memory_space<semaphore_mem>>) src(%arg13 : memref<128x32xf32, #tpu.memory_space<vmem>>) dst(%dma_wait3A_47 : memref<50000x32xf32, #tpu.memory_space<vmem_shared>>)
          tpu.yield
        }) : () -> ()
      }
      %while3A_32 = arith.constant 1 : i32
      scf.for %while3A_33 = %while3A_30 to %while3A_26 step %while3A_32  : i32 {
        %mul3A_34 = arith.muli %while3A_33, %while3A : i32
        %add3A_35 = arith.addi %arg1, %mul3A_34 : i32
        %mul3A_36 = arith.constant 128 : i32
        %mul3A_37 = arith.muli %add3A_35, %mul3A_36 : i32
        %run_scoped3A = arith.constant 0 : i32
        "tpu.region"() ({
          %run_scoped3A_43 = tpu.sem_alloc : memref<!tpu.dma_semaphore, #tpu.memory_space<semaphore_mem>>
          %dma_start3A = tpu.memref_slice %arg5[%run_scoped3A, %mul3A_37] : memref<2x800000xi32, #tpu.memory_space<hbm>> -> memref<1x128xi32, #tpu.memory_space<hbm>>
          %dma_start3A_44 = tpu.memref_squeeze %dma_start3A : memref<1x128xi32, #tpu.memory_space<hbm>> -> memref<128xi32, #tpu.memory_space<hbm>>
          %dma_start3A_45 = tpu.memref_slice %arg5[%run_scoped3A, %mul3A_37] : memref<2x800000xi32, #tpu.memory_space<hbm>> -> memref<1x128xi32, #tpu.memory_space<hbm>>
          %dma_start3A_46 = tpu.memref_squeeze %dma_start3A_45 : memref<1x128xi32, #tpu.memory_space<hbm>> -> memref<128xi32, #tpu.memory_space<hbm>>
          tpu.enqueue_dma source(%dma_start3A_46 : memref<128xi32, #tpu.memory_space<hbm>>) target(%arg9 : memref<128xi32, #tpu.memory_space<vmem>>) target_semaphore(%run_scoped3A_43 : memref<!tpu.dma_semaphore, #tpu.memory_space<semaphore_mem>>)
          %dma_wait3A = tpu.memref_slice %arg5[%run_scoped3A, %mul3A_37] : memref<2x800000xi32, #tpu.memory_space<hbm>> -> memref<1x128xi32, #tpu.memory_space<hbm>>
          %dma_wait3A_47 = tpu.memref_squeeze %dma_wait3A : memref<1x128xi32, #tpu.memory_space<hbm>> -> memref<128xi32, #tpu.memory_space<hbm>>
          %dma_wait3A_48 = tpu.memref_slice %arg5[%run_scoped3A, %mul3A_37] : memref<2x800000xi32, #tpu.memory_space<hbm>> -> memref<1x128xi32, #tpu.memory_space<hbm>>
          %dma_wait3A_49 = tpu.memref_squeeze %dma_wait3A_48 : memref<1x128xi32, #tpu.memory_space<hbm>> -> memref<128xi32, #tpu.memory_space<hbm>>
          tpu.wait_dma2 semaphore(%run_scoped3A_43 : memref<!tpu.dma_semaphore, #tpu.memory_space<semaphore_mem>>) src(%dma_wait3A_49 : memref<128xi32, #tpu.memory_space<hbm>>) dst(%arg9 : memref<128xi32, #tpu.memory_space<vmem>>)
          tpu.yield
        }) : () -> ()
        %run_scoped3A_38 = arith.constant 1 : i32
        "tpu.region"() ({
          %run_scoped3A_43 = tpu.sem_alloc : memref<!tpu.dma_semaphore, #tpu.memory_space<semaphore_mem>>
          %dma_start3A = tpu.memref_slice %arg5[%run_scoped3A_38, %mul3A_37] : memref<2x800000xi32, #tpu.memory_space<hbm>> -> memref<1x128xi32, #tpu.memory_space<hbm>>
          %dma_start3A_44 = tpu.memref_squeeze %dma_start3A : memref<1x128xi32, #tpu.memory_space<hbm>> -> memref<128xi32, #tpu.memory_space<hbm>>
          %dma_start3A_45 = tpu.memref_slice %arg5[%run_scoped3A_38, %mul3A_37] : memref<2x800000xi32, #tpu.memory_space<hbm>> -> memref<1x128xi32, #tpu.memory_space<hbm>>
          %dma_start3A_46 = tpu.memref_squeeze %dma_start3A_45 : memref<1x128xi32, #tpu.memory_space<hbm>> -> memref<128xi32, #tpu.memory_space<hbm>>
          tpu.enqueue_dma source(%dma_start3A_46 : memref<128xi32, #tpu.memory_space<hbm>>) target(%arg10 : memref<128xi32, #tpu.memory_space<vmem>>) target_semaphore(%run_scoped3A_43 : memref<!tpu.dma_semaphore, #tpu.memory_space<semaphore_mem>>)
          %dma_wait3A = tpu.memref_slice %arg5[%run_scoped3A_38, %mul3A_37] : memref<2x800000xi32, #tpu.memory_space<hbm>> -> memref<1x128xi32, #tpu.memory_space<hbm>>
          %dma_wait3A_47 = tpu.memref_squeeze %dma_wait3A : memref<1x128xi32, #tpu.memory_space<hbm>> -> memref<128xi32, #tpu.memory_space<hbm>>
          %dma_wait3A_48 = tpu.memref_slice %arg5[%run_scoped3A_38, %mul3A_37] : memref<2x800000xi32, #tpu.memory_space<hbm>> -> memref<1x128xi32, #tpu.memory_space<hbm>>
          %dma_wait3A_49 = tpu.memref_squeeze %dma_wait3A_48 : memref<1x128xi32, #tpu.memory_space<hbm>> -> memref<128xi32, #tpu.memory_space<hbm>>
          tpu.wait_dma2 semaphore(%run_scoped3A_43 : memref<!tpu.dma_semaphore, #tpu.memory_space<semaphore_mem>>) src(%dma_wait3A_49 : memref<128xi32, #tpu.memory_space<hbm>>) dst(%arg10 : memref<128xi32, #tpu.memory_space<vmem>>)
          tpu.yield
        }) : () -> ()
        "tpu.region"() ({
          %run_scoped3A_43 = tpu.sem_alloc : memref<!tpu.dma_semaphore, #tpu.memory_space<semaphore_mem>>
          %dma_start3A = arith.constant 0 : i32
          %dma_start3A_44 = arith.constant 0 : i32
          %dma_start3A_45 = tpu.memref_slice %arg2[%dma_start3A, %dma_start3A_44] : memref<50000x40xf32, #tpu.memory_space<hbm>> -> memref<50000x40xf32, #tpu.memory_space<hbm>>
          tpu.enqueue_indirect_dma source(%dma_start3A_45 : memref<50000x40xf32, #tpu.memory_space<hbm>>) target(%arg11 : memref<128x40xf32, #tpu.memory_space<vmem>>) offsets(%arg9 : memref<128xi32, #tpu.memory_space<vmem>>) semaphore(%run_scoped3A_43 : memref<!tpu.dma_semaphore, #tpu.memory_space<semaphore_mem>>)
          %dma_wait3A = arith.constant 0 : i32
          %dma_wait3A_46 = arith.constant 0 : i32
          %dma_wait3A_47 = tpu.memref_slice %arg2[%dma_wait3A, %dma_wait3A_46] : memref<50000x40xf32, #tpu.memory_space<hbm>> -> memref<50000x40xf32, #tpu.memory_space<hbm>>
          tpu.wait_indirect_dma semaphore(%run_scoped3A_43 : memref<!tpu.dma_semaphore, #tpu.memory_space<semaphore_mem>>) src(%dma_wait3A_47 : memref<50000x40xf32, #tpu.memory_space<hbm>>) dst(%arg11 : memref<128x40xf32, #tpu.memory_space<vmem>>)
          tpu.yield
        }) : () -> ()
        "tpu.region"() ({
          %run_scoped3A_43 = tpu.sem_alloc : memref<!tpu.dma_semaphore, #tpu.memory_space<semaphore_mem>>
          %dma_start3A = arith.constant 0 : i32
          %dma_start3A_44 = arith.constant 0 : i32
          %dma_start3A_45 = tpu.memref_slice %arg4[%dma_start3A, %dma_start3A_44] : memref<50000x8xf32, #tpu.memory_space<hbm>> -> memref<50000x8xf32, #tpu.memory_space<hbm>>
          tpu.enqueue_indirect_dma source(%dma_start3A_45 : memref<50000x8xf32, #tpu.memory_space<hbm>>) target(%arg12 : memref<128x8xf32, #tpu.memory_space<vmem>>) offsets(%arg10 : memref<128xi32, #tpu.memory_space<vmem>>) semaphore(%run_scoped3A_43 : memref<!tpu.dma_semaphore, #tpu.memory_space<semaphore_mem>>)
          %dma_wait3A = arith.constant 0 : i32
          %dma_wait3A_46 = arith.constant 0 : i32
          %dma_wait3A_47 = tpu.memref_slice %arg4[%dma_wait3A, %dma_wait3A_46] : memref<50000x8xf32, #tpu.memory_space<hbm>> -> memref<50000x8xf32, #tpu.memory_space<hbm>>
          tpu.wait_indirect_dma semaphore(%run_scoped3A_43 : memref<!tpu.dma_semaphore, #tpu.memory_space<semaphore_mem>>) src(%dma_wait3A_47 : memref<50000x8xf32, #tpu.memory_space<hbm>>) dst(%arg12 : memref<128x8xf32, #tpu.memory_space<vmem>>)
          tpu.yield
        }) : () -> ()
        %scan3A = arith.constant 0 : i32
        %scan3A_39 = arith.constant 8 : i32
        %scan3A_40 = arith.addi %scan3A, %scan3A_39 : i32
        %scan3A_41 = arith.constant 1 : i32
        scf.for %scan3A_43 = %scan3A to %scan3A_40 step %scan3A_41  : i32 {
          %mul3A_44 = arith.constant 16 : i32
          %mul3A_45 = arith.muli %scan3A_43, %mul3A_44 : i32
          %add3A_46 = arith.constant 0 : i32
          %add3A_47 = arith.addi %add3A_46, %mul3A_45 : i32
          %iota3A = tpu.iota {dimensions = array<i32: 0>} : vector<16xi32>
          %add3A_48 = vector.broadcast %add3A_47 : i32 to vector<16xi32>
          %add3A_49 = arith.addi %iota3A, %add3A_48 : vector<16xi32>
          %broadcast_in_dim3A = arith.constant 32 : i32
          %broadcast_in_dim3A_50 = vector.broadcast %broadcast_in_dim3A : i32 to vector<16xi32>
          %gather3A = tpu.vector_load_idx %arg11[%add3A_49, %broadcast_in_dim3A_50] : memref<128x40xf32, #tpu.memory_space<vmem>>[vector<16xi32>, vector<16xi32>], vector<16xf32>,
          %broadcast_in_dim3A_51 = arith.constant 0 : i32
          %broadcast_in_dim3A_52 = vector.broadcast %broadcast_in_dim3A_51 : i32 to vector<16xi32>
          %gather3A_53 = tpu.vector_load_idx %arg12[%add3A_49, %broadcast_in_dim3A_52] : memref<128x8xf32, #tpu.memory_space<vmem>>[vector<16xi32>, vector<16xi32>], vector<16xf32>,
          %add3A_54 = arith.addf %gather3A, %gather3A_53 : vector<16xf32>
          %ge3A = arith.constant 0.000000e+00 : f32
          %ge3A_55 = vector.broadcast %ge3A : f32 to vector<16xf32>
          %ge3A_56 = arith.cmpf oge, %add3A_54, %ge3A_55 : vector<16xf32>
          %mul3A_57 = arith.constant 2.000000e-01 : f32
          %mul3A_58 = vector.broadcast %mul3A_57 : f32 to vector<16xf32>
          %mul3A_59 = arith.mulf %mul3A_58, %add3A_54 : vector<16xf32>
          %select_n3A = arith.select %ge3A_56, %add3A_54, %mul3A_59 : vector<16xi1>, vector<16xf32>
          %exp3A = math.exp %select_n3A : vector<16xf32>
          %scan3A_60 = arith.constant 0 : i32
          %scan3A_61 = arith.constant 32 : i32
          %scan3A_62 = arith.addi %scan3A_60, %scan3A_61 : i32
          %scan3A_63 = arith.constant 1 : i32
          scf.for %scan3A_65 = %scan3A_60 to %scan3A_62 step %scan3A_63  : i32 {
            %mul3A_66 = arith.constant 1 : i32
            %mul3A_67 = arith.muli %scan3A_65, %mul3A_66 : i32
            %add3A_68 = arith.constant 0 : i32
            %add3A_69 = arith.addi %add3A_68, %mul3A_67 : i32
            %broadcast_in_dim3A_70 = arith.constant 0 : i32
            %broadcast_in_dim3A_71 = vector.broadcast %broadcast_in_dim3A_70 : i32 to vector<16xi32>
            %add3A_72 = vector.broadcast %add3A_69 : i32 to vector<16xi32>
            %add3A_73 = arith.addi %broadcast_in_dim3A_71, %add3A_72 : vector<16xi32>
            %gather3A_74 = tpu.vector_load_idx %arg11[%add3A_49, %add3A_73] : memref<128x40xf32, #tpu.memory_space<vmem>>[vector<16xi32>, vector<16xi32>], vector<16xf32>,
            %mul3A_75 = arith.mulf %exp3A, %gather3A_74 : vector<16xf32>
            tpu.vector_store_idx %arg13[%add3A_49, %add3A_73], %mul3A_75 : memref<128x32xf32, #tpu.memory_space<vmem>>[vector<16xi32>, vector<16xi32>], vector<16xf32>,
          }
          %scan3A_64 = arith.constant 32 : i32
        }
        %scan3A_42 = arith.constant 8 : i32
        "tpu.region"() ({
          %run_scoped3A_43 = tpu.sem_alloc : memref<!tpu.dma_semaphore, #tpu.memory_space<semaphore_mem>>
          %dma_start3A = arith.constant 0 : i32
          %dma_start3A_44 = arith.constant 0 : i32
          %dma_start3A_45 = tpu.memref_slice %arg14[%dma_start3A, %dma_start3A_44] : memref<50000x32xf32, #tpu.memory_space<vmem_shared>> -> memref<50000x32xf32, #tpu.memory_space<vmem_shared>>
          tpu.enqueue_indirect_dma source(%arg13 : memref<128x32xf32, #tpu.memory_space<vmem>>) target(%dma_start3A_45 : memref<50000x32xf32, #tpu.memory_space<vmem_shared>>) offsets(%arg10 : memref<128xi32, #tpu.memory_space<vmem>>) semaphore(%run_scoped3A_43 : memref<!tpu.dma_semaphore, #tpu.memory_space<semaphore_mem>>) {add = true}
          %dma_wait3A = arith.constant 0 : i32
          %dma_wait3A_46 = arith.constant 0 : i32
          %dma_wait3A_47 = tpu.memref_slice %arg14[%dma_wait3A, %dma_wait3A_46] : memref<50000x32xf32, #tpu.memory_space<vmem_shared>> -> memref<50000x32xf32, #tpu.memory_space<vmem_shared>>
          tpu.wait_indirect_dma semaphore(%run_scoped3A_43 : memref<!tpu.dma_semaphore, #tpu.memory_space<semaphore_mem>>) src(%arg13 : memref<128x32xf32, #tpu.memory_space<vmem>>) dst(%dma_wait3A_47 : memref<50000x32xf32, #tpu.memory_space<vmem_shared>>)
          tpu.yield
        }) : () -> ()
      }
    } else {
    }
    %eq3A_3 = arith.constant 1 : i32
    %eq3A_4 = arith.cmpi eq, %arg0, %eq3A_3 : i32
    %convert_element_type3A_5 = arith.extui %eq3A_4 : i1 to i32
    %cond3A_6 = arith.constant 0 : i32
    %cond3A_7 = arith.cmpi ne, %convert_element_type3A_5, %cond3A_6 : i32
    scf.if %cond3A_7 {
      %sub3A = arith.constant 6250 : i32
      %sub3A_19 = arith.subi %sub3A, %arg1 : i32
      %sub3A_20 = arith.constant 16 : i32
      %sub3A_21 = arith.constant 1 : i32
      %sub3A_22 = arith.subi %sub3A_20, %sub3A_21 : i32
      %add3A = arith.addi %sub3A_19, %sub3A_22 : i32
      %div3A = arith.constant 16 : i32
      %div3A_23 = arith.divsi %add3A, %div3A : i32
      %while3A = arith.constant 16 : i32
      %while3A_24 = arith.constant 0 : i32
      %while3A_25 = arith.subi %div3A_23, %while3A_24 : i32
      %while3A_26 = arith.addi %while3A_24, %while3A_25 : i32
      %while3A_27 = arith.constant 1 : i32
      %while3A_28 = arith.divsi %while3A_25, %while3A_27 : i32
      %while3A_29 = arith.muli %while3A_28, %while3A_27 : i32
      %while3A_30 = arith.addi %while3A_24, %while3A_29 : i32
      %while3A_31 = arith.constant 1 : i32
      scf.for %while3A_33 = %while3A_24 to %while3A_30 step %while3A_31  : i32 {
        %mul3A_34 = arith.muli %while3A_33, %while3A : i32
        %add3A_35 = arith.addi %arg1, %mul3A_34 : i32
        %mul3A_36 = arith.constant 128 : i32
        %mul3A_37 = arith.muli %add3A_35, %mul3A_36 : i32
        %run_scoped3A = arith.constant 0 : i32
        "tpu.region"() ({
          %run_scoped3A_43 = tpu.sem_alloc : memref<!tpu.dma_semaphore, #tpu.memory_space<semaphore_mem>>
          %dma_start3A = tpu.memref_slice %arg5[%run_scoped3A, %mul3A_37] : memref<2x800000xi32, #tpu.memory_space<hbm>> -> memref<1x128xi32, #tpu.memory_space<hbm>>
          %dma_start3A_44 = tpu.memref_squeeze %dma_start3A : memref<1x128xi32, #tpu.memory_space<hbm>> -> memref<128xi32, #tpu.memory_space<hbm>>
          %dma_start3A_45 = tpu.memref_slice %arg5[%run_scoped3A, %mul3A_37] : memref<2x800000xi32, #tpu.memory_space<hbm>> -> memref<1x128xi32, #tpu.memory_space<hbm>>
          %dma_start3A_46 = tpu.memref_squeeze %dma_start3A_45 : memref<1x128xi32, #tpu.memory_space<hbm>> -> memref<128xi32, #tpu.memory_space<hbm>>
          tpu.enqueue_dma source(%dma_start3A_46 : memref<128xi32, #tpu.memory_space<hbm>>) target(%arg9 : memref<128xi32, #tpu.memory_space<vmem>>) target_semaphore(%run_scoped3A_43 : memref<!tpu.dma_semaphore, #tpu.memory_space<semaphore_mem>>)
          %dma_wait3A = tpu.memref_slice %arg5[%run_scoped3A, %mul3A_37] : memref<2x800000xi32, #tpu.memory_space<hbm>> -> memref<1x128xi32, #tpu.memory_space<hbm>>
          %dma_wait3A_47 = tpu.memref_squeeze %dma_wait3A : memref<1x128xi32, #tpu.memory_space<hbm>> -> memref<128xi32, #tpu.memory_space<hbm>>
          %dma_wait3A_48 = tpu.memref_slice %arg5[%run_scoped3A, %mul3A_37] : memref<2x800000xi32, #tpu.memory_space<hbm>> -> memref<1x128xi32, #tpu.memory_space<hbm>>
          %dma_wait3A_49 = tpu.memref_squeeze %dma_wait3A_48 : memref<1x128xi32, #tpu.memory_space<hbm>> -> memref<128xi32, #tpu.memory_space<hbm>>
          tpu.wait_dma2 semaphore(%run_scoped3A_43 : memref<!tpu.dma_semaphore, #tpu.memory_space<semaphore_mem>>) src(%dma_wait3A_49 : memref<128xi32, #tpu.memory_space<hbm>>) dst(%arg9 : memref<128xi32, #tpu.memory_space<vmem>>)
          tpu.yield
        }) : () -> ()
        %run_scoped3A_38 = arith.constant 1 : i32
        "tpu.region"() ({
          %run_scoped3A_43 = tpu.sem_alloc : memref<!tpu.dma_semaphore, #tpu.memory_space<semaphore_mem>>
          %dma_start3A = tpu.memref_slice %arg5[%run_scoped3A_38, %mul3A_37] : memref<2x800000xi32, #tpu.memory_space<hbm>> -> memref<1x128xi32, #tpu.memory_space<hbm>>
          %dma_start3A_44 = tpu.memref_squeeze %dma_start3A : memref<1x128xi32, #tpu.memory_space<hbm>> -> memref<128xi32, #tpu.memory_space<hbm>>
          %dma_start3A_45 = tpu.memref_slice %arg5[%run_scoped3A_38, %mul3A_37] : memref<2x800000xi32, #tpu.memory_space<hbm>> -> memref<1x128xi32, #tpu.memory_space<hbm>>
          %dma_start3A_46 = tpu.memref_squeeze %dma_start3A_45 : memref<1x128xi32, #tpu.memory_space<hbm>> -> memref<128xi32, #tpu.memory_space<hbm>>
          tpu.enqueue_dma source(%dma_start3A_46 : memref<128xi32, #tpu.memory_space<hbm>>) target(%arg10 : memref<128xi32, #tpu.memory_space<vmem>>) target_semaphore(%run_scoped3A_43 : memref<!tpu.dma_semaphore, #tpu.memory_space<semaphore_mem>>)
          %dma_wait3A = tpu.memref_slice %arg5[%run_scoped3A_38, %mul3A_37] : memref<2x800000xi32, #tpu.memory_space<hbm>> -> memref<1x128xi32, #tpu.memory_space<hbm>>
          %dma_wait3A_47 = tpu.memref_squeeze %dma_wait3A : memref<1x128xi32, #tpu.memory_space<hbm>> -> memref<128xi32, #tpu.memory_space<hbm>>
          %dma_wait3A_48 = tpu.memref_slice %arg5[%run_scoped3A_38, %mul3A_37] : memref<2x800000xi32, #tpu.memory_space<hbm>> -> memref<1x128xi32, #tpu.memory_space<hbm>>
          %dma_wait3A_49 = tpu.memref_squeeze %dma_wait3A_48 : memref<1x128xi32, #tpu.memory_space<hbm>> -> memref<128xi32, #tpu.memory_space<hbm>>
          tpu.wait_dma2 semaphore(%run_scoped3A_43 : memref<!tpu.dma_semaphore, #tpu.memory_space<semaphore_mem>>) src(%dma_wait3A_49 : memref<128xi32, #tpu.memory_space<hbm>>) dst(%arg10 : memref<128xi32, #tpu.memory_space<vmem>>)
          tpu.yield
        }) : () -> ()
        "tpu.region"() ({
          %run_scoped3A_43 = tpu.sem_alloc : memref<!tpu.dma_semaphore, #tpu.memory_space<semaphore_mem>>
          %dma_start3A = arith.constant 0 : i32
          %dma_start3A_44 = arith.constant 0 : i32
          %dma_start3A_45 = tpu.memref_slice %arg3[%dma_start3A, %dma_start3A_44] : memref<50000x40xf32, #tpu.memory_space<hbm>> -> memref<50000x40xf32, #tpu.memory_space<hbm>>
          tpu.enqueue_indirect_dma source(%dma_start3A_45 : memref<50000x40xf32, #tpu.memory_space<hbm>>) target(%arg11 : memref<128x40xf32, #tpu.memory_space<vmem>>) offsets(%arg9 : memref<128xi32, #tpu.memory_space<vmem>>) semaphore(%run_scoped3A_43 : memref<!tpu.dma_semaphore, #tpu.memory_space<semaphore_mem>>)
          %dma_wait3A = arith.constant 0 : i32
          %dma_wait3A_46 = arith.constant 0 : i32
          %dma_wait3A_47 = tpu.memref_slice %arg3[%dma_wait3A, %dma_wait3A_46] : memref<50000x40xf32, #tpu.memory_space<hbm>> -> memref<50000x40xf32, #tpu.memory_space<hbm>>
          tpu.wait_indirect_dma semaphore(%run_scoped3A_43 : memref<!tpu.dma_semaphore, #tpu.memory_space<semaphore_mem>>) src(%dma_wait3A_47 : memref<50000x40xf32, #tpu.memory_space<hbm>>) dst(%arg11 : memref<128x40xf32, #tpu.memory_space<vmem>>)
          tpu.yield
        }) : () -> ()
        "tpu.region"() ({
          %run_scoped3A_43 = tpu.sem_alloc : memref<!tpu.dma_semaphore, #tpu.memory_space<semaphore_mem>>
          %dma_start3A = arith.constant 0 : i32
          %dma_start3A_44 = arith.constant 0 : i32
          %dma_start3A_45 = tpu.memref_slice %arg4[%dma_start3A, %dma_start3A_44] : memref<50000x8xf32, #tpu.memory_space<hbm>> -> memref<50000x8xf32, #tpu.memory_space<hbm>>
          tpu.enqueue_indirect_dma source(%dma_start3A_45 : memref<50000x8xf32, #tpu.memory_space<hbm>>) target(%arg12 : memref<128x8xf32, #tpu.memory_space<vmem>>) offsets(%arg10 : memref<128xi32, #tpu.memory_space<vmem>>) semaphore(%run_scoped3A_43 : memref<!tpu.dma_semaphore, #tpu.memory_space<semaphore_mem>>)
          %dma_wait3A = arith.constant 0 : i32
          %dma_wait3A_46 = arith.constant 0 : i32
          %dma_wait3A_47 = tpu.memref_slice %arg4[%dma_wait3A, %dma_wait3A_46] : memref<50000x8xf32, #tpu.memory_space<hbm>> -> memref<50000x8xf32, #tpu.memory_space<hbm>>
          tpu.wait_indirect_dma semaphore(%run_scoped3A_43 : memref<!tpu.dma_semaphore, #tpu.memory_space<semaphore_mem>>) src(%dma_wait3A_47 : memref<50000x8xf32, #tpu.memory_space<hbm>>) dst(%arg12 : memref<128x8xf32, #tpu.memory_space<vmem>>)
          tpu.yield
        }) : () -> ()
        %scan3A = arith.constant 0 : i32
        %scan3A_39 = arith.constant 8 : i32
        %scan3A_40 = arith.addi %scan3A, %scan3A_39 : i32
        %scan3A_41 = arith.constant 1 : i32
        scf.for %scan3A_43 = %scan3A to %scan3A_40 step %scan3A_41  : i32 {
          %mul3A_44 = arith.constant 16 : i32
          %mul3A_45 = arith.muli %scan3A_43, %mul3A_44 : i32
          %add3A_46 = arith.constant 0 : i32
          %add3A_47 = arith.addi %add3A_46, %mul3A_45 : i32
          %iota3A = tpu.iota {dimensions = array<i32: 0>} : vector<16xi32>
          %add3A_48 = vector.broadcast %add3A_47 : i32 to vector<16xi32>
          %add3A_49 = arith.addi %iota3A, %add3A_48 : vector<16xi32>
          %broadcast_in_dim3A = arith.constant 32 : i32
          %broadcast_in_dim3A_50 = vector.broadcast %broadcast_in_dim3A : i32 to vector<16xi32>
          %gather3A = tpu.vector_load_idx %arg11[%add3A_49, %broadcast_in_dim3A_50] : memref<128x40xf32, #tpu.memory_space<vmem>>[vector<16xi32>, vector<16xi32>], vector<16xf32>,
          %broadcast_in_dim3A_51 = arith.constant 0 : i32
          %broadcast_in_dim3A_52 = vector.broadcast %broadcast_in_dim3A_51 : i32 to vector<16xi32>
          %gather3A_53 = tpu.vector_load_idx %arg12[%add3A_49, %broadcast_in_dim3A_52] : memref<128x8xf32, #tpu.memory_space<vmem>>[vector<16xi32>, vector<16xi32>], vector<16xf32>,
          %add3A_54 = arith.addf %gather3A, %gather3A_53 : vector<16xf32>
          %ge3A = arith.constant 0.000000e+00 : f32
          %ge3A_55 = vector.broadcast %ge3A : f32 to vector<16xf32>
          %ge3A_56 = arith.cmpf oge, %add3A_54, %ge3A_55 : vector<16xf32>
          %mul3A_57 = arith.constant 2.000000e-01 : f32
          %mul3A_58 = vector.broadcast %mul3A_57 : f32 to vector<16xf32>
          %mul3A_59 = arith.mulf %mul3A_58, %add3A_54 : vector<16xf32>
          %select_n3A = arith.select %ge3A_56, %add3A_54, %mul3A_59 : vector<16xi1>, vector<16xf32>
          %exp3A = math.exp %select_n3A : vector<16xf32>
          %scan3A_60 = arith.constant 0 : i32
          %scan3A_61 = arith.constant 32 : i32
          %scan3A_62 = arith.addi %scan3A_60, %scan3A_61 : i32
          %scan3A_63 = arith.constant 1 : i32
          scf.for %scan3A_65 = %scan3A_60 to %scan3A_62 step %scan3A_63  : i32 {
            %mul3A_66 = arith.constant 1 : i32
            %mul3A_67 = arith.muli %scan3A_65, %mul3A_66 : i32
            %add3A_68 = arith.constant 0 : i32
            %add3A_69 = arith.addi %add3A_68, %mul3A_67 : i32
            %broadcast_in_dim3A_70 = arith.constant 0 : i32
            %broadcast_in_dim3A_71 = vector.broadcast %broadcast_in_dim3A_70 : i32 to vector<16xi32>
            %add3A_72 = vector.broadcast %add3A_69 : i32 to vector<16xi32>
            %add3A_73 = arith.addi %broadcast_in_dim3A_71, %add3A_72 : vector<16xi32>
            %gather3A_74 = tpu.vector_load_idx %arg11[%add3A_49, %add3A_73] : memref<128x40xf32, #tpu.memory_space<vmem>>[vector<16xi32>, vector<16xi32>], vector<16xf32>,
            %mul3A_75 = arith.mulf %exp3A, %gather3A_74 : vector<16xf32>
            tpu.vector_store_idx %arg13[%add3A_49, %add3A_73], %mul3A_75 : memref<128x32xf32, #tpu.memory_space<vmem>>[vector<16xi32>, vector<16xi32>], vector<16xf32>,
          }
          %scan3A_64 = arith.constant 32 : i32
        }
        %scan3A_42 = arith.constant 8 : i32
        "tpu.region"() ({
          %run_scoped3A_43 = tpu.sem_alloc : memref<!tpu.dma_semaphore, #tpu.memory_space<semaphore_mem>>
          %dma_start3A = arith.constant 0 : i32
          %dma_start3A_44 = arith.constant 0 : i32
          %dma_start3A_45 = tpu.memref_slice %arg14[%dma_start3A, %dma_start3A_44] : memref<50000x32xf32, #tpu.memory_space<vmem_shared>> -> memref<50000x32xf32, #tpu.memory_space<vmem_shared>>
          tpu.enqueue_indirect_dma source(%arg13 : memref<128x32xf32, #tpu.memory_space<vmem>>) target(%dma_start3A_45 : memref<50000x32xf32, #tpu.memory_space<vmem_shared>>) offsets(%arg10 : memref<128xi32, #tpu.memory_space<vmem>>) semaphore(%run_scoped3A_43 : memref<!tpu.dma_semaphore, #tpu.memory_space<semaphore_mem>>) {add = true}
          %dma_wait3A = arith.constant 0 : i32
          %dma_wait3A_46 = arith.constant 0 : i32
          %dma_wait3A_47 = tpu.memref_slice %arg14[%dma_wait3A, %dma_wait3A_46] : memref<50000x32xf32, #tpu.memory_space<vmem_shared>> -> memref<50000x32xf32, #tpu.memory_space<vmem_shared>>
          tpu.wait_indirect_dma semaphore(%run_scoped3A_43 : memref<!tpu.dma_semaphore, #tpu.memory_space<semaphore_mem>>) src(%arg13 : memref<128x32xf32, #tpu.memory_space<vmem>>) dst(%dma_wait3A_47 : memref<50000x32xf32, #tpu.memory_space<vmem_shared>>)
          tpu.yield
        }) : () -> ()
      }
      %while3A_32 = arith.constant 1 : i32
      scf.for %while3A_33 = %while3A_30 to %while3A_26 step %while3A_32  : i32 {
        %mul3A_34 = arith.muli %while3A_33, %while3A : i32
        %add3A_35 = arith.addi %arg1, %mul3A_34 : i32
        %mul3A_36 = arith.constant 128 : i32
        %mul3A_37 = arith.muli %add3A_35, %mul3A_36 : i32
        %run_scoped3A = arith.constant 0 : i32
        "tpu.region"() ({
          %run_scoped3A_43 = tpu.sem_alloc : memref<!tpu.dma_semaphore, #tpu.memory_space<semaphore_mem>>
          %dma_start3A = tpu.memref_slice %arg5[%run_scoped3A, %mul3A_37] : memref<2x800000xi32, #tpu.memory_space<hbm>> -> memref<1x128xi32, #tpu.memory_space<hbm>>
          %dma_start3A_44 = tpu.memref_squeeze %dma_start3A : memref<1x128xi32, #tpu.memory_space<hbm>> -> memref<128xi32, #tpu.memory_space<hbm>>
          %dma_start3A_45 = tpu.memref_slice %arg5[%run_scoped3A, %mul3A_37] : memref<2x800000xi32, #tpu.memory_space<hbm>> -> memref<1x128xi32, #tpu.memory_space<hbm>>
          %dma_start3A_46 = tpu.memref_squeeze %dma_start3A_45 : memref<1x128xi32, #tpu.memory_space<hbm>> -> memref<128xi32, #tpu.memory_space<hbm>>
          tpu.enqueue_dma source(%dma_start3A_46 : memref<128xi32, #tpu.memory_space<hbm>>) target(%arg9 : memref<128xi32, #tpu.memory_space<vmem>>) target_semaphore(%run_scoped3A_43 : memref<!tpu.dma_semaphore, #tpu.memory_space<semaphore_mem>>)
          %dma_wait3A = tpu.memref_slice %arg5[%run_scoped3A, %mul3A_37] : memref<2x800000xi32, #tpu.memory_space<hbm>> -> memref<1x128xi32, #tpu.memory_space<hbm>>
          %dma_wait3A_47 = tpu.memref_squeeze %dma_wait3A : memref<1x128xi32, #tpu.memory_space<hbm>> -> memref<128xi32, #tpu.memory_space<hbm>>
          %dma_wait3A_48 = tpu.memref_slice %arg5[%run_scoped3A, %mul3A_37] : memref<2x800000xi32, #tpu.memory_space<hbm>> -> memref<1x128xi32, #tpu.memory_space<hbm>>
          %dma_wait3A_49 = tpu.memref_squeeze %dma_wait3A_48 : memref<1x128xi32, #tpu.memory_space<hbm>> -> memref<128xi32, #tpu.memory_space<hbm>>
          tpu.wait_dma2 semaphore(%run_scoped3A_43 : memref<!tpu.dma_semaphore, #tpu.memory_space<semaphore_mem>>) src(%dma_wait3A_49 : memref<128xi32, #tpu.memory_space<hbm>>) dst(%arg9 : memref<128xi32, #tpu.memory_space<vmem>>)
          tpu.yield
        }) : () -> ()
        %run_scoped3A_38 = arith.constant 1 : i32
        "tpu.region"() ({
          %run_scoped3A_43 = tpu.sem_alloc : memref<!tpu.dma_semaphore, #tpu.memory_space<semaphore_mem>>
          %dma_start3A = tpu.memref_slice %arg5[%run_scoped3A_38, %mul3A_37] : memref<2x800000xi32, #tpu.memory_space<hbm>> -> memref<1x128xi32, #tpu.memory_space<hbm>>
          %dma_start3A_44 = tpu.memref_squeeze %dma_start3A : memref<1x128xi32, #tpu.memory_space<hbm>> -> memref<128xi32, #tpu.memory_space<hbm>>
          %dma_start3A_45 = tpu.memref_slice %arg5[%run_scoped3A_38, %mul3A_37] : memref<2x800000xi32, #tpu.memory_space<hbm>> -> memref<1x128xi32, #tpu.memory_space<hbm>>
          %dma_start3A_46 = tpu.memref_squeeze %dma_start3A_45 : memref<1x128xi32, #tpu.memory_space<hbm>> -> memref<128xi32, #tpu.memory_space<hbm>>
          tpu.enqueue_dma source(%dma_start3A_46 : memref<128xi32, #tpu.memory_space<hbm>>) target(%arg10 : memref<128xi32, #tpu.memory_space<vmem>>) target_semaphore(%run_scoped3A_43 : memref<!tpu.dma_semaphore, #tpu.memory_space<semaphore_mem>>)
          %dma_wait3A = tpu.memref_slice %arg5[%run_scoped3A_38, %mul3A_37] : memref<2x800000xi32, #tpu.memory_space<hbm>> -> memref<1x128xi32, #tpu.memory_space<hbm>>
          %dma_wait3A_47 = tpu.memref_squeeze %dma_wait3A : memref<1x128xi32, #tpu.memory_space<hbm>> -> memref<128xi32, #tpu.memory_space<hbm>>
          %dma_wait3A_48 = tpu.memref_slice %arg5[%run_scoped3A_38, %mul3A_37] : memref<2x800000xi32, #tpu.memory_space<hbm>> -> memref<1x128xi32, #tpu.memory_space<hbm>>
          %dma_wait3A_49 = tpu.memref_squeeze %dma_wait3A_48 : memref<1x128xi32, #tpu.memory_space<hbm>> -> memref<128xi32, #tpu.memory_space<hbm>>
          tpu.wait_dma2 semaphore(%run_scoped3A_43 : memref<!tpu.dma_semaphore, #tpu.memory_space<semaphore_mem>>) src(%dma_wait3A_49 : memref<128xi32, #tpu.memory_space<hbm>>) dst(%arg10 : memref<128xi32, #tpu.memory_space<vmem>>)
          tpu.yield
        }) : () -> ()
        "tpu.region"() ({
          %run_scoped3A_43 = tpu.sem_alloc : memref<!tpu.dma_semaphore, #tpu.memory_space<semaphore_mem>>
          %dma_start3A = arith.constant 0 : i32
          %dma_start3A_44 = arith.constant 0 : i32
          %dma_start3A_45 = tpu.memref_slice %arg3[%dma_start3A, %dma_start3A_44] : memref<50000x40xf32, #tpu.memory_space<hbm>> -> memref<50000x40xf32, #tpu.memory_space<hbm>>
          tpu.enqueue_indirect_dma source(%dma_start3A_45 : memref<50000x40xf32, #tpu.memory_space<hbm>>) target(%arg11 : memref<128x40xf32, #tpu.memory_space<vmem>>) offsets(%arg9 : memref<128xi32, #tpu.memory_space<vmem>>) semaphore(%run_scoped3A_43 : memref<!tpu.dma_semaphore, #tpu.memory_space<semaphore_mem>>)
          %dma_wait3A = arith.constant 0 : i32
          %dma_wait3A_46 = arith.constant 0 : i32
          %dma_wait3A_47 = tpu.memref_slice %arg3[%dma_wait3A, %dma_wait3A_46] : memref<50000x40xf32, #tpu.memory_space<hbm>> -> memref<50000x40xf32, #tpu.memory_space<hbm>>
          tpu.wait_indirect_dma semaphore(%run_scoped3A_43 : memref<!tpu.dma_semaphore, #tpu.memory_space<semaphore_mem>>) src(%dma_wait3A_47 : memref<50000x40xf32, #tpu.memory_space<hbm>>) dst(%arg11 : memref<128x40xf32, #tpu.memory_space<vmem>>)
          tpu.yield
        }) : () -> ()
        "tpu.region"() ({
          %run_scoped3A_43 = tpu.sem_alloc : memref<!tpu.dma_semaphore, #tpu.memory_space<semaphore_mem>>
          %dma_start3A = arith.constant 0 : i32
          %dma_start3A_44 = arith.constant 0 : i32
          %dma_start3A_45 = tpu.memref_slice %arg4[%dma_start3A, %dma_start3A_44] : memref<50000x8xf32, #tpu.memory_space<hbm>> -> memref<50000x8xf32, #tpu.memory_space<hbm>>
          tpu.enqueue_indirect_dma source(%dma_start3A_45 : memref<50000x8xf32, #tpu.memory_space<hbm>>) target(%arg12 : memref<128x8xf32, #tpu.memory_space<vmem>>) offsets(%arg10 : memref<128xi32, #tpu.memory_space<vmem>>) semaphore(%run_scoped3A_43 : memref<!tpu.dma_semaphore, #tpu.memory_space<semaphore_mem>>)
          %dma_wait3A = arith.constant 0 : i32
          %dma_wait3A_46 = arith.constant 0 : i32
          %dma_wait3A_47 = tpu.memref_slice %arg4[%dma_wait3A, %dma_wait3A_46] : memref<50000x8xf32, #tpu.memory_space<hbm>> -> memref<50000x8xf32, #tpu.memory_space<hbm>>
          tpu.wait_indirect_dma semaphore(%run_scoped3A_43 : memref<!tpu.dma_semaphore, #tpu.memory_space<semaphore_mem>>) src(%dma_wait3A_47 : memref<50000x8xf32, #tpu.memory_space<hbm>>) dst(%arg12 : memref<128x8xf32, #tpu.memory_space<vmem>>)
          tpu.yield
        }) : () -> ()
        %scan3A = arith.constant 0 : i32
        %scan3A_39 = arith.constant 8 : i32
        %scan3A_40 = arith.addi %scan3A, %scan3A_39 : i32
        %scan3A_41 = arith.constant 1 : i32
        scf.for %scan3A_43 = %scan3A to %scan3A_40 step %scan3A_41  : i32 {
          %mul3A_44 = arith.constant 16 : i32
          %mul3A_45 = arith.muli %scan3A_43, %mul3A_44 : i32
          %add3A_46 = arith.constant 0 : i32
          %add3A_47 = arith.addi %add3A_46, %mul3A_45 : i32
          %iota3A = tpu.iota {dimensions = array<i32: 0>} : vector<16xi32>
          %add3A_48 = vector.broadcast %add3A_47 : i32 to vector<16xi32>
          %add3A_49 = arith.addi %iota3A, %add3A_48 : vector<16xi32>
          %broadcast_in_dim3A = arith.constant 32 : i32
          %broadcast_in_dim3A_50 = vector.broadcast %broadcast_in_dim3A : i32 to vector<16xi32>
          %gather3A = tpu.vector_load_idx %arg11[%add3A_49, %broadcast_in_dim3A_50] : memref<128x40xf32, #tpu.memory_space<vmem>>[vector<16xi32>, vector<16xi32>], vector<16xf32>,
          %broadcast_in_dim3A_51 = arith.constant 0 : i32
          %broadcast_in_dim3A_52 = vector.broadcast %broadcast_in_dim3A_51 : i32 to vector<16xi32>
          %gather3A_53 = tpu.vector_load_idx %arg12[%add3A_49, %broadcast_in_dim3A_52] : memref<128x8xf32, #tpu.memory_space<vmem>>[vector<16xi32>, vector<16xi32>], vector<16xf32>,
          %add3A_54 = arith.addf %gather3A, %gather3A_53 : vector<16xf32>
          %ge3A = arith.constant 0.000000e+00 : f32
          %ge3A_55 = vector.broadcast %ge3A : f32 to vector<16xf32>
          %ge3A_56 = arith.cmpf oge, %add3A_54, %ge3A_55 : vector<16xf32>
          %mul3A_57 = arith.constant 2.000000e-01 : f32
          %mul3A_58 = vector.broadcast %mul3A_57 : f32 to vector<16xf32>
          %mul3A_59 = arith.mulf %mul3A_58, %add3A_54 : vector<16xf32>
          %select_n3A = arith.select %ge3A_56, %add3A_54, %mul3A_59 : vector<16xi1>, vector<16xf32>
          %exp3A = math.exp %select_n3A : vector<16xf32>
          %scan3A_60 = arith.constant 0 : i32
          %scan3A_61 = arith.constant 32 : i32
          %scan3A_62 = arith.addi %scan3A_60, %scan3A_61 : i32
          %scan3A_63 = arith.constant 1 : i32
          scf.for %scan3A_65 = %scan3A_60 to %scan3A_62 step %scan3A_63  : i32 {
            %mul3A_66 = arith.constant 1 : i32
            %mul3A_67 = arith.muli %scan3A_65, %mul3A_66 : i32
            %add3A_68 = arith.constant 0 : i32
            %add3A_69 = arith.addi %add3A_68, %mul3A_67 : i32
            %broadcast_in_dim3A_70 = arith.constant 0 : i32
            %broadcast_in_dim3A_71 = vector.broadcast %broadcast_in_dim3A_70 : i32 to vector<16xi32>
            %add3A_72 = vector.broadcast %add3A_69 : i32 to vector<16xi32>
            %add3A_73 = arith.addi %broadcast_in_dim3A_71, %add3A_72 : vector<16xi32>
            %gather3A_74 = tpu.vector_load_idx %arg11[%add3A_49, %add3A_73] : memref<128x40xf32, #tpu.memory_space<vmem>>[vector<16xi32>, vector<16xi32>], vector<16xf32>,
            %mul3A_75 = arith.mulf %exp3A, %gather3A_74 : vector<16xf32>
            tpu.vector_store_idx %arg13[%add3A_49, %add3A_73], %mul3A_75 : memref<128x32xf32, #tpu.memory_space<vmem>>[vector<16xi32>, vector<16xi32>], vector<16xf32>,
          }
          %scan3A_64 = arith.constant 32 : i32
        }
        %scan3A_42 = arith.constant 8 : i32
        "tpu.region"() ({
          %run_scoped3A_43 = tpu.sem_alloc : memref<!tpu.dma_semaphore, #tpu.memory_space<semaphore_mem>>
          %dma_start3A = arith.constant 0 : i32
          %dma_start3A_44 = arith.constant 0 : i32
          %dma_start3A_45 = tpu.memref_slice %arg14[%dma_start3A, %dma_start3A_44] : memref<50000x32xf32, #tpu.memory_space<vmem_shared>> -> memref<50000x32xf32, #tpu.memory_space<vmem_shared>>
          tpu.enqueue_indirect_dma source(%arg13 : memref<128x32xf32, #tpu.memory_space<vmem>>) target(%dma_start3A_45 : memref<50000x32xf32, #tpu.memory_space<vmem_shared>>) offsets(%arg10 : memref<128xi32, #tpu.memory_space<vmem>>) semaphore(%run_scoped3A_43 : memref<!tpu.dma_semaphore, #tpu.memory_space<semaphore_mem>>) {add = true}
          %dma_wait3A = arith.constant 0 : i32
          %dma_wait3A_46 = arith.constant 0 : i32
          %dma_wait3A_47 = tpu.memref_slice %arg14[%dma_wait3A, %dma_wait3A_46] : memref<50000x32xf32, #tpu.memory_space<vmem_shared>> -> memref<50000x32xf32, #tpu.memory_space<vmem_shared>>
          tpu.wait_indirect_dma semaphore(%run_scoped3A_43 : memref<!tpu.dma_semaphore, #tpu.memory_space<semaphore_mem>>) src(%arg13 : memref<128x32xf32, #tpu.memory_space<vmem>>) dst(%dma_wait3A_47 : memref<50000x32xf32, #tpu.memory_space<vmem_shared>>)
          tpu.yield
        }) : () -> ()
      }
    } else {
    }
    %barrier3A_8 = arith.constant 0 : index
    tpu.barrier barrier_id(%barrier3A_8)
    %eq3A_9 = arith.constant 0 : i32
    %eq3A_10 = arith.cmpi eq, %arg0, %eq3A_9 : i32
    %convert_element_type3A_11 = arith.extui %eq3A_10 : i1 to i32
    %cond3A_12 = arith.constant 0 : i32
    %cond3A_13 = arith.cmpi ne, %convert_element_type3A_11, %cond3A_12 : i32
    scf.if %cond3A_13 {
      "tpu.region"() ({
        %run_scoped3A = tpu.sem_alloc : memref<!tpu.dma_semaphore, #tpu.memory_space<semaphore_mem>>
        %dma_start3A = arith.constant 0 : i32
        %dma_start3A_19 = tpu.memref_slice %arg7[%mul3A_0, %dma_start3A] : memref<50000x32xf32, #tpu.memory_space<hbm>> -> memref<3125x32xf32, #tpu.memory_space<hbm>>
        %dma_start3A_20 = arith.constant 0 : i32
        %dma_start3A_21 = tpu.memref_slice %arg14[%mul3A_0, %dma_start3A_20] : memref<50000x32xf32, #tpu.memory_space<vmem_shared>> -> memref<3125x32xf32, #tpu.memory_space<vmem_shared>>
        tpu.enqueue_dma source(%dma_start3A_21 : memref<3125x32xf32, #tpu.memory_space<vmem_shared>>) target(%dma_start3A_19 : memref<3125x32xf32, #tpu.memory_space<hbm>>) target_semaphore(%run_scoped3A : memref<!tpu.dma_semaphore, #tpu.memory_space<semaphore_mem>>)
        %dma_wait3A = arith.constant 0 : i32
        %dma_wait3A_22 = tpu.memref_slice %arg7[%mul3A_0, %dma_wait3A] : memref<50000x32xf32, #tpu.memory_space<hbm>> -> memref<3125x32xf32, #tpu.memory_space<hbm>>
        %dma_wait3A_23 = arith.constant 0 : i32
        %dma_wait3A_24 = tpu.memref_slice %arg14[%mul3A_0, %dma_wait3A_23] : memref<50000x32xf32, #tpu.memory_space<vmem_shared>> -> memref<3125x32xf32, #tpu.memory_space<vmem_shared>>
        tpu.wait_dma2 semaphore(%run_scoped3A : memref<!tpu.dma_semaphore, #tpu.memory_space<semaphore_mem>>) src(%dma_wait3A_24 : memref<3125x32xf32, #tpu.memory_space<vmem_shared>>) dst(%dma_wait3A_22 : memref<3125x32xf32, #tpu.memory_space<hbm>>)
        tpu.yield
      }) : () -> ()
    } else {
    }
    %eq3A_14 = arith.constant 1 : i32
    %eq3A_15 = arith.cmpi eq, %arg0, %eq3A_14 : i32
    %convert_element_type3A_16 = arith.extui %eq3A_15 : i1 to i32
    %cond3A_17 = arith.constant 0 : i32
    %cond3A_18 = arith.cmpi ne, %convert_element_type3A_16, %cond3A_17 : i32
    scf.if %cond3A_18 {
      "tpu.region"() ({
        %run_scoped3A = tpu.sem_alloc : memref<!tpu.dma_semaphore, #tpu.memory_space<semaphore_mem>>
        %dma_start3A = arith.constant 0 : i32
        %dma_start3A_19 = tpu.memref_slice %arg8[%mul3A_0, %dma_start3A] : memref<50000x32xf32, #tpu.memory_space<hbm>> -> memref<3125x32xf32, #tpu.memory_space<hbm>>
        %dma_start3A_20 = arith.constant 0 : i32
        %dma_start3A_21 = tpu.memref_slice %arg14[%mul3A_0, %dma_start3A_20] : memref<50000x32xf32, #tpu.memory_space<vmem_shared>> -> memref<3125x32xf32, #tpu.memory_space<vmem_shared>>
        tpu.enqueue_dma source(%dma_start3A_21 : memref<3125x32xf32, #tpu.memory_space<vmem_shared>>) target(%dma_start3A_19 : memref<3125x32xf32, #tpu.memory_space<hbm>>) target_semaphore(%run_scoped3A : memref<!tpu.dma_semaphore, #tpu.memory_space<semaphore_mem>>)
        %dma_wait3A = arith.constant 0 : i32
        %dma_wait3A_22 = tpu.memref_slice %arg8[%mul3A_0, %dma_wait3A] : memref<50000x32xf32, #tpu.memory_space<hbm>> -> memref<3125x32xf32, #tpu.memory_space<hbm>>
        %dma_wait3A_23 = arith.constant 0 : i32
        %dma_wait3A_24 = tpu.memref_slice %arg14[%mul3A_0, %dma_wait3A_23] : memref<50000x32xf32, #tpu.memory_space<vmem_shared>> -> memref<3125x32xf32, #tpu.memory_space<vmem_shared>>
        tpu.wait_dma2 semaphore(%run_scoped3A : memref<!tpu.dma_semaphore, #tpu.memory_space<semaphore_mem>>) src(%dma_wait3A_24 : memref<3125x32xf32, #tpu.memory_space<vmem_shared>>) dst(%dma_wait3A_22 : memref<3125x32xf32, #tpu.memory_space<hbm>>)
        tpu.yield
      }) : () -> ()
    } else {
    }
    return
  }
}

module attributes {stable_mosaic.version = 14 : i64} {
  func.func @_mm1_body(%arg0: i32, %arg1: memref<8x2000x8xf32, #tpu.memory_space<vmem>>, %arg2: memref<8x8x72xf32, #tpu.memory_space<vmem>>, %arg3: memref<2000x40xf32, #tpu.memory_space<vmem>>, %arg4: memref<2000x40xf32, #tpu.memory_space<vmem>>, %arg5: memref<2000x8xf32, #tpu.memory_space<vmem>>, %arg6: memref<2000x8xf32, #tpu.memory_space<vmem>>) attributes {dimension_semantics = [#tpu.dimension_semantics<arbitrary>], iteration_bounds = array<i64: 25>, scalar_prefetch = 0 : i64, scratch_operands = 0 : i64, tpu.core_type = #tpu.core_type<tc>, window_params = [{transform_indices = @transform_0, window_bounds = array<i64: 8, 2000, 8>}, {pipeline_mode = #tpu.pipeline_mode<synchronous>, transform_indices = @transform_1, window_bounds = array<i64: 8, 8, 72>}, {transform_indices = @transform_2, window_bounds = array<i64: 2000, 40>}, {transform_indices = @transform_3, window_bounds = array<i64: 2000, 40>}, {transform_indices = @transform_4, window_bounds = array<i64: 2000, 8>}, {transform_indices = @transform_5, window_bounds = array<i64: 2000, 8>}]} {
    %broadcast_in_dim3A = arith.constant 0.000000e+00 : f32
    %broadcast_in_dim3A_0 = vector.broadcast %broadcast_in_dim3A : f32 to vector<2000x72xf32>
    %get3A = arith.constant 0 : index
    %get3A_1 = arith.constant 0 : index
    %get3A_2 = arith.constant 0 : index
    %get3A_3 = vector.load %arg1[%get3A, %get3A_1, %get3A_2] : memref<8x2000x8xf32, #tpu.memory_space<vmem>>, vector<1x2000x8xf32>
    %get3A_4 = vector.shape_cast %get3A_3 : vector<1x2000x8xf32> to vector<2000x8xf32>
    %get3A_5 = arith.constant 0 : index
    %get3A_6 = arith.constant 0 : index
    %get3A_7 = arith.constant 0 : index
    %get3A_8 = vector.load %arg2[%get3A_5, %get3A_6, %get3A_7] : memref<8x8x72xf32, #tpu.memory_space<vmem>>, vector<1x8x72xf32>
    %get3A_9 = vector.shape_cast %get3A_8 : vector<1x8x72xf32> to vector<8x72xf32>
    %dot_general3A = arith.constant dense<0.000000e+00> : vector<2000x72xf32>
    %dot_general3A_10 = tpu.matmul %get3A_4, %get3A_9, %dot_general3A {dimension_numbers = #tpu.dot_dimension_numbers<[1], [0], [0], [1], [0, 0, 1, 1], [], []>, transpose_lhs_hint = false} : vector<2000x8xf32>, vector<8x72xf32>, vector<2000x72xf32> -> vector<2000x72xf32>
    %add3A = arith.addf %broadcast_in_dim3A_0, %dot_general3A_10 : vector<2000x72xf32>
    %get3A_11 = arith.constant 1 : index
    %get3A_12 = arith.constant 0 : index
    %get3A_13 = arith.constant 0 : index
    %get3A_14 = vector.load %arg1[%get3A_11, %get3A_12, %get3A_13] : memref<8x2000x8xf32, #tpu.memory_space<vmem>>, vector<1x2000x8xf32>
    %get3A_15 = vector.shape_cast %get3A_14 : vector<1x2000x8xf32> to vector<2000x8xf32>
    %get3A_16 = arith.constant 1 : index
    %get3A_17 = arith.constant 0 : index
    %get3A_18 = arith.constant 0 : index
    %get3A_19 = vector.load %arg2[%get3A_16, %get3A_17, %get3A_18] : memref<8x8x72xf32, #tpu.memory_space<vmem>>, vector<1x8x72xf32>
    %get3A_20 = vector.shape_cast %get3A_19 : vector<1x8x72xf32> to vector<8x72xf32>
    %dot_general3A_21 = arith.constant dense<0.000000e+00> : vector<2000x72xf32>
    %dot_general3A_22 = tpu.matmul %get3A_15, %get3A_20, %dot_general3A_21 {dimension_numbers = #tpu.dot_dimension_numbers<[1], [0], [0], [1], [0, 0, 1, 1], [], []>, transpose_lhs_hint = false} : vector<2000x8xf32>, vector<8x72xf32>, vector<2000x72xf32> -> vector<2000x72xf32>
    %add3A_23 = arith.addf %add3A, %dot_general3A_22 : vector<2000x72xf32>
    %get3A_24 = arith.constant 2 : index
    %get3A_25 = arith.constant 0 : index
    %get3A_26 = arith.constant 0 : index
    %get3A_27 = vector.load %arg1[%get3A_24, %get3A_25, %get3A_26] : memref<8x2000x8xf32, #tpu.memory_space<vmem>>, vector<1x2000x8xf32>
    %get3A_28 = vector.shape_cast %get3A_27 : vector<1x2000x8xf32> to vector<2000x8xf32>
    %get3A_29 = arith.constant 2 : index
    %get3A_30 = arith.constant 0 : index
    %get3A_31 = arith.constant 0 : index
    %get3A_32 = vector.load %arg2[%get3A_29, %get3A_30, %get3A_31] : memref<8x8x72xf32, #tpu.memory_space<vmem>>, vector<1x8x72xf32>
    %get3A_33 = vector.shape_cast %get3A_32 : vector<1x8x72xf32> to vector<8x72xf32>
    %dot_general3A_34 = arith.constant dense<0.000000e+00> : vector<2000x72xf32>
    %dot_general3A_35 = tpu.matmul %get3A_28, %get3A_33, %dot_general3A_34 {dimension_numbers = #tpu.dot_dimension_numbers<[1], [0], [0], [1], [0, 0, 1, 1], [], []>, transpose_lhs_hint = false} : vector<2000x8xf32>, vector<8x72xf32>, vector<2000x72xf32> -> vector<2000x72xf32>
    %add3A_36 = arith.addf %add3A_23, %dot_general3A_35 : vector<2000x72xf32>
    %get3A_37 = arith.constant 3 : index
    %get3A_38 = arith.constant 0 : index
    %get3A_39 = arith.constant 0 : index
    %get3A_40 = vector.load %arg1[%get3A_37, %get3A_38, %get3A_39] : memref<8x2000x8xf32, #tpu.memory_space<vmem>>, vector<1x2000x8xf32>
    %get3A_41 = vector.shape_cast %get3A_40 : vector<1x2000x8xf32> to vector<2000x8xf32>
    %get3A_42 = arith.constant 3 : index
    %get3A_43 = arith.constant 0 : index
    %get3A_44 = arith.constant 0 : index
    %get3A_45 = vector.load %arg2[%get3A_42, %get3A_43, %get3A_44] : memref<8x8x72xf32, #tpu.memory_space<vmem>>, vector<1x8x72xf32>
    %get3A_46 = vector.shape_cast %get3A_45 : vector<1x8x72xf32> to vector<8x72xf32>
    %dot_general3A_47 = arith.constant dense<0.000000e+00> : vector<2000x72xf32>
    %dot_general3A_48 = tpu.matmul %get3A_41, %get3A_46, %dot_general3A_47 {dimension_numbers = #tpu.dot_dimension_numbers<[1], [0], [0], [1], [0, 0, 1, 1], [], []>, transpose_lhs_hint = false} : vector<2000x8xf32>, vector<8x72xf32>, vector<2000x72xf32> -> vector<2000x72xf32>
    %add3A_49 = arith.addf %add3A_36, %dot_general3A_48 : vector<2000x72xf32>
    %get3A_50 = arith.constant 4 : index
    %get3A_51 = arith.constant 0 : index
    %get3A_52 = arith.constant 0 : index
    %get3A_53 = vector.load %arg1[%get3A_50, %get3A_51, %get3A_52] : memref<8x2000x8xf32, #tpu.memory_space<vmem>>, vector<1x2000x8xf32>
    %get3A_54 = vector.shape_cast %get3A_53 : vector<1x2000x8xf32> to vector<2000x8xf32>
    %get3A_55 = arith.constant 4 : index
    %get3A_56 = arith.constant 0 : index
    %get3A_57 = arith.constant 0 : index
    %get3A_58 = vector.load %arg2[%get3A_55, %get3A_56, %get3A_57] : memref<8x8x72xf32, #tpu.memory_space<vmem>>, vector<1x8x72xf32>
    %get3A_59 = vector.shape_cast %get3A_58 : vector<1x8x72xf32> to vector<8x72xf32>
    %dot_general3A_60 = arith.constant dense<0.000000e+00> : vector<2000x72xf32>
    %dot_general3A_61 = tpu.matmul %get3A_54, %get3A_59, %dot_general3A_60 {dimension_numbers = #tpu.dot_dimension_numbers<[1], [0], [0], [1], [0, 0, 1, 1], [], []>, transpose_lhs_hint = false} : vector<2000x8xf32>, vector<8x72xf32>, vector<2000x72xf32> -> vector<2000x72xf32>
    %add3A_62 = arith.addf %add3A_49, %dot_general3A_61 : vector<2000x72xf32>
    %get3A_63 = arith.constant 5 : index
    %get3A_64 = arith.constant 0 : index
    %get3A_65 = arith.constant 0 : index
    %get3A_66 = vector.load %arg1[%get3A_63, %get3A_64, %get3A_65] : memref<8x2000x8xf32, #tpu.memory_space<vmem>>, vector<1x2000x8xf32>
    %get3A_67 = vector.shape_cast %get3A_66 : vector<1x2000x8xf32> to vector<2000x8xf32>
    %get3A_68 = arith.constant 5 : index
    %get3A_69 = arith.constant 0 : index
    %get3A_70 = arith.constant 0 : index
    %get3A_71 = vector.load %arg2[%get3A_68, %get3A_69, %get3A_70] : memref<8x8x72xf32, #tpu.memory_space<vmem>>, vector<1x8x72xf32>
    %get3A_72 = vector.shape_cast %get3A_71 : vector<1x8x72xf32> to vector<8x72xf32>
    %dot_general3A_73 = arith.constant dense<0.000000e+00> : vector<2000x72xf32>
    %dot_general3A_74 = tpu.matmul %get3A_67, %get3A_72, %dot_general3A_73 {dimension_numbers = #tpu.dot_dimension_numbers<[1], [0], [0], [1], [0, 0, 1, 1], [], []>, transpose_lhs_hint = false} : vector<2000x8xf32>, vector<8x72xf32>, vector<2000x72xf32> -> vector<2000x72xf32>
    %add3A_75 = arith.addf %add3A_62, %dot_general3A_74 : vector<2000x72xf32>
    %get3A_76 = arith.constant 6 : index
    %get3A_77 = arith.constant 0 : index
    %get3A_78 = arith.constant 0 : index
    %get3A_79 = vector.load %arg1[%get3A_76, %get3A_77, %get3A_78] : memref<8x2000x8xf32, #tpu.memory_space<vmem>>, vector<1x2000x8xf32>
    %get3A_80 = vector.shape_cast %get3A_79 : vector<1x2000x8xf32> to vector<2000x8xf32>
    %get3A_81 = arith.constant 6 : index
    %get3A_82 = arith.constant 0 : index
    %get3A_83 = arith.constant 0 : index
    %get3A_84 = vector.load %arg2[%get3A_81, %get3A_82, %get3A_83] : memref<8x8x72xf32, #tpu.memory_space<vmem>>, vector<1x8x72xf32>
    %get3A_85 = vector.shape_cast %get3A_84 : vector<1x8x72xf32> to vector<8x72xf32>
    %dot_general3A_86 = arith.constant dense<0.000000e+00> : vector<2000x72xf32>
    %dot_general3A_87 = tpu.matmul %get3A_80, %get3A_85, %dot_general3A_86 {dimension_numbers = #tpu.dot_dimension_numbers<[1], [0], [0], [1], [0, 0, 1, 1], [], []>, transpose_lhs_hint = false} : vector<2000x8xf32>, vector<8x72xf32>, vector<2000x72xf32> -> vector<2000x72xf32>
    %add3A_88 = arith.addf %add3A_75, %dot_general3A_87 : vector<2000x72xf32>
    %get3A_89 = arith.constant 7 : index
    %get3A_90 = arith.constant 0 : index
    %get3A_91 = arith.constant 0 : index
    %get3A_92 = vector.load %arg1[%get3A_89, %get3A_90, %get3A_91] : memref<8x2000x8xf32, #tpu.memory_space<vmem>>, vector<1x2000x8xf32>
    %get3A_93 = vector.shape_cast %get3A_92 : vector<1x2000x8xf32> to vector<2000x8xf32>
    %get3A_94 = arith.constant 7 : index
    %get3A_95 = arith.constant 0 : index
    %get3A_96 = arith.constant 0 : index
    %get3A_97 = vector.load %arg2[%get3A_94, %get3A_95, %get3A_96] : memref<8x8x72xf32, #tpu.memory_space<vmem>>, vector<1x8x72xf32>
    %get3A_98 = vector.shape_cast %get3A_97 : vector<1x8x72xf32> to vector<8x72xf32>
    %dot_general3A_99 = arith.constant dense<0.000000e+00> : vector<2000x72xf32>
    %dot_general3A_100 = tpu.matmul %get3A_93, %get3A_98, %dot_general3A_99 {dimension_numbers = #tpu.dot_dimension_numbers<[1], [0], [0], [1], [0, 0, 1, 1], [], []>, transpose_lhs_hint = false} : vector<2000x8xf32>, vector<8x72xf32>, vector<2000x72xf32> -> vector<2000x72xf32>
    %add3A_101 = arith.addf %add3A_88, %dot_general3A_100 : vector<2000x72xf32>
    %broadcast_in_dim3A_102 = arith.constant 0.000000e+00 : f32
    %broadcast_in_dim3A_103 = vector.broadcast %broadcast_in_dim3A_102 : f32 to vector<2000x6xf32>
    %broadcast_in_dim3A_104 = arith.constant 0.000000e+00 : f32
    %broadcast_in_dim3A_105 = vector.broadcast %broadcast_in_dim3A_104 : f32 to vector<2000x4xf32>
    %slice3A = vector.extract_strided_slice %add3A_101 {offsets = [0, 0], sizes = [2000, 32], strides = [1, 1]} : vector<2000x72xf32> to vector<2000x32xf32>
    %slice3A_106 = vector.extract_strided_slice %add3A_101 {offsets = [0, 64], sizes = [2000, 2], strides = [1, 1]} : vector<2000x72xf32> to vector<2000x2xf32>
    %concatenate3A = tpu.concatenate %slice3A, %slice3A_106, %broadcast_in_dim3A_103 in 1 : vector<2000x32xf32>, vector<2000x2xf32>, vector<2000x6xf32> -> vector<2000x40xf32>
    %swap3A = arith.constant 0 : index
    %swap3A_107 = arith.constant 0 : index
    %swap3A_108 = vector.load %arg3[%swap3A, %swap3A_107] : memref<2000x40xf32, #tpu.memory_space<vmem>>, vector<2000x40xf32>
    tpu.vector_store %arg3[%swap3A, %swap3A_107], %concatenate3A {strides = array<i32>} : memref<2000x40xf32, #tpu.memory_space<vmem>>, vector<2000x40xf32>,
    %slice3A_109 = vector.extract_strided_slice %add3A_101 {offsets = [0, 32], sizes = [2000, 32], strides = [1, 1]} : vector<2000x72xf32> to vector<2000x32xf32>
    %slice3A_110 = vector.extract_strided_slice %add3A_101 {offsets = [0, 66], sizes = [2000, 2], strides = [1, 1]} : vector<2000x72xf32> to vector<2000x2xf32>
    %concatenate3A_111 = tpu.concatenate %slice3A_109, %slice3A_110, %broadcast_in_dim3A_103 in 1 : vector<2000x32xf32>, vector<2000x2xf32>, vector<2000x6xf32> -> vector<2000x40xf32>
    %swap3A_112 = arith.constant 0 : index
    %swap3A_113 = arith.constant 0 : index
    %swap3A_114 = vector.load %arg4[%swap3A_112, %swap3A_113] : memref<2000x40xf32, #tpu.memory_space<vmem>>, vector<2000x40xf32>
    tpu.vector_store %arg4[%swap3A_112, %swap3A_113], %concatenate3A_111 {strides = array<i32>} : memref<2000x40xf32, #tpu.memory_space<vmem>>, vector<2000x40xf32>,
    %slice3A_115 = vector.extract_strided_slice %add3A_101 {offsets = [0, 64], sizes = [2000, 4], strides = [1, 1]} : vector<2000x72xf32> to vector<2000x4xf32>
    %concatenate3A_116 = tpu.concatenate %slice3A_115, %broadcast_in_dim3A_105 in 1 : vector<2000x4xf32>, vector<2000x4xf32> -> vector<2000x8xf32>
    %swap3A_117 = arith.constant 0 : index
    %swap3A_118 = arith.constant 0 : index
    %swap3A_119 = vector.load %arg5[%swap3A_117, %swap3A_118] : memref<2000x8xf32, #tpu.memory_space<vmem>>, vector<2000x8xf32>
    tpu.vector_store %arg5[%swap3A_117, %swap3A_118], %concatenate3A_116 {strides = array<i32>} : memref<2000x8xf32, #tpu.memory_space<vmem>>, vector<2000x8xf32>,
    %slice3A_120 = vector.extract_strided_slice %add3A_101 {offsets = [0, 68], sizes = [2000, 4], strides = [1, 1]} : vector<2000x72xf32> to vector<2000x4xf32>
    %concatenate3A_121 = tpu.concatenate %slice3A_120, %broadcast_in_dim3A_105 in 1 : vector<2000x4xf32>, vector<2000x4xf32> -> vector<2000x8xf32>
    %swap3A_122 = arith.constant 0 : index
    %swap3A_123 = arith.constant 0 : index
    %swap3A_124 = vector.load %arg6[%swap3A_122, %swap3A_123] : memref<2000x8xf32, #tpu.memory_space<vmem>>, vector<2000x8xf32>
    tpu.vector_store %arg6[%swap3A_122, %swap3A_123], %concatenate3A_121 {strides = array<i32>} : memref<2000x8xf32, #tpu.memory_space<vmem>>, vector<2000x8xf32>,
    return
  }
  func.func @transform_0(%arg0: i32) -> (i32, i32, i32) {
    %c0_i32 = arith.constant 0 : i32
    %c0_i32_0 = arith.constant 0 : i32
    %c0_i32_1 = arith.constant 0 : i32
    return %c0_i32, %arg0, %c0_i32_0 : i32, i32, i32
  }
  func.func @transform_1(%arg0: i32) -> (i32, i32, i32) {
    %c0_i32 = arith.constant 0 : i32
    %c0_i32_0 = arith.constant 0 : i32
    %c0_i32_1 = arith.constant 0 : i32
    %c0_i32_2 = arith.constant 0 : i32
    return %c0_i32, %c0_i32_0, %c0_i32_1 : i32, i32, i32
  }
  func.func @transform_2(%arg0: i32) -> (i32, i32) {
    %c0_i32 = arith.constant 0 : i32
    %c0_i32_0 = arith.constant 0 : i32
    return %arg0, %c0_i32 : i32, i32
  }
  func.func @transform_3(%arg0: i32) -> (i32, i32) {
    %c0_i32 = arith.constant 0 : i32
    %c0_i32_0 = arith.constant 0 : i32
    return %arg0, %c0_i32 : i32, i32
  }
  func.func @transform_4(%arg0: i32) -> (i32, i32) {
    %c0_i32 = arith.constant 0 : i32
    %c0_i32_0 = arith.constant 0 : i32
    return %arg0, %c0_i32 : i32, i32
  }
  func.func @transform_5(%arg0: i32) -> (i32, i32) {
    %c0_i32 = arith.constant 0 : i32
    %c0_i32_0 = arith.constant 0 : i32
    return %arg0, %c0_i32 : i32, i32
  }
}

module attributes {stable_mosaic.version = 14 : i64} {
  func.func @_mm2_body(%arg0: i32, %arg1: memref<2000x32xf32, #tpu.memory_space<vmem>>, %arg2: memref<2000x32xf32, #tpu.memory_space<vmem>>, %arg3: memref<2000x8xf32, #tpu.memory_space<vmem>>, %arg4: memref<2000x8xf32, #tpu.memory_space<vmem>>, %arg5: memref<64x66xf32, #tpu.memory_space<vmem>>, %arg6: memref<1x64xf32, #tpu.memory_space<vmem>>, %arg7: memref<2000x40xf32, #tpu.memory_space<vmem>>, %arg8: memref<2000x40xf32, #tpu.memory_space<vmem>>, %arg9: memref<2000x8xf32, #tpu.memory_space<vmem>>, %arg10: memref<2000x8xf32, #tpu.memory_space<vmem>>) attributes {dimension_semantics = [#tpu.dimension_semantics<arbitrary>], iteration_bounds = array<i64: 25>, scalar_prefetch = 0 : i64, scratch_operands = 0 : i64, tpu.core_type = #tpu.core_type<tc>, window_params = [{transform_indices = @transform_0, window_bounds = array<i64: 2000, 32>}, {transform_indices = @transform_1, window_bounds = array<i64: 2000, 32>}, {transform_indices = @transform_2, window_bounds = array<i64: 2000, 8>}, {transform_indices = @transform_3, window_bounds = array<i64: 2000, 8>}, {pipeline_mode = #tpu.pipeline_mode<synchronous>, transform_indices = @transform_4, window_bounds = array<i64: 64, 66>}, {pipeline_mode = #tpu.pipeline_mode<synchronous>, transform_indices = @transform_5, window_bounds = array<i64: 1, 64>}, {transform_indices = @transform_6, window_bounds = array<i64: 2000, 40>}, {transform_indices = @transform_7, window_bounds = array<i64: 2000, 40>}, {transform_indices = @transform_8, window_bounds = array<i64: 2000, 8>}, {transform_indices = @transform_9, window_bounds = array<i64: 2000, 8>}]} {
    %get3A = arith.constant 0 : index
    %get3A_0 = arith.constant 0 : index
    %get3A_1 = vector.load %arg3[%get3A, %get3A_0] : memref<2000x8xf32, #tpu.memory_space<vmem>>, vector<2000x8xf32>
    %get3A_2 = arith.constant 0 : index
    %get3A_3 = arith.constant 0 : index
    %get3A_4 = vector.load %arg4[%get3A_2, %get3A_3] : memref<2000x8xf32, #tpu.memory_space<vmem>>, vector<2000x8xf32>
    %add3A = arith.addf %get3A_1, %get3A_4 : vector<2000x8xf32>
    %get3A_5 = arith.constant 0 : index
    %get3A_6 = arith.constant 0 : index
    %get3A_7 = vector.load %arg1[%get3A_5, %get3A_6] : memref<2000x32xf32, #tpu.memory_space<vmem>>, vector<2000x32xf32>
    %get3A_8 = arith.constant 0 : index
    %get3A_9 = arith.constant 0 : index
    %get3A_10 = vector.load %arg2[%get3A_8, %get3A_9] : memref<2000x32xf32, #tpu.memory_space<vmem>>, vector<2000x32xf32>
    %slice3A = vector.extract_strided_slice %get3A_7 {offsets = [0, 0], sizes = [2000, 16], strides = [1, 1]} : vector<2000x32xf32> to vector<2000x16xf32>
    %slice3A_11 = vector.extract_strided_slice %add3A {offsets = [0, 0], sizes = [2000, 1], strides = [1, 1]} : vector<2000x8xf32> to vector<2000x1xf32>
    %add3A_12 = arith.constant 1.000000e-16 : f32
    %add3A_13 = vector.broadcast %add3A_12 : f32 to vector<2000x1xf32>
    %add3A_14 = arith.addf %slice3A_11, %add3A_13 : vector<2000x1xf32>
    %div3A = vector.broadcast %add3A_14 : vector<2000x1xf32> to vector<2000x16xf32>
    %div3A_15 = arith.divf %slice3A, %div3A : vector<2000x16xf32>
    %slice3A_16 = vector.extract_strided_slice %get3A_7 {offsets = [0, 16], sizes = [2000, 16], strides = [1, 1]} : vector<2000x32xf32> to vector<2000x16xf32>
    %slice3A_17 = vector.extract_strided_slice %add3A {offsets = [0, 1], sizes = [2000, 1], strides = [1, 1]} : vector<2000x8xf32> to vector<2000x1xf32>
    %add3A_18 = arith.constant 1.000000e-16 : f32
    %add3A_19 = vector.broadcast %add3A_18 : f32 to vector<2000x1xf32>
    %add3A_20 = arith.addf %slice3A_17, %add3A_19 : vector<2000x1xf32>
    %div3A_21 = vector.broadcast %add3A_20 : vector<2000x1xf32> to vector<2000x16xf32>
    %div3A_22 = arith.divf %slice3A_16, %div3A_21 : vector<2000x16xf32>
    %slice3A_23 = vector.extract_strided_slice %get3A_10 {offsets = [0, 0], sizes = [2000, 16], strides = [1, 1]} : vector<2000x32xf32> to vector<2000x16xf32>
    %slice3A_24 = vector.extract_strided_slice %add3A {offsets = [0, 2], sizes = [2000, 1], strides = [1, 1]} : vector<2000x8xf32> to vector<2000x1xf32>
    %add3A_25 = arith.constant 1.000000e-16 : f32
    %add3A_26 = vector.broadcast %add3A_25 : f32 to vector<2000x1xf32>
    %add3A_27 = arith.addf %slice3A_24, %add3A_26 : vector<2000x1xf32>
    %div3A_28 = vector.broadcast %add3A_27 : vector<2000x1xf32> to vector<2000x16xf32>
    %div3A_29 = arith.divf %slice3A_23, %div3A_28 : vector<2000x16xf32>
    %slice3A_30 = vector.extract_strided_slice %get3A_10 {offsets = [0, 16], sizes = [2000, 16], strides = [1, 1]} : vector<2000x32xf32> to vector<2000x16xf32>
    %slice3A_31 = vector.extract_strided_slice %add3A {offsets = [0, 3], sizes = [2000, 1], strides = [1, 1]} : vector<2000x8xf32> to vector<2000x1xf32>
    %add3A_32 = arith.constant 1.000000e-16 : f32
    %add3A_33 = vector.broadcast %add3A_32 : f32 to vector<2000x1xf32>
    %add3A_34 = arith.addf %slice3A_31, %add3A_33 : vector<2000x1xf32>
    %div3A_35 = vector.broadcast %add3A_34 : vector<2000x1xf32> to vector<2000x16xf32>
    %div3A_36 = arith.divf %slice3A_30, %div3A_35 : vector<2000x16xf32>
    %concatenate3A = tpu.concatenate %div3A_15, %div3A_22, %div3A_29, %div3A_36 in 1 : vector<2000x16xf32>, vector<2000x16xf32>, vector<2000x16xf32>, vector<2000x16xf32> -> vector<2000x64xf32>
    %get3A_37 = arith.constant 0 : index
    %get3A_38 = arith.constant 0 : index
    %get3A_39 = vector.load %arg6[%get3A_37, %get3A_38] : memref<1x64xf32, #tpu.memory_space<vmem>>, vector<1x64xf32>
    %add3A_40 = vector.broadcast %get3A_39 : vector<1x64xf32> to vector<2000x64xf32>
    %add3A_41 = arith.addf %concatenate3A, %add3A_40 : vector<2000x64xf32>
    %gt3A = arith.constant 0.000000e+00 : f32
    %gt3A_42 = vector.broadcast %gt3A : f32 to vector<2000x64xf32>
    %gt3A_43 = arith.cmpf ogt, %add3A_41, %gt3A_42 : vector<2000x64xf32>
    %exp3A = math.exp %add3A_41 : vector<2000x64xf32>
    %sub3A = arith.constant 1.000000e+00 : f32
    %sub3A_44 = vector.broadcast %sub3A : f32 to vector<2000x64xf32>
    %sub3A_45 = arith.subf %exp3A, %sub3A_44 : vector<2000x64xf32>
    %select_n3A = arith.select %gt3A_43, %add3A_41, %sub3A_45 : vector<2000x64xi1>, vector<2000x64xf32>
    %get3A_46 = arith.constant 0 : index
    %get3A_47 = arith.constant 0 : index
    %get3A_48 = vector.load %arg5[%get3A_46, %get3A_47] : memref<64x66xf32, #tpu.memory_space<vmem>>, vector<64x66xf32>
    %dot_general3A = arith.constant dense<0.000000e+00> : vector<2000x66xf32>
    %dot_general3A_49 = tpu.matmul %select_n3A, %get3A_48, %dot_general3A {dimension_numbers = #tpu.dot_dimension_numbers<[1], [0], [0], [1], [0, 0, 1, 1], [], []>, transpose_lhs_hint = false} : vector<2000x64xf32>, vector<64x66xf32>, vector<2000x66xf32> -> vector<2000x66xf32>
    %broadcast_in_dim3A = arith.constant 0.000000e+00 : f32
    %broadcast_in_dim3A_50 = vector.broadcast %broadcast_in_dim3A : f32 to vector<2000x7xf32>
    %slice3A_51 = vector.extract_strided_slice %dot_general3A_49 {offsets = [0, 0], sizes = [2000, 32], strides = [1, 1]} : vector<2000x66xf32> to vector<2000x32xf32>
    %slice3A_52 = vector.extract_strided_slice %dot_general3A_49 {offsets = [0, 64], sizes = [2000, 1], strides = [1, 1]} : vector<2000x66xf32> to vector<2000x1xf32>
    %concatenate3A_53 = tpu.concatenate %slice3A_51, %slice3A_52, %broadcast_in_dim3A_50 in 1 : vector<2000x32xf32>, vector<2000x1xf32>, vector<2000x7xf32> -> vector<2000x40xf32>
    %swap3A = arith.constant 0 : index
    %swap3A_54 = arith.constant 0 : index
    %swap3A_55 = vector.load %arg7[%swap3A, %swap3A_54] : memref<2000x40xf32, #tpu.memory_space<vmem>>, vector<2000x40xf32>
    tpu.vector_store %arg7[%swap3A, %swap3A_54], %concatenate3A_53 {strides = array<i32>} : memref<2000x40xf32, #tpu.memory_space<vmem>>, vector<2000x40xf32>,
    %slice3A_56 = vector.extract_strided_slice %dot_general3A_49 {offsets = [0, 32], sizes = [2000, 32], strides = [1, 1]} : vector<2000x66xf32> to vector<2000x32xf32>
    %slice3A_57 = vector.extract_strided_slice %dot_general3A_49 {offsets = [0, 64], sizes = [2000, 1], strides = [1, 1]} : vector<2000x66xf32> to vector<2000x1xf32>
    %concatenate3A_58 = tpu.concatenate %slice3A_56, %slice3A_57, %broadcast_in_dim3A_50 in 1 : vector<2000x32xf32>, vector<2000x1xf32>, vector<2000x7xf32> -> vector<2000x40xf32>
    %swap3A_59 = arith.constant 0 : index
    %swap3A_60 = arith.constant 0 : index
    %swap3A_61 = vector.load %arg8[%swap3A_59, %swap3A_60] : memref<2000x40xf32, #tpu.memory_space<vmem>>, vector<2000x40xf32>
    tpu.vector_store %arg8[%swap3A_59, %swap3A_60], %concatenate3A_58 {strides = array<i32>} : memref<2000x40xf32, #tpu.memory_space<vmem>>, vector<2000x40xf32>,
    %slice3A_62 = vector.extract_strided_slice %dot_general3A_49 {offsets = [0, 64], sizes = [2000, 1], strides = [1, 1]} : vector<2000x66xf32> to vector<2000x1xf32>
    %concatenate3A_63 = tpu.concatenate %slice3A_62, %broadcast_in_dim3A_50 in 1 : vector<2000x1xf32>, vector<2000x7xf32> -> vector<2000x8xf32>
    %swap3A_64 = arith.constant 0 : index
    %swap3A_65 = arith.constant 0 : index
    %swap3A_66 = vector.load %arg9[%swap3A_64, %swap3A_65] : memref<2000x8xf32, #tpu.memory_space<vmem>>, vector<2000x8xf32>
    tpu.vector_store %arg9[%swap3A_64, %swap3A_65], %concatenate3A_63 {strides = array<i32>} : memref<2000x8xf32, #tpu.memory_space<vmem>>, vector<2000x8xf32>,
    %slice3A_67 = vector.extract_strided_slice %dot_general3A_49 {offsets = [0, 65], sizes = [2000, 1], strides = [1, 1]} : vector<2000x66xf32> to vector<2000x1xf32>
    %concatenate3A_68 = tpu.concatenate %slice3A_67, %broadcast_in_dim3A_50 in 1 : vector<2000x1xf32>, vector<2000x7xf32> -> vector<2000x8xf32>
    %swap3A_69 = arith.constant 0 : index
    %swap3A_70 = arith.constant 0 : index
    %swap3A_71 = vector.load %arg10[%swap3A_69, %swap3A_70] : memref<2000x8xf32, #tpu.memory_space<vmem>>, vector<2000x8xf32>
    tpu.vector_store %arg10[%swap3A_69, %swap3A_70], %concatenate3A_68 {strides = array<i32>} : memref<2000x8xf32, #tpu.memory_space<vmem>>, vector<2000x8xf32>,
    return
  }
  func.func @transform_0(%arg0: i32) -> (i32, i32) {
    %c0_i32 = arith.constant 0 : i32
    %c0_i32_0 = arith.constant 0 : i32
    return %arg0, %c0_i32 : i32, i32
  }
  func.func @transform_1(%arg0: i32) -> (i32, i32) {
    %c0_i32 = arith.constant 0 : i32
    %c0_i32_0 = arith.constant 0 : i32
    return %arg0, %c0_i32 : i32, i32
  }
  func.func @transform_2(%arg0: i32) -> (i32, i32) {
    %c0_i32 = arith.constant 0 : i32
    %c0_i32_0 = arith.constant 0 : i32
    return %arg0, %c0_i32 : i32, i32
  }
  func.func @transform_3(%arg0: i32) -> (i32, i32) {
    %c0_i32 = arith.constant 0 : i32
    %c0_i32_0 = arith.constant 0 : i32
    return %arg0, %c0_i32 : i32, i32
  }
  func.func @transform_4(%arg0: i32) -> (i32, i32) {
    %c0_i32 = arith.constant 0 : i32
    %c0_i32_0 = arith.constant 0 : i32
    %c0_i32_1 = arith.constant 0 : i32
    return %c0_i32, %c0_i32_0 : i32, i32
  }
  func.func @transform_5(%arg0: i32) -> (i32, i32) {
    %c0_i32 = arith.constant 0 : i32
    %c0_i32_0 = arith.constant 0 : i32
    %c0_i32_1 = arith.constant 0 : i32
    return %c0_i32, %c0_i32_0 : i32, i32
  }
  func.func @transform_6(%arg0: i32) -> (i32, i32) {
    %c0_i32 = arith.constant 0 : i32
    %c0_i32_0 = arith.constant 0 : i32
    return %arg0, %c0_i32 : i32, i32
  }
  func.func @transform_7(%arg0: i32) -> (i32, i32) {
    %c0_i32 = arith.constant 0 : i32
    %c0_i32_0 = arith.constant 0 : i32
    return %arg0, %c0_i32 : i32, i32
  }
  func.func @transform_8(%arg0: i32) -> (i32, i32) {
    %c0_i32 = arith.constant 0 : i32
    %c0_i32_0 = arith.constant 0 : i32
    return %arg0, %c0_i32 : i32, i32
  }
  func.func @transform_9(%arg0: i32) -> (i32, i32) {
    %c0_i32 = arith.constant 0 : i32
    %c0_i32_0 = arith.constant 0 : i32
    return %arg0, %c0_i32 : i32, i32
  }
}

module attributes {stable_mosaic.version = 14 : i64} {
  func.func @_out_body(%arg0: i32, %arg1: memref<2000x32xf32, #tpu.memory_space<vmem>>, %arg2: memref<2000x32xf32, #tpu.memory_space<vmem>>, %arg3: memref<2000x8xf32, #tpu.memory_space<vmem>>, %arg4: memref<2000x8xf32, #tpu.memory_space<vmem>>, %arg5: memref<1x64xf32, #tpu.memory_space<vmem>>, %arg6: memref<2000x64xf32, #tpu.memory_space<vmem>>) attributes {dimension_semantics = [#tpu.dimension_semantics<arbitrary>], iteration_bounds = array<i64: 25>, scalar_prefetch = 0 : i64, scratch_operands = 0 : i64, tpu.core_type = #tpu.core_type<tc>, window_params = [{transform_indices = @transform_0, window_bounds = array<i64: 2000, 32>}, {transform_indices = @transform_1, window_bounds = array<i64: 2000, 32>}, {transform_indices = @transform_2, window_bounds = array<i64: 2000, 8>}, {transform_indices = @transform_3, window_bounds = array<i64: 2000, 8>}, {pipeline_mode = #tpu.pipeline_mode<synchronous>, transform_indices = @transform_4, window_bounds = array<i64: 1, 64>}, {transform_indices = @transform_5, window_bounds = array<i64: 2000, 64>}]} {
    %get3A = arith.constant 0 : index
    %get3A_0 = arith.constant 0 : index
    %get3A_1 = vector.load %arg3[%get3A, %get3A_0] : memref<2000x8xf32, #tpu.memory_space<vmem>>, vector<2000x8xf32>
    %slice3A = vector.extract_strided_slice %get3A_1 {offsets = [0, 0], sizes = [2000, 1], strides = [1, 1]} : vector<2000x8xf32> to vector<2000x1xf32>
    %get3A_2 = arith.constant 0 : index
    %get3A_3 = arith.constant 0 : index
    %get3A_4 = vector.load %arg4[%get3A_2, %get3A_3] : memref<2000x8xf32, #tpu.memory_space<vmem>>, vector<2000x8xf32>
    %slice3A_5 = vector.extract_strided_slice %get3A_4 {offsets = [0, 0], sizes = [2000, 1], strides = [1, 1]} : vector<2000x8xf32> to vector<2000x1xf32>
    %add3A = arith.addf %slice3A, %slice3A_5 : vector<2000x1xf32>
    %add3A_6 = arith.constant 1.000000e-16 : f32
    %add3A_7 = vector.broadcast %add3A_6 : f32 to vector<2000x1xf32>
    %add3A_8 = arith.addf %add3A, %add3A_7 : vector<2000x1xf32>
    %get3A_9 = arith.constant 0 : index
    %get3A_10 = arith.constant 0 : index
    %get3A_11 = vector.load %arg1[%get3A_9, %get3A_10] : memref<2000x32xf32, #tpu.memory_space<vmem>>, vector<2000x32xf32>
    %div3A = vector.broadcast %add3A_8 : vector<2000x1xf32> to vector<2000x32xf32>
    %div3A_12 = arith.divf %get3A_11, %div3A : vector<2000x32xf32>
    %get3A_13 = arith.constant 0 : index
    %get3A_14 = arith.constant 0 : index
    %get3A_15 = vector.load %arg2[%get3A_13, %get3A_14] : memref<2000x32xf32, #tpu.memory_space<vmem>>, vector<2000x32xf32>
    %div3A_16 = vector.broadcast %add3A_8 : vector<2000x1xf32> to vector<2000x32xf32>
    %div3A_17 = arith.divf %get3A_15, %div3A_16 : vector<2000x32xf32>
    %concatenate3A = tpu.concatenate %div3A_12, %div3A_17 in 1 : vector<2000x32xf32>, vector<2000x32xf32> -> vector<2000x64xf32>
    %get3A_18 = arith.constant 0 : index
    %get3A_19 = arith.constant 0 : index
    %get3A_20 = vector.load %arg5[%get3A_18, %get3A_19] : memref<1x64xf32, #tpu.memory_space<vmem>>, vector<1x64xf32>
    %add3A_21 = vector.broadcast %get3A_20 : vector<1x64xf32> to vector<2000x64xf32>
    %add3A_22 = arith.addf %concatenate3A, %add3A_21 : vector<2000x64xf32>
    %swap3A = arith.constant 0 : index
    %swap3A_23 = arith.constant 0 : index
    %swap3A_24 = vector.load %arg6[%swap3A, %swap3A_23] : memref<2000x64xf32, #tpu.memory_space<vmem>>, vector<2000x64xf32>
    tpu.vector_store %arg6[%swap3A, %swap3A_23], %add3A_22 {strides = array<i32>} : memref<2000x64xf32, #tpu.memory_space<vmem>>, vector<2000x64xf32>,
    return
  }
  func.func @transform_0(%arg0: i32) -> (i32, i32) {
    %c0_i32 = arith.constant 0 : i32
    %c0_i32_0 = arith.constant 0 : i32
    return %arg0, %c0_i32 : i32, i32
  }
  func.func @transform_1(%arg0: i32) -> (i32, i32) {
    %c0_i32 = arith.constant 0 : i32
    %c0_i32_0 = arith.constant 0 : i32
    return %arg0, %c0_i32 : i32, i32
  }
  func.func @transform_2(%arg0: i32) -> (i32, i32) {
    %c0_i32 = arith.constant 0 : i32
    %c0_i32_0 = arith.constant 0 : i32
    return %arg0, %c0_i32 : i32, i32
  }
  func.func @transform_3(%arg0: i32) -> (i32, i32) {
    %c0_i32 = arith.constant 0 : i32
    %c0_i32_0 = arith.constant 0 : i32
    return %arg0, %c0_i32 : i32, i32
  }
  func.func @transform_4(%arg0: i32) -> (i32, i32) {
    %c0_i32 = arith.constant 0 : i32
    %c0_i32_0 = arith.constant 0 : i32
    %c0_i32_1 = arith.constant 0 : i32
    return %c0_i32, %c0_i32_0 : i32, i32
  }
  func.func @transform_5(%arg0: i32) -> (i32, i32) {
    %c0_i32 = arith.constant 0 : i32
    %c0_i32_0 = arith.constant 0 : i32
    return %arg0, %c0_i32 : i32, i32
  }
}

</mosaic_0001>

<sc_bundles>
// kernel: kernel.10.cloned.1.call-start
scs
__scs_entry_jumppad:
0x0: {  	(pc) =	sbr.rel $0x88, $3  }
0x1: {  	(tag) =	ssettag $0x0;
	lr =	simm.s32 $0x1  }
0x2: {  	[smem:$0x3F8F] =	sst lr;
	_ =	strace $0xD0000000  }
0x3: {  	_ = 	snop  }
0x4: {  	_ = 	snop  }
0x5: {  	_ = 	snop  }
0x6: {  	_ = 	snop  }
0x7: {  	_ = 	snop  }
__scs_overlays_trampoline_lowered:
0x8: {  	[smem:$0x3F9E] =	sst s0  }
0x9: {  	[smem:$0x3F9F] =	sst s1  }
0xa: {  	[smem:$0x3FA0] =	sst s2  }
0xb: {  	[smem:$0x3FA1] =	sst s3  }
0xc: {  	[smem:$0x3FA2] =	sst s4  }
0xd: {  	[smem:$0x3FA3] =	sst s5  }
0xe: {  	[smem:$0x3FA4] =	sst s6  }
0xf: {  	[smem:$0x3FA5] =	sst s7  }
0x10: {  	[smem:$0x3FA6] =	sst s8  }
0x11: {  	[smem:$0x3FA7] =	sst s9;
	s0 =	simm.s32 @!p0 $0x0  }
0x12: {  	s1 =	sld [smem:$0x3F8D];
	s0 =	simm.s32 @p0 $0x1  }
0x13: {  	[smem:$0x3FA8] =	sst s0;
	s0 =	simm.s32 @!p1 $0x0  }
0x14: {  	s2 =	sld [smem:$0x3F8C];
	s0 =	simm.s32 @p1 $0x1  }
0x15: {  	[smem:$0x3FA9] =	sst s0;
	s0 =	simm.s32 @!p2 $0x0  }
0x16: {  	s3 =	sld [smem:$0x3FDB];
	s0 =	simm.s32 @p2 $0x1  }
0x17: {  	s4 =	simm.s32 $0x1BF5;
	[smem:$0x3FAB] =	sst s0  }
0x18: {  	s0 =	sld [smem:$0x3F8E];
	_ =	swait.ge [sflag:s4], $0x0  }
0x19: {  	s7 =	sld [smem:$0x3F8F]  }
0x1a: {  	s8 =	sadd.s32 $0xFFFFE003, lr  }
0x1b: {  	s9 =	sadd.s32 $0xFFFFFEF7, lr;
	s5 =	simm.s32 $0xFFFFFFFF;
	p2 =	slt.u32 s8, $0xFFFFF086  }
0x1c: {  	p1 =	slt.u32 s9, $0xF7A;
	s5 =	simm.s32 @!p2 $0x0  }
0x1d: {  	s5 =	simm.s32 @p1 $0x1;
	p0 =	seq.s32 s7, s2  }
0x1e: {  	s7 =	smul.u32 @!p0 $0xF7A, s2;
	p2 =	seq.s32 @!p0 s5, $0x0  }
0x1f: {  	s9 =	smul.u32 $0xF7A, s1;
	s8 =	simm.s32 @!p0 $0x1BF5;
	p2 =	por !p2, p0  }
0x20: {  	[sflag:s8] =	ssyncset.s32 @!p0 $0xFFFFF086;
	s6 =	sadd.s32 @!p0 s3, s7;
	s7 =	simm.s32 @!p0 $0x108  }
0x21: {  	s3 =	sadd.s32 s3, s9;
	s6 =	sadd.s32 @!p0 $0x88, s6;
	s7 =	simm.s32 @p2 $0x1082  }
0x22: {  	[simem:s7], [sflag:s8] =	dma.local @!p0 [hbm:s6], $0xF7A  }
0x23: {  	s9 =	sor.u32 $0xD0000000, s2;
	s6 =	simm.s32 $0x108;
	_ =	swait.ge @!p0 [sflag:s8], $0x0  }
0x24: {  	s3 =	sadd.s32 $0x88, s3;
	s6 =	simm.s32 @!p1 $0x1082;
	[sflag:s4] =	ssyncset.s32 $0xFFFFF086  }
0x25: {  	[simem:s6], [sflag:s4] =	dma.local [hbm:s3], $0xF7A  }
0x26: {  	[smem:$0x3F8F] =	sst s1;
	(tag) =	ssettag s2;
	_ =	strace s9  }
0x27: {  	s1 =	sld [smem:$0x3F9F]  }
0x28: {  	s2 =	sld [smem:$0x3FA0]  }
0x29: {  	s4 =	sld [smem:$0x3FA2]  }
0x2a: {  	p0 =	seq.s32 s5, $0x0;
	s5 =	sld [smem:$0x3FA3]  }
0x2b: {  	s6 =	sld [smem:$0x3FA4]  }
0x2c: {  	s7 =	sld [smem:$0x3FA5]  }
0x2d: {  	s3 =	simm.s32 $0x108;
	s8 =	sld [smem:$0x3FA6]  }
0x2e: {  	s3 =	simm.s32 @!p0 $0x1082;
	s9 =	sld [smem:$0x3FA7]  }
0x2f: {  	lr =	sadd.s32 s0, s3;
	s0 =	sld [smem:$0x3F9E]  }
0x30: {  	s3 =	sld [smem:$0x3FA1]  }
0x31: {  	[smem:$0x3FAA] =	sst s10  }
0x32: {  	s10 =	sld [smem:$0x3FA8];
	_ =	sdelay $0x3  }
0x33: {  	p0 =	seq.s32 s10, $0x1;
	s10 =	sld [smem:$0x3FAA];
	_ =	sdelay $0x3  }
0x34: {  	[smem:$0x3FAA] =	sst s10  }
0x35: {  	s10 =	sld [smem:$0x3FA9];
	_ =	sdelay $0x3  }
0x36: {  	p1 =	seq.s32 s10, $0x1;
	s10 =	sld [smem:$0x3FAA];
	_ =	sdelay $0x3  }
0x37: {  	[smem:$0x3FAA] =	sst s10  }
0x38: {  	s10 =	sld [smem:$0x3FAB]  }
0x39: {  	_ = 	snop;
	(pc) =	sbr.ind lr, $3  }
0x3a: {  	_ = 	snop  }
0x3b: {  	_ = 	snop  }
0x3c: {  	p2 =	seq.s32 s10, $0x1;
	s10 =	sld [smem:$0x3FAA]  }
0x3d: {  	_ =	shalt  }
0x3e: {  	_ =	shalt  }
0x3f: {  	_ =	shalt  }
0x40: {  	_ =	shalt  }
0x41: {  	_ =	shalt  }
0x42: {  	_ =	shalt  }
0x43: {  	_ =	shalt  }
0x44: {  	_ =	shalt  }
0x45: {  	_ =	shalt  }
0x46: {  	_ =	shalt  }
0x47: {  	_ =	shalt  }
0x48: {  	_ =	shalt  }
0x49: {  	_ =	shalt  }
0x4a: {  	_ =	shalt  }
0x4b: {  	_ =	shalt  }
0x4c: {  	_ =	shalt  }
0x4d: {  	_ =	shalt  }
0x4e: {  	_ =	shalt  }
0x4f: {  	_ =	shalt  }
0x50: {  	_ =	shalt  }
0x51: {  	_ =	shalt  }
0x52: {  	_ =	shalt  }
0x53: {  	_ =	shalt  }
0x54: {  	_ =	shalt  }
0x55: {  	_ =	shalt  }
0x56: {  	_ =	shalt  }
0x57: {  	_ =	shalt  }
0x58: {  	_ =	shalt  }
0x59: {  	_ =	shalt  }
0x5a: {  	_ =	shalt  }
0x5b: {  	_ =	shalt  }
0x5c: {  	_ =	shalt  }
0x5d: {  	_ =	shalt  }
0x5e: {  	_ =	shalt  }
0x5f: {  	_ =	shalt  }
0x60: {  	_ =	shalt  }
0x61: {  	_ =	shalt  }
0x62: {  	_ =	shalt  }
0x63: {  	_ =	shalt  }
0x64: {  	_ =	shalt  }
0x65: {  	_ =	shalt  }
0x66: {  	_ =	shalt  }
0x67: {  	_ =	shalt  }
0x68: {  	_ =	shalt  }
0x69: {  	_ =	shalt  }
0x6a: {  	_ =	shalt  }
0x6b: {  	_ =	shalt  }
0x6c: {  	_ =	shalt  }
0x6d: {  	_ =	shalt  }
0x6e: {  	_ =	shalt  }
0x6f: {  	_ =	shalt  }
0x70: {  	_ =	shalt  }
0x71: {  	_ =	shalt  }
0x72: {  	_ =	shalt  }
0x73: {  	_ =	shalt  }
0x74: {  	_ =	shalt  }
0x75: {  	_ =	shalt  }
0x76: {  	_ =	shalt  }
0x77: {  	_ =	shalt  }
0x78: {  	_ =	shalt  }
0x79: {  	_ =	shalt  }
0x7a: {  	_ =	shalt  }
0x7b: {  	_ =	shalt  }
0x7c: {  	_ =	shalt  }
0x7d: {  	_ =	shalt  }
0x7e: {  	_ =	shalt  }
0x7f: {  	_ =	shalt  }
0x80: {  	_ =	shalt  }
0x81: {  	_ =	shalt  }
0x82: {  	_ =	shalt  }
0x83: {  	_ =	shalt  }
0x84: {  	_ =	shalt  }
0x85: {  	_ =	shalt  }
0x86: {  	_ =	shalt  }
0x87: {  	_ =	shalt  }
.Lfunc_end0:
.L_simem_size_0:
called_computation_lowered:
.L_overlay_start_0:
0x88: {  	s2 =	sld [smem:$0x3FD9]  }
0x89: {  	s3 =	sld [smem:$0x3FFE];
	_ =	sdelay $0x1  }
0x8a: {  	s1 =	srdreg.scid  }
0x8b: {  	s0 =	sand.u32 $0x1, s1  }
0x8c: {  	s17 =	sshll.u32 s0, $0xA;
	s2 =	sadd.s32 s3, s2  }
0x8d: {  	s2 =	sadd.s32 s2, s17  }
0x8e: {  	[smem:$0x3FB6] =	sst s2  }
0x8f: {  	_ = 	snop  }
0x90: {  	s2 =	sld [smem:$0x3FD0];
	(tm) =	ssettm $0x1  }
0x91: {  	s18 =	sld [smem:$0x3FFB];
	_ =	sdelay $0x3  }
0x92: {  	_ =	strace s18  }
0x93: {  	s3 =	sld [smem:$0x3FFC];
	_ =	sdelay $0x3  }
0x94: {  	_ =	strace s3  }
0x95: {  	s3 =	sld [smem:$0x3FFD];
	_ =	sdelay $0x3  }
0x96: {  	_ =	strace s3  }
0x97: {  	_ =	strace $0x8FFFFFFF  }
0x98: {  	s19 =	sld [smem:$0x3FDB];
	_ =	sdelay $0x1  }
0x99: {  	s4 =	simm.s32 $_scs_section_size  }
0x9a: {  	s5 =	simm.s32 $_size__tile_overlayer_lowered;
	s6 =	simm.s32 $_tile_overlayer_lowered  }
0x9b: {  	s22 =	simm.s32 $0x1BFF;
	s21 =	sshll.u32 s6, $0x1;
	s3 =	sadd.s32 s4, s19  }
0x9c: {  	s7 =	simm.s32 $0x0;
	s20 =	sshll.u32 s5, $0x1;
	s5 =	sadd.s32 s21, s3  }
0x9d: {  	[timem:s7], [sflag:s22] =	dma.local [hbm:s5], s20  }
0x9e: {  	_ =	swait.ge [sflag:s22], s20  }
0x9f: {  	s4 =	ssub.s32 $0x0, s20;
	[sflag:s22] =	ssyncset.done $0x0  }
0xa0: {  	[sflag:s22] =	ssyncadd.s32 s4;
	_ =	sdelay $0x1  }
0xa1: {  	s23 =	simm.s32 $0x1B8B  }
0xa2: {  	_ =	swait.ge [sflag:s23], $0x1  }
0xa3: {  	[sflag:s23] =	ssyncset.done $0x0  }
0xa4: {  	s25 =	simm.s32 $0x1B8E;
	s24 =	sld [smem:$0x3FFE];
	[sflag:s23] =	ssyncadd.s32 $0xFFFFFFFF  }
0xa5: {  	s26 =	simm.s32 $execute0_lowered;
	[smem:$0x3FD2] =	sst s25  }
0xa6: {  	s5 =	sshll.u32 s26, $0x1;
	_ =	strace $0x80000046;
	[dreg:$0x1] =	wrdreg $0xFFFFFFFF  }
0xa7: {  	s28 =	simm.s32 $_size_execute0_lowered;
	s3 =	sadd.s32 s3, s5;
	[dreg:$0x0] =	wrdreg $0x0  }
0xa8: {  	s5 =	sshll.u32 s28, $0x1;
	[dreg:$0x2] =	wrdreg s3  }
0xa9: {  	[dreg:$0x3] =	wrdreg s5  }
0xaa: {  	[dreg:$0x4] =	wrdreg $0xC0  }
0xab: {  	_ =	task [dreg:s7], $0x5FFFF  }
0xac: {  	[dreg:$0x1] =	wrdreg $0xFFFFFFFF  }
0xad: {  	[dreg:$0x0] =	wrdreg $0x60  }
0xae: {  	[dreg:$0x2] =	wrdreg s24  }
0xaf: {  	[dreg:$0x3] =	wrdreg s2  }
0xb0: {  	[dreg:$0x4] =	wrdreg $0x9  }
0xb1: {  	_ =	task.clear_ibuf [dreg:s7], $0x5FFFF;
	_ =	strace $0x90000046  }
0xb2: {  	s29 =	simm.s32 $0x9;
	_ =	strace $0x80000048  }
0xb3: {  	_ =	swait.ge [sflag:s29], $0x1  }
0xb4: {  	[sflag:s29] =	ssyncadd.s32 $0xFFFFFFFF  }
0xb5: {  	_ =	strace $0x90000048  }
0xb6: {  	_ =	sfence  }
0xb7: {  	s30 =	sld [smem:$0x0];
	_ =	sdelay $0x2  }
0xb8: {  	s31 =	sshll.u32 s1, $0xD;
	s1 =	sshrl.u32 s1, $0x2  }
0xb9: {  	s3 =	sand.u32 $0x4000, s31;
	s1 =	sadd.s32 s1, s30  }
0xba: {  	s0 =	sor.u32 s3, s0;
	s1 =	sshll.u32 s1, $0x11  }
0xbb: {  	s0 =	sor.u32 s1, s0  }
0xbc: {  	s0 =	sadd.s32 $0x8F2B, s0  }
0xbd: {  	[sflag:s0] =	ssyncadd.remote.s32 $0x1  }
0xbe: {  	_ =	sfence.sel $0xFFFF  }
0xbf: {  	[dreg:$0x0] =	wrdreg $0xFFFFFFFF;
	(pc) =	sbr.abs _section_cstart, $3  }
0xc0: {  	[dreg:$0x1] =	wrdreg $0xFFFFFFFF  }
0xc1: {  	_ =	task.clear_ibuf [dreg:s7], $0x2FFFF;
	_ =	strace $0x9FFFFFFF  }
0xc2: {  	(tm) =	ssettm $0x7FFFFFFF  }
0xc3: {  	_ =	shalt  }
tec
execute0_lowered:
.L_overlay_start_1:
0x0: {  	(tag) =	ssettag $0x1  }
0x1: {  	s0 =	srdreg.scid  }
0x2: {  	s5 =	rddreg [dreg:$0x0];
	s4 =	sand.u32 $0x1, s0  }
0x3: {  	s2 =	rddreg [dreg:$0x1];
	s0 =	stileid.u32;
	s1 =	sshll.u32 s4, $0x4  }
0x4: {  	s3 =	simm.s32 $0x0;
	s8 =	sand.u32 $0x3, s0;
	s6 =	sor.u32 s0, s1  }
0x5: {  	s7 =	simm.s32 $0x1;
	p0 =	sne.s32 s8, $0x0;
	p1 =	seq.s32 s6, $0x0  }
0x6: {  	[smem:$0x7FF] =	sst s3;
	s9 =	ssub.s32 $0x2, s4;
	p1 =	por !p0, !p1  }
0x7: {  	s4 =	sadd.s32 $0xA200, s5;
	s5 =	sadd.s32 $0x142A00, s5;
	p1 =	por !p1, !p1  }
0x8: {  	s1 =	rddreg [dreg:$0x2];
	s6 =	sshrl.u32 s6, $0x2;
	s7 =	simm.s32 @!p1 $0x0  }
0x9: {  	_ =	strace $0x80000047;
	s28 =	sshrl.u32 s9, $0x1;
	s7 =	ssub.s32 s6, s7  }
0xa: {  	s30 =	ssub.s32 $0x189, s8;
	s10 =	ssub.s32 s9, s28;
	s11 =	smul.u32 $0xC350, s7  }
0xb: {  	s14 =	sshll.u32 s8, $0x7;
	s10 =	smax.u32 s10, $0x1;
	s29 =	smul.u32 $0x61A80, s7  }
0xc: {  	s6 =	simm.s32 $0x1;
	s12 =	smul.u32 $0x2710, s7;
	s7 =	sshrl.u32 s30, $0x2  }
0xd: {  	s13 =	sadd.s32 $0xC300, s11;
	s9 =	sadd.s32 $0x61800, s29;
	s11 =	sadd.s32 s14, s11  }
0xe: {  	v0 =	vmov s12;
	s12 =	simm.s32 $0x80;
	s31 =	sshrl.u32 s13, $0x3;
	s9 =	sshrl.u32 s9, $0x3  }
0xf: {  	s13 =	simm.s32 $0x0;
	s8 =	sadd.s32 s4, s31;
	s9 =	sadd.s32 s2, s9  }
.LBB2_1:
0x10: {  	s14 =	sshrl.u32 s11, $0x3  }
0x11: {  	s14 =	sadd.s32 s4, s14  }
0x12: {  	[tilespmem:s3], [sflag:$0x1] =	stream.linear.gather [hbm4b:s14+s3], $0x80, $0x38;
	[tilespmem:$0x750] =	vst v63  }
0x13: {  	_ =	swait.ge [sflag:s6], $0x80  }
0x14: {  	[sflag:s6] =	ssyncset.done $0x0  }
0x15: {  	[sflag:s6] =	ssyncadd.s32 $0xFFFFFF80  }
0x16: {  	v1 =	vld [tilespmem:$0x70]  }
0x17: {  	v2 =	vld [tilespmem:$0x30]  }
0x18: {  	v3 =	vld [tilespmem:$0x50]  }
0x19: {  	v5 =	vld [tilespmem:$0x20]  }
0x1a: {  	v4 =	vld [tilespmem:$0x60]  }
0x1b: {  	v6 =	vld [tilespmem:$0x10];
	v1 =	vadd.s32 v0, v1  }
0x1c: {  	v7 =	vld [tilespmem:$0x40];
	v2 =	vadd.s32 v0, v2;
	[tilespmem:$0x70] =	vst v1  }
0x1d: {  	v1 =	vld [tilespmem:$0x0];
	[tilespmem:$0x30] =	vst v2;
	v2 =	vadd.s32 v0, v3  }
0x1e: {  	p1 =	sne.s32 s7, $0x1;
	v3 =	vadd.s32 v0, v5;
	[tilespmem:$0x50] =	vst v2  }
.Ltmp0:
0x1f: {  	v2 =	vadd.s32 v0, v4;
	[tilespmem:$0x20] =	vst v3;
	(pc) =	sbr.rel @!p1 .LBB2_3-.Ltmp0, $4  }
0x20: {  	[tilespmem:$0x60] =	vst v2;
	v2 =	vadd.s32 v0, v6  }
0x21: {  	[tilespmem:$0x10] =	vst v2;
	v2 =	vadd.s32 v0, v7  }
0x22: {  	[tilespmem:$0x40] =	vst v2;
	v1 =	vadd.s32 v0, v1  }
0x23: {  	s15 =	sadd.s32 $0xFFFFFFFF, s7;
	s16 =	sadd.s32 $0x200, s11;
	s14 =	smov.u32 s11;
	[tilespmem:$0x0] =	vst v1  }
.LBB2_2:
0x24: {  	[tilespmem:s12], [sflag:$0x1] =	stream.indirect.gather [hbm4b:s5+s12], $0x8, s3, s12, $0xb8;
	[tilespmem:$0x750] =	vst v63  }
0x25: {  	p1 =	sne.s32 s15, $0x1;
	s15 =	sadd.s32 $0xFFFFFFFF, s15;
	_ =	swait.ge [sflag:s6], $0x400  }
0x26: {  	s17 =	sand.u32 $0x1FFFFFF0, s14;
	s14 =	smov.u32 s16;
	[sflag:s6] =	ssyncset.done $0x0  }
0x27: {  	s17 =	sadd.s32 s2, s17;
	[sflag:s6] =	ssyncadd.s32 $0xFFFFFC00  }
0x28: {  	[hbm4b:s17+s3] =	stream.linear.scatter [tilespmem:s12], [sflag:$0x1], $0x400, $0x38;
	[tilespmem:$0x750] =	vst v63  }
0x29: {  	_ =	swait.ge [sflag:s6], $0x400  }
0x2a: {  	s17 =	sshrl.u32 s16, $0x3;
	[sflag:s6] =	ssyncset.done $0x0  }
0x2b: {  	s17 =	sadd.s32 s4, s17;
	[sflag:s6] =	ssyncadd.s32 $0xFFFFFC00  }
0x2c: {  	[tilespmem:s3], [sflag:$0x1] =	stream.linear.gather [hbm4b:s17+s3], $0x80, $0x38;
	[tilespmem:$0x750] =	vst v63  }
0x2d: {  	_ =	swait.ge [sflag:s6], $0x80  }
0x2e: {  	[sflag:s6] =	ssyncset.done $0x0  }
0x2f: {  	[sflag:s6] =	ssyncadd.s32 $0xFFFFFF80  }
0x30: {  	v1 =	vld [tilespmem:$0x70]  }
0x31: {  	v2 =	vld [tilespmem:$0x30]  }
0x32: {  	v3 =	vld [tilespmem:$0x50]  }
0x33: {  	v4 =	vld [tilespmem:$0x60]  }
0x34: {  	v5 =	vld [tilespmem:$0x20]  }
0x35: {  	v6 =	vld [tilespmem:$0x10];
	v1 =	vadd.s32 v0, v1  }
0x36: {  	v2 =	vadd.s32 v0, v2;
	v7 =	vld [tilespmem:$0x40];
	[tilespmem:$0x70] =	vst v1  }
0x37: {  	v1 =	vld [tilespmem:$0x0];
	[tilespmem:$0x30] =	vst v2;
	v2 =	vadd.s32 v0, v3  }
0x38: {  	[tilespmem:$0x50] =	vst v2;
	v2 =	vadd.s32 v0, v4  }
.Ltmp1:
0x39: {  	v3 =	vadd.s32 v0, v5;
	[tilespmem:$0x60] =	vst v2;
	(pc) =	sbr.rel @p1 .LBB2_2-.Ltmp1, $4  }
0x3a: {  	v2 =	vadd.s32 v0, v6;
	[tilespmem:$0x20] =	vst v3  }
0x3b: {  	[tilespmem:$0x10] =	vst v2;
	v2 =	vadd.s32 v0, v7  }
0x3c: {  	v1 =	vadd.s32 v0, v1;
	[tilespmem:$0x40] =	vst v2  }
0x3d: {  	s16 =	sadd.s32 $0x200, s16;
	[tilespmem:$0x0] =	vst v1  }
.LBB2_3:
0x3e: {  	[tilespmem:s12], [sflag:$0x1] =	stream.indirect.gather [hbm4b:s5+s12], $0x8, s3, s12, $0xb8;
	[tilespmem:$0x750] =	vst v63  }
0x3f: {  	_ =	swait.ge [sflag:s6], $0x400  }
0x40: {  	s14 =	sand.u32 $0x1FFFFFF0, s14;
	[sflag:s6] =	ssyncset.done $0x0  }
0x41: {  	s14 =	sadd.s32 s2, s14;
	[sflag:s6] =	ssyncadd.s32 $0xFFFFFC00  }
0x42: {  	[hbm4b:s14+s3] =	stream.linear.scatter [tilespmem:s12], [sflag:$0x1], $0x400, $0x38;
	[tilespmem:$0x750] =	vst v63  }
0x43: {  	_ =	swait.ge [sflag:s6], $0x400  }
0x44: {  	s15 =	simm.s32 @!p0 $0x480;
	[sflag:s6] =	ssyncset.done $0x0  }
0x45: {  	s16 =	simm.s32 @!p0 $0x1;
	s14 =	simm.s32 @!p0 $0x0;
	[sflag:s6] =	ssyncadd.s32 $0xFFFFFC00  }
0x46: {  	[tilespmem:s15], [sflag:$0x1] =	stream.linear.gather @!p0 [hbm4b:s8+s14], $0x50, $0x38;
	[tilespmem:$0x750] =	vst v63  }
0x47: {  	_ =	swait.ge @!p0 [sflag:s16], $0x50  }
0x48: {  	[sflag:s16] =	ssyncset.done @!p0 $0x0  }
0x49: {  	[sflag:s16] =	ssyncadd.s32 @!p0 $0xFFFFFFB0  }
0x4a: {  	v1 =	vld @!p0 [tilespmem:$0x480]  }
0x4b: {  	v2 =	vld @!p0 [tilespmem:$0x490]  }
0x4c: {  	v3 =	vld @!p0 [tilespmem:$0x4A0]  }
0x4d: {  	v4 =	vld @!p0 [tilespmem:$0x4B0]  }
0x4e: {  	v5 =	vld @!p0 [tilespmem:$0x4C0]  }
0x4f: {  	v1 =	vadd.s32 @!p0 v0, v1  }
0x50: {  	[tilespmem:$0x480] =	vst @!p0 v1;
	v1 =	vadd.s32 @!p0 v0, v2  }
0x51: {  	[tilespmem:$0x490] =	vst @!p0 v1;
	v1 =	vadd.s32 @!p0 v0, v3  }
0x52: {  	[tilespmem:$0x4A0] =	vst @!p0 v1;
	v1 =	vadd.s32 @!p0 v0, v4  }
0x53: {  	[tilespmem:$0x4B0] =	vst @!p0 v1;
	v1 =	vadd.s32 @!p0 v0, v5  }
0x54: {  	s17 =	simm.s32 @!p0 $0x50;
	s18 =	simm.s32 @!p0 $0x4D0;
	[tilespmem:$0x4C0] =	vst @!p0 v1  }
0x55: {  	[tilespmem:s18], [sflag:$0x1] =	stream.indirect.gather @!p0 [hbm4b:s5+s17], $0x8, s15, s17, $0xb8;
	[tilespmem:$0x750] =	vst v63  }
0x56: {  	s13 =	sadd.s32 $0x1, s13;
	_ =	swait.ge @!p0 [sflag:s16], $0x280  }
0x57: {  	p1 =	sne.s32 s13, s10;
	[sflag:s16] =	ssyncset.done @!p0 $0x0  }
.Ltmp2:
0x58: {  	[sflag:s16] =	ssyncadd.s32 @!p0 $0xFFFFFD80;
	(pc) =	sbr.rel @p1 .LBB2_1-.Ltmp2, $4  }
0x59: {  	[hbm4b:s9+s14] =	stream.linear.scatter @!p0 [tilespmem:s18], [sflag:$0x1], $0x280, $0x38;
	[tilespmem:$0x750] =	vst v63  }
0x5a: {  	_ =	swait.ge @!p0 [sflag:s16], $0x280  }
0x5b: {  	[sflag:s16] =	ssyncset.done @!p0 $0x0  }
0x5c: {  	[sflag:s16] =	ssyncadd.s32 @!p0 $0xFFFFFD80  }
0x5d: {  	_ =	sfence.sel $0x180000  }
0x5e: {  	[bflag:$0x0] =	sbarrier.arrive $0xFFFF  }
0x5f: {  	p0 =	sne.s32 s0, $0x0;
	_ =	strace $0x90000047  }
0x60: {  	s0 =	sadd.s32 @!p0 $0x100000, s1;
	[bflag:$0x2] =	sbarrier.arrive $0xFFFF  }
0x61: {  	[sflag:s0] =	ssyncadd.tile.s32 @!p0 $0x1;
	_ =	shalt  }
.Lfunc_end2:
_tile_overlayer_lowered:
.L_overlay_start_2:
0x62: {  	(tag) =	ssettag $0x2  }
0x63: {  	s0 =	rddreg [dreg:$0x0];
	s2 =	stileid.u32  }
0x64: {  	s1 =	rddreg [dreg:$0x1];
	p0 =	sne.s32 s2, $0x0  }
0x65: {  	s3 =	rddreg [dreg:$0x2];
	[bflag:$0x3] =	sbarrier.arrive $0xFFFF;
	s2 =	simm.s32 @!p0 $0x1C01  }
0x66: {  	[timem:s3], [sflag:s2] =	dma.local @!p0 [hbm:s0], s1  }
0x67: {  	s0 =	simm.s32 @!p0 $0x1  }
0x68: {  	_ =	swait.ge @!p0 [sflag:s0], s1  }
0x69: {  	s1 =	ssub.s32 @!p0 $0x0, s1;
	[sflag:s0] =	ssyncset.done @!p0 $0x0  }
0x6a: {  	[sflag:s0] =	ssyncadd.s32 @!p0 s1  }
0x6b: {  	[bflag:$0x3] =	sbarrier.arrive $0xFFFF  }
0x6c: {  	_ =	shalt  }

// kernel: kernel.13.cloned.1.call-start
scs
__scs_entry_jumppad:
0x0: {  	(pc) =	sbr.rel $0x88, $3  }
0x1: {  	(tag) =	ssettag $0x0;
	lr =	simm.s32 $0x1  }
0x2: {  	[smem:$0x3F8F] =	sst lr;
	_ =	strace $0xD0000000  }
0x3: {  	_ = 	snop  }
0x4: {  	_ = 	snop  }
0x5: {  	_ = 	snop  }
0x6: {  	_ = 	snop  }
0x7: {  	_ = 	snop  }
__scs_overlays_trampoline_lowered:
0x8: {  	[smem:$0x3F9E] =	sst s0  }
0x9: {  	[smem:$0x3F9F] =	sst s1  }
0xa: {  	[smem:$0x3FA0] =	sst s2  }
0xb: {  	[smem:$0x3FA1] =	sst s3  }
0xc: {  	[smem:$0x3FA2] =	sst s4  }
0xd: {  	[smem:$0x3FA3] =	sst s5  }
0xe: {  	[smem:$0x3FA4] =	sst s6  }
0xf: {  	[smem:$0x3FA5] =	sst s7  }
0x10: {  	[smem:$0x3FA6] =	sst s8  }
0x11: {  	[smem:$0x3FA7] =	sst s9;
	s0 =	simm.s32 @!p0 $0x0  }
0x12: {  	s1 =	sld [smem:$0x3F8D];
	s0 =	simm.s32 @p0 $0x1  }
0x13: {  	[smem:$0x3FA8] =	sst s0;
	s0 =	simm.s32 @!p1 $0x0  }
0x14: {  	s2 =	sld [smem:$0x3F8C];
	s0 =	simm.s32 @p1 $0x1  }
0x15: {  	[smem:$0x3FA9] =	sst s0;
	s0 =	simm.s32 @!p2 $0x0  }
0x16: {  	s3 =	sld [smem:$0x3FDB];
	s0 =	simm.s32 @p2 $0x1  }
0x17: {  	s4 =	simm.s32 $0x1BF5;
	[smem:$0x3FAB] =	sst s0  }
0x18: {  	s0 =	sld [smem:$0x3F8E];
	_ =	swait.ge [sflag:s4], $0x0  }
0x19: {  	s7 =	sld [smem:$0x3F8F]  }
0x1a: {  	s8 =	sadd.s32 $0xFFFFE003, lr  }
0x1b: {  	s9 =	sadd.s32 $0xFFFFFEF7, lr;
	s5 =	simm.s32 $0xFFFFFFFF;
	p2 =	slt.u32 s8, $0xFFFFF086  }
0x1c: {  	p1 =	slt.u32 s9, $0xF7A;
	s5 =	simm.s32 @!p2 $0x0  }
0x1d: {  	s5 =	simm.s32 @p1 $0x1;
	p0 =	seq.s32 s7, s2  }
0x1e: {  	s7 =	smul.u32 @!p0 $0xF7A, s2;
	p2 =	seq.s32 @!p0 s5, $0x0  }
0x1f: {  	s9 =	smul.u32 $0xF7A, s1;
	s8 =	simm.s32 @!p0 $0x1BF5;
	p2 =	por !p2, p0  }
0x20: {  	[sflag:s8] =	ssyncset.s32 @!p0 $0xFFFFF086;
	s6 =	sadd.s32 @!p0 s3, s7;
	s7 =	simm.s32 @!p0 $0x108  }
0x21: {  	s3 =	sadd.s32 s3, s9;
	s6 =	sadd.s32 @!p0 $0x88, s6;
	s7 =	simm.s32 @p2 $0x1082  }
0x22: {  	[simem:s7], [sflag:s8] =	dma.local @!p0 [hbm:s6], $0xF7A  }
0x23: {  	s9 =	sor.u32 $0xD0000000, s2;
	s6 =	simm.s32 $0x108;
	_ =	swait.ge @!p0 [sflag:s8], $0x0  }
0x24: {  	s3 =	sadd.s32 $0x88, s3;
	s6 =	simm.s32 @!p1 $0x1082;
	[sflag:s4] =	ssyncset.s32 $0xFFFFF086  }
0x25: {  	[simem:s6], [sflag:s4] =	dma.local [hbm:s3], $0xF7A  }
0x26: {  	[smem:$0x3F8F] =	sst s1;
	(tag) =	ssettag s2;
	_ =	strace s9  }
0x27: {  	s1 =	sld [smem:$0x3F9F]  }
0x28: {  	s2 =	sld [smem:$0x3FA0]  }
0x29: {  	s4 =	sld [smem:$0x3FA2]  }
0x2a: {  	p0 =	seq.s32 s5, $0x0;
	s5 =	sld [smem:$0x3FA3]  }
0x2b: {  	s6 =	sld [smem:$0x3FA4]  }
0x2c: {  	s7 =	sld [smem:$0x3FA5]  }
0x2d: {  	s3 =	simm.s32 $0x108;
	s8 =	sld [smem:$0x3FA6]  }
0x2e: {  	s3 =	simm.s32 @!p0 $0x1082;
	s9 =	sld [smem:$0x3FA7]  }
0x2f: {  	lr =	sadd.s32 s0, s3;
	s0 =	sld [smem:$0x3F9E]  }
0x30: {  	s3 =	sld [smem:$0x3FA1]  }
0x31: {  	[smem:$0x3FAA] =	sst s10  }
0x32: {  	s10 =	sld [smem:$0x3FA8];
	_ =	sdelay $0x3  }
0x33: {  	p0 =	seq.s32 s10, $0x1;
	s10 =	sld [smem:$0x3FAA];
	_ =	sdelay $0x3  }
0x34: {  	[smem:$0x3FAA] =	sst s10  }
0x35: {  	s10 =	sld [smem:$0x3FA9];
	_ =	sdelay $0x3  }
0x36: {  	p1 =	seq.s32 s10, $0x1;
	s10 =	sld [smem:$0x3FAA];
	_ =	sdelay $0x3  }
0x37: {  	[smem:$0x3FAA] =	sst s10  }
0x38: {  	s10 =	sld [smem:$0x3FAB]  }
0x39: {  	_ = 	snop;
	(pc) =	sbr.ind lr, $3  }
0x3a: {  	_ = 	snop  }
0x3b: {  	_ = 	snop  }
0x3c: {  	p2 =	seq.s32 s10, $0x1;
	s10 =	sld [smem:$0x3FAA]  }
0x3d: {  	_ =	shalt  }
0x3e: {  	_ =	shalt  }
0x3f: {  	_ =	shalt  }
0x40: {  	_ =	shalt  }
0x41: {  	_ =	shalt  }
0x42: {  	_ =	shalt  }
0x43: {  	_ =	shalt  }
0x44: {  	_ =	shalt  }
0x45: {  	_ =	shalt  }
0x46: {  	_ =	shalt  }
0x47: {  	_ =	shalt  }
0x48: {  	_ =	shalt  }
0x49: {  	_ =	shalt  }
0x4a: {  	_ =	shalt  }
0x4b: {  	_ =	shalt  }
0x4c: {  	_ =	shalt  }
0x4d: {  	_ =	shalt  }
0x4e: {  	_ =	shalt  }
0x4f: {  	_ =	shalt  }
0x50: {  	_ =	shalt  }
0x51: {  	_ =	shalt  }
0x52: {  	_ =	shalt  }
0x53: {  	_ =	shalt  }
0x54: {  	_ =	shalt  }
0x55: {  	_ =	shalt  }
0x56: {  	_ =	shalt  }
0x57: {  	_ =	shalt  }
0x58: {  	_ =	shalt  }
0x59: {  	_ =	shalt  }
0x5a: {  	_ =	shalt  }
0x5b: {  	_ =	shalt  }
0x5c: {  	_ =	shalt  }
0x5d: {  	_ =	shalt  }
0x5e: {  	_ =	shalt  }
0x5f: {  	_ =	shalt  }
0x60: {  	_ =	shalt  }
0x61: {  	_ =	shalt  }
0x62: {  	_ =	shalt  }
0x63: {  	_ =	shalt  }
0x64: {  	_ =	shalt  }
0x65: {  	_ =	shalt  }
0x66: {  	_ =	shalt  }
0x67: {  	_ =	shalt  }
0x68: {  	_ =	shalt  }
0x69: {  	_ =	shalt  }
0x6a: {  	_ =	shalt  }
0x6b: {  	_ =	shalt  }
0x6c: {  	_ =	shalt  }
0x6d: {  	_ =	shalt  }
0x6e: {  	_ =	shalt  }
0x6f: {  	_ =	shalt  }
0x70: {  	_ =	shalt  }
0x71: {  	_ =	shalt  }
0x72: {  	_ =	shalt  }
0x73: {  	_ =	shalt  }
0x74: {  	_ =	shalt  }
0x75: {  	_ =	shalt  }
0x76: {  	_ =	shalt  }
0x77: {  	_ =	shalt  }
0x78: {  	_ =	shalt  }
0x79: {  	_ =	shalt  }
0x7a: {  	_ =	shalt  }
0x7b: {  	_ =	shalt  }
0x7c: {  	_ =	shalt  }
0x7d: {  	_ =	shalt  }
0x7e: {  	_ =	shalt  }
0x7f: {  	_ =	shalt  }
0x80: {  	_ =	shalt  }
0x81: {  	_ =	shalt  }
0x82: {  	_ =	shalt  }
0x83: {  	_ =	shalt  }
0x84: {  	_ =	shalt  }
0x85: {  	_ =	shalt  }
0x86: {  	_ =	shalt  }
0x87: {  	_ =	shalt  }
.Lfunc_end0:
.L_simem_size_0:
called_computation.1_lowered:
.L_overlay_start_0:
0x88: {  	s2 =	sld [smem:$0x3FD9]  }
0x89: {  	s3 =	sld [smem:$0x3FFE];
	_ =	sdelay $0x1  }
0x8a: {  	s1 =	srdreg.scid  }
0x8b: {  	s0 =	sand.u32 $0x1, s1  }
0x8c: {  	s17 =	sshll.u32 s0, $0xA;
	s2 =	sadd.s32 s3, s2  }
0x8d: {  	s2 =	sadd.s32 s2, s17  }
0x8e: {  	[smem:$0x3FB6] =	sst s2  }
0x8f: {  	_ = 	snop  }
0x90: {  	(tm) =	ssettm $0x1  }
0x91: {  	s18 =	sld [smem:$0x3FFB];
	_ =	sdelay $0x3  }
0x92: {  	_ =	strace s18  }
0x93: {  	s2 =	sld [smem:$0x3FFC];
	_ =	sdelay $0x3  }
0x94: {  	_ =	strace s2  }
0x95: {  	s2 =	sld [smem:$0x3FFD];
	_ =	sdelay $0x3  }
0x96: {  	_ =	strace s2  }
0x97: {  	_ =	strace $0x8FFFFFFF  }
0x98: {  	s19 =	sld [smem:$0x3FDB];
	_ =	sdelay $0x1  }
0x99: {  	s20 =	simm.s32 $_scs_section_size  }
0x9a: {  	s4 =	simm.s32 $_size__tile_overlayer_lowered;
	s5 =	simm.s32 $_tile_overlayer_lowered  }
0x9b: {  	s6 =	simm.s32 $0x1BFF;
	s21 =	sshll.u32 s5, $0x1;
	s3 =	sadd.s32 s20, s19  }
0x9c: {  	s22 =	simm.s32 $0x0;
	s4 =	sshll.u32 s4, $0x1;
	s5 =	sadd.s32 s21, s3  }
0x9d: {  	[timem:s22], [sflag:s6] =	dma.local [hbm:s5], s4  }
0x9e: {  	_ =	swait.ge [sflag:s6], s4  }
0x9f: {  	s4 =	ssub.s32 $0x0, s4;
	[sflag:s6] =	ssyncset.done $0x0  }
0xa0: {  	[sflag:s6] =	ssyncadd.s32 s4;
	_ =	sdelay $0x1  }
0xa1: {  	s23 =	simm.s32 $0x1B8B  }
0xa2: {  	_ =	swait.ge [sflag:s23], $0x1  }
0xa3: {  	[sflag:s23] =	ssyncset.done $0x0  }
0xa4: {  	[sflag:s23] =	ssyncadd.s32 $0xFFFFFFFF  }
0xa5: {  	s4 =	sld [smem:$0x0]  }
0xa6: {  	s5 =	sand.u32 $0xFFFFFFFE, s1  }
0xa7: {  	p0 =	sne.s32 s1, s5  }
0xa8: {  	s5 =	sshll.u32 @p0 s5, $0xE  }
0xa9: {  	s5 =	sadd.s32 @p0 $0x11B8D, s5;
	s6 =	sshll.u32 @p0 s4, $0x11  }
0xaa: {  	s5 =	sor.u32 @p0 s6, s5  }
0xab: {  	[sflag:s5] =	ssyncadd.remote.s32 @p0 $0x1;
	_ =	sdelay $0x1  }
0xac: {  	s5 =	simm.s32 @p0 $0x1B8D  }
0xad: {  	_ =	swait.eq @p0 [sflag:s5], $0x1  }
0xae: {  	[sflag:s5] =	ssyncadd.s32 @p0 $0xFFFFFFFF  }
0xaf: {  	s6 =	sshll.u32 @!p0 s1, $0xE  }
0xb0: {  	s6 =	sor.u32 @!p0 $0x4000, s6;
	s5 =	simm.s32 @!p0 $0x1B8D  }
0xb1: {  	s4 =	sshll.u32 @!p0 s4, $0x11;
	s6 =	sadd.s32 @!p0 $0x11B8D, s6;
	_ =	swait.eq @!p0 [sflag:s5], $0x1  }
0xb2: {  	s4 =	sor.u32 @!p0 s4, s6;
	[sflag:s5] =	ssyncadd.s32 @!p0 $0xFFFFFFFF  }
0xb3: {  	s25 =	simm.s32 $0x1B8E;
	s24 =	sld [smem:$0x3FFE];
	[sflag:s4] =	ssyncadd.remote.s32 @!p0 $0x1  }
0xb4: {  	s26 =	simm.s32 $execute0_lowered;
	[smem:$0x3FD2] =	sst s25  }
0xb5: {  	s5 =	sshll.u32 s26, $0x1;
	_ =	strace $0x8000004C;
	[dreg:$0x1] =	wrdreg $0xFFFFFFFF  }
0xb6: {  	s28 =	simm.s32 $_size_execute0_lowered;
	s3 =	sadd.s32 s3, s5;
	[dreg:$0x0] =	wrdreg $0x0  }
0xb7: {  	s5 =	sshll.u32 s28, $0x1;
	[dreg:$0x2] =	wrdreg s3  }
0xb8: {  	[dreg:$0x3] =	wrdreg s5  }
0xb9: {  	[dreg:$0x4] =	wrdreg $0xC0  }
0xba: {  	_ =	task [dreg:s22], $0x5FFFF  }
0xbb: {  	[dreg:$0x1] =	wrdreg $0xFFFFFFFF  }
0xbc: {  	[dreg:$0x0] =	wrdreg $0x60  }
0xbd: {  	[dreg:$0x2] =	wrdreg s24  }
0xbe: {  	[dreg:$0x3] =	wrdreg $0xD000  }
0xbf: {  	[dreg:$0x4] =	wrdreg $0x9  }
0xc0: {  	_ =	task.clear_ibuf [dreg:s22], $0x5FFFF;
	_ =	strace $0x9000004C  }
0xc1: {  	s29 =	simm.s32 $0x9;
	_ =	strace $0x8000004E  }
0xc2: {  	_ =	swait.ge [sflag:s29], $0x1  }
0xc3: {  	[sflag:s29] =	ssyncadd.s32 $0xFFFFFFFF  }
0xc4: {  	_ =	strace $0x9000004E  }
0xc5: {  	_ =	sfence  }
0xc6: {  	s30 =	sld [smem:$0x0];
	_ =	sdelay $0x2  }
0xc7: {  	s31 =	sshll.u32 s1, $0xD;
	s1 =	sshrl.u32 s1, $0x2  }
0xc8: {  	s4 =	sand.u32 $0x4000, s31;
	s1 =	sadd.s32 s1, s30  }
0xc9: {  	s0 =	sor.u32 s4, s0;
	s1 =	sshll.u32 s1, $0x11  }
0xca: {  	s0 =	sor.u32 s1, s0  }
0xcb: {  	s0 =	sadd.s32 $0x8F2B, s0  }
0xcc: {  	[sflag:s0] =	ssyncadd.remote.s32 $0x1  }
0xcd: {  	_ =	sfence.sel $0xFFFF  }
0xce: {  	[dreg:$0x0] =	wrdreg $0xFFFFFFFF;
	(pc) =	sbr.abs _section_cstart, $3  }
0xcf: {  	[dreg:$0x1] =	wrdreg $0xFFFFFFFF  }
0xd0: {  	_ =	task.clear_ibuf [dreg:s22], $0x2FFFF;
	_ =	strace $0x9FFFFFFF  }
0xd1: {  	(tm) =	ssettm $0x7FFFFFFF  }
tec
execute0_lowered:
.L_overlay_start_1:
0x0: {  	(tag) =	ssettag $0x1  }
0x1: {  	s7 =	rddreg [dreg:$0x0]  }
0x2: {  	s2 =	rddreg [dreg:$0x1]  }
0x3: {  	s0 =	rddreg [dreg:$0x2]  }
0x4: {  	s3 =	simm.s32 $0x0;
	s1 =	stileid.u32;
	s6 =	srdreg.scid  }
0x5: {  	s15 =	simm.s32 $0x12F800;
	s16 =	simm.s32 $0x80;
	s17 =	simm.s32 $0x100  }
0x6: {  	s18 =	simm.s32 $0x500;
	s19 =	simm.s32 $0x0;
	[smem:$0x7FF] =	sst s3  }
0x7: {  	s8 =	smul.u32 $0x61A8, s1;
	s4 =	sadd.s32 $0x117000, s7;
	s5 =	sadd.s32 $0xA200, s7  }
0x8: {  	s9 =	sand.u32 $0x1, s6;
	s6 =	sadd.s32 $0x16600, s7;
	s31 =	sshll.u32 s1, $0x6  }
0x9: {  	s14 =	ssub.s32 $0xC44, s1;
	_ =	strace $0x8000004D;
	s11 =	ssub.s32 $0x2, s9  }
0xa: {  	s30 =	smul.u32 $0xC35, s9;
	p0 =	seq.s32 s9, $0x1;
	s9 =	sshrl.u32 s14, $0x4  }
0xb: {  	s14 =	simm.s32 $0x1;
	s10 =	sshrl.u32 s8, $0x3;
	s29 =	sshrl.u32 s11, $0x1  }
0xc: {  	s13 =	sadd.s32 s8, s2;
	s8 =	sor.u32 $0x1C01, s31;
	s15 =	simm.s32 @!p0 $0x13BC00  }
0xd: {  	v0 =	vlaneseq.u32;
	s12 =	sadd.s32 s10, s7;
	s11 =	ssub.s32 s11, s29;
	s10 =	sadd.s32 s1, s30  }
0xe: {  	v0 =	vmul.u32 $0x8, v0;
	s13 =	sshrl.u32 s13, $0x3;
	s7 =	sadd.s32 $0x123400, s12;
	s10 =	sshll.u32 s10, $0x7  }
0xf: {  	v1 =	vimm.f32 $0.0e+00;
	s11 =	smax.u32 s11, $0x1;
	s12 =	sadd.s32 s15, s12;
	s15 =	simm.s32 $0x900  }
.LBB2_1:
0x10: {  	v2 =	vmov s3  }
0x11: {  	v2 =	vshll.u32 v2, $0x3  }
0x12: {  	v2 =	vor.u32 v0, v2  }
0x13: {  	[spmem:s13], [sflag:s8] =	dma.local [hbm:s7], $0xC35;
	v4 =	vor.u32 $0x1, v2  }
0x14: {  	_ =	swait.ge [sflag:s14], $0xC35;
	v7 =	vor.u32 $0x2, v2  }
0x15: {  	[sflag:s14] =	ssyncset.done $0x0;
	v5 =	vor.u32 $0x3, v2  }
0x16: {  	[sflag:s14] =	ssyncadd.s32 $0xFFFFF3CB;
	v6 =	vor.u32 $0x4, v2  }
0x17: {  	s20 =	simm.s32 $0x10;
	v3 =	vor.u32 $0x6, v2;
	v8 =	vor.u32 $0x5, v2;
	[tilespmem:v2+s15+$0x0] =	vst.idx.msk $0xffff, v1  }
.LBB2_2:
0x18: {  	v9 =	vmov s20;
	p0 =	sne.s32 s20, $0x70;
	s20 =	sadd.s32 $0x10, s20;
	[tilespmem:v4+s15+$0x0] =	vst.idx.msk $0xffff, v1  }
0x19: {  	v4 =	vshll.u32 v9, $0x3;
	[tilespmem:v7+s15+$0x0] =	vst.idx.msk $0xffff, v1;
	v9 =	vor.u32 $0x7, v2  }
0x1a: {  	v2 =	vor.u32 v0, v4;
	[tilespmem:v5+s15+$0x0] =	vst.idx.msk $0xffff, v1  }
.Ltmp0:
0x1b: {  	v4 =	vor.u32 $0x1, v2;
	v10 =	vor.u32 $0x6, v2;
	[tilespmem:v6+s15+$0x0] =	vst.idx.msk $0xffff, v1;
	(pc) =	sbr.rel @p0 .LBB2_2-.Ltmp0, $4  }
0x1c: {  	v7 =	vor.u32 $0x2, v2;
	[tilespmem:v8+s15+$0x0] =	vst.idx.msk $0xffff, v1  }
0x1d: {  	v5 =	vor.u32 $0x3, v2;
	[tilespmem:v3+s15+$0x0] =	vst.idx.msk $0xffff, v1;
	v3 =	vmov v10  }
0x1e: {  	v6 =	vor.u32 $0x4, v2;
	[tilespmem:v9+s15+$0x0] =	vst.idx.msk $0xffff, v1  }
0x1f: {  	v8 =	vor.u32 $0x5, v2;
	[tilespmem:v2+s15+$0x0] =	vst.idx.msk $0xffff, v1  }
0x20: {  	_ =	sdelay $0x3  }
0x21: {  	[tilespmem:v4+s15+$0x0] =	vst.idx.msk $0xffff, v1  }
0x22: {  	v2 =	vor.u32 $0x7, v2;
	[tilespmem:v7+s15+$0x0] =	vst.idx.msk $0xffff, v1  }
0x23: {  	[tilespmem:v5+s15+$0x0] =	vst.idx.msk $0xffff, v1  }
0x24: {  	[tilespmem:v6+s15+$0x0] =	vst.idx.msk $0xffff, v1  }
0x25: {  	[tilespmem:v8+s15+$0x0] =	vst.idx.msk $0xffff, v1  }
0x26: {  	[tilespmem:v3+s15+$0x0] =	vst.idx.msk $0xffff, v1  }
0x27: {  	[tilespmem:v2+s15+$0x0] =	vst.idx.msk $0xffff, v1  }
0x28: {  	s20 =	simm.s32 $0x0;
	s21 =	simm.s32 $0x0;
	[bflag:$0x0] =	sbarrier.arrive $0xFFFF  }
.LBB2_4:
0x29: {  	s22 =	sshll.u32 s21, $0xB  }
0x2a: {  	s22 =	sadd.s32 s10, s22  }
0x2b: {  	s22 =	sshrl.u32 s22, $0x3  }
0x2c: {  	s22 =	sadd.s32 s6, s22  }
0x2d: {  	[tilespmem:s20], [sflag:$0x1] =	stream.linear.gather [hbm4b:s22+s20], $0x80, $0x38;
	[tilespmem:$0x6EA8] =	vst v63  }
0x2e: {  	_ =	swait.ge [sflag:s14], $0x80  }
0x2f: {  	[sflag:s14] =	ssyncset.done $0x0  }
0x30: {  	s22 =	sadd.s32 $0x186A0, s22;
	[sflag:s14] =	ssyncadd.s32 $0xFFFFFF80  }
0x31: {  	[tilespmem:s16], [sflag:$0x1] =	stream.linear.gather [hbm4b:s22+s20], $0x80, $0x38;
	[tilespmem:$0x6EA8] =	vst v63  }
0x32: {  	_ =	swait.ge [sflag:s14], $0x80  }
0x33: {  	[sflag:s14] =	ssyncset.done $0x0  }
0x34: {  	[sflag:s14] =	ssyncadd.s32 $0xFFFFFF80  }
0x35: {  	[tilespmem:s17], [sflag:$0x1] =	stream.indirect.gather [hbm4b:s4+s16], $0x8, s20, s16, $0xb8;
	[tilespmem:$0x6EA8] =	vst v63  }
0x36: {  	v2 =	vmov s20;
	_ =	swait.ge [sflag:s14], $0x400  }
0x37: {  	v2 =	vshll.u32 v2, $0x3;
	[sflag:s14] =	ssyncset.done $0x0  }
0x38: {  	v2 =	vor.u32 v0, v2;
	[sflag:s14] =	ssyncadd.s32 $0xFFFFFC00  }
0x39: {  	[tilespmem:s18], [sflag:$0x1] =	stream.indirect.gather [hbm4b:s5+s16], $0x8, s16, s16, $0xb8;
	[tilespmem:$0x6EA8] =	vst v63  }
0x3a: {  	_ =	swait.ge [sflag:s14], $0x400  }
0x3b: {  	[sflag:s14] =	ssyncset.done $0x0  }
0x3c: {  	[sflag:s14] =	ssyncadd.s32 $0xFFFFFC00  }
0x3d: {  	v3 =	vld.idx.msk [tilespmem:v2+s17+$0x0], $0xffff  }
0x3e: {  	v4 =	vld.idx.msk [tilespmem:v2+s18+$0x0], $0xffff;
	_ =	sdelay $0x4  }
0x3f: {  	v3 =	vadd.f32 v4, v3;
	_ =	sdelay $0x1  }
0x40: {  	v4 =	vmul.f32 $2.000000030e-01, v3  }
0x41: {  	vm0 =	vge.f32 v3, $0.0e+00  }
0x42: {  	v3 =	vsel vm0, v3, v4  }
0x43: {  	v3 =	vmul.f32 $1.442695020e+00, v3;
	_ =	sdelay $0x1  }
0x44: {  	(erf) = vpow2.f32 v3;
	_ =	sdelay $0x5  }
0x45: {  	v3 =	vor.u32 $0x1, v2;
	_ =	sdelay $0x2  }
0x46: {  	v4 =	vpop (erf)  }
0x47: {  	[tilespmem:v2+s15+$0x0] =	vst.idx.msk $0xffff, v4  }
0x48: {  	v4 =	vld.idx.msk [tilespmem:v3+s17+$0x0], $0xffff  }
0x49: {  	v5 =	vld.idx.msk [tilespmem:v3+s18+$0x0], $0xffff;
	_ =	sdelay $0x4  }
0x4a: {  	v4 =	vadd.f32 v5, v4;
	_ =	sdelay $0x1  }
0x4b: {  	v5 =	vmul.f32 $2.000000030e-01, v4  }
0x4c: {  	vm13 =	vge.f32 v4, $0.0e+00  }
0x4d: {  	v4 =	vsel vm13, v4, v5  }
0x4e: {  	v4 =	vmul.f32 $1.442695020e+00, v4;
	_ =	sdelay $0x1  }
0x4f: {  	(erf) = vpow2.f32 v4;
	_ =	sdelay $0x5  }
0x50: {  	v4 =	vor.u32 $0x2, v2;
	_ =	sdelay $0x2  }
0x51: {  	v5 =	vpop (erf)  }
0x52: {  	[tilespmem:v3+s15+$0x0] =	vst.idx.msk $0xffff, v5  }
0x53: {  	v3 =	vld.idx.msk [tilespmem:v4+s17+$0x0], $0xffff  }
0x54: {  	v5 =	vld.idx.msk [tilespmem:v4+s18+$0x0], $0xffff;
	_ =	sdelay $0x4  }
0x55: {  	v3 =	vadd.f32 v5, v3;
	_ =	sdelay $0x1  }
0x56: {  	v5 =	vmul.f32 $2.000000030e-01, v3  }
0x57: {  	vm14 =	vge.f32 v3, $0.0e+00  }
0x58: {  	v3 =	vsel vm14, v3, v5  }
0x59: {  	v3 =	vmul.f32 $1.442695020e+00, v3;
	_ =	sdelay $0x1  }
0x5a: {  	(erf) = vpow2.f32 v3;
	_ =	sdelay $0x5  }
0x5b: {  	v2 =	vor.u32 $0x3, v2;
	_ =	sdelay $0x2  }
0x5c: {  	v3 =	vpop (erf)  }
0x5d: {  	[tilespmem:v4+s15+$0x0] =	vst.idx.msk $0xffff, v3  }
0x5e: {  	v3 =	vld.idx.msk [tilespmem:v2+s17+$0x0], $0xffff  }
0x5f: {  	v4 =	vld.idx.msk [tilespmem:v2+s18+$0x0], $0xffff;
	_ =	sdelay $0x4  }
0x60: {  	v3 =	vadd.f32 v4, v3;
	_ =	sdelay $0x1  }
0x61: {  	v4 =	vmul.f32 $2.000000030e-01, v3  }
0x62: {  	vm15 =	vge.f32 v3, $0.0e+00  }
0x63: {  	v3 =	vsel vm15, v3, v4  }
0x64: {  	v3 =	vmul.f32 $1.442695020e+00, v3;
	_ =	sdelay $0x1  }
0x65: {  	(erf) = vpow2.f32 v3;
	_ =	sdelay $0x2  }
0x66: {  	s31 =	simm.s32 $0x10  }
0x67: {  	v4 =	vmov s31  }
0x68: {  	s22 =	simm.s32 $0x20;
	v3 =	vshll.u32 v4, $0x3  }
.LBB2_5:
0x69: {  	p0 =	sne.s32 s22, $0x70;
	v3 =	vor.u32 v0, v3;
	s23 =	smov.u32 s22;
	s22 =	sadd.s32 $0x10, s22  }
0x6a: {  	_ =	sdelay $0x1  }
0x6b: {  	v4 =	vpop (erf)  }
0x6c: {  	[tilespmem:v2+s15+$0x0] =	vst.idx.msk $0xffff, v4  }
0x6d: {  	v2 =	vld.idx.msk [tilespmem:v3+s17+$0x0], $0xffff  }
0x6e: {  	v4 =	vld.idx.msk [tilespmem:v3+s18+$0x0], $0xffff;
	_ =	sdelay $0x5  }
0x6f: {  	v2 =	vadd.f32 v4, v2;
	_ =	sdelay $0x1  }
0x70: {  	vm0 =	vge.f32 v2, $0.0e+00;
	v4 =	vmul.f32 $2.000000030e-01, v2;
	_ =	sdelay $0x1  }
0x71: {  	v2 =	vsel vm0, v2, v4  }
0x72: {  	v2 =	vmul.f32 $1.442695020e+00, v2;
	_ =	sdelay $0x1  }
0x73: {  	(erf) = vpow2.f32 v2;
	_ =	sdelay $0x5  }
0x74: {  	v2 =	vor.u32 $0x1, v3;
	_ =	sdelay $0x2  }
0x75: {  	v4 =	vpop (erf)  }
0x76: {  	[tilespmem:v3+s15+$0x0] =	vst.idx.msk $0xffff, v4  }
0x77: {  	v4 =	vld.idx.msk [tilespmem:v2+s17+$0x0], $0xffff  }
0x78: {  	v5 =	vld.idx.msk [tilespmem:v2+s18+$0x0], $0xffff;
	_ =	sdelay $0x5  }
0x79: {  	v4 =	vadd.f32 v5, v4;
	_ =	sdelay $0x1  }
0x7a: {  	vm0 =	vge.f32 v4, $0.0e+00;
	v5 =	vmul.f32 $2.000000030e-01, v4;
	_ =	sdelay $0x1  }
0x7b: {  	v4 =	vsel vm0, v4, v5  }
0x7c: {  	v4 =	vmul.f32 $1.442695020e+00, v4;
	_ =	sdelay $0x1  }
0x7d: {  	(erf) = vpow2.f32 v4;
	_ =	sdelay $0x5  }
0x7e: {  	v4 =	vor.u32 $0x2, v3;
	_ =	sdelay $0x2  }
0x7f: {  	v5 =	vpop (erf)  }
0x80: {  	[tilespmem:v2+s15+$0x0] =	vst.idx.msk $0xffff, v5  }
0x81: {  	v2 =	vld.idx.msk [tilespmem:v4+s17+$0x0], $0xffff  }
0x82: {  	v5 =	vld.idx.msk [tilespmem:v4+s18+$0x0], $0xffff;
	_ =	sdelay $0x5  }
0x83: {  	v2 =	vadd.f32 v5, v2;
	_ =	sdelay $0x1  }
0x84: {  	vm0 =	vge.f32 v2, $0.0e+00;
	v5 =	vmul.f32 $2.000000030e-01, v2;
	_ =	sdelay $0x1  }
0x85: {  	v2 =	vsel vm0, v2, v5  }
0x86: {  	v2 =	vmul.f32 $1.442695020e+00, v2;
	_ =	sdelay $0x1  }
0x87: {  	(erf) = vpow2.f32 v2;
	_ =	sdelay $0x5  }
0x88: {  	v2 =	vor.u32 $0x3, v3;
	_ =	sdelay $0x2  }
0x89: {  	v3 =	vpop (erf)  }
0x8a: {  	[tilespmem:v4+s15+$0x0] =	vst.idx.msk $0xffff, v3  }
0x8b: {  	v3 =	vld.idx.msk [tilespmem:v2+s17+$0x0], $0xffff  }
0x8c: {  	v4 =	vld.idx.msk [tilespmem:v2+s18+$0x0], $0xffff;
	_ =	sdelay $0x5  }
0x8d: {  	v3 =	vadd.f32 v4, v3;
	_ =	sdelay $0x1  }
0x8e: {  	vm0 =	vge.f32 v3, $0.0e+00;
	v4 =	vmul.f32 $2.000000030e-01, v3;
	_ =	sdelay $0x1  }
0x8f: {  	v3 =	vsel vm0, v3, v4  }
0x90: {  	v3 =	vmul.f32 $1.442695020e+00, v3;
	_ =	sdelay $0x1  }
0x91: {  	(erf) = vpow2.f32 v3  }
.Ltmp1:
0x92: {  	(pc) =	sbr.rel @p0 .LBB2_5-.Ltmp1, $3  }
0x93: {  	_ =	sdelay $0x1  }
0x94: {  	v3 =	vmov s23  }
0x95: {  	v3 =	vshll.u32 v3, $0x3  }
0x96: {  	v3 =	vor.u32 v0, v3;
	_ =	sdelay $0x2  }
0x97: {  	v4 =	vpop (erf)  }
0x98: {  	[tilespmem:v2+s15+$0x0] =	vst.idx.msk $0xffff, v4  }
0x99: {  	v2 =	vld.idx.msk [tilespmem:v3+s17+$0x0], $0xffff  }
0x9a: {  	v4 =	vld.idx.msk [tilespmem:v3+s18+$0x0], $0xffff;
	_ =	sdelay $0x4  }
0x9b: {  	v2 =	vadd.f32 v4, v2;
	_ =	sdelay $0x1  }
0x9c: {  	v4 =	vmul.f32 $2.000000030e-01, v2  }
0x9d: {  	vm0 =	vge.f32 v2, $0.0e+00  }
0x9e: {  	v2 =	vsel vm0, v2, v4  }
0x9f: {  	v2 =	vmul.f32 $1.442695020e+00, v2;
	_ =	sdelay $0x1  }
0xa0: {  	(erf) = vpow2.f32 v2;
	_ =	sdelay $0x5  }
0xa1: {  	v2 =	vor.u32 $0x1, v3;
	_ =	sdelay $0x2  }
0xa2: {  	v61 =	vpop (erf)  }
0xa3: {  	[tilespmem:v3+s15+$0x0] =	vst.idx.msk $0xffff, v61  }
0xa4: {  	v4 =	vld.idx.msk [tilespmem:v2+s17+$0x0], $0xffff  }
0xa5: {  	v5 =	vld.idx.msk [tilespmem:v2+s18+$0x0], $0xffff;
	_ =	sdelay $0x4  }
0xa6: {  	v4 =	vadd.f32 v5, v4;
	_ =	sdelay $0x1  }
0xa7: {  	v5 =	vmul.f32 $2.000000030e-01, v4  }
0xa8: {  	vm13 =	vge.f32 v4, $0.0e+00  }
0xa9: {  	v4 =	vsel vm13, v4, v5  }
0xaa: {  	v4 =	vmul.f32 $1.442695020e+00, v4;
	_ =	sdelay $0x1  }
0xab: {  	(erf) = vpow2.f32 v4;
	_ =	sdelay $0x5  }
0xac: {  	v62 =	vor.u32 $0x2, v3;
	_ =	sdelay $0x2  }
0xad: {  	v63 =	vpop (erf)  }
0xae: {  	[tilespmem:v2+s15+$0x0] =	vst.idx.msk $0xffff, v63  }
0xaf: {  	v2 =	vld.idx.msk [tilespmem:v62+s17+$0x0], $0xffff  }
0xb0: {  	v5 =	vld.idx.msk [tilespmem:v62+s18+$0x0], $0xffff;
	_ =	sdelay $0x4  }
0xb1: {  	v2 =	vadd.f32 v5, v2;
	_ =	sdelay $0x1  }
0xb2: {  	v5 =	vmul.f32 $2.000000030e-01, v2  }
0xb3: {  	vm14 =	vge.f32 v2, $0.0e+00  }
0xb4: {  	v2 =	vsel vm14, v2, v5  }
0xb5: {  	v2 =	vmul.f32 $1.442695020e+00, v2;
	_ =	sdelay $0x1  }
0xb6: {  	(erf) = vpow2.f32 v2;
	_ =	sdelay $0x5  }
0xb7: {  	v2 =	vor.u32 $0x3, v3;
	_ =	sdelay $0x2  }
0xb8: {  	v3 =	vpop (erf)  }
0xb9: {  	[tilespmem:v62+s15+$0x0] =	vst.idx.msk $0xffff, v3  }
0xba: {  	v3 =	vld.idx.msk [tilespmem:v2+s17+$0x0], $0xffff  }
0xbb: {  	v4 =	vld.idx.msk [tilespmem:v2+s18+$0x0], $0xffff;
	_ =	sdelay $0x4  }
0xbc: {  	v3 =	vadd.f32 v4, v3;
	_ =	sdelay $0x1  }
0xbd: {  	v4 =	vmul.f32 $2.000000030e-01, v3  }
0xbe: {  	vm15 =	vge.f32 v3, $0.0e+00  }
0xbf: {  	v3 =	vsel vm15, v3, v4  }
0xc0: {  	v3 =	vmul.f32 $1.442695020e+00, v3;
	_ =	sdelay $0x1  }
0xc1: {  	(erf) = vpow2.f32 v3;
	_ =	sdelay $0x7  }
0xc2: {  	s21 =	sadd.s32 $0x1, s21  }
0xc3: {  	p0 =	sne.s32 s21, s9;
	v3 =	vpop (erf)  }
.Ltmp2:
0xc4: {  	[tilespmem:v2+s15+$0x0] =	vst.idx.msk $0xffff, v3;
	(pc) =	sbr.rel @p0 .LBB2_4-.Ltmp2, $4  }
0xc5: {  	[spmem:s2] =	stream.indirect.scatter.add.f32 [tilespmem:s15], [sflag:$0x1], $0x8, s16, s16, $0xb8;
	[tilespmem:$0x6EA8] =	vst v63  }
0xc6: {  	_ =	swait.ge [sflag:s14], $0x400  }
0xc7: {  	[sflag:s14] =	ssyncset.done $0x0  }
0xc8: {  	[sflag:s14] =	ssyncadd.s32 $0xFFFFFC00  }
0xc9: {  	s19 =	sadd.s32 $0x1, s19  }
0xca: {  	p0 =	sne.s32 s19, s11  }
.Ltmp3:
0xcb: {  	[bflag:$0x0] =	sbarrier.arrive $0xFFFF;
	(pc) =	sbr.rel @p0 .LBB2_1-.Ltmp3, $4  }
0xcc: {  	[hbm:s12], [sflag:s8] =	dma.local [spmem:s13], $0xC35  }
0xcd: {  	_ =	swait.ge [sflag:s14], $0xC35  }
0xce: {  	[sflag:s14] =	ssyncset.done $0x0  }
0xcf: {  	[sflag:s14] =	ssyncadd.s32 $0xFFFFF3CB  }
0xd0: {  	_ =	sfence.sel $0x180000  }
0xd1: {  	[bflag:$0x0] =	sbarrier.arrive $0xFFFF  }
0xd2: {  	p0 =	sne.s32 s1, $0x0;
	_ =	strace $0x9000004D  }
0xd3: {  	s0 =	sadd.s32 @!p0 $0x100000, s0;
	[bflag:$0x2] =	sbarrier.arrive $0xFFFF  }
0xd4: {  	[sflag:s0] =	ssyncadd.tile.s32 @!p0 $0x1;
	_ =	shalt  }
.Lfunc_end2:
_tile_overlayer_lowered:
.L_overlay_start_2:
0xd5: {  	(tag) =	ssettag $0x2  }
0xd6: {  	s0 =	rddreg [dreg:$0x0];
	s2 =	stileid.u32  }
0xd7: {  	s1 =	rddreg [dreg:$0x1];
	p0 =	sne.s32 s2, $0x0  }
0xd8: {  	s3 =	rddreg [dreg:$0x2];
	[bflag:$0x3] =	sbarrier.arrive $0xFFFF;
	s2 =	simm.s32 @!p0 $0x1C01  }
0xd9: {  	[timem:s3], [sflag:s2] =	dma.local @!p0 [hbm:s0], s1  }
0xda: {  	s0 =	simm.s32 @!p0 $0x1  }
0xdb: {  	_ =	swait.ge @!p0 [sflag:s0], s1  }
0xdc: {  	s1 =	ssub.s32 @!p0 $0x0, s1;
	[sflag:s0] =	ssyncset.done @!p0 $0x0  }
0xdd: {  	[sflag:s0] =	ssyncadd.s32 @!p0 s1  }
0xde: {  	[bflag:$0x3] =	sbarrier.arrive $0xFFFF  }
0xdf: {  	_ =	shalt  }

// kernel: kernel.16.cloned.1.call-start
scs
__scs_entry_jumppad:
0x0: {  	(pc) =	sbr.rel $0x88, $3  }
0x1: {  	(tag) =	ssettag $0x0;
	lr =	simm.s32 $0x1  }
0x2: {  	[smem:$0x3F8F] =	sst lr;
	_ =	strace $0xD0000000  }
0x3: {  	_ = 	snop  }
0x4: {  	_ = 	snop  }
0x5: {  	_ = 	snop  }
0x6: {  	_ = 	snop  }
0x7: {  	_ = 	snop  }
__scs_overlays_trampoline_lowered:
0x8: {  	[smem:$0x3F9E] =	sst s0  }
0x9: {  	[smem:$0x3F9F] =	sst s1  }
0xa: {  	[smem:$0x3FA0] =	sst s2  }
0xb: {  	[smem:$0x3FA1] =	sst s3  }
0xc: {  	[smem:$0x3FA2] =	sst s4  }
0xd: {  	[smem:$0x3FA3] =	sst s5  }
0xe: {  	[smem:$0x3FA4] =	sst s6  }
0xf: {  	[smem:$0x3FA5] =	sst s7  }
0x10: {  	[smem:$0x3FA6] =	sst s8  }
0x11: {  	[smem:$0x3FA7] =	sst s9;
	s0 =	simm.s32 @!p0 $0x0  }
0x12: {  	s1 =	sld [smem:$0x3F8D];
	s0 =	simm.s32 @p0 $0x1  }
0x13: {  	[smem:$0x3FA8] =	sst s0;
	s0 =	simm.s32 @!p1 $0x0  }
0x14: {  	s2 =	sld [smem:$0x3F8C];
	s0 =	simm.s32 @p1 $0x1  }
0x15: {  	[smem:$0x3FA9] =	sst s0;
	s0 =	simm.s32 @!p2 $0x0  }
0x16: {  	s3 =	sld [smem:$0x3FDB];
	s0 =	simm.s32 @p2 $0x1  }
0x17: {  	s4 =	simm.s32 $0x1BF5;
	[smem:$0x3FAB] =	sst s0  }
0x18: {  	s0 =	sld [smem:$0x3F8E];
	_ =	swait.ge [sflag:s4], $0x0  }
0x19: {  	s7 =	sld [smem:$0x3F8F]  }
0x1a: {  	s8 =	sadd.s32 $0xFFFFE003, lr  }
0x1b: {  	s9 =	sadd.s32 $0xFFFFFEF7, lr;
	s5 =	simm.s32 $0xFFFFFFFF;
	p2 =	slt.u32 s8, $0xFFFFF086  }
0x1c: {  	p1 =	slt.u32 s9, $0xF7A;
	s5 =	simm.s32 @!p2 $0x0  }
0x1d: {  	s5 =	simm.s32 @p1 $0x1;
	p0 =	seq.s32 s7, s2  }
0x1e: {  	s7 =	smul.u32 @!p0 $0xF7A, s2;
	p2 =	seq.s32 @!p0 s5, $0x0  }
0x1f: {  	s9 =	smul.u32 $0xF7A, s1;
	s8 =	simm.s32 @!p0 $0x1BF5;
	p2 =	por !p2, p0  }
0x20: {  	[sflag:s8] =	ssyncset.s32 @!p0 $0xFFFFF086;
	s6 =	sadd.s32 @!p0 s3, s7;
	s7 =	simm.s32 @!p0 $0x108  }
0x21: {  	s3 =	sadd.s32 s3, s9;
	s6 =	sadd.s32 @!p0 $0x88, s6;
	s7 =	simm.s32 @p2 $0x1082  }
0x22: {  	[simem:s7], [sflag:s8] =	dma.local @!p0 [hbm:s6], $0xF7A  }
0x23: {  	s9 =	sor.u32 $0xD0000000, s2;
	s6 =	simm.s32 $0x108;
	_ =	swait.ge @!p0 [sflag:s8], $0x0  }
0x24: {  	s3 =	sadd.s32 $0x88, s3;
	s6 =	simm.s32 @!p1 $0x1082;
	[sflag:s4] =	ssyncset.s32 $0xFFFFF086  }
0x25: {  	[simem:s6], [sflag:s4] =	dma.local [hbm:s3], $0xF7A  }
0x26: {  	[smem:$0x3F8F] =	sst s1;
	(tag) =	ssettag s2;
	_ =	strace s9  }
0x27: {  	s1 =	sld [smem:$0x3F9F]  }
0x28: {  	s2 =	sld [smem:$0x3FA0]  }
0x29: {  	s4 =	sld [smem:$0x3FA2]  }
0x2a: {  	p0 =	seq.s32 s5, $0x0;
	s5 =	sld [smem:$0x3FA3]  }
0x2b: {  	s6 =	sld [smem:$0x3FA4]  }
0x2c: {  	s7 =	sld [smem:$0x3FA5]  }
0x2d: {  	s3 =	simm.s32 $0x108;
	s8 =	sld [smem:$0x3FA6]  }
0x2e: {  	s3 =	simm.s32 @!p0 $0x1082;
	s9 =	sld [smem:$0x3FA7]  }
0x2f: {  	lr =	sadd.s32 s0, s3;
	s0 =	sld [smem:$0x3F9E]  }
0x30: {  	s3 =	sld [smem:$0x3FA1]  }
0x31: {  	[smem:$0x3FAA] =	sst s10  }
0x32: {  	s10 =	sld [smem:$0x3FA8];
	_ =	sdelay $0x3  }
0x33: {  	p0 =	seq.s32 s10, $0x1;
	s10 =	sld [smem:$0x3FAA];
	_ =	sdelay $0x3  }
0x34: {  	[smem:$0x3FAA] =	sst s10  }
0x35: {  	s10 =	sld [smem:$0x3FA9];
	_ =	sdelay $0x3  }
0x36: {  	p1 =	seq.s32 s10, $0x1;
	s10 =	sld [smem:$0x3FAA];
	_ =	sdelay $0x3  }
0x37: {  	[smem:$0x3FAA] =	sst s10  }
0x38: {  	s10 =	sld [smem:$0x3FAB]  }
0x39: {  	_ = 	snop;
	(pc) =	sbr.ind lr, $3  }
0x3a: {  	_ = 	snop  }
0x3b: {  	_ = 	snop  }
0x3c: {  	p2 =	seq.s32 s10, $0x1;
	s10 =	sld [smem:$0x3FAA]  }
0x3d: {  	_ =	shalt  }
0x3e: {  	_ =	shalt  }
0x3f: {  	_ =	shalt  }
0x40: {  	_ =	shalt  }
0x41: {  	_ =	shalt  }
0x42: {  	_ =	shalt  }
0x43: {  	_ =	shalt  }
0x44: {  	_ =	shalt  }
0x45: {  	_ =	shalt  }
0x46: {  	_ =	shalt  }
0x47: {  	_ =	shalt  }
0x48: {  	_ =	shalt  }
0x49: {  	_ =	shalt  }
0x4a: {  	_ =	shalt  }
0x4b: {  	_ =	shalt  }
0x4c: {  	_ =	shalt  }
0x4d: {  	_ =	shalt  }
0x4e: {  	_ =	shalt  }
0x4f: {  	_ =	shalt  }
0x50: {  	_ =	shalt  }
0x51: {  	_ =	shalt  }
0x52: {  	_ =	shalt  }
0x53: {  	_ =	shalt  }
0x54: {  	_ =	shalt  }
0x55: {  	_ =	shalt  }
0x56: {  	_ =	shalt  }
0x57: {  	_ =	shalt  }
0x58: {  	_ =	shalt  }
0x59: {  	_ =	shalt  }
0x5a: {  	_ =	shalt  }
0x5b: {  	_ =	shalt  }
0x5c: {  	_ =	shalt  }
0x5d: {  	_ =	shalt  }
0x5e: {  	_ =	shalt  }
0x5f: {  	_ =	shalt  }
0x60: {  	_ =	shalt  }
0x61: {  	_ =	shalt  }
0x62: {  	_ =	shalt  }
0x63: {  	_ =	shalt  }
0x64: {  	_ =	shalt  }
0x65: {  	_ =	shalt  }
0x66: {  	_ =	shalt  }
0x67: {  	_ =	shalt  }
0x68: {  	_ =	shalt  }
0x69: {  	_ =	shalt  }
0x6a: {  	_ =	shalt  }
0x6b: {  	_ =	shalt  }
0x6c: {  	_ =	shalt  }
0x6d: {  	_ =	shalt  }
0x6e: {  	_ =	shalt  }
0x6f: {  	_ =	shalt  }
0x70: {  	_ =	shalt  }
0x71: {  	_ =	shalt  }
0x72: {  	_ =	shalt  }
0x73: {  	_ =	shalt  }
0x74: {  	_ =	shalt  }
0x75: {  	_ =	shalt  }
0x76: {  	_ =	shalt  }
0x77: {  	_ =	shalt  }
0x78: {  	_ =	shalt  }
0x79: {  	_ =	shalt  }
0x7a: {  	_ =	shalt  }
0x7b: {  	_ =	shalt  }
0x7c: {  	_ =	shalt  }
0x7d: {  	_ =	shalt  }
0x7e: {  	_ =	shalt  }
0x7f: {  	_ =	shalt  }
0x80: {  	_ =	shalt  }
0x81: {  	_ =	shalt  }
0x82: {  	_ =	shalt  }
0x83: {  	_ =	shalt  }
0x84: {  	_ =	shalt  }
0x85: {  	_ =	shalt  }
0x86: {  	_ =	shalt  }
0x87: {  	_ =	shalt  }
.Lfunc_end0:
.L_simem_size_0:
called_computation.2_lowered:
.L_overlay_start_0:
0x88: {  	s2 =	sld [smem:$0x3FD9]  }
0x89: {  	s3 =	sld [smem:$0x3FFE];
	_ =	sdelay $0x1  }
0x8a: {  	s1 =	srdreg.scid  }
0x8b: {  	s0 =	sand.u32 $0x1, s1  }
0x8c: {  	s17 =	sshll.u32 s0, $0xA;
	s2 =	sadd.s32 s3, s2  }
0x8d: {  	s2 =	sadd.s32 s2, s17  }
0x8e: {  	[smem:$0x3FB6] =	sst s2  }
0x8f: {  	_ = 	snop  }
0x90: {  	s2 =	sld [smem:$0x3FD0];
	(tm) =	ssettm $0x1  }
0x91: {  	s18 =	sld [smem:$0x3FFB];
	_ =	sdelay $0x3  }
0x92: {  	_ =	strace s18  }
0x93: {  	s3 =	sld [smem:$0x3FFC];
	_ =	sdelay $0x3  }
0x94: {  	_ =	strace s3  }
0x95: {  	s3 =	sld [smem:$0x3FFD];
	_ =	sdelay $0x3  }
0x96: {  	_ =	strace s3  }
0x97: {  	_ =	strace $0x8FFFFFFF  }
0x98: {  	s19 =	sld [smem:$0x3FDB];
	_ =	sdelay $0x1  }
0x99: {  	s4 =	simm.s32 $_scs_section_size  }
0x9a: {  	s5 =	simm.s32 $_size__tile_overlayer_lowered;
	s6 =	simm.s32 $_tile_overlayer_lowered  }
0x9b: {  	s22 =	simm.s32 $0x1BFF;
	s21 =	sshll.u32 s6, $0x1;
	s3 =	sadd.s32 s4, s19  }
0x9c: {  	s7 =	simm.s32 $0x0;
	s20 =	sshll.u32 s5, $0x1;
	s5 =	sadd.s32 s21, s3  }
0x9d: {  	[timem:s7], [sflag:s22] =	dma.local [hbm:s5], s20  }
0x9e: {  	_ =	swait.ge [sflag:s22], s20  }
0x9f: {  	s4 =	ssub.s32 $0x0, s20;
	[sflag:s22] =	ssyncset.done $0x0  }
0xa0: {  	[sflag:s22] =	ssyncadd.s32 s4;
	_ =	sdelay $0x1  }
0xa1: {  	s23 =	simm.s32 $0x1B8B  }
0xa2: {  	_ =	swait.ge [sflag:s23], $0x1  }
0xa3: {  	[sflag:s23] =	ssyncset.done $0x0  }
0xa4: {  	s25 =	simm.s32 $0x1B8E;
	s24 =	sld [smem:$0x3FFE];
	[sflag:s23] =	ssyncadd.s32 $0xFFFFFFFF  }
0xa5: {  	s26 =	simm.s32 $execute0_lowered;
	[smem:$0x3FD2] =	sst s25  }
0xa6: {  	s5 =	sshll.u32 s26, $0x1;
	_ =	strace $0x80000049;
	[dreg:$0x1] =	wrdreg $0xFFFFFFFF  }
0xa7: {  	s28 =	simm.s32 $_size_execute0_lowered;
	s3 =	sadd.s32 s3, s5;
	[dreg:$0x0] =	wrdreg $0x0  }
0xa8: {  	s5 =	sshll.u32 s28, $0x1;
	[dreg:$0x2] =	wrdreg s3  }
0xa9: {  	[dreg:$0x3] =	wrdreg s5  }
0xaa: {  	[dreg:$0x4] =	wrdreg $0xC0  }
0xab: {  	_ =	task [dreg:s7], $0x5FFFF  }
0xac: {  	[dreg:$0x1] =	wrdreg $0xFFFFFFFF  }
0xad: {  	[dreg:$0x0] =	wrdreg $0x60  }
0xae: {  	[dreg:$0x2] =	wrdreg s2  }
0xaf: {  	[dreg:$0x3] =	wrdreg s24  }
0xb0: {  	[dreg:$0x4] =	wrdreg $0x29000  }
0xb1: {  	[dreg:$0x5] =	wrdreg $0xA  }
0xb2: {  	_ =	task.clear_ibuf [dreg:s7], $0x6FFFF;
	_ =	strace $0x90000049  }
0xb3: {  	s29 =	simm.s32 $0xA;
	_ =	strace $0x8000004B  }
0xb4: {  	_ =	swait.ge [sflag:s29], $0x1  }
0xb5: {  	[sflag:s29] =	ssyncadd.s32 $0xFFFFFFFF  }
0xb6: {  	_ =	strace $0x9000004B  }
0xb7: {  	_ =	sfence  }
0xb8: {  	s30 =	sld [smem:$0x0];
	_ =	sdelay $0x2  }
0xb9: {  	s31 =	sshll.u32 s1, $0xD;
	s1 =	sshrl.u32 s1, $0x2  }
0xba: {  	s3 =	sand.u32 $0x4000, s31;
	s1 =	sadd.s32 s1, s30  }
0xbb: {  	s0 =	sor.u32 s3, s0;
	s1 =	sshll.u32 s1, $0x11  }
0xbc: {  	s0 =	sor.u32 s1, s0  }
0xbd: {  	s0 =	sadd.s32 $0x8F2B, s0  }
0xbe: {  	[sflag:s0] =	ssyncadd.remote.s32 $0x1  }
0xbf: {  	_ =	sfence.sel $0xFFFF  }
0xc0: {  	[dreg:$0x0] =	wrdreg $0xFFFFFFFF;
	(pc) =	sbr.abs _section_cstart, $3  }
0xc1: {  	[dreg:$0x1] =	wrdreg $0xFFFFFFFF  }
0xc2: {  	_ =	task.clear_ibuf [dreg:s7], $0x2FFFF;
	_ =	strace $0x9FFFFFFF  }
0xc3: {  	(tm) =	ssettm $0x7FFFFFFF  }
tec
execute0_lowered:
.L_overlay_start_1:
0x0: {  	(tag) =	ssettag $0x1  }
0x1: {  	s1 =	rddreg [dreg:$0x0]  }
0x2: {  	s10 =	rddreg [dreg:$0x1]  }
0x3: {  	s3 =	rddreg [dreg:$0x2]  }
0x4: {  	s0 =	rddreg [dreg:$0x3]  }
0x5: {  	s4 =	simm.s32 $0x0;
	s2 =	stileid.u32;
	s6 =	srdreg.scid  }
0x6: {  	s18 =	simm.s32 $0x80;
	s19 =	simm.s32 $0x100;
	s20 =	simm.s32 $0x1500  }
0x7: {  	s21 =	simm.s32 $0x1900;
	[smem:$0x7FF] =	sst s4;
	s11 =	smul.u32 $0x186A0, s2  }
0x8: {  	s5 =	sadd.s32 $0x47400, s10;
	s16 =	sand.u32 $0x1, s6;
	s6 =	sadd.s32 $0xA200, s10  }
0x9: {  	s8 =	sadd.s32 $0x16600, s10;
	s9 =	sadd.s32 $0xE6200, s10;
	s30 =	sshll.u32 s2, $0x6  }
0xa: {  	s31 =	ssub.s32 $0x1879, s2;
	_ =	strace $0x8000004A;
	s12 =	ssub.s32 $0x2, s16  }
.Ltmp0:
0xb: {  	p0 =	sne.s32 s16, $0x0;
	s7 =	sshrl.u32 s11, $0x3;
	(pc) =	sbr.rel .LBB2_1-.Ltmp0, $4  }
0xc: {  	s14 =	sshrl.u32 s12, $0x1;
	s17 =	sadd.s32 s11, s3;
	s13 =	sadd.s32 s7, s10  }
0xd: {  	s10 =	sadd.s32 $0xB5400, s10;
	s15 =	ssub.s32 s12, s14;
	s12 =	sor.u32 $0x1C01, s30  }
0xe: {  	s14 =	sshll.u32 s2, $0x7;
	s16 =	sshrl.u32 s17, $0x3;
	s17 =	simm.s32 $0x1  }
0xf: {  	v0 =	vlaneseq.u32;
	s11 =	sadd.s32 $0x84600, s13;
	s13 =	sshrl.u32 s31, $0x4;
	s15 =	smax.u32 s15, $0x1  }
.LBB2_18:
0x10: {  	s4 =	sadd.s32 $0x1, s4  }
0x11: {  	p1 =	sne.s32 s4, s15  }
.Ltmp1:
0x12: {  	s22 =	sadd.s32 s22, s7;
	[bflag:$0x0] =	sbarrier.arrive $0xFFFF;
	(pc) =	sbr.rel @!p1 .LBB2_19-.Ltmp1, $4  }
0x13: {  	[hbm:s22], [sflag:s12] =	dma.local [spmem:s16], $0x30D4  }
0x14: {  	_ =	swait.ge [sflag:s17], $0x30D4  }
0x15: {  	[sflag:s17] =	ssyncset.done $0x0  }
0x16: {  	[sflag:s17] =	ssyncadd.s32 $0xFFFFCF2C  }
.LBB2_1:
0x17: {  	[spmem:s16], [sflag:s12] =	dma.local [hbm:s11], $0x30D4  }
.Ltmp2:
0x18: {  	_ =	swait.ge [sflag:s17], $0x30D4;
	(pc) =	sbr.rel @p0 .LBB2_10-.Ltmp2, $4  }
0x19: {  	[sflag:s17] =	ssyncset.done $0x0  }
0x1a: {  	[sflag:s17] =	ssyncadd.s32 $0xFFFFCF2C  }
0x1b: {  	[bflag:$0x0] =	sbarrier.arrive $0xFFFF  }
0x1c: {  	s22 =	simm.s32 $0x0;
	s23 =	simm.s32 $0x0  }
.LBB2_2:
0x1d: {  	s23 =	sshll.u32 s22, $0xB  }
0x1e: {  	s23 =	sor.u32 s14, s23  }
0x1f: {  	s23 =	sshrl.u32 s23, $0x3  }
0x20: {  	s24 =	sadd.s32 s8, s23;
	s23 =	simm.s32 $0x0  }
0x21: {  	[tilespmem:s23], [sflag:$0x1] =	stream.linear.gather [hbm4b:s24+s23], $0x80, $0x38;
	[tilespmem:$0x1AFA0] =	vst v63  }
0x22: {  	_ =	swait.ge [sflag:s17], $0x80  }
0x23: {  	[sflag:s17] =	ssyncset.done $0x0  }
0x24: {  	s24 =	sadd.s32 $0x186A0, s24;
	[sflag:s17] =	ssyncadd.s32 $0xFFFFFF80  }
0x25: {  	[tilespmem:s18], [sflag:$0x1] =	stream.linear.gather [hbm4b:s24+s23], $0x80, $0x38;
	[tilespmem:$0x1AFA0] =	vst v63  }
0x26: {  	_ =	swait.ge [sflag:s17], $0x80  }
0x27: {  	[sflag:s17] =	ssyncset.done $0x0  }
0x28: {  	[sflag:s17] =	ssyncadd.s32 $0xFFFFFF80  }
0x29: {  	[tilespmem:s19], [sflag:$0x1] =	stream.indirect.gather [hbm4b:s1+s18], $0x28, s23, s18, $0xb8;
	[tilespmem:$0x1AFA0] =	vst v63  }
0x2a: {  	_ =	swait.ge [sflag:s17], $0x1400  }
0x2b: {  	[sflag:s17] =	ssyncset.done $0x0  }
0x2c: {  	[sflag:s17] =	ssyncadd.s32 $0xFFFFEC00  }
0x2d: {  	[tilespmem:s20], [sflag:$0x1] =	stream.indirect.gather [hbm4b:s6+s18], $0x8, s18, s18, $0xb8;
	[tilespmem:$0x1AFA0] =	vst v63  }
0x2e: {  	_ =	swait.ge [sflag:s17], $0x400  }
0x2f: {  	[sflag:s17] =	ssyncset.done $0x0  }
0x30: {  	s24 =	simm.s32 $0x0;
	[sflag:s17] =	ssyncadd.s32 $0xFFFFFC00  }
.LBB2_3:
0x31: {  	s25 =	sshll.u32 s24, $0x4  }
0x32: {  	v2 =	vor.u32 s25, v0  }
0x33: {  	v1 =	vmul.u32 $0x28, v2  }
0x34: {  	v3 =	vshll.u32 v2, $0x3  }
0x35: {  	v4 =	vadd.s32 $0x20, v1;
	_ =	sdelay $0x3  }
0x36: {  	v5 =	vld.idx.msk [tilespmem:v3+s20+$0x0], $0xffff  }
0x37: {  	v4 =	vld.idx.msk [tilespmem:v4+s19+$0x0], $0xffff;
	_ =	sdelay $0x4  }
0x38: {  	v4 =	vadd.f32 v5, v4;
	_ =	sdelay $0x1  }
0x39: {  	v5 =	vmul.f32 $2.000000030e-01, v4  }
0x3a: {  	vm0 =	vge.f32 v4, $0.0e+00  }
0x3b: {  	v4 =	vsel vm0, v4, v5  }
0x3c: {  	v4 =	vmul.f32 $1.442695020e+00, v4;
	_ =	sdelay $0x1  }
0x3d: {  	(erf) = vpow2.f32 v4  }
0x3e: {  	v4 =	vmov s23  }
0x3f: {  	v6 =	vand.u32 $0x8, v4  }
0x40: {  	v5 =	vand.u32 $0x7, v4;
	v4 =	vadd.s32 v1, v6  }
0x41: {  	v7 =	vor.u32 v5, v4;
	_ =	sdelay $0x3  }
0x42: {  	s31 =	simm.s32 $0x1  }
0x43: {  	v8 =	vmov s31;
	s25 =	simm.s32 $0x2;
	v2 =	vshll.u32 v2, $0x5;
	v7 =	vld.idx.msk [tilespmem:v7+s19+$0x0], $0xffff;
	v4 =	vpop (erf)  }
.LBB2_4:
0x44: {  	p1 =	sne.s32 s25, $0xF;
	v9 =	vor.u32 v2, v6;
	v6 =	vand.u32 $0x8, v8  }
0x45: {  	v10 =	vadd.s32 v1, v6;
	v9 =	vor.u32 v5, v9;
	v5 =	vand.u32 $0x7, v8  }
0x46: {  	v8 =	vor.u32 v5, v10;
	_ =	sdelay $0x1  }
.Ltmp3:
0x47: {  	v7 =	vmul.f32 v7, v4;
	(pc) =	sbr.rel @p1 .LBB2_4-.Ltmp3, $4  }
0x48: {  	_ = 	snop  }
0x49: {  	[tilespmem:v9+s21+$0x0] =	vst.idx.msk $0xffff, v7  }
0x4a: {  	v7 =	vld.idx.msk [tilespmem:v8+s19+$0x0], $0xffff  }
0x4b: {  	v8 =	vmov s25;
	s25 =	sadd.s32 $0x1, s25  }
0x4c: {  	v9 =	vand.u32 $0x8, v8;
	v6 =	vor.u32 v2, v6  }
0x4d: {  	v8 =	vand.u32 $0x7, v8;
	v10 =	vadd.s32 v1, v9;
	v5 =	vor.u32 v5, v6  }
0x4e: {  	v6 =	vor.u32 v8, v10;
	_ =	sdelay $0x1  }
0x4f: {  	v7 =	vmul.f32 v7, v4;
	_ =	sdelay $0x1  }
0x50: {  	[tilespmem:v5+s21+$0x0] =	vst.idx.msk $0xffff, v7  }
0x51: {  	v5 =	vld.idx.msk [tilespmem:v6+s19+$0x0], $0xffff  }
0x52: {  	v6 =	vor.u32 v2, v9  }
0x53: {  	v6 =	vor.u32 v8, v6  }
0x54: {  	v7 =	vadd.s32 $0x21, v1  }
0x55: {  	v3 =	vor.u32 $0x1, v3  }
0x56: {  	v4 =	vmul.f32 v5, v4;
	_ =	sdelay $0x1  }
0x57: {  	[tilespmem:v6+s21+$0x0] =	vst.idx.msk $0xffff, v4  }
0x58: {  	v4 =	vld.idx.msk [tilespmem:v7+s19+$0x0], $0xffff  }
0x59: {  	v3 =	vld.idx.msk [tilespmem:v3+s20+$0x0], $0xffff;
	_ =	sdelay $0x4  }
0x5a: {  	v3 =	vadd.f32 v3, v4;
	_ =	sdelay $0x1  }
0x5b: {  	v4 =	vmul.f32 $2.000000030e-01, v3  }
0x5c: {  	vm0 =	vge.f32 v3, $0.0e+00  }
0x5d: {  	v3 =	vsel vm0, v3, v4  }
0x5e: {  	v3 =	vmul.f32 $1.442695020e+00, v3;
	_ =	sdelay $0x1  }
0x5f: {  	s25 =	simm.s32 $0x10;
	(erf) = vpow2.f32 v3  }
0x60: {  	v3 =	vmov s25  }
0x61: {  	v5 =	vand.u32 $0x18, v3  }
0x62: {  	v4 =	vand.u32 $0x7, v3;
	v3 =	vadd.s32 v1, v5  }
0x63: {  	v6 =	vor.u32 v4, v3;
	_ =	sdelay $0x3  }
0x64: {  	s31 =	simm.s32 $0x11  }
0x65: {  	v7 =	vmov s31;
	s25 =	simm.s32 $0x12;
	v6 =	vld.idx.msk [tilespmem:v6+s19+$0x0], $0xffff;
	v3 =	vpop (erf)  }
.LBB2_6:
0x66: {  	p1 =	sne.s32 s25, $0x1F;
	v8 =	vor.u32 v2, v5;
	v5 =	vand.u32 $0x18, v7  }
0x67: {  	v9 =	vadd.s32 v1, v5;
	v8 =	vor.u32 v4, v8;
	v4 =	vand.u32 $0x7, v7  }
0x68: {  	v7 =	vor.u32 v4, v9;
	_ =	sdelay $0x1  }
.Ltmp4:
0x69: {  	v6 =	vmul.f32 v6, v3;
	(pc) =	sbr.rel @p1 .LBB2_6-.Ltmp4, $4  }
0x6a: {  	_ = 	snop  }
0x6b: {  	[tilespmem:v8+s21+$0x0] =	vst.idx.msk $0xffff, v6  }
0x6c: {  	v6 =	vld.idx.msk [tilespmem:v7+s19+$0x0], $0xffff  }
0x6d: {  	v7 =	vmov s25;
	s25 =	sadd.s32 $0x1, s25  }
0x6e: {  	v8 =	vand.u32 $0x18, v7;
	v5 =	vor.u32 v2, v5  }
0x6f: {  	v62 =	vand.u32 $0x7, v7;
	v1 =	vadd.s32 v1, v8;
	v4 =	vor.u32 v4, v5  }
0x70: {  	v1 =	vor.u32 v62, v1;
	_ =	sdelay $0x1  }
0x71: {  	v63 =	vmul.f32 v6, v3;
	_ =	sdelay $0x1  }
0x72: {  	[tilespmem:v4+s21+$0x0] =	vst.idx.msk $0xffff, v63  }
0x73: {  	v1 =	vld.idx.msk [tilespmem:v1+s19+$0x0], $0xffff  }
0x74: {  	s24 =	sadd.s32 $0x1, s24;
	v2 =	vor.u32 v2, v8  }
0x75: {  	p1 =	sne.s32 s24, $0x8;
	v2 =	vor.u32 v62, v2  }
.Ltmp5:
0x76: {  	_ = 	snop;
	(pc) =	sbr.rel @p1 .LBB2_3-.Ltmp5, $3  }
0x77: {  	_ = 	snop  }
0x78: {  	v1 =	vmul.f32 v1, v3;
	_ =	sdelay $0x1  }
0x79: {  	[tilespmem:v2+s21+$0x0] =	vst.idx.msk $0xffff, v1  }
0x7a: {  	s22 =	sadd.s32 $0x1, s22  }
0x7b: {  	p1 =	seq.s32 s22, s13  }
.Ltmp6:
0x7c: {  	_ = 	snop;
	(pc) =	sbr.rel @!p1 .LBB2_2-.Ltmp6, $4  }
0x7d: {  	[spmem:s3] =	stream.indirect.scatter.add.f32 [tilespmem:s21], [sflag:$0x1], $0x20, s18, s18, $0xb8;
	[tilespmem:$0x1AFA0] =	vst v63  }
0x7e: {  	_ =	swait.ge [sflag:s17], $0x1000  }
0x7f: {  	[sflag:s17] =	ssyncset.done $0x0  }
0x80: {  	[sflag:s17] =	ssyncadd.s32 $0xFFFFF000  }
.Ltmp7:
0x81: {  	(pc) =	sbr.rel .LBB2_18-.Ltmp7, $2  }
0x82: {  	_ =	sdelay $0x2  }
0x83: {  	s22 =	smov.u32 s9  }
.LBB2_10:
0x84: {  	s22 =	sshll.u32 s23, $0xB  }
0x85: {  	s22 =	sor.u32 s14, s22  }
0x86: {  	s22 =	sshrl.u32 s22, $0x3  }
0x87: {  	s24 =	sadd.s32 s8, s22;
	s22 =	simm.s32 $0x0  }
0x88: {  	[tilespmem:s22], [sflag:$0x1] =	stream.linear.gather [hbm4b:s24+s22], $0x80, $0x38;
	[tilespmem:$0x1AFA0] =	vst v63  }
0x89: {  	_ =	swait.ge [sflag:s17], $0x80  }
0x8a: {  	[sflag:s17] =	ssyncset.done $0x0  }
0x8b: {  	s24 =	sadd.s32 $0x186A0, s24;
	[sflag:s17] =	ssyncadd.s32 $0xFFFFFF80  }
0x8c: {  	[tilespmem:s18], [sflag:$0x1] =	stream.linear.gather [hbm4b:s24+s22], $0x80, $0x38;
	[tilespmem:$0x1AFA0] =	vst v63  }
0x8d: {  	_ =	swait.ge [sflag:s17], $0x80  }
0x8e: {  	[sflag:s17] =	ssyncset.done $0x0  }
0x8f: {  	[sflag:s17] =	ssyncadd.s32 $0xFFFFFF80  }
0x90: {  	[tilespmem:s19], [sflag:$0x1] =	stream.indirect.gather [hbm4b:s5+s18], $0x28, s22, s18, $0xb8;
	[tilespmem:$0x1AFA0] =	vst v63  }
0x91: {  	_ =	swait.ge [sflag:s17], $0x1400  }
0x92: {  	[sflag:s17] =	ssyncset.done $0x0  }
0x93: {  	[sflag:s17] =	ssyncadd.s32 $0xFFFFEC00  }
0x94: {  	[tilespmem:s20], [sflag:$0x1] =	stream.indirect.gather [hbm4b:s6+s18], $0x8, s18, s18, $0xb8;
	[tilespmem:$0x1AFA0] =	vst v63  }
0x95: {  	_ =	swait.ge [sflag:s17], $0x400  }
0x96: {  	[sflag:s17] =	ssyncset.done $0x0  }
0x97: {  	s24 =	simm.s32 $0x0;
	[sflag:s17] =	ssyncadd.s32 $0xFFFFFC00  }
.LBB2_11:
0x98: {  	s25 =	sshll.u32 s24, $0x4  }
0x99: {  	v2 =	vor.u32 s25, v0  }
0x9a: {  	v1 =	vmul.u32 $0x28, v2;
	v3 =	vshll.u32 v2, $0x3  }
0x9b: {  	v5 =	vor.u32 $0x2, v3  }
0x9c: {  	v4 =	vadd.s32 $0x20, v1;
	_ =	sdelay $0x3  }
0x9d: {  	v5 =	vld.idx.msk [tilespmem:v5+s20+$0x0], $0xffff  }
0x9e: {  	v4 =	vld.idx.msk [tilespmem:v4+s19+$0x0], $0xffff;
	_ =	sdelay $0x4  }
0x9f: {  	v4 =	vadd.f32 v5, v4;
	_ =	sdelay $0x1  }
0xa0: {  	v5 =	vmul.f32 $2.000000030e-01, v4  }
0xa1: {  	vm0 =	vge.f32 v4, $0.0e+00  }
0xa2: {  	v4 =	vsel vm0, v4, v5  }
0xa3: {  	v4 =	vmul.f32 $1.442695020e+00, v4;
	_ =	sdelay $0x1  }
0xa4: {  	(erf) = vpow2.f32 v4  }
0xa5: {  	v4 =	vmov s22  }
0xa6: {  	v6 =	vand.u32 $0x8, v4  }
0xa7: {  	v5 =	vand.u32 $0x7, v4;
	v4 =	vadd.s32 v1, v6  }
0xa8: {  	v7 =	vor.u32 v5, v4;
	_ =	sdelay $0x3  }
0xa9: {  	s31 =	simm.s32 $0x1  }
0xaa: {  	v8 =	vmov s31;
	s25 =	simm.s32 $0x2;
	v2 =	vshll.u32 v2, $0x5;
	v7 =	vld.idx.msk [tilespmem:v7+s19+$0x0], $0xffff;
	v4 =	vpop (erf)  }
.LBB2_12:
0xab: {  	p1 =	sne.s32 s25, $0xF;
	v9 =	vor.u32 v2, v6;
	v6 =	vand.u32 $0x8, v8  }
0xac: {  	v10 =	vadd.s32 v1, v6;
	v9 =	vor.u32 v5, v9;
	v5 =	vand.u32 $0x7, v8  }
0xad: {  	v8 =	vor.u32 v5, v10;
	_ =	sdelay $0x1  }
.Ltmp8:
0xae: {  	v7 =	vmul.f32 v7, v4;
	(pc) =	sbr.rel @p1 .LBB2_12-.Ltmp8, $4  }
0xaf: {  	_ = 	snop  }
0xb0: {  	[tilespmem:v9+s21+$0x0] =	vst.idx.msk $0xffff, v7  }
0xb1: {  	v7 =	vld.idx.msk [tilespmem:v8+s19+$0x0], $0xffff  }
0xb2: {  	v8 =	vmov s25;
	s25 =	sadd.s32 $0x1, s25  }
0xb3: {  	v9 =	vand.u32 $0x8, v8;
	v6 =	vor.u32 v2, v6  }
0xb4: {  	v8 =	vand.u32 $0x7, v8;
	v10 =	vadd.s32 v1, v9;
	v5 =	vor.u32 v5, v6  }
0xb5: {  	v6 =	vor.u32 v8, v10;
	_ =	sdelay $0x1  }
0xb6: {  	v7 =	vmul.f32 v7, v4;
	_ =	sdelay $0x1  }
0xb7: {  	[tilespmem:v5+s21+$0x0] =	vst.idx.msk $0xffff, v7  }
0xb8: {  	v5 =	vld.idx.msk [tilespmem:v6+s19+$0x0], $0xffff  }
0xb9: {  	v6 =	vor.u32 v2, v9  }
0xba: {  	v6 =	vor.u32 v8, v6  }
0xbb: {  	v7 =	vadd.s32 $0x21, v1  }
0xbc: {  	v3 =	vor.u32 $0x3, v3  }
0xbd: {  	v4 =	vmul.f32 v5, v4;
	_ =	sdelay $0x1  }
0xbe: {  	[tilespmem:v6+s21+$0x0] =	vst.idx.msk $0xffff, v4  }
0xbf: {  	v4 =	vld.idx.msk [tilespmem:v7+s19+$0x0], $0xffff  }
0xc0: {  	v3 =	vld.idx.msk [tilespmem:v3+s20+$0x0], $0xffff;
	_ =	sdelay $0x4  }
0xc1: {  	v3 =	vadd.f32 v3, v4;
	_ =	sdelay $0x1  }
0xc2: {  	v4 =	vmul.f32 $2.000000030e-01, v3  }
0xc3: {  	vm0 =	vge.f32 v3, $0.0e+00  }
0xc4: {  	v3 =	vsel vm0, v3, v4  }
0xc5: {  	v3 =	vmul.f32 $1.442695020e+00, v3;
	_ =	sdelay $0x1  }
0xc6: {  	s25 =	simm.s32 $0x10;
	(erf) = vpow2.f32 v3  }
0xc7: {  	v3 =	vmov s25  }
0xc8: {  	v5 =	vand.u32 $0x18, v3  }
0xc9: {  	v4 =	vand.u32 $0x7, v3;
	v3 =	vadd.s32 v1, v5  }
0xca: {  	v6 =	vor.u32 v4, v3;
	_ =	sdelay $0x3  }
0xcb: {  	s31 =	simm.s32 $0x11  }
0xcc: {  	v7 =	vmov s31;
	s25 =	simm.s32 $0x12;
	v6 =	vld.idx.msk [tilespmem:v6+s19+$0x0], $0xffff;
	v3 =	vpop (erf)  }
.LBB2_14:
0xcd: {  	p1 =	sne.s32 s25, $0x1F;
	v8 =	vor.u32 v2, v5;
	v5 =	vand.u32 $0x18, v7  }
0xce: {  	v9 =	vadd.s32 v1, v5;
	v8 =	vor.u32 v4, v8;
	v4 =	vand.u32 $0x7, v7  }
0xcf: {  	v7 =	vor.u32 v4, v9;
	_ =	sdelay $0x1  }
.Ltmp9:
0xd0: {  	v6 =	vmul.f32 v6, v3;
	(pc) =	sbr.rel @p1 .LBB2_14-.Ltmp9, $4  }
0xd1: {  	_ = 	snop  }
0xd2: {  	[tilespmem:v8+s21+$0x0] =	vst.idx.msk $0xffff, v6  }
0xd3: {  	v6 =	vld.idx.msk [tilespmem:v7+s19+$0x0], $0xffff  }
0xd4: {  	v7 =	vmov s25;
	s25 =	sadd.s32 $0x1, s25  }
0xd5: {  	v8 =	vand.u32 $0x18, v7;
	v5 =	vor.u32 v2, v5  }
0xd6: {  	v62 =	vand.u32 $0x7, v7;
	v1 =	vadd.s32 v1, v8;
	v4 =	vor.u32 v4, v5  }
0xd7: {  	v1 =	vor.u32 v62, v1;
	_ =	sdelay $0x1  }
0xd8: {  	v63 =	vmul.f32 v6, v3;
	_ =	sdelay $0x1  }
0xd9: {  	[tilespmem:v4+s21+$0x0] =	vst.idx.msk $0xffff, v63  }
0xda: {  	v1 =	vld.idx.msk [tilespmem:v1+s19+$0x0], $0xffff  }
0xdb: {  	s24 =	sadd.s32 $0x1, s24;
	v2 =	vor.u32 v2, v8  }
0xdc: {  	p1 =	sne.s32 s24, $0x8;
	v2 =	vor.u32 v62, v2  }
.Ltmp10:
0xdd: {  	_ = 	snop;
	(pc) =	sbr.rel @p1 .LBB2_11-.Ltmp10, $3  }
0xde: {  	_ = 	snop  }
0xdf: {  	v1 =	vmul.f32 v1, v3;
	_ =	sdelay $0x1  }
0xe0: {  	[tilespmem:v2+s21+$0x0] =	vst.idx.msk $0xffff, v1  }
0xe1: {  	s23 =	sadd.s32 $0x1, s23  }
0xe2: {  	p1 =	sne.s32 s23, s13  }
.Ltmp11:
0xe3: {  	_ = 	snop;
	(pc) =	sbr.rel @p1 .LBB2_10-.Ltmp11, $4  }
0xe4: {  	[spmem:s3] =	stream.indirect.scatter.add.f32 [tilespmem:s21], [sflag:$0x1], $0x20, s18, s18, $0xb8;
	[tilespmem:$0x1AFA0] =	vst v63  }
0xe5: {  	_ =	swait.ge [sflag:s17], $0x1000  }
0xe6: {  	[sflag:s17] =	ssyncset.done $0x0  }
0xe7: {  	[sflag:s17] =	ssyncadd.s32 $0xFFFFF000  }
.Ltmp12:
0xe8: {  	(pc) =	sbr.rel .LBB2_18-.Ltmp12, $2  }
0xe9: {  	_ =	sdelay $0x2  }
0xea: {  	s22 =	smov.u32 s10  }
.LBB2_19:
0xeb: {  	_ =	sfence.sel $0x180000  }
0xec: {  	[bflag:$0x0] =	sbarrier.arrive $0xFFFF  }
0xed: {  	p0 =	sne.s32 s2, $0x0;
	_ =	strace $0x9000004A  }
0xee: {  	s0 =	sadd.s32 @!p0 $0x100000, s0;
	[bflag:$0x2] =	sbarrier.arrive $0xFFFF  }
0xef: {  	[sflag:s0] =	ssyncadd.tile.s32 @!p0 $0x1;
	_ =	shalt  }
.Lfunc_end2:
_tile_overlayer_lowered:
.L_overlay_start_2:
0xf0: {  	(tag) =	ssettag $0x2  }
0xf1: {  	s0 =	rddreg [dreg:$0x0];
	s2 =	stileid.u32  }
0xf2: {  	s1 =	rddreg [dreg:$0x1];
	p0 =	sne.s32 s2, $0x0  }
0xf3: {  	s3 =	rddreg [dreg:$0x2];
	[bflag:$0x3] =	sbarrier.arrive $0xFFFF;
	s2 =	simm.s32 @!p0 $0x1C01  }
0xf4: {  	[timem:s3], [sflag:s2] =	dma.local @!p0 [hbm:s0], s1  }
0xf5: {  	s0 =	simm.s32 @!p0 $0x1  }
0xf6: {  	_ =	swait.ge @!p0 [sflag:s0], s1  }
0xf7: {  	s1 =	ssub.s32 @!p0 $0x0, s1;
	[sflag:s0] =	ssyncset.done @!p0 $0x0  }
0xf8: {  	[sflag:s0] =	ssyncadd.s32 @!p0 s1  }
0xf9: {  	[bflag:$0x3] =	sbarrier.arrive $0xFFFF  }
0xfa: {  	_ =	shalt  }

// kernel: kernel.19.cloned.1.call-start
scs
__scs_entry_jumppad:
0x0: {  	(pc) =	sbr.rel $0x88, $3  }
0x1: {  	(tag) =	ssettag $0x0;
	lr =	simm.s32 $0x1  }
0x2: {  	[smem:$0x3F8F] =	sst lr;
	_ =	strace $0xD0000000  }
0x3: {  	_ = 	snop  }
0x4: {  	_ = 	snop  }
0x5: {  	_ = 	snop  }
0x6: {  	_ = 	snop  }
0x7: {  	_ = 	snop  }
__scs_overlays_trampoline_lowered:
0x8: {  	[smem:$0x3F9E] =	sst s0  }
0x9: {  	[smem:$0x3F9F] =	sst s1  }
0xa: {  	[smem:$0x3FA0] =	sst s2  }
0xb: {  	[smem:$0x3FA1] =	sst s3  }
0xc: {  	[smem:$0x3FA2] =	sst s4  }
0xd: {  	[smem:$0x3FA3] =	sst s5  }
0xe: {  	[smem:$0x3FA4] =	sst s6  }
0xf: {  	[smem:$0x3FA5] =	sst s7  }
0x10: {  	[smem:$0x3FA6] =	sst s8  }
0x11: {  	[smem:$0x3FA7] =	sst s9;
	s0 =	simm.s32 @!p0 $0x0  }
0x12: {  	s1 =	sld [smem:$0x3F8D];
	s0 =	simm.s32 @p0 $0x1  }
0x13: {  	[smem:$0x3FA8] =	sst s0;
	s0 =	simm.s32 @!p1 $0x0  }
0x14: {  	s2 =	sld [smem:$0x3F8C];
	s0 =	simm.s32 @p1 $0x1  }
0x15: {  	[smem:$0x3FA9] =	sst s0;
	s0 =	simm.s32 @!p2 $0x0  }
0x16: {  	s3 =	sld [smem:$0x3FDB];
	s0 =	simm.s32 @p2 $0x1  }
0x17: {  	s4 =	simm.s32 $0x1BF5;
	[smem:$0x3FAB] =	sst s0  }
0x18: {  	s0 =	sld [smem:$0x3F8E];
	_ =	swait.ge [sflag:s4], $0x0  }
0x19: {  	s7 =	sld [smem:$0x3F8F]  }
0x1a: {  	s8 =	sadd.s32 $0xFFFFE003, lr  }
0x1b: {  	s9 =	sadd.s32 $0xFFFFFEF7, lr;
	s5 =	simm.s32 $0xFFFFFFFF;
	p2 =	slt.u32 s8, $0xFFFFF086  }
0x1c: {  	p1 =	slt.u32 s9, $0xF7A;
	s5 =	simm.s32 @!p2 $0x0  }
0x1d: {  	s5 =	simm.s32 @p1 $0x1;
	p0 =	seq.s32 s7, s2  }
0x1e: {  	s7 =	smul.u32 @!p0 $0xF7A, s2;
	p2 =	seq.s32 @!p0 s5, $0x0  }
0x1f: {  	s9 =	smul.u32 $0xF7A, s1;
	s8 =	simm.s32 @!p0 $0x1BF5;
	p2 =	por !p2, p0  }
0x20: {  	[sflag:s8] =	ssyncset.s32 @!p0 $0xFFFFF086;
	s6 =	sadd.s32 @!p0 s3, s7;
	s7 =	simm.s32 @!p0 $0x108  }
0x21: {  	s3 =	sadd.s32 s3, s9;
	s6 =	sadd.s32 @!p0 $0x88, s6;
	s7 =	simm.s32 @p2 $0x1082  }
0x22: {  	[simem:s7], [sflag:s8] =	dma.local @!p0 [hbm:s6], $0xF7A  }
0x23: {  	s9 =	sor.u32 $0xD0000000, s2;
	s6 =	simm.s32 $0x108;
	_ =	swait.ge @!p0 [sflag:s8], $0x0  }
0x24: {  	s3 =	sadd.s32 $0x88, s3;
	s6 =	simm.s32 @!p1 $0x1082;
	[sflag:s4] =	ssyncset.s32 $0xFFFFF086  }
0x25: {  	[simem:s6], [sflag:s4] =	dma.local [hbm:s3], $0xF7A  }
0x26: {  	[smem:$0x3F8F] =	sst s1;
	(tag) =	ssettag s2;
	_ =	strace s9  }
0x27: {  	s1 =	sld [smem:$0x3F9F]  }
0x28: {  	s2 =	sld [smem:$0x3FA0]  }
0x29: {  	s4 =	sld [smem:$0x3FA2]  }
0x2a: {  	p0 =	seq.s32 s5, $0x0;
	s5 =	sld [smem:$0x3FA3]  }
0x2b: {  	s6 =	sld [smem:$0x3FA4]  }
0x2c: {  	s7 =	sld [smem:$0x3FA5]  }
0x2d: {  	s3 =	simm.s32 $0x108;
	s8 =	sld [smem:$0x3FA6]  }
0x2e: {  	s3 =	simm.s32 @!p0 $0x1082;
	s9 =	sld [smem:$0x3FA7]  }
0x2f: {  	lr =	sadd.s32 s0, s3;
	s0 =	sld [smem:$0x3F9E]  }
0x30: {  	s3 =	sld [smem:$0x3FA1]  }
0x31: {  	[smem:$0x3FAA] =	sst s10  }
0x32: {  	s10 =	sld [smem:$0x3FA8];
	_ =	sdelay $0x3  }
0x33: {  	p0 =	seq.s32 s10, $0x1;
	s10 =	sld [smem:$0x3FAA];
	_ =	sdelay $0x3  }
0x34: {  	[smem:$0x3FAA] =	sst s10  }
0x35: {  	s10 =	sld [smem:$0x3FA9];
	_ =	sdelay $0x3  }
0x36: {  	p1 =	seq.s32 s10, $0x1;
	s10 =	sld [smem:$0x3FAA];
	_ =	sdelay $0x3  }
0x37: {  	[smem:$0x3FAA] =	sst s10  }
0x38: {  	s10 =	sld [smem:$0x3FAB]  }
0x39: {  	_ = 	snop;
	(pc) =	sbr.ind lr, $3  }
0x3a: {  	_ = 	snop  }
0x3b: {  	_ = 	snop  }
0x3c: {  	p2 =	seq.s32 s10, $0x1;
	s10 =	sld [smem:$0x3FAA]  }
0x3d: {  	_ =	shalt  }
0x3e: {  	_ =	shalt  }
0x3f: {  	_ =	shalt  }
0x40: {  	_ =	shalt  }
0x41: {  	_ =	shalt  }
0x42: {  	_ =	shalt  }
0x43: {  	_ =	shalt  }
0x44: {  	_ =	shalt  }
0x45: {  	_ =	shalt  }
0x46: {  	_ =	shalt  }
0x47: {  	_ =	shalt  }
0x48: {  	_ =	shalt  }
0x49: {  	_ =	shalt  }
0x4a: {  	_ =	shalt  }
0x4b: {  	_ =	shalt  }
0x4c: {  	_ =	shalt  }
0x4d: {  	_ =	shalt  }
0x4e: {  	_ =	shalt  }
0x4f: {  	_ =	shalt  }
0x50: {  	_ =	shalt  }
0x51: {  	_ =	shalt  }
0x52: {  	_ =	shalt  }
0x53: {  	_ =	shalt  }
0x54: {  	_ =	shalt  }
0x55: {  	_ =	shalt  }
0x56: {  	_ =	shalt  }
0x57: {  	_ =	shalt  }
0x58: {  	_ =	shalt  }
0x59: {  	_ =	shalt  }
0x5a: {  	_ =	shalt  }
0x5b: {  	_ =	shalt  }
0x5c: {  	_ =	shalt  }
0x5d: {  	_ =	shalt  }
0x5e: {  	_ =	shalt  }
0x5f: {  	_ =	shalt  }
0x60: {  	_ =	shalt  }
0x61: {  	_ =	shalt  }
0x62: {  	_ =	shalt  }
0x63: {  	_ =	shalt  }
0x64: {  	_ =	shalt  }
0x65: {  	_ =	shalt  }
0x66: {  	_ =	shalt  }
0x67: {  	_ =	shalt  }
0x68: {  	_ =	shalt  }
0x69: {  	_ =	shalt  }
0x6a: {  	_ =	shalt  }
0x6b: {  	_ =	shalt  }
0x6c: {  	_ =	shalt  }
0x6d: {  	_ =	shalt  }
0x6e: {  	_ =	shalt  }
0x6f: {  	_ =	shalt  }
0x70: {  	_ =	shalt  }
0x71: {  	_ =	shalt  }
0x72: {  	_ =	shalt  }
0x73: {  	_ =	shalt  }
0x74: {  	_ =	shalt  }
0x75: {  	_ =	shalt  }
0x76: {  	_ =	shalt  }
0x77: {  	_ =	shalt  }
0x78: {  	_ =	shalt  }
0x79: {  	_ =	shalt  }
0x7a: {  	_ =	shalt  }
0x7b: {  	_ =	shalt  }
0x7c: {  	_ =	shalt  }
0x7d: {  	_ =	shalt  }
0x7e: {  	_ =	shalt  }
0x7f: {  	_ =	shalt  }
0x80: {  	_ =	shalt  }
0x81: {  	_ =	shalt  }
0x82: {  	_ =	shalt  }
0x83: {  	_ =	shalt  }
0x84: {  	_ =	shalt  }
0x85: {  	_ =	shalt  }
0x86: {  	_ =	shalt  }
0x87: {  	_ =	shalt  }
.Lfunc_end0:
.L_simem_size_0:
called_computation.3_lowered:
.L_overlay_start_0:
0x88: {  	s2 =	sld [smem:$0x3FD9]  }
0x89: {  	s3 =	sld [smem:$0x3FFE];
	_ =	sdelay $0x1  }
0x8a: {  	s1 =	srdreg.scid  }
0x8b: {  	s0 =	sand.u32 $0x1, s1  }
0x8c: {  	s16 =	sshll.u32 s0, $0xA;
	s2 =	sadd.s32 s3, s2  }
0x8d: {  	s2 =	sadd.s32 s2, s16  }
0x8e: {  	[smem:$0x3FB6] =	sst s2  }
0x8f: {  	_ = 	snop  }
0x90: {  	(tm) =	ssettm $0x1  }
0x91: {  	s17 =	sld [smem:$0x3FFB];
	_ =	sdelay $0x3  }
0x92: {  	_ =	strace s17  }
0x93: {  	s2 =	sld [smem:$0x3FFC];
	_ =	sdelay $0x3  }
0x94: {  	_ =	strace s2  }
0x95: {  	s2 =	sld [smem:$0x3FFD];
	_ =	sdelay $0x3  }
0x96: {  	_ =	strace s2  }
0x97: {  	_ =	strace $0x8FFFFFFF  }
0x98: {  	s18 =	sld [smem:$0x3FDB];
	_ =	sdelay $0x1  }
0x99: {  	s19 =	simm.s32 $_scs_section_size  }
0x9a: {  	s4 =	simm.s32 $_size__tile_overlayer_lowered;
	s5 =	simm.s32 $_tile_overlayer_lowered  }
0x9b: {  	s22 =	simm.s32 $0x1BFF;
	s21 =	sshll.u32 s5, $0x1;
	s2 =	sadd.s32 s19, s18  }
0x9c: {  	s6 =	simm.s32 $0x0;
	s20 =	sshll.u32 s4, $0x1;
	s4 =	sadd.s32 s21, s2  }
0x9d: {  	[timem:s6], [sflag:s22] =	dma.local [hbm:s4], s20  }
0x9e: {  	_ =	swait.ge [sflag:s22], s20  }
0x9f: {  	s3 =	ssub.s32 $0x0, s20;
	[sflag:s22] =	ssyncset.done $0x0  }
0xa0: {  	[sflag:s22] =	ssyncadd.s32 s3;
	_ =	sdelay $0x1  }
0xa1: {  	s23 =	simm.s32 $0x1B8B  }
0xa2: {  	_ =	swait.ge [sflag:s23], $0x1  }
0xa3: {  	[sflag:s23] =	ssyncset.done $0x0  }
0xa4: {  	s25 =	simm.s32 $0x1B8E;
	s24 =	sld [smem:$0x3FFE];
	[sflag:s23] =	ssyncadd.s32 $0xFFFFFFFF  }
0xa5: {  	s26 =	simm.s32 $execute0_lowered;
	[smem:$0x3FD2] =	sst s25  }
0xa6: {  	s4 =	sshll.u32 s26, $0x1;
	_ =	strace $0x8000004F;
	[dreg:$0x1] =	wrdreg $0xFFFFFFFF  }
0xa7: {  	s28 =	simm.s32 $_size_execute0_lowered;
	s2 =	sadd.s32 s2, s4;
	[dreg:$0x0] =	wrdreg $0x0  }
0xa8: {  	s4 =	sshll.u32 s28, $0x1;
	[dreg:$0x2] =	wrdreg s2  }
0xa9: {  	[dreg:$0x3] =	wrdreg s4  }
0xaa: {  	[dreg:$0x4] =	wrdreg $0xC0  }
0xab: {  	_ =	task [dreg:s6], $0x5FFFF  }
0xac: {  	[dreg:$0x1] =	wrdreg $0xFFFFFFFF  }
0xad: {  	[dreg:$0x0] =	wrdreg $0x60  }
0xae: {  	[dreg:$0x2] =	wrdreg s24  }
0xaf: {  	[dreg:$0x3] =	wrdreg $0xD000  }
0xb0: {  	[dreg:$0x4] =	wrdreg $0x9  }
0xb1: {  	_ =	task.clear_ibuf [dreg:s6], $0x5FFFF;
	_ =	strace $0x9000004F  }
0xb2: {  	s29 =	simm.s32 $0x9;
	_ =	strace $0x80000051  }
0xb3: {  	_ =	swait.ge [sflag:s29], $0x1  }
0xb4: {  	[sflag:s29] =	ssyncadd.s32 $0xFFFFFFFF  }
0xb5: {  	_ =	strace $0x90000051  }
0xb6: {  	_ =	sfence  }
0xb7: {  	s30 =	sld [smem:$0x0];
	_ =	sdelay $0x2  }
0xb8: {  	s31 =	sshll.u32 s1, $0xD;
	s1 =	sshrl.u32 s1, $0x2  }
0xb9: {  	s3 =	sand.u32 $0x4000, s31;
	s1 =	sadd.s32 s1, s30  }
0xba: {  	s0 =	sor.u32 s3, s0;
	s1 =	sshll.u32 s1, $0x11  }
0xbb: {  	s0 =	sor.u32 s1, s0  }
0xbc: {  	s0 =	sadd.s32 $0x8F2B, s0  }
0xbd: {  	[sflag:s0] =	ssyncadd.remote.s32 $0x1  }
0xbe: {  	_ =	sfence.sel $0xFFFF  }
0xbf: {  	[dreg:$0x0] =	wrdreg $0xFFFFFFFF;
	(pc) =	sbr.abs _section_cstart, $3  }
0xc0: {  	[dreg:$0x1] =	wrdreg $0xFFFFFFFF  }
0xc1: {  	_ =	task.clear_ibuf [dreg:s6], $0x2FFFF;
	_ =	strace $0x9FFFFFFF  }
0xc2: {  	(tm) =	ssettm $0x7FFFFFFF  }
0xc3: {  	_ =	shalt  }
tec
execute0_lowered:
.L_overlay_start_1:
0x0: {  	(tag) =	ssettag $0x1  }
0x1: {  	s7 =	rddreg [dreg:$0x0]  }
0x2: {  	s2 =	rddreg [dreg:$0x1]  }
0x3: {  	s0 =	rddreg [dreg:$0x2]  }
0x4: {  	s3 =	simm.s32 $0x0;
	s1 =	stileid.u32;
	s6 =	srdreg.scid  }
0x5: {  	s15 =	simm.s32 $0x53800;
	s16 =	simm.s32 $0x80;
	s17 =	simm.s32 $0x100  }
0x6: {  	s18 =	simm.s32 $0x500;
	s19 =	simm.s32 $0x0;
	[smem:$0x7FF] =	sst s3  }
0x7: {  	s8 =	smul.u32 $0x61A8, s1;
	s4 =	sadd.s32 $0x47400, s7;
	s5 =	sadd.s32 $0xA200, s7  }
0x8: {  	s9 =	sand.u32 $0x1, s6;
	s6 =	sadd.s32 $0x16600, s7;
	s31 =	sshll.u32 s1, $0x6  }
0x9: {  	s14 =	ssub.s32 $0xC44, s1;
	_ =	strace $0x80000050;
	s11 =	ssub.s32 $0x2, s9  }
0xa: {  	s30 =	smul.u32 $0xC35, s9;
	p0 =	seq.s32 s9, $0x1;
	s9 =	sshrl.u32 s14, $0x4  }
0xb: {  	s14 =	simm.s32 $0x1;
	s10 =	sshrl.u32 s8, $0x3;
	s29 =	sshrl.u32 s11, $0x1  }
0xc: {  	s13 =	sadd.s32 s8, s2;
	s8 =	sor.u32 $0x1C01, s31;
	s15 =	simm.s32 @!p0 $0x5FC00  }
0xd: {  	v0 =	vlaneseq.u32;
	s12 =	sadd.s32 s10, s7;
	s11 =	ssub.s32 s11, s29;
	s10 =	sadd.s32 s1, s30  }
0xe: {  	v0 =	vmul.u32 $0x8, v0;
	s13 =	sshrl.u32 s13, $0x3;
	s7 =	sadd.s32 $0x123400, s12;
	s10 =	sshll.u32 s10, $0x7  }
0xf: {  	v1 =	vimm.f32 $0.0e+00;
	s11 =	smax.u32 s11, $0x1;
	s12 =	sadd.s32 s15, s12;
	s15 =	simm.s32 $0x900  }
.LBB2_1:
0x10: {  	v2 =	vmov s3  }
0x11: {  	v2 =	vshll.u32 v2, $0x3  }
0x12: {  	v2 =	vor.u32 v0, v2  }
0x13: {  	[spmem:s13], [sflag:s8] =	dma.local [hbm:s7], $0xC35;
	v4 =	vor.u32 $0x1, v2  }
0x14: {  	_ =	swait.ge [sflag:s14], $0xC35;
	v7 =	vor.u32 $0x2, v2  }
0x15: {  	[sflag:s14] =	ssyncset.done $0x0;
	v5 =	vor.u32 $0x3, v2  }
0x16: {  	[sflag:s14] =	ssyncadd.s32 $0xFFFFF3CB;
	v6 =	vor.u32 $0x4, v2  }
0x17: {  	s20 =	simm.s32 $0x10;
	v3 =	vor.u32 $0x6, v2;
	v8 =	vor.u32 $0x5, v2;
	[tilespmem:v2+s15+$0x0] =	vst.idx.msk $0xffff, v1  }
.LBB2_2:
0x18: {  	v9 =	vmov s20;
	p0 =	sne.s32 s20, $0x70;
	s20 =	sadd.s32 $0x10, s20;
	[tilespmem:v4+s15+$0x0] =	vst.idx.msk $0xffff, v1  }
0x19: {  	v4 =	vshll.u32 v9, $0x3;
	[tilespmem:v7+s15+$0x0] =	vst.idx.msk $0xffff, v1;
	v9 =	vor.u32 $0x7, v2  }
0x1a: {  	v2 =	vor.u32 v0, v4;
	[tilespmem:v5+s15+$0x0] =	vst.idx.msk $0xffff, v1  }
.Ltmp0:
0x1b: {  	v4 =	vor.u32 $0x1, v2;
	v10 =	vor.u32 $0x6, v2;
	[tilespmem:v6+s15+$0x0] =	vst.idx.msk $0xffff, v1;
	(pc) =	sbr.rel @p0 .LBB2_2-.Ltmp0, $4  }
0x1c: {  	v7 =	vor.u32 $0x2, v2;
	[tilespmem:v8+s15+$0x0] =	vst.idx.msk $0xffff, v1  }
0x1d: {  	v5 =	vor.u32 $0x3, v2;
	[tilespmem:v3+s15+$0x0] =	vst.idx.msk $0xffff, v1;
	v3 =	vmov v10  }
0x1e: {  	v6 =	vor.u32 $0x4, v2;
	[tilespmem:v9+s15+$0x0] =	vst.idx.msk $0xffff, v1  }
0x1f: {  	v8 =	vor.u32 $0x5, v2;
	[tilespmem:v2+s15+$0x0] =	vst.idx.msk $0xffff, v1  }
0x20: {  	_ =	sdelay $0x3  }
0x21: {  	[tilespmem:v4+s15+$0x0] =	vst.idx.msk $0xffff, v1  }
0x22: {  	v2 =	vor.u32 $0x7, v2;
	[tilespmem:v7+s15+$0x0] =	vst.idx.msk $0xffff, v1  }
0x23: {  	[tilespmem:v5+s15+$0x0] =	vst.idx.msk $0xffff, v1  }
0x24: {  	[tilespmem:v6+s15+$0x0] =	vst.idx.msk $0xffff, v1  }
0x25: {  	[tilespmem:v8+s15+$0x0] =	vst.idx.msk $0xffff, v1  }
0x26: {  	[tilespmem:v3+s15+$0x0] =	vst.idx.msk $0xffff, v1  }
0x27: {  	[tilespmem:v2+s15+$0x0] =	vst.idx.msk $0xffff, v1  }
0x28: {  	s20 =	simm.s32 $0x0;
	s21 =	simm.s32 $0x0;
	[bflag:$0x0] =	sbarrier.arrive $0xFFFF  }
.LBB2_4:
0x29: {  	s22 =	sshll.u32 s21, $0xB  }
0x2a: {  	s22 =	sadd.s32 s10, s22  }
0x2b: {  	s22 =	sshrl.u32 s22, $0x3  }
0x2c: {  	s22 =	sadd.s32 s6, s22  }
0x2d: {  	[tilespmem:s20], [sflag:$0x1] =	stream.linear.gather [hbm4b:s22+s20], $0x80, $0x38;
	[tilespmem:$0x6EA8] =	vst v63  }
0x2e: {  	_ =	swait.ge [sflag:s14], $0x80  }
0x2f: {  	[sflag:s14] =	ssyncset.done $0x0  }
0x30: {  	s22 =	sadd.s32 $0x186A0, s22;
	[sflag:s14] =	ssyncadd.s32 $0xFFFFFF80  }
0x31: {  	[tilespmem:s16], [sflag:$0x1] =	stream.linear.gather [hbm4b:s22+s20], $0x80, $0x38;
	[tilespmem:$0x6EA8] =	vst v63  }
0x32: {  	_ =	swait.ge [sflag:s14], $0x80  }
0x33: {  	[sflag:s14] =	ssyncset.done $0x0  }
0x34: {  	[sflag:s14] =	ssyncadd.s32 $0xFFFFFF80  }
0x35: {  	[tilespmem:s17], [sflag:$0x1] =	stream.indirect.gather [hbm4b:s4+s16], $0x8, s20, s16, $0xb8;
	[tilespmem:$0x6EA8] =	vst v63  }
0x36: {  	v2 =	vmov s20;
	_ =	swait.ge [sflag:s14], $0x400  }
0x37: {  	v2 =	vshll.u32 v2, $0x3;
	[sflag:s14] =	ssyncset.done $0x0  }
0x38: {  	v2 =	vor.u32 v0, v2;
	[sflag:s14] =	ssyncadd.s32 $0xFFFFFC00  }
0x39: {  	[tilespmem:s18], [sflag:$0x1] =	stream.indirect.gather [hbm4b:s5+s16], $0x8, s16, s16, $0xb8;
	[tilespmem:$0x6EA8] =	vst v63  }
0x3a: {  	_ =	swait.ge [sflag:s14], $0x400  }
0x3b: {  	[sflag:s14] =	ssyncset.done $0x0  }
0x3c: {  	[sflag:s14] =	ssyncadd.s32 $0xFFFFFC00  }
0x3d: {  	v3 =	vld.idx.msk [tilespmem:v2+s18+$0x0], $0xffff  }
0x3e: {  	v4 =	vld.idx.msk [tilespmem:v2+s17+$0x0], $0xffff;
	_ =	sdelay $0x4  }
0x3f: {  	v3 =	vadd.f32 v3, v4;
	_ =	sdelay $0x1  }
0x40: {  	v4 =	vmul.f32 $2.000000030e-01, v3  }
0x41: {  	vm0 =	vge.f32 v3, $0.0e+00  }
0x42: {  	v3 =	vsel vm0, v3, v4  }
0x43: {  	v3 =	vmul.f32 $1.442695020e+00, v3;
	_ =	sdelay $0x1  }
0x44: {  	(erf) = vpow2.f32 v3;
	_ =	sdelay $0x2  }
0x45: {  	s31 =	simm.s32 $0x10  }
0x46: {  	v4 =	vmov s31  }
0x47: {  	s22 =	simm.s32 $0x20;
	v3 =	vshll.u32 v4, $0x3  }
.LBB2_5:
0x48: {  	p0 =	sne.s32 s22, $0x70;
	v3 =	vor.u32 v0, v3;
	_ =	sdelay $0x2  }
0x49: {  	v4 =	vpop (erf)  }
0x4a: {  	[tilespmem:v2+s15+$0x0] =	vst.idx.msk $0xffff, v4;
	v2 =	vmov v3  }
0x4b: {  	v4 =	vld.idx.msk [tilespmem:v3+s18+$0x0], $0xffff  }
0x4c: {  	v3 =	vld.idx.msk [tilespmem:v3+s17+$0x0], $0xffff;
	_ =	sdelay $0x5  }
0x4d: {  	v3 =	vadd.f32 v4, v3;
	_ =	sdelay $0x1  }
0x4e: {  	v4 =	vmul.f32 $2.000000030e-01, v3  }
0x4f: {  	vm0 =	vge.f32 v3, $0.0e+00  }
0x50: {  	v3 =	vsel vm0, v3, v4  }
0x51: {  	v3 =	vmul.f32 $1.442695020e+00, v3;
	_ =	sdelay $0x1  }
0x52: {  	(erf) = vpow2.f32 v3  }
.Ltmp1:
0x53: {  	(pc) =	sbr.rel @p0 .LBB2_5-.Ltmp1, $3  }
0x54: {  	_ =	sdelay $0x1  }
0x55: {  	v3 =	vmov s22  }
0x56: {  	s22 =	sadd.s32 $0x10, s22;
	v3 =	vshll.u32 v3, $0x3  }
0x57: {  	v3 =	vor.u32 v0, v3;
	_ =	sdelay $0x2  }
0x58: {  	v4 =	vpop (erf)  }
0x59: {  	[tilespmem:v2+s15+$0x0] =	vst.idx.msk $0xffff, v4  }
0x5a: {  	v2 =	vld.idx.msk [tilespmem:v3+s18+$0x0], $0xffff  }
0x5b: {  	v4 =	vld.idx.msk [tilespmem:v3+s17+$0x0], $0xffff;
	_ =	sdelay $0x4  }
0x5c: {  	v2 =	vadd.f32 v2, v4;
	_ =	sdelay $0x1  }
0x5d: {  	v4 =	vmul.f32 $2.000000030e-01, v2  }
0x5e: {  	vm0 =	vge.f32 v2, $0.0e+00  }
0x5f: {  	v2 =	vsel vm0, v2, v4  }
0x60: {  	v2 =	vmul.f32 $1.442695020e+00, v2;
	_ =	sdelay $0x1  }
0x61: {  	(erf) = vpow2.f32 v2;
	_ =	sdelay $0x7  }
0x62: {  	s21 =	sadd.s32 $0x1, s21  }
0x63: {  	p0 =	sne.s32 s21, s9;
	v2 =	vpop (erf)  }
.Ltmp2:
0x64: {  	[tilespmem:v3+s15+$0x0] =	vst.idx.msk $0xffff, v2;
	(pc) =	sbr.rel @p0 .LBB2_4-.Ltmp2, $4  }
0x65: {  	[spmem:s2] =	stream.indirect.scatter.add.f32 [tilespmem:s15], [sflag:$0x1], $0x8, s16, s16, $0xb8;
	[tilespmem:$0x6EA8] =	vst v63  }
0x66: {  	_ =	swait.ge [sflag:s14], $0x400  }
0x67: {  	[sflag:s14] =	ssyncset.done $0x0  }
0x68: {  	[sflag:s14] =	ssyncadd.s32 $0xFFFFFC00  }
0x69: {  	s19 =	sadd.s32 $0x1, s19  }
0x6a: {  	p0 =	sne.s32 s19, s11  }
.Ltmp3:
0x6b: {  	[bflag:$0x0] =	sbarrier.arrive $0xFFFF;
	(pc) =	sbr.rel @p0 .LBB2_1-.Ltmp3, $4  }
0x6c: {  	[hbm:s12], [sflag:s8] =	dma.local [spmem:s13], $0xC35  }
0x6d: {  	_ =	swait.ge [sflag:s14], $0xC35  }
0x6e: {  	[sflag:s14] =	ssyncset.done $0x0  }
0x6f: {  	[sflag:s14] =	ssyncadd.s32 $0xFFFFF3CB  }
0x70: {  	_ =	sfence.sel $0x180000  }
0x71: {  	[bflag:$0x0] =	sbarrier.arrive $0xFFFF  }
0x72: {  	p0 =	sne.s32 s1, $0x0;
	_ =	strace $0x90000050  }
0x73: {  	s0 =	sadd.s32 @!p0 $0x100000, s0;
	[bflag:$0x2] =	sbarrier.arrive $0xFFFF  }
0x74: {  	[sflag:s0] =	ssyncadd.tile.s32 @!p0 $0x1;
	_ =	shalt  }
.Lfunc_end2:
_tile_overlayer_lowered:
.L_overlay_start_2:
0x75: {  	(tag) =	ssettag $0x2  }
0x76: {  	s0 =	rddreg [dreg:$0x0];
	s2 =	stileid.u32  }
0x77: {  	s1 =	rddreg [dreg:$0x1];
	p0 =	sne.s32 s2, $0x0  }
0x78: {  	s3 =	rddreg [dreg:$0x2];
	[bflag:$0x3] =	sbarrier.arrive $0xFFFF;
	s2 =	simm.s32 @!p0 $0x1C01  }
0x79: {  	[timem:s3], [sflag:s2] =	dma.local @!p0 [hbm:s0], s1  }
0x7a: {  	s0 =	simm.s32 @!p0 $0x1  }
0x7b: {  	_ =	swait.ge @!p0 [sflag:s0], s1  }
0x7c: {  	s1 =	ssub.s32 @!p0 $0x0, s1;
	[sflag:s0] =	ssyncset.done @!p0 $0x0  }
0x7d: {  	[sflag:s0] =	ssyncadd.s32 @!p0 s1  }
0x7e: {  	[bflag:$0x3] =	sbarrier.arrive $0xFFFF  }
0x7f: {  	_ =	shalt  }

// kernel: kernel.22.cloned.1.call-start
scs
__scs_entry_jumppad:
0x0: {  	(pc) =	sbr.rel $0x88, $3  }
0x1: {  	(tag) =	ssettag $0x0;
	lr =	simm.s32 $0x1  }
0x2: {  	[smem:$0x3F8F] =	sst lr;
	_ =	strace $0xD0000000  }
0x3: {  	_ = 	snop  }
0x4: {  	_ = 	snop  }
0x5: {  	_ = 	snop  }
0x6: {  	_ = 	snop  }
0x7: {  	_ = 	snop  }
__scs_overlays_trampoline_lowered:
0x8: {  	[smem:$0x3F9E] =	sst s0  }
0x9: {  	[smem:$0x3F9F] =	sst s1  }
0xa: {  	[smem:$0x3FA0] =	sst s2  }
0xb: {  	[smem:$0x3FA1] =	sst s3  }
0xc: {  	[smem:$0x3FA2] =	sst s4  }
0xd: {  	[smem:$0x3FA3] =	sst s5  }
0xe: {  	[smem:$0x3FA4] =	sst s6  }
0xf: {  	[smem:$0x3FA5] =	sst s7  }
0x10: {  	[smem:$0x3FA6] =	sst s8  }
0x11: {  	[smem:$0x3FA7] =	sst s9;
	s0 =	simm.s32 @!p0 $0x0  }
0x12: {  	s1 =	sld [smem:$0x3F8D];
	s0 =	simm.s32 @p0 $0x1  }
0x13: {  	[smem:$0x3FA8] =	sst s0;
	s0 =	simm.s32 @!p1 $0x0  }
0x14: {  	s2 =	sld [smem:$0x3F8C];
	s0 =	simm.s32 @p1 $0x1  }
0x15: {  	[smem:$0x3FA9] =	sst s0;
	s0 =	simm.s32 @!p2 $0x0  }
0x16: {  	s3 =	sld [smem:$0x3FDB];
	s0 =	simm.s32 @p2 $0x1  }
0x17: {  	s4 =	simm.s32 $0x1BF5;
	[smem:$0x3FAB] =	sst s0  }
0x18: {  	s0 =	sld [smem:$0x3F8E];
	_ =	swait.ge [sflag:s4], $0x0  }
0x19: {  	s7 =	sld [smem:$0x3F8F]  }
0x1a: {  	s8 =	sadd.s32 $0xFFFFE003, lr  }
0x1b: {  	s9 =	sadd.s32 $0xFFFFFEF7, lr;
	s5 =	simm.s32 $0xFFFFFFFF;
	p2 =	slt.u32 s8, $0xFFFFF086  }
0x1c: {  	p1 =	slt.u32 s9, $0xF7A;
	s5 =	simm.s32 @!p2 $0x0  }
0x1d: {  	s5 =	simm.s32 @p1 $0x1;
	p0 =	seq.s32 s7, s2  }
0x1e: {  	s7 =	smul.u32 @!p0 $0xF7A, s2;
	p2 =	seq.s32 @!p0 s5, $0x0  }
0x1f: {  	s9 =	smul.u32 $0xF7A, s1;
	s8 =	simm.s32 @!p0 $0x1BF5;
	p2 =	por !p2, p0  }
0x20: {  	[sflag:s8] =	ssyncset.s32 @!p0 $0xFFFFF086;
	s6 =	sadd.s32 @!p0 s3, s7;
	s7 =	simm.s32 @!p0 $0x108  }
0x21: {  	s3 =	sadd.s32 s3, s9;
	s6 =	sadd.s32 @!p0 $0x88, s6;
	s7 =	simm.s32 @p2 $0x1082  }
0x22: {  	[simem:s7], [sflag:s8] =	dma.local @!p0 [hbm:s6], $0xF7A  }
0x23: {  	s9 =	sor.u32 $0xD0000000, s2;
	s6 =	simm.s32 $0x108;
	_ =	swait.ge @!p0 [sflag:s8], $0x0  }
0x24: {  	s3 =	sadd.s32 $0x88, s3;
	s6 =	simm.s32 @!p1 $0x1082;
	[sflag:s4] =	ssyncset.s32 $0xFFFFF086  }
0x25: {  	[simem:s6], [sflag:s4] =	dma.local [hbm:s3], $0xF7A  }
0x26: {  	[smem:$0x3F8F] =	sst s1;
	(tag) =	ssettag s2;
	_ =	strace s9  }
0x27: {  	s1 =	sld [smem:$0x3F9F]  }
0x28: {  	s2 =	sld [smem:$0x3FA0]  }
0x29: {  	s4 =	sld [smem:$0x3FA2]  }
0x2a: {  	p0 =	seq.s32 s5, $0x0;
	s5 =	sld [smem:$0x3FA3]  }
0x2b: {  	s6 =	sld [smem:$0x3FA4]  }
0x2c: {  	s7 =	sld [smem:$0x3FA5]  }
0x2d: {  	s3 =	simm.s32 $0x108;
	s8 =	sld [smem:$0x3FA6]  }
0x2e: {  	s3 =	simm.s32 @!p0 $0x1082;
	s9 =	sld [smem:$0x3FA7]  }
0x2f: {  	lr =	sadd.s32 s0, s3;
	s0 =	sld [smem:$0x3F9E]  }
0x30: {  	s3 =	sld [smem:$0x3FA1]  }
0x31: {  	[smem:$0x3FAA] =	sst s10  }
0x32: {  	s10 =	sld [smem:$0x3FA8];
	_ =	sdelay $0x3  }
0x33: {  	p0 =	seq.s32 s10, $0x1;
	s10 =	sld [smem:$0x3FAA];
	_ =	sdelay $0x3  }
0x34: {  	[smem:$0x3FAA] =	sst s10  }
0x35: {  	s10 =	sld [smem:$0x3FA9];
	_ =	sdelay $0x3  }
0x36: {  	p1 =	seq.s32 s10, $0x1;
	s10 =	sld [smem:$0x3FAA];
	_ =	sdelay $0x3  }
0x37: {  	[smem:$0x3FAA] =	sst s10  }
0x38: {  	s10 =	sld [smem:$0x3FAB]  }
0x39: {  	_ = 	snop;
	(pc) =	sbr.ind lr, $3  }
0x3a: {  	_ = 	snop  }
0x3b: {  	_ = 	snop  }
0x3c: {  	p2 =	seq.s32 s10, $0x1;
	s10 =	sld [smem:$0x3FAA]  }
0x3d: {  	_ =	shalt  }
0x3e: {  	_ =	shalt  }
0x3f: {  	_ =	shalt  }
0x40: {  	_ =	shalt  }
0x41: {  	_ =	shalt  }
0x42: {  	_ =	shalt  }
0x43: {  	_ =	shalt  }
0x44: {  	_ =	shalt  }
0x45: {  	_ =	shalt  }
0x46: {  	_ =	shalt  }
0x47: {  	_ =	shalt  }
0x48: {  	_ =	shalt  }
0x49: {  	_ =	shalt  }
0x4a: {  	_ =	shalt  }
0x4b: {  	_ =	shalt  }
0x4c: {  	_ =	shalt  }
0x4d: {  	_ =	shalt  }
0x4e: {  	_ =	shalt  }
0x4f: {  	_ =	shalt  }
0x50: {  	_ =	shalt  }
0x51: {  	_ =	shalt  }
0x52: {  	_ =	shalt  }
0x53: {  	_ =	shalt  }
0x54: {  	_ =	shalt  }
0x55: {  	_ =	shalt  }
0x56: {  	_ =	shalt  }
0x57: {  	_ =	shalt  }
0x58: {  	_ =	shalt  }
0x59: {  	_ =	shalt  }
0x5a: {  	_ =	shalt  }
0x5b: {  	_ =	shalt  }
0x5c: {  	_ =	shalt  }
0x5d: {  	_ =	shalt  }
0x5e: {  	_ =	shalt  }
0x5f: {  	_ =	shalt  }
0x60: {  	_ =	shalt  }
0x61: {  	_ =	shalt  }
0x62: {  	_ =	shalt  }
0x63: {  	_ =	shalt  }
0x64: {  	_ =	shalt  }
0x65: {  	_ =	shalt  }
0x66: {  	_ =	shalt  }
0x67: {  	_ =	shalt  }
0x68: {  	_ =	shalt  }
0x69: {  	_ =	shalt  }
0x6a: {  	_ =	shalt  }
0x6b: {  	_ =	shalt  }
0x6c: {  	_ =	shalt  }
0x6d: {  	_ =	shalt  }
0x6e: {  	_ =	shalt  }
0x6f: {  	_ =	shalt  }
0x70: {  	_ =	shalt  }
0x71: {  	_ =	shalt  }
0x72: {  	_ =	shalt  }
0x73: {  	_ =	shalt  }
0x74: {  	_ =	shalt  }
0x75: {  	_ =	shalt  }
0x76: {  	_ =	shalt  }
0x77: {  	_ =	shalt  }
0x78: {  	_ =	shalt  }
0x79: {  	_ =	shalt  }
0x7a: {  	_ =	shalt  }
0x7b: {  	_ =	shalt  }
0x7c: {  	_ =	shalt  }
0x7d: {  	_ =	shalt  }
0x7e: {  	_ =	shalt  }
0x7f: {  	_ =	shalt  }
0x80: {  	_ =	shalt  }
0x81: {  	_ =	shalt  }
0x82: {  	_ =	shalt  }
0x83: {  	_ =	shalt  }
0x84: {  	_ =	shalt  }
0x85: {  	_ =	shalt  }
0x86: {  	_ =	shalt  }
0x87: {  	_ =	shalt  }
.Lfunc_end0:
.L_simem_size_0:
called_computation.4_lowered:
.L_overlay_start_0:
0x88: {  	s2 =	sld [smem:$0x3FD9]  }
0x89: {  	s3 =	sld [smem:$0x3FFE];
	_ =	sdelay $0x1  }
0x8a: {  	s1 =	srdreg.scid  }
0x8b: {  	s0 =	sand.u32 $0x1, s1  }
0x8c: {  	s17 =	sshll.u32 s0, $0xA;
	s2 =	sadd.s32 s3, s2  }
0x8d: {  	s2 =	sadd.s32 s2, s17  }
0x8e: {  	[smem:$0x3FB6] =	sst s2  }
0x8f: {  	_ = 	snop  }
0x90: {  	s18 =	sld [smem:$0x3FD0];
	(tm) =	ssettm $0x1  }
0x91: {  	s19 =	sld [smem:$0x3FFB];
	_ =	sdelay $0x3  }
0x92: {  	_ =	strace s19  }
0x93: {  	s2 =	sld [smem:$0x3FFC];
	_ =	sdelay $0x3  }
0x94: {  	_ =	strace s2  }
0x95: {  	s2 =	sld [smem:$0x3FFD];
	_ =	sdelay $0x3  }
0x96: {  	_ =	strace s2  }
0x97: {  	_ =	strace $0x8FFFFFFF  }
0x98: {  	s20 =	sld [smem:$0x3FDB];
	_ =	sdelay $0x1  }
0x99: {  	s4 =	simm.s32 $_scs_section_size  }
0x9a: {  	s5 =	simm.s32 $_size__tile_overlayer_lowered;
	s6 =	simm.s32 $_tile_overlayer_lowered  }
0x9b: {  	s7 =	simm.s32 $0x1BFF;
	s21 =	sshll.u32 s6, $0x1;
	s4 =	sadd.s32 s4, s20  }
0x9c: {  	s22 =	simm.s32 $0x0;
	s5 =	sshll.u32 s5, $0x1;
	s6 =	sadd.s32 s21, s4  }
0x9d: {  	[timem:s22], [sflag:s7] =	dma.local [hbm:s6], s5  }
0x9e: {  	_ =	swait.ge [sflag:s7], s5  }
0x9f: {  	s5 =	ssub.s32 $0x0, s5;
	[sflag:s7] =	ssyncset.done $0x0  }
0xa0: {  	[sflag:s7] =	ssyncadd.s32 s5;
	_ =	sdelay $0x1  }
0xa1: {  	s23 =	simm.s32 $0x1B8B  }
0xa2: {  	_ =	swait.ge [sflag:s23], $0x1  }
0xa3: {  	[sflag:s23] =	ssyncset.done $0x0  }
0xa4: {  	[sflag:s23] =	ssyncadd.s32 $0xFFFFFFFF  }
0xa5: {  	s5 =	sld [smem:$0x0]  }
0xa6: {  	s6 =	sand.u32 $0xFFFFFFFE, s1  }
0xa7: {  	p0 =	sne.s32 s1, s6  }
0xa8: {  	s6 =	sshll.u32 @p0 s6, $0xE  }
0xa9: {  	s6 =	sadd.s32 @p0 $0x11B8D, s6;
	s7 =	sshll.u32 @p0 s5, $0x11  }
0xaa: {  	s6 =	sor.u32 @p0 s7, s6  }
0xab: {  	[sflag:s6] =	ssyncadd.remote.s32 @p0 $0x1;
	_ =	sdelay $0x1  }
0xac: {  	s6 =	simm.s32 @p0 $0x1B8D  }
0xad: {  	_ =	swait.eq @p0 [sflag:s6], $0x1  }
0xae: {  	[sflag:s6] =	ssyncadd.s32 @p0 $0xFFFFFFFF  }
0xaf: {  	s7 =	sshll.u32 @!p0 s1, $0xE  }
0xb0: {  	s7 =	sor.u32 @!p0 $0x4000, s7;
	s6 =	simm.s32 @!p0 $0x1B8D  }
0xb1: {  	s5 =	sshll.u32 @!p0 s5, $0x11;
	s7 =	sadd.s32 @!p0 $0x11B8D, s7;
	_ =	swait.eq @!p0 [sflag:s6], $0x1  }
0xb2: {  	s5 =	sor.u32 @!p0 s5, s7;
	[sflag:s6] =	ssyncadd.s32 @!p0 $0xFFFFFFFF  }
0xb3: {  	s25 =	simm.s32 $0x1B8E;
	s24 =	sld [smem:$0x3FFE];
	[sflag:s5] =	ssyncadd.remote.s32 @!p0 $0x1  }
0xb4: {  	s26 =	simm.s32 $execute0_lowered;
	[smem:$0x3FD2] =	sst s25  }
0xb5: {  	s6 =	sshll.u32 s26, $0x1;
	_ =	strace $0x80000052;
	[dreg:$0x1] =	wrdreg $0xFFFFFFFF  }
0xb6: {  	s28 =	simm.s32 $_size_execute0_lowered;
	s4 =	sadd.s32 s4, s6;
	[dreg:$0x0] =	wrdreg $0x0  }
0xb7: {  	s6 =	sshll.u32 s28, $0x1;
	[dreg:$0x2] =	wrdreg s4  }
0xb8: {  	[dreg:$0x3] =	wrdreg s6  }
0xb9: {  	[dreg:$0x4] =	wrdreg $0xC0  }
0xba: {  	_ =	task [dreg:s22], $0x5FFFF  }
0xbb: {  	[dreg:$0x1] =	wrdreg $0xFFFFFFFF  }
0xbc: {  	[dreg:$0x0] =	wrdreg $0x60  }
0xbd: {  	[dreg:$0x2] =	wrdreg s18  }
0xbe: {  	[dreg:$0x3] =	wrdreg s24  }
0xbf: {  	[dreg:$0x4] =	wrdreg $0x29000  }
0xc0: {  	[dreg:$0x5] =	wrdreg $0xA  }
0xc1: {  	_ =	task.clear_ibuf [dreg:s22], $0x6FFFF;
	_ =	strace $0x90000052  }
0xc2: {  	s29 =	simm.s32 $0xA;
	_ =	strace $0x80000054  }
0xc3: {  	_ =	swait.ge [sflag:s29], $0x1  }
0xc4: {  	[sflag:s29] =	ssyncadd.s32 $0xFFFFFFFF  }
0xc5: {  	_ =	strace $0x90000054  }
0xc6: {  	_ =	sfence  }
0xc7: {  	s30 =	sld [smem:$0x0];
	_ =	sdelay $0x2  }
0xc8: {  	s31 =	sshll.u32 s1, $0xD;
	s1 =	sshrl.u32 s1, $0x2  }
0xc9: {  	s4 =	sand.u32 $0x4000, s31;
	s1 =	sadd.s32 s1, s30  }
0xca: {  	s0 =	sor.u32 s4, s0;
	s1 =	sshll.u32 s1, $0x11  }
0xcb: {  	s0 =	sor.u32 s1, s0  }
0xcc: {  	s0 =	sadd.s32 $0x8F2B, s0  }
0xcd: {  	[sflag:s0] =	ssyncadd.remote.s32 $0x1  }
0xce: {  	_ =	sfence.sel $0xFFFF  }
0xcf: {  	[dreg:$0x0] =	wrdreg $0xFFFFFFFF;
	(pc) =	sbr.abs _section_cstart, $3  }
0xd0: {  	[dreg:$0x1] =	wrdreg $0xFFFFFFFF  }
0xd1: {  	_ =	task.clear_ibuf [dreg:s22], $0x2FFFF;
	_ =	strace $0x9FFFFFFF  }
0xd2: {  	(tm) =	ssettm $0x7FFFFFFF  }
0xd3: {  	_ =	shalt  }
tec
execute0_lowered:
.L_overlay_start_1:
0x0: {  	(tag) =	ssettag $0x1  }
0x1: {  	s1 =	rddreg [dreg:$0x0]  }
0x2: {  	s10 =	rddreg [dreg:$0x1]  }
0x3: {  	s3 =	rddreg [dreg:$0x2]  }
0x4: {  	s0 =	rddreg [dreg:$0x3]  }
0x5: {  	s4 =	simm.s32 $0x0;
	s2 =	stileid.u32;
	s6 =	srdreg.scid  }
0x6: {  	s18 =	simm.s32 $0x80;
	s19 =	simm.s32 $0x100;
	s20 =	simm.s32 $0x1500  }
0x7: {  	s21 =	simm.s32 $0x1900;
	[smem:$0x7FF] =	sst s4;
	s11 =	smul.u32 $0x186A0, s2  }
0x8: {  	s5 =	sadd.s32 $0xB5400, s10;
	s16 =	sand.u32 $0x1, s6;
	s6 =	sadd.s32 $0xA200, s10  }
0x9: {  	s8 =	sadd.s32 $0x16600, s10;
	s9 =	sadd.s32 $0x12F800, s10;
	s30 =	sshll.u32 s2, $0x6  }
0xa: {  	s31 =	ssub.s32 $0x1879, s2;
	_ =	strace $0x80000053;
	s12 =	ssub.s32 $0x2, s16  }
.Ltmp0:
0xb: {  	p0 =	sne.s32 s16, $0x0;
	s7 =	sshrl.u32 s11, $0x3;
	(pc) =	sbr.rel .LBB2_1-.Ltmp0, $4  }
0xc: {  	s14 =	sshrl.u32 s12, $0x1;
	s17 =	sadd.s32 s11, s3;
	s13 =	sadd.s32 s7, s10  }
0xd: {  	s10 =	sadd.s32 $0xF2600, s10;
	s15 =	ssub.s32 s12, s14;
	s12 =	sor.u32 $0x1C01, s30  }
0xe: {  	s14 =	sshll.u32 s2, $0x7;
	s16 =	sshrl.u32 s17, $0x3;
	s17 =	simm.s32 $0x1  }
0xf: {  	v0 =	vlaneseq.u32;
	s11 =	sadd.s32 $0x84600, s13;
	s13 =	sshrl.u32 s31, $0x4;
	s15 =	smax.u32 s15, $0x1  }
.LBB2_14:
0x10: {  	s4 =	sadd.s32 $0x1, s4  }
0x11: {  	p1 =	sne.s32 s4, s15  }
.Ltmp1:
0x12: {  	s22 =	sadd.s32 s22, s7;
	[bflag:$0x0] =	sbarrier.arrive $0xFFFF;
	(pc) =	sbr.rel @!p1 .LBB2_15-.Ltmp1, $4  }
0x13: {  	[hbm:s22], [sflag:s12] =	dma.local [spmem:s16], $0x30D4  }
0x14: {  	_ =	swait.ge [sflag:s17], $0x30D4  }
0x15: {  	[sflag:s17] =	ssyncset.done $0x0  }
0x16: {  	[sflag:s17] =	ssyncadd.s32 $0xFFFFCF2C  }
.LBB2_1:
0x17: {  	[spmem:s16], [sflag:s12] =	dma.local [hbm:s11], $0x30D4  }
.Ltmp2:
0x18: {  	_ =	swait.ge [sflag:s17], $0x30D4;
	(pc) =	sbr.rel @p0 .LBB2_8-.Ltmp2, $4  }
0x19: {  	[sflag:s17] =	ssyncset.done $0x0  }
0x1a: {  	[sflag:s17] =	ssyncadd.s32 $0xFFFFCF2C  }
0x1b: {  	[bflag:$0x0] =	sbarrier.arrive $0xFFFF  }
0x1c: {  	s22 =	simm.s32 $0x0;
	s23 =	simm.s32 $0x0  }
.LBB2_2:
0x1d: {  	s23 =	sshll.u32 s22, $0xB  }
0x1e: {  	s23 =	sor.u32 s14, s23  }
0x1f: {  	s23 =	sshrl.u32 s23, $0x3  }
0x20: {  	s24 =	sadd.s32 s8, s23;
	s23 =	simm.s32 $0x0  }
0x21: {  	[tilespmem:s23], [sflag:$0x1] =	stream.linear.gather [hbm4b:s24+s23], $0x80, $0x38;
	[tilespmem:$0x1AFA0] =	vst v63  }
0x22: {  	_ =	swait.ge [sflag:s17], $0x80  }
0x23: {  	[sflag:s17] =	ssyncset.done $0x0  }
0x24: {  	s24 =	sadd.s32 $0x186A0, s24;
	[sflag:s17] =	ssyncadd.s32 $0xFFFFFF80  }
0x25: {  	[tilespmem:s18], [sflag:$0x1] =	stream.linear.gather [hbm4b:s24+s23], $0x80, $0x38;
	[tilespmem:$0x1AFA0] =	vst v63  }
0x26: {  	_ =	swait.ge [sflag:s17], $0x80  }
0x27: {  	[sflag:s17] =	ssyncset.done $0x0  }
0x28: {  	[sflag:s17] =	ssyncadd.s32 $0xFFFFFF80  }
0x29: {  	[tilespmem:s19], [sflag:$0x1] =	stream.indirect.gather [hbm4b:s1+s18], $0x28, s23, s18, $0xb8;
	[tilespmem:$0x1AFA0] =	vst v63  }
0x2a: {  	_ =	swait.ge [sflag:s17], $0x1400  }
0x2b: {  	[sflag:s17] =	ssyncset.done $0x0  }
0x2c: {  	[sflag:s17] =	ssyncadd.s32 $0xFFFFEC00  }
0x2d: {  	[tilespmem:s20], [sflag:$0x1] =	stream.indirect.gather [hbm4b:s6+s18], $0x8, s18, s18, $0xb8;
	[tilespmem:$0x1AFA0] =	vst v63  }
0x2e: {  	_ =	swait.ge [sflag:s17], $0x400  }
0x2f: {  	[sflag:s17] =	ssyncset.done $0x0  }
0x30: {  	s24 =	simm.s32 $0x0;
	[sflag:s17] =	ssyncadd.s32 $0xFFFFFC00  }
.LBB2_3:
0x31: {  	s25 =	sshll.u32 s24, $0x4  }
0x32: {  	v3 =	vor.u32 s25, v0  }
0x33: {  	v1 =	vmul.u32 $0x28, v3  }
0x34: {  	v4 =	vshll.u32 v3, $0x3  }
0x35: {  	v2 =	vadd.s32 $0x20, v1;
	_ =	sdelay $0x3  }
0x36: {  	v4 =	vld.idx.msk [tilespmem:v4+s20+$0x0], $0xffff  }
0x37: {  	v2 =	vld.idx.msk [tilespmem:v2+s19+$0x0], $0xffff;
	_ =	sdelay $0x4  }
0x38: {  	v2 =	vadd.f32 v4, v2;
	_ =	sdelay $0x1  }
0x39: {  	v4 =	vmul.f32 $2.000000030e-01, v2  }
0x3a: {  	vm0 =	vge.f32 v2, $0.0e+00  }
0x3b: {  	v2 =	vsel vm0, v2, v4  }
0x3c: {  	v2 =	vmul.f32 $1.442695020e+00, v2;
	_ =	sdelay $0x1  }
0x3d: {  	(erf) = vpow2.f32 v2  }
0x3e: {  	v2 =	vmov s23  }
0x3f: {  	v5 =	vand.u32 $0x18, v2  }
0x40: {  	v4 =	vand.u32 $0x7, v2;
	v2 =	vadd.s32 v1, v5  }
0x41: {  	v6 =	vor.u32 v4, v2;
	_ =	sdelay $0x3  }
0x42: {  	s31 =	simm.s32 $0x1  }
0x43: {  	v7 =	vmov s31;
	s25 =	simm.s32 $0x2;
	v3 =	vshll.u32 v3, $0x5;
	v6 =	vld.idx.msk [tilespmem:v6+s19+$0x0], $0xffff;
	v2 =	vpop (erf)  }
.LBB2_4:
0x44: {  	p1 =	sne.s32 s25, $0x1F;
	v8 =	vor.u32 v3, v5;
	v5 =	vand.u32 $0x18, v7  }
0x45: {  	v9 =	vadd.s32 v1, v5;
	v8 =	vor.u32 v4, v8;
	v4 =	vand.u32 $0x7, v7  }
0x46: {  	v7 =	vor.u32 v4, v9;
	_ =	sdelay $0x1  }
.Ltmp3:
0x47: {  	v6 =	vmul.f32 v6, v2;
	(pc) =	sbr.rel @p1 .LBB2_4-.Ltmp3, $4  }
0x48: {  	_ = 	snop  }
0x49: {  	[tilespmem:v8+s21+$0x0] =	vst.idx.msk $0xffff, v6  }
0x4a: {  	v6 =	vld.idx.msk [tilespmem:v7+s19+$0x0], $0xffff  }
0x4b: {  	v7 =	vmov s25;
	s25 =	sadd.s32 $0x1, s25  }
0x4c: {  	v8 =	vand.u32 $0x18, v7;
	v5 =	vor.u32 v3, v5  }
0x4d: {  	v62 =	vand.u32 $0x7, v7;
	v1 =	vadd.s32 v1, v8;
	v4 =	vor.u32 v4, v5  }
0x4e: {  	v1 =	vor.u32 v62, v1;
	_ =	sdelay $0x1  }
0x4f: {  	v63 =	vmul.f32 v6, v2;
	_ =	sdelay $0x1  }
0x50: {  	[tilespmem:v4+s21+$0x0] =	vst.idx.msk $0xffff, v63  }
0x51: {  	v1 =	vld.idx.msk [tilespmem:v1+s19+$0x0], $0xffff  }
0x52: {  	s24 =	sadd.s32 $0x1, s24;
	v3 =	vor.u32 v3, v8  }
0x53: {  	p1 =	sne.s32 s24, $0x8;
	v3 =	vor.u32 v62, v3  }
.Ltmp4:
0x54: {  	_ = 	snop;
	(pc) =	sbr.rel @p1 .LBB2_3-.Ltmp4, $3  }
0x55: {  	_ = 	snop  }
0x56: {  	v1 =	vmul.f32 v1, v2;
	_ =	sdelay $0x1  }
0x57: {  	[tilespmem:v3+s21+$0x0] =	vst.idx.msk $0xffff, v1  }
0x58: {  	s22 =	sadd.s32 $0x1, s22  }
0x59: {  	p1 =	seq.s32 s22, s13  }
.Ltmp5:
0x5a: {  	_ = 	snop;
	(pc) =	sbr.rel @!p1 .LBB2_2-.Ltmp5, $4  }
0x5b: {  	[spmem:s3] =	stream.indirect.scatter.add.f32 [tilespmem:s21], [sflag:$0x1], $0x20, s18, s18, $0xb8;
	[tilespmem:$0x1AFA0] =	vst v63  }
0x5c: {  	_ =	swait.ge [sflag:s17], $0x1000  }
0x5d: {  	[sflag:s17] =	ssyncset.done $0x0  }
0x5e: {  	[sflag:s17] =	ssyncadd.s32 $0xFFFFF000  }
.Ltmp6:
0x5f: {  	(pc) =	sbr.rel .LBB2_14-.Ltmp6, $2  }
0x60: {  	_ =	sdelay $0x2  }
0x61: {  	s22 =	smov.u32 s9  }
.LBB2_8:
0x62: {  	s22 =	sshll.u32 s23, $0xB  }
0x63: {  	s22 =	sor.u32 s14, s22  }
0x64: {  	s22 =	sshrl.u32 s22, $0x3  }
0x65: {  	s24 =	sadd.s32 s8, s22;
	s22 =	simm.s32 $0x0  }
0x66: {  	[tilespmem:s22], [sflag:$0x1] =	stream.linear.gather [hbm4b:s24+s22], $0x80, $0x38;
	[tilespmem:$0x1AFA0] =	vst v63  }
0x67: {  	_ =	swait.ge [sflag:s17], $0x80  }
0x68: {  	[sflag:s17] =	ssyncset.done $0x0  }
0x69: {  	s24 =	sadd.s32 $0x186A0, s24;
	[sflag:s17] =	ssyncadd.s32 $0xFFFFFF80  }
0x6a: {  	[tilespmem:s18], [sflag:$0x1] =	stream.linear.gather [hbm4b:s24+s22], $0x80, $0x38;
	[tilespmem:$0x1AFA0] =	vst v63  }
0x6b: {  	_ =	swait.ge [sflag:s17], $0x80  }
0x6c: {  	[sflag:s17] =	ssyncset.done $0x0  }
0x6d: {  	[sflag:s17] =	ssyncadd.s32 $0xFFFFFF80  }
0x6e: {  	[tilespmem:s19], [sflag:$0x1] =	stream.indirect.gather [hbm4b:s5+s18], $0x28, s22, s18, $0xb8;
	[tilespmem:$0x1AFA0] =	vst v63  }
0x6f: {  	_ =	swait.ge [sflag:s17], $0x1400  }
0x70: {  	[sflag:s17] =	ssyncset.done $0x0  }
0x71: {  	[sflag:s17] =	ssyncadd.s32 $0xFFFFEC00  }
0x72: {  	[tilespmem:s20], [sflag:$0x1] =	stream.indirect.gather [hbm4b:s6+s18], $0x8, s18, s18, $0xb8;
	[tilespmem:$0x1AFA0] =	vst v63  }
0x73: {  	_ =	swait.ge [sflag:s17], $0x400  }
0x74: {  	[sflag:s17] =	ssyncset.done $0x0  }
0x75: {  	s24 =	simm.s32 $0x0;
	[sflag:s17] =	ssyncadd.s32 $0xFFFFFC00  }
.LBB2_9:
0x76: {  	s25 =	sshll.u32 s24, $0x4  }
0x77: {  	v3 =	vor.u32 s25, v0  }
0x78: {  	v1 =	vmul.u32 $0x28, v3  }
0x79: {  	v4 =	vshll.u32 v3, $0x3  }
0x7a: {  	v2 =	vadd.s32 $0x20, v1;
	_ =	sdelay $0x3  }
0x7b: {  	v4 =	vld.idx.msk [tilespmem:v4+s20+$0x0], $0xffff  }
0x7c: {  	v2 =	vld.idx.msk [tilespmem:v2+s19+$0x0], $0xffff;
	_ =	sdelay $0x4  }
0x7d: {  	v2 =	vadd.f32 v4, v2;
	_ =	sdelay $0x1  }
0x7e: {  	v4 =	vmul.f32 $2.000000030e-01, v2  }
0x7f: {  	vm0 =	vge.f32 v2, $0.0e+00  }
0x80: {  	v2 =	vsel vm0, v2, v4  }
0x81: {  	v2 =	vmul.f32 $1.442695020e+00, v2;
	_ =	sdelay $0x1  }
0x82: {  	(erf) = vpow2.f32 v2  }
0x83: {  	v2 =	vmov s22  }
0x84: {  	v5 =	vand.u32 $0x18, v2  }
0x85: {  	v4 =	vand.u32 $0x7, v2;
	v2 =	vadd.s32 v1, v5  }
0x86: {  	v6 =	vor.u32 v4, v2;
	_ =	sdelay $0x3  }
0x87: {  	s31 =	simm.s32 $0x1  }
0x88: {  	v7 =	vmov s31;
	s25 =	simm.s32 $0x2;
	v3 =	vshll.u32 v3, $0x5;
	v6 =	vld.idx.msk [tilespmem:v6+s19+$0x0], $0xffff;
	v2 =	vpop (erf)  }
.LBB2_10:
0x89: {  	p1 =	sne.s32 s25, $0x1F;
	v8 =	vor.u32 v3, v5;
	v5 =	vand.u32 $0x18, v7  }
0x8a: {  	v9 =	vadd.s32 v1, v5;
	v8 =	vor.u32 v4, v8;
	v4 =	vand.u32 $0x7, v7  }
0x8b: {  	v7 =	vor.u32 v4, v9;
	_ =	sdelay $0x1  }
.Ltmp7:
0x8c: {  	v6 =	vmul.f32 v6, v2;
	(pc) =	sbr.rel @p1 .LBB2_10-.Ltmp7, $4  }
0x8d: {  	_ = 	snop  }
0x8e: {  	[tilespmem:v8+s21+$0x0] =	vst.idx.msk $0xffff, v6  }
0x8f: {  	v6 =	vld.idx.msk [tilespmem:v7+s19+$0x0], $0xffff  }
0x90: {  	v7 =	vmov s25;
	s25 =	sadd.s32 $0x1, s25  }
0x91: {  	v8 =	vand.u32 $0x18, v7;
	v5 =	vor.u32 v3, v5  }
0x92: {  	v62 =	vand.u32 $0x7, v7;
	v1 =	vadd.s32 v1, v8;
	v4 =	vor.u32 v4, v5  }
0x93: {  	v1 =	vor.u32 v62, v1;
	_ =	sdelay $0x1  }
0x94: {  	v63 =	vmul.f32 v6, v2;
	_ =	sdelay $0x1  }
0x95: {  	[tilespmem:v4+s21+$0x0] =	vst.idx.msk $0xffff, v63  }
0x96: {  	v1 =	vld.idx.msk [tilespmem:v1+s19+$0x0], $0xffff  }
0x97: {  	s24 =	sadd.s32 $0x1, s24;
	v3 =	vor.u32 v3, v8  }
0x98: {  	p1 =	sne.s32 s24, $0x8;
	v3 =	vor.u32 v62, v3  }
.Ltmp8:
0x99: {  	_ = 	snop;
	(pc) =	sbr.rel @p1 .LBB2_9-.Ltmp8, $3  }
0x9a: {  	_ = 	snop  }
0x9b: {  	v1 =	vmul.f32 v1, v2;
	_ =	sdelay $0x1  }
0x9c: {  	[tilespmem:v3+s21+$0x0] =	vst.idx.msk $0xffff, v1  }
0x9d: {  	s23 =	sadd.s32 $0x1, s23  }
0x9e: {  	p1 =	sne.s32 s23, s13  }
.Ltmp9:
0x9f: {  	_ = 	snop;
	(pc) =	sbr.rel @p1 .LBB2_8-.Ltmp9, $4  }
0xa0: {  	[spmem:s3] =	stream.indirect.scatter.add.f32 [tilespmem:s21], [sflag:$0x1], $0x20, s18, s18, $0xb8;
	[tilespmem:$0x1AFA0] =	vst v63  }
0xa1: {  	_ =	swait.ge [sflag:s17], $0x1000  }
0xa2: {  	[sflag:s17] =	ssyncset.done $0x0  }
0xa3: {  	[sflag:s17] =	ssyncadd.s32 $0xFFFFF000  }
.Ltmp10:
0xa4: {  	(pc) =	sbr.rel .LBB2_14-.Ltmp10, $2  }
0xa5: {  	_ =	sdelay $0x2  }
0xa6: {  	s22 =	smov.u32 s10  }
.LBB2_15:
0xa7: {  	_ =	sfence.sel $0x180000  }
0xa8: {  	[bflag:$0x0] =	sbarrier.arrive $0xFFFF  }
0xa9: {  	p0 =	sne.s32 s2, $0x0;
	_ =	strace $0x90000053  }
0xaa: {  	s0 =	sadd.s32 @!p0 $0x100000, s0;
	[bflag:$0x2] =	sbarrier.arrive $0xFFFF  }
0xab: {  	[sflag:s0] =	ssyncadd.tile.s32 @!p0 $0x1;
	_ =	shalt  }
.Lfunc_end2:
_tile_overlayer_lowered:
.L_overlay_start_2:
0xac: {  	(tag) =	ssettag $0x2  }
0xad: {  	s0 =	rddreg [dreg:$0x0];
	s2 =	stileid.u32  }
0xae: {  	s1 =	rddreg [dreg:$0x1];
	p0 =	sne.s32 s2, $0x0  }
0xaf: {  	s3 =	rddreg [dreg:$0x2];
	[bflag:$0x3] =	sbarrier.arrive $0xFFFF;
	s2 =	simm.s32 @!p0 $0x1C01  }
0xb0: {  	[timem:s3], [sflag:s2] =	dma.local @!p0 [hbm:s0], s1  }
0xb1: {  	s0 =	simm.s32 @!p0 $0x1  }
0xb2: {  	_ =	swait.ge @!p0 [sflag:s0], s1  }
0xb3: {  	s1 =	ssub.s32 @!p0 $0x0, s1;
	[sflag:s0] =	ssyncset.done @!p0 $0x0  }
0xb4: {  	[sflag:s0] =	ssyncadd.s32 @!p0 s1  }
0xb5: {  	[bflag:$0x3] =	sbarrier.arrive $0xFFFF  }
0xb6: {  	_ =	shalt  }

</sc_bundles>
